<compile_context>
chip_gen: v7x
topology: tpu7x:2x2x1
jax: 0.10.2.dev20260603
libtpu: 0.0.44.dev20260713+nightly
codegen_flags: <defaults>
</compile_context>

<pallas_src>
import functools

import jax
import jax.numpy as jnp
from jax import lax
from jax.experimental import pallas as pl
from jax.experimental.pallas import tpu as pltpu
from jax.experimental.pallas import tpu_sc as plsc

N = 10000
E = 320000
NC = 2
NS = 16
NW = NC * NS
EW = E // NW
CH = 128
NFULL = EW // CH
REM = EW - NFULL * CH
NPAD = 10240
RPT = NPAD // NS
WCH = 128
NWCH = RPT // WCH


def _mesh():
    return plsc.VectorSubcoreMesh(core_axis_name="c", subcore_axis_name="s")


def _zero_rows(ref, nrows, ncols):
    z = jnp.zeros((16,), jnp.float32)

    def body(i, _):
        for k in range(ncols // 16):
            ref[i, pl.ds(k * 16, 16)] = z
        return 0

    lax.fori_loop(0, nrows, body, 0)


def _fill_ones(ref, nrows, ncols):
    o = jnp.full((16,), 1.0, jnp.float32)

    def body(i, _):
        for k in range(ncols // 16):
            ref[i, pl.ds(k * 16, 16)] = o
        return 0

    lax.fori_loop(0, nrows, body, 0)


_NH = NFULL // 2


@functools.partial(
    pl.kernel,
    out_type=(
        jax.ShapeDtypeStruct((NC, NPAD, 128), jnp.float32),
        jax.ShapeDtypeStruct((NC, NPAD, 128), jnp.float32),
    ),
    mesh=_mesh(),
    scratch_types=[
        pltpu.VMEM((CH,), jnp.int32),
        pltpu.VMEM((CH,), jnp.int32),
        pltpu.VMEM((REM,), jnp.int32),
        pltpu.VMEM((CH, 128), jnp.float32),
        pltpu.VMEM((REM, 128), jnp.float32),
        pltpu.VMEM((WCH, 128), jnp.float32),
        pltpu.VMEM_SHARED((NPAD, 128), jnp.float32),
        pltpu.SemaphoreType.DMA,
        pltpu.SemaphoreType.DMA,
    ],
)
def _deg(src_hbm, dst_hbm, out_src, out_dst, ia0, ia1, ia16,
         ones_v, ones16_v, stage_v, sh, sem0, sem1):
    cc = lax.axis_index("c")
    ss = lax.axis_index("s")
    wid = ss * NC + cc
    base = wid * EW

    _fill_ones(ones_v, CH, 128)
    _fill_ones(ones16_v, REM, 128)

    for idx_hbm, out in ((src_hbm, out_src), (dst_hbm, out_dst)):
        _zero_rows(stage_v, WCH, 128)
        for j in range(NWCH):
            r0 = ss * RPT + j * WCH
            pltpu.sync_copy(stage_v, sh.at[pl.ds(r0, WCH)])
        plsc.subcore_barrier()

        pltpu.sync_copy(idx_hbm.at[pl.ds(base, CH)], ia0)
        pltpu.async_copy(ones_v, sh.at[ia0], sem0, add=True)

        def body(kk, _):
            e = base + (2 * kk) * CH
            o = e + CH
            pltpu.sync_copy(idx_hbm.at[pl.ds(o, CH)], ia1)
            pltpu.async_copy(ones_v, sh.at[ia1], sem1, add=True)
            pltpu.make_async_copy(ones_v, sh.at[ia0], sem0).wait()
            ne = e + 2 * CH
            pltpu.sync_copy(idx_hbm.at[pl.ds(ne, CH)], ia0)
            pltpu.async_copy(ones_v, sh.at[ia0], sem0, add=True)
            pltpu.make_async_copy(ones_v, sh.at[ia1], sem1).wait()
            return 0

        lax.fori_loop(0, _NH - 1, body, 0)

        o = base + (NFULL - 1) * CH
        pltpu.sync_copy(idx_hbm.at[pl.ds(o, CH)], ia1)
        pltpu.async_copy(ones_v, sh.at[ia1], sem1, add=True)
        pltpu.make_async_copy(ones_v, sh.at[ia0], sem0).wait()
        pltpu.make_async_copy(ones_v, sh.at[ia1], sem1).wait()

        off = base + NFULL * CH
        pltpu.sync_copy(idx_hbm.at[pl.ds(off, REM)], ia16)
        pltpu.sync_copy(ones16_v, sh.at[ia16], add=True)

        plsc.subcore_barrier()
        for j in range(NWCH):
            r0 = ss * RPT + j * WCH
            pltpu.sync_copy(sh.at[pl.ds(r0, WCH)], stage_v)
            pltpu.sync_copy(stage_v, out.at[cc, pl.ds(r0, WCH)])
        plsc.subcore_barrier()


NH = NFULL // 2


def _make_agg(F):
    @functools.partial(
        pl.kernel,
        out_type=jax.ShapeDtypeStruct((NC, NPAD, F), jnp.float32),
        mesh=_mesh(),
        scratch_types=[
            pltpu.VMEM((CH,), jnp.int32),
            pltpu.VMEM((CH,), jnp.int32),
            pltpu.VMEM((CH,), jnp.int32),
            pltpu.VMEM((CH,), jnp.int32),
            pltpu.VMEM((REM,), jnp.int32),
            pltpu.VMEM((REM,), jnp.int32),
            pltpu.VMEM((CH, F), jnp.float32),
            pltpu.VMEM((CH, F), jnp.float32),
            pltpu.VMEM((REM, F), jnp.float32),
            pltpu.VMEM_SHARED((NPAD, F), jnp.float32),
            pltpu.SemaphoreType.DMA,
            pltpu.SemaphoreType.DMA,
        ],
    )
    def agg(t_hbm, src_hbm, dst_hbm, out, ia0, ia1, ib0, ib1, isrc16, idst16,
            rows0, rows1, rows16, sh_agg, sem0, sem1):
        cc = lax.axis_index("c")
        ss = lax.axis_index("s")
        wid = ss * NC + cc
        base = wid * EW

        _zero_rows(rows0, WCH, F)
        for j in range(NWCH):
            r0 = ss * RPT + j * WCH
            pltpu.sync_copy(rows0, sh_agg.at[pl.ds(r0, WCH)])
        plsc.subcore_barrier()

        pltpu.sync_copy(src_hbm.at[pl.ds(base, CH)], ia0)
        pltpu.async_copy(t_hbm.at[ia0], rows0, sem0)

        def body(kk, _):
            e = base + (2 * kk) * CH
            o = e + CH
            pltpu.sync_copy(src_hbm.at[pl.ds(o, CH)], ia1)
            pltpu.async_copy(t_hbm.at[ia1], rows1, sem1)
            pltpu.sync_copy(dst_hbm.at[pl.ds(e, CH)], ib0)
            pltpu.make_async_copy(t_hbm.at[ia0], rows0, sem0).wait()
            pltpu.sync_copy(rows0, sh_agg.at[ib0], add=True)
            ne = e + 2 * CH
            pltpu.sync_copy(src_hbm.at[pl.ds(ne, CH)], ia0)
            pltpu.async_copy(t_hbm.at[ia0], rows0, sem0)
            pltpu.sync_copy(dst_hbm.at[pl.ds(o, CH)], ib1)
            pltpu.make_async_copy(t_hbm.at[ia1], rows1, sem1).wait()
            pltpu.sync_copy(rows1, sh_agg.at[ib1], add=True)
            return 0

        lax.fori_loop(0, NH - 1, body, 0)

        e = base + (NFULL - 2) * CH
        o = e + CH
        pltpu.sync_copy(src_hbm.at[pl.ds(o, CH)], ia1)
        pltpu.async_copy(t_hbm.at[ia1], rows1, sem1)
        pltpu.sync_copy(dst_hbm.at[pl.ds(e, CH)], ib0)
        pltpu.sync_copy(dst_hbm.at[pl.ds(o, CH)], ib1)
        pltpu.make_async_copy(t_hbm.at[ia0], rows0, sem0).wait()
        pltpu.sync_copy(rows0, sh_agg.at[ib0], add=True)
        pltpu.make_async_copy(t_hbm.at[ia1], rows1, sem1).wait()
        pltpu.sync_copy(rows1, sh_agg.at[ib1], add=True)

        off = base + NFULL * CH
        pltpu.sync_copy(src_hbm.at[pl.ds(off, REM)], isrc16)
        pltpu.sync_copy(dst_hbm.at[pl.ds(off, REM)], idst16)
        pltpu.async_copy(t_hbm.at[isrc16], rows16, sem0).wait()
        pltpu.sync_copy(rows16, sh_agg.at[idst16], add=True)

        plsc.subcore_barrier()
        for j in range(NWCH):
            r0 = ss * RPT + j * WCH
            pltpu.sync_copy(sh_agg.at[pl.ds(r0, WCH)], rows0)
            pltpu.sync_copy(rows0, out.at[cc, pl.ds(r0, WCH)])

    return agg


_agg128 = _make_agg(128)


BR = 1000


def _scale_from_counts(c_ref):
    c = c_ref[0, :, 0:1] + c_ref[1, :, 0:1]
    return lax.rsqrt(jnp.maximum(c, 1.0))


def _tc_first(x, cnt_src, W1):
    def body(x_ref, cs_ref, w_ref, o_ref):
        so = _scale_from_counts(cs_ref)
        o_ref[...] = jnp.dot(x_ref[...] * so, w_ref[...],
                             preferred_element_type=jnp.float32)

    return pl.pallas_call(
        body,
        grid=(N // BR,),
        in_specs=[
            pl.BlockSpec((BR, 128), lambda i: (i, 0)),
            pl.BlockSpec((2, BR, 128), lambda i: (0, i, 0)),
            pl.BlockSpec((128, 128), lambda i: (0, 0)),
        ],
        out_specs=pl.BlockSpec((BR, 128), lambda i: (i, 0)),
        out_shape=jax.ShapeDtypeStruct((N, 128), jnp.float32),
    )(x, cnt_src, W1)


def _tc_mid(parts, cnt_dst, cnt_src, b, Wn, F, Fn):
    def body(p_ref, cd_ref, cs_ref, b_ref, w_ref, o_ref, t_ref):
        si = _scale_from_counts(cd_ref)
        o = (p_ref[0] + p_ref[1]) * si + b_ref[...]
        o_ref[...] = o
        so = _scale_from_counts(cs_ref)
        x = jnp.maximum(o, 0.0) * so
        t_ref[...] = jnp.dot(x, w_ref[...], preferred_element_type=jnp.float32)

    return pl.pallas_call(
        body,
        grid=(N // BR,),
        in_specs=[
            pl.BlockSpec((2, BR, F), lambda i: (0, i, 0)),
            pl.BlockSpec((2, BR, 128), lambda i: (0, i, 0)),
            pl.BlockSpec((2, BR, 128), lambda i: (0, i, 0)),
            pl.BlockSpec((1, F), lambda i: (0, 0)),
            pl.BlockSpec((F, Fn), lambda i: (0, 0)),
        ],
        out_specs=(
            pl.BlockSpec((BR, F), lambda i: (i, 0)),
            pl.BlockSpec((BR, Fn), lambda i: (i, 0)),
        ),
        out_shape=(
            jax.ShapeDtypeStruct((N, F), jnp.float32),
            jax.ShapeDtypeStruct((N, Fn), jnp.float32),
        ),
    )(parts, cnt_dst, cnt_src, b, Wn)


def _tc_last(parts, cnt_dst, b, F):
    def body(p_ref, cd_ref, b_ref, o_ref):
        si = _scale_from_counts(cd_ref)
        o_ref[...] = (p_ref[0, :, :F] + p_ref[1, :, :F]) * si + b_ref[...]

    return pl.pallas_call(
        body,
        grid=(N // BR,),
        in_specs=[
            pl.BlockSpec((2, BR, 128), lambda i: (0, i, 0)),
            pl.BlockSpec((2, BR, 128), lambda i: (0, i, 0)),
            pl.BlockSpec((1, F), lambda i: (0, 0)),
        ],
        out_specs=pl.BlockSpec((BR, F), lambda i: (i, 0)),
        out_shape=jax.ShapeDtypeStruct((N, F), jnp.float32),
    )(parts, cnt_dst, b)


def kernel(in_feat, edge_index, W1, b1, W2, b2, W3, b3):
    src = edge_index[0].astype(jnp.int32)
    dst = edge_index[1].astype(jnp.int32)
    cnt_src, cnt_dst = _deg(src, dst)
    t1 = _tc_first(in_feat, cnt_src, W1)
    p1 = _agg128(t1, src, dst)
    _, t2 = _tc_mid(p1, cnt_dst, cnt_src, b1.reshape(1, -1), W2, 128, 128)
    p2 = _agg128(t2, src, dst)
    W3p = jnp.pad(W3, ((0, 0), (0, 128 - W3.shape[1])))
    embed, t3 = _tc_mid(p2, cnt_dst, cnt_src, b2.reshape(1, -1), W3p, 128, 128)
    p3 = _agg128(t3, src, dst)
    h = _tc_last(p3, cnt_dst, b3.reshape(1, -1), 64)
    return (embed, h)

# --- scband reference (transcript-rebuilt; emitter-appended) ---
"""Pipeline reference for scband-gcn-encoder-32023276159006 (READ-ONLY COPY).

The authoritative reference and input builder live on the scoring server;
editing this copy changes nothing except your own understanding.
"""

import jax, jax.numpy as jnp
import numpy as np

N_NODES = 10000
N_EDGES = 320000
IN_FEATS = 128
H1 = 128
H2 = 128
NUM_CLASSES = 64


def _glorot(key, shape):
    fan_in, fan_out = shape[0], shape[1]
    limit = np.sqrt(6.0 / (fan_in + fan_out))
    return jax.random.uniform(key, shape, jnp.float32, -limit, limit)


def setup_inputs(seed: int = 0) -> dict:
    key = jax.random.key(seed)
    ks = jax.random.split(key, 8)
    in_feat = jax.random.normal(ks[0], (N_NODES, IN_FEATS), dtype=jnp.float32)
    edge_index = jax.random.randint(ks[1], (2, N_EDGES), 0, N_NODES, dtype=jnp.int64)
    W1 = _glorot(ks[2], (IN_FEATS, H1))
    b1 = jnp.zeros((H1,), jnp.float32)
    W2 = _glorot(ks[3], (H1, H2))
    b2 = jnp.zeros((H2,), jnp.float32)
    W3 = _glorot(ks[4], (H2, NUM_CLASSES))
    b3 = jnp.zeros((NUM_CLASSES,), jnp.float32)
    return {"in_feat": in_feat, "edge_index": edge_index, "W1": W1, "b1": b1, "W2": W2, "b2": b2, "W3": W3, "b3": b3}


def _graph_conv(x, W, b, src, dst, n_nodes):
    # DGL GraphConv with norm='both': D_dst^{-1/2} A D_src^{-1/2} X W + b
    deg_out = jnp.clip(jnp.bincount(src, length=n_nodes), 1).astype(x.dtype)
    deg_in = jnp.clip(jnp.bincount(dst, length=n_nodes), 1).astype(x.dtype)
    h = x * (deg_out ** -0.5)[:, None]
    h = h @ W  # apply weight before aggregation (in_feats >= out_feats path)
    msgs = jnp.take(h, src, axis=0)
    agg = jax.ops.segment_sum(msgs, dst, num_segments=n_nodes)
    out = agg * (deg_in ** -0.5)[:, None] + b
    return out


def reference(in_feat, edge_index, W1, b1, W2, b2, W3, b3):
    src = edge_index[0]
    dst = edge_index[1]
    n = in_feat.shape[0]
    h = _graph_conv(in_feat, W1, b1, src, dst, n)
    h = jax.nn.relu(h)
    embed = _graph_conv(h, W2, b2, src, dst, n)
    h = jax.nn.relu(embed)
    h = _graph_conv(h, W3, b3, src, dst, n)
    return (embed, h)

if __name__ == "__main__":
    import jax
    _d = setup_inputs()
    print(jax.jit(kernel)(*tuple(_d.values())))

</pallas_src>

<mosaic_0001>
#map = affine_map<(d0, d1) -> (0, 0)>
#map1 = affine_map<(d0, d1) -> (0)>
#map2 = affine_map<(d0, d1) -> (0, 0, 0)>
module attributes {stable_mosaic.version = 14 : i64} {
  func.func @agg(%arg0: i32, %arg1: i32, %arg2: memref<10000x128xf32, #tpu.memory_space<hbm>>, %arg3: memref<320000xi32, #tpu.memory_space<hbm>>, %arg4: memref<320000xi32, #tpu.memory_space<hbm>>, %arg5: memref<2x10240x128xf32, #tpu.memory_space<hbm>>, %arg6: memref<128xi32, #tpu.memory_space<vmem>>, %arg7: memref<128xi32, #tpu.memory_space<vmem>>, %arg8: memref<128xi32, #tpu.memory_space<vmem>>, %arg9: memref<128xi32, #tpu.memory_space<vmem>>, %arg10: memref<16xi32, #tpu.memory_space<vmem>>, %arg11: memref<16xi32, #tpu.memory_space<vmem>>, %arg12: memref<128x128xf32, #tpu.memory_space<vmem>>, %arg13: memref<128x128xf32, #tpu.memory_space<vmem>>, %arg14: memref<16x128xf32, #tpu.memory_space<vmem>>, %arg15: memref<10240x128xf32, #tpu.memory_space<vmem_shared>>, %arg16: memref<!tpu.dma_semaphore, #tpu.memory_space<semaphore_mem>>, %arg17: memref<!tpu.dma_semaphore, #tpu.memory_space<semaphore_mem>>) attributes {dimension_semantics = [#tpu.dimension_semantics<core_parallel>, #tpu.dimension_semantics<subcore_parallel>], iteration_bounds = array<i64: 2, 16>, scalar_prefetch = 0 : i64, scratch_operands = 12 : i64, tpu.core_type = #tpu.core_type<sc_vector_subcore>, window_params = [{transform_indices = #map}, {transform_indices = #map1}, {transform_indices = #map1}, {transform_indices = #map2}]} {
    %mul3A = arith.constant 2 : i32
    %mul3A_0 = arith.muli %arg1, %mul3A : i32
    %add3A = arith.addi %mul3A_0, %arg0 : i32
    %mul3A_1 = arith.constant 10000 : i32
    %mul3A_2 = arith.muli %add3A, %mul3A_1 : i32
    %broadcast_in_dim3A = arith.constant 0.000000e+00 : f32
    %broadcast_in_dim3A_3 = vector.broadcast %broadcast_in_dim3A : f32 to vector<16xf32>
    %scan3A = arith.constant 0 : i32
    %scan3A_4 = arith.constant 0 : i32
    %scan3A_5 = arith.constant 128 : i32
    %scan3A_6 = arith.addi %scan3A_4, %scan3A_5 : i32
    %scan3A_7 = arith.constant 1 : i32
    %scan3A_8 = scf.for %scan3A_80 = %scan3A_4 to %scan3A_6 step %scan3A_7 iter_args(%scan3A_81 = %scan3A) -> (i32)  : i32 {
      %swap3A = arith.index_cast %scan3A_80 : i32 to index
      %swap3A_82 = arith.constant 0 : index
      %swap3A_83 = tpu.vector_load %arg12[%swap3A, %swap3A_82] {strides = array<i32>} : memref<128x128xf32, #tpu.memory_space<vmem>>, vector<1x16xf32>,
      %swap3A_84 = vector.shape_cast %swap3A_83 : vector<1x16xf32> to vector<16xf32>
      %swap3A_85 = vector.shape_cast %broadcast_in_dim3A_3 : vector<16xf32> to vector<1x16xf32>
      tpu.vector_store %arg12[%swap3A, %swap3A_82], %swap3A_85 {strides = array<i32>} : memref<128x128xf32, #tpu.memory_space<vmem>>, vector<1x16xf32>,
      %swap3A_86 = arith.index_cast %scan3A_80 : i32 to index
      %swap3A_87 = arith.constant 16 : index
      %swap3A_88 = tpu.vector_load %arg12[%swap3A_86, %swap3A_87] {strides = array<i32>} : memref<128x128xf32, #tpu.memory_space<vmem>>, vector<1x16xf32>,
      %swap3A_89 = vector.shape_cast %swap3A_88 : vector<1x16xf32> to vector<16xf32>
      %swap3A_90 = vector.shape_cast %broadcast_in_dim3A_3 : vector<16xf32> to vector<1x16xf32>
      tpu.vector_store %arg12[%swap3A_86, %swap3A_87], %swap3A_90 {strides = array<i32>} : memref<128x128xf32, #tpu.memory_space<vmem>>, vector<1x16xf32>,
      %swap3A_91 = arith.index_cast %scan3A_80 : i32 to index
      %swap3A_92 = arith.constant 32 : index
      %swap3A_93 = tpu.vector_load %arg12[%swap3A_91, %swap3A_92] {strides = array<i32>} : memref<128x128xf32, #tpu.memory_space<vmem>>, vector<1x16xf32>,
      %swap3A_94 = vector.shape_cast %swap3A_93 : vector<1x16xf32> to vector<16xf32>
      %swap3A_95 = vector.shape_cast %broadcast_in_dim3A_3 : vector<16xf32> to vector<1x16xf32>
      tpu.vector_store %arg12[%swap3A_91, %swap3A_92], %swap3A_95 {strides = array<i32>} : memref<128x128xf32, #tpu.memory_space<vmem>>, vector<1x16xf32>,
      %swap3A_96 = arith.index_cast %scan3A_80 : i32 to index
      %swap3A_97 = arith.constant 48 : index
      %swap3A_98 = tpu.vector_load %arg12[%swap3A_96, %swap3A_97] {strides = array<i32>} : memref<128x128xf32, #tpu.memory_space<vmem>>, vector<1x16xf32>,
      %swap3A_99 = vector.shape_cast %swap3A_98 : vector<1x16xf32> to vector<16xf32>
      %swap3A_100 = vector.shape_cast %broadcast_in_dim3A_3 : vector<16xf32> to vector<1x16xf32>
      tpu.vector_store %arg12[%swap3A_96, %swap3A_97], %swap3A_100 {strides = array<i32>} : memref<128x128xf32, #tpu.memory_space<vmem>>, vector<1x16xf32>,
      %swap3A_101 = arith.index_cast %scan3A_80 : i32 to index
      %swap3A_102 = arith.constant 64 : index
      %swap3A_103 = tpu.vector_load %arg12[%swap3A_101, %swap3A_102] {strides = array<i32>} : memref<128x128xf32, #tpu.memory_space<vmem>>, vector<1x16xf32>,
      %swap3A_104 = vector.shape_cast %swap3A_103 : vector<1x16xf32> to vector<16xf32>
      %swap3A_105 = vector.shape_cast %broadcast_in_dim3A_3 : vector<16xf32> to vector<1x16xf32>
      tpu.vector_store %arg12[%swap3A_101, %swap3A_102], %swap3A_105 {strides = array<i32>} : memref<128x128xf32, #tpu.memory_space<vmem>>, vector<1x16xf32>,
      %swap3A_106 = arith.index_cast %scan3A_80 : i32 to index
      %swap3A_107 = arith.constant 80 : index
      %swap3A_108 = tpu.vector_load %arg12[%swap3A_106, %swap3A_107] {strides = array<i32>} : memref<128x128xf32, #tpu.memory_space<vmem>>, vector<1x16xf32>,
      %swap3A_109 = vector.shape_cast %swap3A_108 : vector<1x16xf32> to vector<16xf32>
      %swap3A_110 = vector.shape_cast %broadcast_in_dim3A_3 : vector<16xf32> to vector<1x16xf32>
      tpu.vector_store %arg12[%swap3A_106, %swap3A_107], %swap3A_110 {strides = array<i32>} : memref<128x128xf32, #tpu.memory_space<vmem>>, vector<1x16xf32>,
      %swap3A_111 = arith.index_cast %scan3A_80 : i32 to index
      %swap3A_112 = arith.constant 96 : index
      %swap3A_113 = tpu.vector_load %arg12[%swap3A_111, %swap3A_112] {strides = array<i32>} : memref<128x128xf32, #tpu.memory_space<vmem>>, vector<1x16xf32>,
      %swap3A_114 = vector.shape_cast %swap3A_113 : vector<1x16xf32> to vector<16xf32>
      %swap3A_115 = vector.shape_cast %broadcast_in_dim3A_3 : vector<16xf32> to vector<1x16xf32>
      tpu.vector_store %arg12[%swap3A_111, %swap3A_112], %swap3A_115 {strides = array<i32>} : memref<128x128xf32, #tpu.memory_space<vmem>>, vector<1x16xf32>,
      %swap3A_116 = arith.index_cast %scan3A_80 : i32 to index
      %swap3A_117 = arith.constant 112 : index
      %swap3A_118 = tpu.vector_load %arg12[%swap3A_116, %swap3A_117] {strides = array<i32>} : memref<128x128xf32, #tpu.memory_space<vmem>>, vector<1x16xf32>,
      %swap3A_119 = vector.shape_cast %swap3A_118 : vector<1x16xf32> to vector<16xf32>
      %swap3A_120 = vector.shape_cast %broadcast_in_dim3A_3 : vector<16xf32> to vector<1x16xf32>
      tpu.vector_store %arg12[%swap3A_116, %swap3A_117], %swap3A_120 {strides = array<i32>} : memref<128x128xf32, #tpu.memory_space<vmem>>, vector<1x16xf32>,
      %scan3A_121 = arith.constant 0 : i32
      scf.yield %scan3A_121 : i32
    }
    %scan3A_9 = arith.constant 128 : i32
    %mul3A_10 = arith.constant 640 : i32
    %mul3A_11 = arith.muli %arg1, %mul3A_10 : i32
    %add3A_12 = arith.constant 0 : i32
    %add3A_13 = arith.addi %mul3A_11, %add3A_12 : i32
    "tpu.region"() ({
      %run_scoped3A = tpu.sem_alloc : memref<!tpu.dma_semaphore, #tpu.memory_space<semaphore_mem>>
      %dma_start3A_80 = arith.constant 0 : i32
      %dma_start3A_81 = tpu.memref_slice %arg15[%add3A_13, %dma_start3A_80] : memref<10240x128xf32, #tpu.memory_space<vmem_shared>> -> memref<128x128xf32, #tpu.memory_space<vmem_shared>>
      %dma_start3A_82 = arith.constant 0 : i32
      %dma_start3A_83 = tpu.memref_slice %arg15[%add3A_13, %dma_start3A_82] : memref<10240x128xf32, #tpu.memory_space<vmem_shared>> -> memref<128x128xf32, #tpu.memory_space<vmem_shared>>
      tpu.enqueue_dma source(%arg12 : memref<128x128xf32, #tpu.memory_space<vmem>>) target(%dma_start3A_83 : memref<128x128xf32, #tpu.memory_space<vmem_shared>>) target_semaphore(%run_scoped3A : memref<!tpu.dma_semaphore, #tpu.memory_space<semaphore_mem>>)
      %dma_wait3A_84 = arith.constant 0 : i32
      %dma_wait3A_85 = tpu.memref_slice %arg15[%add3A_13, %dma_wait3A_84] : memref<10240x128xf32, #tpu.memory_space<vmem_shared>> -> memref<128x128xf32, #tpu.memory_space<vmem_shared>>
      %dma_wait3A_86 = arith.constant 0 : i32
      %dma_wait3A_87 = tpu.memref_slice %arg15[%add3A_13, %dma_wait3A_86] : memref<10240x128xf32, #tpu.memory_space<vmem_shared>> -> memref<128x128xf32, #tpu.memory_space<vmem_shared>>
      tpu.wait_dma2 semaphore(%run_scoped3A : memref<!tpu.dma_semaphore, #tpu.memory_space<semaphore_mem>>) src(%arg12 : memref<128x128xf32, #tpu.memory_space<vmem>>) dst(%dma_wait3A_87 : memref<128x128xf32, #tpu.memory_space<vmem_shared>>)
      tpu.yield
    }) : () -> ()
    %mul3A_14 = arith.constant 640 : i32
    %mul3A_15 = arith.muli %arg1, %mul3A_14 : i32
    %add3A_16 = arith.constant 128 : i32
    %add3A_17 = arith.addi %mul3A_15, %add3A_16 : i32
    "tpu.region"() ({
      %run_scoped3A = tpu.sem_alloc : memref<!tpu.dma_semaphore, #tpu.memory_space<semaphore_mem>>
      %dma_start3A_80 = arith.constant 0 : i32
      %dma_start3A_81 = tpu.memref_slice %arg15[%add3A_17, %dma_start3A_80] : memref<10240x128xf32, #tpu.memory_space<vmem_shared>> -> memref<128x128xf32, #tpu.memory_space<vmem_shared>>
      %dma_start3A_82 = arith.constant 0 : i32
      %dma_start3A_83 = tpu.memref_slice %arg15[%add3A_17, %dma_start3A_82] : memref<10240x128xf32, #tpu.memory_space<vmem_shared>> -> memref<128x128xf32, #tpu.memory_space<vmem_shared>>
      tpu.enqueue_dma source(%arg12 : memref<128x128xf32, #tpu.memory_space<vmem>>) target(%dma_start3A_83 : memref<128x128xf32, #tpu.memory_space<vmem_shared>>) target_semaphore(%run_scoped3A : memref<!tpu.dma_semaphore, #tpu.memory_space<semaphore_mem>>)
      %dma_wait3A_84 = arith.constant 0 : i32
      %dma_wait3A_85 = tpu.memref_slice %arg15[%add3A_17, %dma_wait3A_84] : memref<10240x128xf32, #tpu.memory_space<vmem_shared>> -> memref<128x128xf32, #tpu.memory_space<vmem_shared>>
      %dma_wait3A_86 = arith.constant 0 : i32
      %dma_wait3A_87 = tpu.memref_slice %arg15[%add3A_17, %dma_wait3A_86] : memref<10240x128xf32, #tpu.memory_space<vmem_shared>> -> memref<128x128xf32, #tpu.memory_space<vmem_shared>>
      tpu.wait_dma2 semaphore(%run_scoped3A : memref<!tpu.dma_semaphore, #tpu.memory_space<semaphore_mem>>) src(%arg12 : memref<128x128xf32, #tpu.memory_space<vmem>>) dst(%dma_wait3A_87 : memref<128x128xf32, #tpu.memory_space<vmem_shared>>)
      tpu.yield
    }) : () -> ()
    %mul3A_18 = arith.constant 640 : i32
    %mul3A_19 = arith.muli %arg1, %mul3A_18 : i32
    %add3A_20 = arith.constant 256 : i32
    %add3A_21 = arith.addi %mul3A_19, %add3A_20 : i32
    "tpu.region"() ({
      %run_scoped3A = tpu.sem_alloc : memref<!tpu.dma_semaphore, #tpu.memory_space<semaphore_mem>>
      %dma_start3A_80 = arith.constant 0 : i32
      %dma_start3A_81 = tpu.memref_slice %arg15[%add3A_21, %dma_start3A_80] : memref<10240x128xf32, #tpu.memory_space<vmem_shared>> -> memref<128x128xf32, #tpu.memory_space<vmem_shared>>
      %dma_start3A_82 = arith.constant 0 : i32
      %dma_start3A_83 = tpu.memref_slice %arg15[%add3A_21, %dma_start3A_82] : memref<10240x128xf32, #tpu.memory_space<vmem_shared>> -> memref<128x128xf32, #tpu.memory_space<vmem_shared>>
      tpu.enqueue_dma source(%arg12 : memref<128x128xf32, #tpu.memory_space<vmem>>) target(%dma_start3A_83 : memref<128x128xf32, #tpu.memory_space<vmem_shared>>) target_semaphore(%run_scoped3A : memref<!tpu.dma_semaphore, #tpu.memory_space<semaphore_mem>>)
      %dma_wait3A_84 = arith.constant 0 : i32
      %dma_wait3A_85 = tpu.memref_slice %arg15[%add3A_21, %dma_wait3A_84] : memref<10240x128xf32, #tpu.memory_space<vmem_shared>> -> memref<128x128xf32, #tpu.memory_space<vmem_shared>>
      %dma_wait3A_86 = arith.constant 0 : i32
      %dma_wait3A_87 = tpu.memref_slice %arg15[%add3A_21, %dma_wait3A_86] : memref<10240x128xf32, #tpu.memory_space<vmem_shared>> -> memref<128x128xf32, #tpu.memory_space<vmem_shared>>
      tpu.wait_dma2 semaphore(%run_scoped3A : memref<!tpu.dma_semaphore, #tpu.memory_space<semaphore_mem>>) src(%arg12 : memref<128x128xf32, #tpu.memory_space<vmem>>) dst(%dma_wait3A_87 : memref<128x128xf32, #tpu.memory_space<vmem_shared>>)
      tpu.yield
    }) : () -> ()
    %mul3A_22 = arith.constant 640 : i32
    %mul3A_23 = arith.muli %arg1, %mul3A_22 : i32
    %add3A_24 = arith.constant 384 : i32
    %add3A_25 = arith.addi %mul3A_23, %add3A_24 : i32
    "tpu.region"() ({
      %run_scoped3A = tpu.sem_alloc : memref<!tpu.dma_semaphore, #tpu.memory_space<semaphore_mem>>
      %dma_start3A_80 = arith.constant 0 : i32
      %dma_start3A_81 = tpu.memref_slice %arg15[%add3A_25, %dma_start3A_80] : memref<10240x128xf32, #tpu.memory_space<vmem_shared>> -> memref<128x128xf32, #tpu.memory_space<vmem_shared>>
      %dma_start3A_82 = arith.constant 0 : i32
      %dma_start3A_83 = tpu.memref_slice %arg15[%add3A_25, %dma_start3A_82] : memref<10240x128xf32, #tpu.memory_space<vmem_shared>> -> memref<128x128xf32, #tpu.memory_space<vmem_shared>>
      tpu.enqueue_dma source(%arg12 : memref<128x128xf32, #tpu.memory_space<vmem>>) target(%dma_start3A_83 : memref<128x128xf32, #tpu.memory_space<vmem_shared>>) target_semaphore(%run_scoped3A : memref<!tpu.dma_semaphore, #tpu.memory_space<semaphore_mem>>)
      %dma_wait3A_84 = arith.constant 0 : i32
      %dma_wait3A_85 = tpu.memref_slice %arg15[%add3A_25, %dma_wait3A_84] : memref<10240x128xf32, #tpu.memory_space<vmem_shared>> -> memref<128x128xf32, #tpu.memory_space<vmem_shared>>
      %dma_wait3A_86 = arith.constant 0 : i32
      %dma_wait3A_87 = tpu.memref_slice %arg15[%add3A_25, %dma_wait3A_86] : memref<10240x128xf32, #tpu.memory_space<vmem_shared>> -> memref<128x128xf32, #tpu.memory_space<vmem_shared>>
      tpu.wait_dma2 semaphore(%run_scoped3A : memref<!tpu.dma_semaphore, #tpu.memory_space<semaphore_mem>>) src(%arg12 : memref<128x128xf32, #tpu.memory_space<vmem>>) dst(%dma_wait3A_87 : memref<128x128xf32, #tpu.memory_space<vmem_shared>>)
      tpu.yield
    }) : () -> ()
    %mul3A_26 = arith.constant 640 : i32
    %mul3A_27 = arith.muli %arg1, %mul3A_26 : i32
    %add3A_28 = arith.constant 512 : i32
    %add3A_29 = arith.addi %mul3A_27, %add3A_28 : i32
    "tpu.region"() ({
      %run_scoped3A = tpu.sem_alloc : memref<!tpu.dma_semaphore, #tpu.memory_space<semaphore_mem>>
      %dma_start3A_80 = arith.constant 0 : i32
      %dma_start3A_81 = tpu.memref_slice %arg15[%add3A_29, %dma_start3A_80] : memref<10240x128xf32, #tpu.memory_space<vmem_shared>> -> memref<128x128xf32, #tpu.memory_space<vmem_shared>>
      %dma_start3A_82 = arith.constant 0 : i32
      %dma_start3A_83 = tpu.memref_slice %arg15[%add3A_29, %dma_start3A_82] : memref<10240x128xf32, #tpu.memory_space<vmem_shared>> -> memref<128x128xf32, #tpu.memory_space<vmem_shared>>
      tpu.enqueue_dma source(%arg12 : memref<128x128xf32, #tpu.memory_space<vmem>>) target(%dma_start3A_83 : memref<128x128xf32, #tpu.memory_space<vmem_shared>>) target_semaphore(%run_scoped3A : memref<!tpu.dma_semaphore, #tpu.memory_space<semaphore_mem>>)
      %dma_wait3A_84 = arith.constant 0 : i32
      %dma_wait3A_85 = tpu.memref_slice %arg15[%add3A_29, %dma_wait3A_84] : memref<10240x128xf32, #tpu.memory_space<vmem_shared>> -> memref<128x128xf32, #tpu.memory_space<vmem_shared>>
      %dma_wait3A_86 = arith.constant 0 : i32
      %dma_wait3A_87 = tpu.memref_slice %arg15[%add3A_29, %dma_wait3A_86] : memref<10240x128xf32, #tpu.memory_space<vmem_shared>> -> memref<128x128xf32, #tpu.memory_space<vmem_shared>>
      tpu.wait_dma2 semaphore(%run_scoped3A : memref<!tpu.dma_semaphore, #tpu.memory_space<semaphore_mem>>) src(%arg12 : memref<128x128xf32, #tpu.memory_space<vmem>>) dst(%dma_wait3A_87 : memref<128x128xf32, #tpu.memory_space<vmem_shared>>)
      tpu.yield
    }) : () -> ()
    %barrier3A = arith.constant 0 : index
    tpu.barrier barrier_id(%barrier3A)
    "tpu.region"() ({
      %run_scoped3A = tpu.sem_alloc : memref<!tpu.dma_semaphore, #tpu.memory_space<semaphore_mem>>
      %dma_start3A_80 = tpu.memref_slice %arg3[%mul3A_2] : memref<320000xi32, #tpu.memory_space<hbm>> -> memref<128xi32, #tpu.memory_space<hbm>>
      %dma_start3A_81 = tpu.memref_slice %arg3[%mul3A_2] : memref<320000xi32, #tpu.memory_space<hbm>> -> memref<128xi32, #tpu.memory_space<hbm>>
      tpu.enqueue_dma source(%dma_start3A_81 : memref<128xi32, #tpu.memory_space<hbm>>) target(%arg6 : memref<128xi32, #tpu.memory_space<vmem>>) target_semaphore(%run_scoped3A : memref<!tpu.dma_semaphore, #tpu.memory_space<semaphore_mem>>)
      %dma_wait3A_82 = tpu.memref_slice %arg3[%mul3A_2] : memref<320000xi32, #tpu.memory_space<hbm>> -> memref<128xi32, #tpu.memory_space<hbm>>
      %dma_wait3A_83 = tpu.memref_slice %arg3[%mul3A_2] : memref<320000xi32, #tpu.memory_space<hbm>> -> memref<128xi32, #tpu.memory_space<hbm>>
      tpu.wait_dma2 semaphore(%run_scoped3A : memref<!tpu.dma_semaphore, #tpu.memory_space<semaphore_mem>>) src(%dma_wait3A_83 : memref<128xi32, #tpu.memory_space<hbm>>) dst(%arg6 : memref<128xi32, #tpu.memory_space<vmem>>)
      tpu.yield
    }) : () -> ()
    %dma_start3A = arith.constant 0 : i32
    %dma_start3A_30 = arith.constant 0 : i32
    %dma_start3A_31 = tpu.memref_slice %arg2[%dma_start3A, %dma_start3A_30] : memref<10000x128xf32, #tpu.memory_space<hbm>> -> memref<10000x128xf32, #tpu.memory_space<hbm>>
    tpu.enqueue_indirect_dma source(%dma_start3A_31 : memref<10000x128xf32, #tpu.memory_space<hbm>>) target(%arg12 : memref<128x128xf32, #tpu.memory_space<vmem>>) offsets(%arg6 : memref<128xi32, #tpu.memory_space<vmem>>) semaphore(%arg16 : memref<!tpu.dma_semaphore, #tpu.memory_space<semaphore_mem>>)
    %scan3A_32 = arith.constant 0 : i32
    %scan3A_33 = arith.constant 0 : i32
    %scan3A_34 = arith.constant 38 : i32
    %scan3A_35 = arith.addi %scan3A_33, %scan3A_34 : i32
    %scan3A_36 = arith.constant 1 : i32
    %scan3A_37 = scf.for %scan3A_80 = %scan3A_33 to %scan3A_35 step %scan3A_36 iter_args(%scan3A_81 = %scan3A_32) -> (i32)  : i32 {
      %mul3A_82 = arith.constant 2 : i32
      %mul3A_83 = arith.muli %mul3A_82, %scan3A_80 : i32
      %mul3A_84 = arith.constant 128 : i32
      %mul3A_85 = arith.muli %mul3A_83, %mul3A_84 : i32
      %add3A_86 = arith.addi %mul3A_2, %mul3A_85 : i32
      %add3A_87 = arith.constant 128 : i32
      %add3A_88 = arith.addi %add3A_86, %add3A_87 : i32
      "tpu.region"() ({
        %run_scoped3A = tpu.sem_alloc : memref<!tpu.dma_semaphore, #tpu.memory_space<semaphore_mem>>
        %dma_start3A_104 = tpu.memref_slice %arg3[%add3A_88] : memref<320000xi32, #tpu.memory_space<hbm>> -> memref<128xi32, #tpu.memory_space<hbm>>
        %dma_start3A_105 = tpu.memref_slice %arg3[%add3A_88] : memref<320000xi32, #tpu.memory_space<hbm>> -> memref<128xi32, #tpu.memory_space<hbm>>
        tpu.enqueue_dma source(%dma_start3A_105 : memref<128xi32, #tpu.memory_space<hbm>>) target(%arg7 : memref<128xi32, #tpu.memory_space<vmem>>) target_semaphore(%run_scoped3A : memref<!tpu.dma_semaphore, #tpu.memory_space<semaphore_mem>>)
        %dma_wait3A_106 = tpu.memref_slice %arg3[%add3A_88] : memref<320000xi32, #tpu.memory_space<hbm>> -> memref<128xi32, #tpu.memory_space<hbm>>
        %dma_wait3A_107 = tpu.memref_slice %arg3[%add3A_88] : memref<320000xi32, #tpu.memory_space<hbm>> -> memref<128xi32, #tpu.memory_space<hbm>>
        tpu.wait_dma2 semaphore(%run_scoped3A : memref<!tpu.dma_semaphore, #tpu.memory_space<semaphore_mem>>) src(%dma_wait3A_107 : memref<128xi32, #tpu.memory_space<hbm>>) dst(%arg7 : memref<128xi32, #tpu.memory_space<vmem>>)
        tpu.yield
      }) : () -> ()
      %dma_start3A_89 = arith.constant 0 : i32
      %dma_start3A_90 = arith.constant 0 : i32
      %dma_start3A_91 = tpu.memref_slice %arg2[%dma_start3A_89, %dma_start3A_90] : memref<10000x128xf32, #tpu.memory_space<hbm>> -> memref<10000x128xf32, #tpu.memory_space<hbm>>
      tpu.enqueue_indirect_dma source(%dma_start3A_91 : memref<10000x128xf32, #tpu.memory_space<hbm>>) target(%arg13 : memref<128x128xf32, #tpu.memory_space<vmem>>) offsets(%arg7 : memref<128xi32, #tpu.memory_space<vmem>>) semaphore(%arg17 : memref<!tpu.dma_semaphore, #tpu.memory_space<semaphore_mem>>)
      "tpu.region"() ({
        %run_scoped3A = tpu.sem_alloc : memref<!tpu.dma_semaphore, #tpu.memory_space<semaphore_mem>>
        %dma_start3A_104 = tpu.memref_slice %arg4[%add3A_86] : memref<320000xi32, #tpu.memory_space<hbm>> -> memref<128xi32, #tpu.memory_space<hbm>>
        %dma_start3A_105 = tpu.memref_slice %arg4[%add3A_86] : memref<320000xi32, #tpu.memory_space<hbm>> -> memref<128xi32, #tpu.memory_space<hbm>>
        tpu.enqueue_dma source(%dma_start3A_105 : memref<128xi32, #tpu.memory_space<hbm>>) target(%arg8 : memref<128xi32, #tpu.memory_space<vmem>>) target_semaphore(%run_scoped3A : memref<!tpu.dma_semaphore, #tpu.memory_space<semaphore_mem>>)
        %dma_wait3A_106 = tpu.memref_slice %arg4[%add3A_86] : memref<320000xi32, #tpu.memory_space<hbm>> -> memref<128xi32, #tpu.memory_space<hbm>>
        %dma_wait3A_107 = tpu.memref_slice %arg4[%add3A_86] : memref<320000xi32, #tpu.memory_space<hbm>> -> memref<128xi32, #tpu.memory_space<hbm>>
        tpu.wait_dma2 semaphore(%run_scoped3A : memref<!tpu.dma_semaphore, #tpu.memory_space<semaphore_mem>>) src(%dma_wait3A_107 : memref<128xi32, #tpu.memory_space<hbm>>) dst(%arg8 : memref<128xi32, #tpu.memory_space<vmem>>)
        tpu.yield
      }) : () -> ()
      %dma_wait3A_92 = arith.constant 0 : i32
      %dma_wait3A_93 = arith.constant 0 : i32
      %dma_wait3A_94 = tpu.memref_slice %arg2[%dma_wait3A_92, %dma_wait3A_93] : memref<10000x128xf32, #tpu.memory_space<hbm>> -> memref<10000x128xf32, #tpu.memory_space<hbm>>
      tpu.wait_indirect_dma semaphore(%arg16 : memref<!tpu.dma_semaphore, #tpu.memory_space<semaphore_mem>>) src(%dma_wait3A_94 : memref<10000x128xf32, #tpu.memory_space<hbm>>) dst(%arg12 : memref<128x128xf32, #tpu.memory_space<vmem>>)
      "tpu.region"() ({
        %run_scoped3A = tpu.sem_alloc : memref<!tpu.dma_semaphore, #tpu.memory_space<semaphore_mem>>
        %dma_start3A_104 = arith.constant 0 : i32
        %dma_start3A_105 = arith.constant 0 : i32
        %dma_start3A_106 = tpu.memref_slice %arg15[%dma_start3A_104, %dma_start3A_105] : memref<10240x128xf32, #tpu.memory_space<vmem_shared>> -> memref<10240x128xf32, #tpu.memory_space<vmem_shared>>
        tpu.enqueue_indirect_dma source(%arg12 : memref<128x128xf32, #tpu.memory_space<vmem>>) target(%dma_start3A_106 : memref<10240x128xf32, #tpu.memory_space<vmem_shared>>) offsets(%arg8 : memref<128xi32, #tpu.memory_space<vmem>>) semaphore(%run_scoped3A : memref<!tpu.dma_semaphore, #tpu.memory_space<semaphore_mem>>) {add = true}
        %dma_wait3A_107 = arith.constant 0 : i32
        %dma_wait3A_108 = arith.constant 0 : i32
        %dma_wait3A_109 = tpu.memref_slice %arg15[%dma_wait3A_107, %dma_wait3A_108] : memref<10240x128xf32, #tpu.memory_space<vmem_shared>> -> memref<10240x128xf32, #tpu.memory_space<vmem_shared>>
        tpu.wait_indirect_dma semaphore(%run_scoped3A : memref<!tpu.dma_semaphore, #tpu.memory_space<semaphore_mem>>) src(%arg12 : memref<128x128xf32, #tpu.memory_space<vmem>>) dst(%dma_wait3A_109 : memref<10240x128xf32, #tpu.memory_space<vmem_shared>>)
        tpu.yield
      }) : () -> ()
      %add3A_95 = arith.constant 256 : i32
      %add3A_96 = arith.addi %add3A_86, %add3A_95 : i32
      "tpu.region"() ({
        %run_scoped3A = tpu.sem_alloc : memref<!tpu.dma_semaphore, #tpu.memory_space<semaphore_mem>>
        %dma_start3A_104 = tpu.memref_slice %arg3[%add3A_96] : memref<320000xi32, #tpu.memory_space<hbm>> -> memref<128xi32, #tpu.memory_space<hbm>>
        %dma_start3A_105 = tpu.memref_slice %arg3[%add3A_96] : memref<320000xi32, #tpu.memory_space<hbm>> -> memref<128xi32, #tpu.memory_space<hbm>>
        tpu.enqueue_dma source(%dma_start3A_105 : memref<128xi32, #tpu.memory_space<hbm>>) target(%arg6 : memref<128xi32, #tpu.memory_space<vmem>>) target_semaphore(%run_scoped3A : memref<!tpu.dma_semaphore, #tpu.memory_space<semaphore_mem>>)
        %dma_wait3A_106 = tpu.memref_slice %arg3[%add3A_96] : memref<320000xi32, #tpu.memory_space<hbm>> -> memref<128xi32, #tpu.memory_space<hbm>>
        %dma_wait3A_107 = tpu.memref_slice %arg3[%add3A_96] : memref<320000xi32, #tpu.memory_space<hbm>> -> memref<128xi32, #tpu.memory_space<hbm>>
        tpu.wait_dma2 semaphore(%run_scoped3A : memref<!tpu.dma_semaphore, #tpu.memory_space<semaphore_mem>>) src(%dma_wait3A_107 : memref<128xi32, #tpu.memory_space<hbm>>) dst(%arg6 : memref<128xi32, #tpu.memory_space<vmem>>)
        tpu.yield
      }) : () -> ()
      %dma_start3A_97 = arith.constant 0 : i32
      %dma_start3A_98 = arith.constant 0 : i32
      %dma_start3A_99 = tpu.memref_slice %arg2[%dma_start3A_97, %dma_start3A_98] : memref<10000x128xf32, #tpu.memory_space<hbm>> -> memref<10000x128xf32, #tpu.memory_space<hbm>>
      tpu.enqueue_indirect_dma source(%dma_start3A_99 : memref<10000x128xf32, #tpu.memory_space<hbm>>) target(%arg12 : memref<128x128xf32, #tpu.memory_space<vmem>>) offsets(%arg6 : memref<128xi32, #tpu.memory_space<vmem>>) semaphore(%arg16 : memref<!tpu.dma_semaphore, #tpu.memory_space<semaphore_mem>>)
      "tpu.region"() ({
        %run_scoped3A = tpu.sem_alloc : memref<!tpu.dma_semaphore, #tpu.memory_space<semaphore_mem>>
        %dma_start3A_104 = tpu.memref_slice %arg4[%add3A_88] : memref<320000xi32, #tpu.memory_space<hbm>> -> memref<128xi32, #tpu.memory_space<hbm>>
        %dma_start3A_105 = tpu.memref_slice %arg4[%add3A_88] : memref<320000xi32, #tpu.memory_space<hbm>> -> memref<128xi32, #tpu.memory_space<hbm>>
        tpu.enqueue_dma source(%dma_start3A_105 : memref<128xi32, #tpu.memory_space<hbm>>) target(%arg9 : memref<128xi32, #tpu.memory_space<vmem>>) target_semaphore(%run_scoped3A : memref<!tpu.dma_semaphore, #tpu.memory_space<semaphore_mem>>)
        %dma_wait3A_106 = tpu.memref_slice %arg4[%add3A_88] : memref<320000xi32, #tpu.memory_space<hbm>> -> memref<128xi32, #tpu.memory_space<hbm>>
        %dma_wait3A_107 = tpu.memref_slice %arg4[%add3A_88] : memref<320000xi32, #tpu.memory_space<hbm>> -> memref<128xi32, #tpu.memory_space<hbm>>
        tpu.wait_dma2 semaphore(%run_scoped3A : memref<!tpu.dma_semaphore, #tpu.memory_space<semaphore_mem>>) src(%dma_wait3A_107 : memref<128xi32, #tpu.memory_space<hbm>>) dst(%arg9 : memref<128xi32, #tpu.memory_space<vmem>>)
        tpu.yield
      }) : () -> ()
      %dma_wait3A_100 = arith.constant 0 : i32
      %dma_wait3A_101 = arith.constant 0 : i32
      %dma_wait3A_102 = tpu.memref_slice %arg2[%dma_wait3A_100, %dma_wait3A_101] : memref<10000x128xf32, #tpu.memory_space<hbm>> -> memref<10000x128xf32, #tpu.memory_space<hbm>>
      tpu.wait_indirect_dma semaphore(%arg17 : memref<!tpu.dma_semaphore, #tpu.memory_space<semaphore_mem>>) src(%dma_wait3A_102 : memref<10000x128xf32, #tpu.memory_space<hbm>>) dst(%arg13 : memref<128x128xf32, #tpu.memory_space<vmem>>)
      "tpu.region"() ({
        %run_scoped3A = tpu.sem_alloc : memref<!tpu.dma_semaphore, #tpu.memory_space<semaphore_mem>>
        %dma_start3A_104 = arith.constant 0 : i32
        %dma_start3A_105 = arith.constant 0 : i32
        %dma_start3A_106 = tpu.memref_slice %arg15[%dma_start3A_104, %dma_start3A_105] : memref<10240x128xf32, #tpu.memory_space<vmem_shared>> -> memref<10240x128xf32, #tpu.memory_space<vmem_shared>>
        tpu.enqueue_indirect_dma source(%arg13 : memref<128x128xf32, #tpu.memory_space<vmem>>) target(%dma_start3A_106 : memref<10240x128xf32, #tpu.memory_space<vmem_shared>>) offsets(%arg9 : memref<128xi32, #tpu.memory_space<vmem>>) semaphore(%run_scoped3A : memref<!tpu.dma_semaphore, #tpu.memory_space<semaphore_mem>>) {add = true}
        %dma_wait3A_107 = arith.constant 0 : i32
        %dma_wait3A_108 = arith.constant 0 : i32
        %dma_wait3A_109 = tpu.memref_slice %arg15[%dma_wait3A_107, %dma_wait3A_108] : memref<10240x128xf32, #tpu.memory_space<vmem_shared>> -> memref<10240x128xf32, #tpu.memory_space<vmem_shared>>
        tpu.wait_indirect_dma semaphore(%run_scoped3A : memref<!tpu.dma_semaphore, #tpu.memory_space<semaphore_mem>>) src(%arg13 : memref<128x128xf32, #tpu.memory_space<vmem>>) dst(%dma_wait3A_109 : memref<10240x128xf32, #tpu.memory_space<vmem_shared>>)
        tpu.yield
      }) : () -> ()
      %scan3A_103 = arith.constant 0 : i32
      scf.yield %scan3A_103 : i32
    }
    %scan3A_38 = arith.constant 38 : i32
    %add3A_39 = arith.constant 9728 : i32
    %add3A_40 = arith.addi %mul3A_2, %add3A_39 : i32
    %add3A_41 = arith.constant 128 : i32
    %add3A_42 = arith.addi %add3A_40, %add3A_41 : i32
    "tpu.region"() ({
      %run_scoped3A = tpu.sem_alloc : memref<!tpu.dma_semaphore, #tpu.memory_space<semaphore_mem>>
      %dma_start3A_80 = tpu.memref_slice %arg3[%add3A_42] : memref<320000xi32, #tpu.memory_space<hbm>> -> memref<128xi32, #tpu.memory_space<hbm>>
      %dma_start3A_81 = tpu.memref_slice %arg3[%add3A_42] : memref<320000xi32, #tpu.memory_space<hbm>> -> memref<128xi32, #tpu.memory_space<hbm>>
      tpu.enqueue_dma source(%dma_start3A_81 : memref<128xi32, #tpu.memory_space<hbm>>) target(%arg7 : memref<128xi32, #tpu.memory_space<vmem>>) target_semaphore(%run_scoped3A : memref<!tpu.dma_semaphore, #tpu.memory_space<semaphore_mem>>)
      %dma_wait3A_82 = tpu.memref_slice %arg3[%add3A_42] : memref<320000xi32, #tpu.memory_space<hbm>> -> memref<128xi32, #tpu.memory_space<hbm>>
      %dma_wait3A_83 = tpu.memref_slice %arg3[%add3A_42] : memref<320000xi32, #tpu.memory_space<hbm>> -> memref<128xi32, #tpu.memory_space<hbm>>
      tpu.wait_dma2 semaphore(%run_scoped3A : memref<!tpu.dma_semaphore, #tpu.memory_space<semaphore_mem>>) src(%dma_wait3A_83 : memref<128xi32, #tpu.memory_space<hbm>>) dst(%arg7 : memref<128xi32, #tpu.memory_space<vmem>>)
      tpu.yield
    }) : () -> ()
    %dma_start3A_43 = arith.constant 0 : i32
    %dma_start3A_44 = arith.constant 0 : i32
    %dma_start3A_45 = tpu.memref_slice %arg2[%dma_start3A_43, %dma_start3A_44] : memref<10000x128xf32, #tpu.memory_space<hbm>> -> memref<10000x128xf32, #tpu.memory_space<hbm>>
    tpu.enqueue_indirect_dma source(%dma_start3A_45 : memref<10000x128xf32, #tpu.memory_space<hbm>>) target(%arg13 : memref<128x128xf32, #tpu.memory_space<vmem>>) offsets(%arg7 : memref<128xi32, #tpu.memory_space<vmem>>) semaphore(%arg17 : memref<!tpu.dma_semaphore, #tpu.memory_space<semaphore_mem>>)
    "tpu.region"() ({
      %run_scoped3A = tpu.sem_alloc : memref<!tpu.dma_semaphore, #tpu.memory_space<semaphore_mem>>
      %dma_start3A_80 = tpu.memref_slice %arg4[%add3A_40] : memref<320000xi32, #tpu.memory_space<hbm>> -> memref<128xi32, #tpu.memory_space<hbm>>
      %dma_start3A_81 = tpu.memref_slice %arg4[%add3A_40] : memref<320000xi32, #tpu.memory_space<hbm>> -> memref<128xi32, #tpu.memory_space<hbm>>
      tpu.enqueue_dma source(%dma_start3A_81 : memref<128xi32, #tpu.memory_space<hbm>>) target(%arg8 : memref<128xi32, #tpu.memory_space<vmem>>) target_semaphore(%run_scoped3A : memref<!tpu.dma_semaphore, #tpu.memory_space<semaphore_mem>>)
      %dma_wait3A_82 = tpu.memref_slice %arg4[%add3A_40] : memref<320000xi32, #tpu.memory_space<hbm>> -> memref<128xi32, #tpu.memory_space<hbm>>
      %dma_wait3A_83 = tpu.memref_slice %arg4[%add3A_40] : memref<320000xi32, #tpu.memory_space<hbm>> -> memref<128xi32, #tpu.memory_space<hbm>>
      tpu.wait_dma2 semaphore(%run_scoped3A : memref<!tpu.dma_semaphore, #tpu.memory_space<semaphore_mem>>) src(%dma_wait3A_83 : memref<128xi32, #tpu.memory_space<hbm>>) dst(%arg8 : memref<128xi32, #tpu.memory_space<vmem>>)
      tpu.yield
    }) : () -> ()
    "tpu.region"() ({
      %run_scoped3A = tpu.sem_alloc : memref<!tpu.dma_semaphore, #tpu.memory_space<semaphore_mem>>
      %dma_start3A_80 = tpu.memref_slice %arg4[%add3A_42] : memref<320000xi32, #tpu.memory_space<hbm>> -> memref<128xi32, #tpu.memory_space<hbm>>
      %dma_start3A_81 = tpu.memref_slice %arg4[%add3A_42] : memref<320000xi32, #tpu.memory_space<hbm>> -> memref<128xi32, #tpu.memory_space<hbm>>
      tpu.enqueue_dma source(%dma_start3A_81 : memref<128xi32, #tpu.memory_space<hbm>>) target(%arg9 : memref<128xi32, #tpu.memory_space<vmem>>) target_semaphore(%run_scoped3A : memref<!tpu.dma_semaphore, #tpu.memory_space<semaphore_mem>>)
      %dma_wait3A_82 = tpu.memref_slice %arg4[%add3A_42] : memref<320000xi32, #tpu.memory_space<hbm>> -> memref<128xi32, #tpu.memory_space<hbm>>
      %dma_wait3A_83 = tpu.memref_slice %arg4[%add3A_42] : memref<320000xi32, #tpu.memory_space<hbm>> -> memref<128xi32, #tpu.memory_space<hbm>>
      tpu.wait_dma2 semaphore(%run_scoped3A : memref<!tpu.dma_semaphore, #tpu.memory_space<semaphore_mem>>) src(%dma_wait3A_83 : memref<128xi32, #tpu.memory_space<hbm>>) dst(%arg9 : memref<128xi32, #tpu.memory_space<vmem>>)
      tpu.yield
    }) : () -> ()
    %dma_wait3A = arith.constant 0 : i32
    %dma_wait3A_46 = arith.constant 0 : i32
    %dma_wait3A_47 = tpu.memref_slice %arg2[%dma_wait3A, %dma_wait3A_46] : memref<10000x128xf32, #tpu.memory_space<hbm>> -> memref<10000x128xf32, #tpu.memory_space<hbm>>
    tpu.wait_indirect_dma semaphore(%arg16 : memref<!tpu.dma_semaphore, #tpu.memory_space<semaphore_mem>>) src(%dma_wait3A_47 : memref<10000x128xf32, #tpu.memory_space<hbm>>) dst(%arg12 : memref<128x128xf32, #tpu.memory_space<vmem>>)
    "tpu.region"() ({
      %run_scoped3A = tpu.sem_alloc : memref<!tpu.dma_semaphore, #tpu.memory_space<semaphore_mem>>
      %dma_start3A_80 = arith.constant 0 : i32
      %dma_start3A_81 = arith.constant 0 : i32
      %dma_start3A_82 = tpu.memref_slice %arg15[%dma_start3A_80, %dma_start3A_81] : memref<10240x128xf32, #tpu.memory_space<vmem_shared>> -> memref<10240x128xf32, #tpu.memory_space<vmem_shared>>
      tpu.enqueue_indirect_dma source(%arg12 : memref<128x128xf32, #tpu.memory_space<vmem>>) target(%dma_start3A_82 : memref<10240x128xf32, #tpu.memory_space<vmem_shared>>) offsets(%arg8 : memref<128xi32, #tpu.memory_space<vmem>>) semaphore(%run_scoped3A : memref<!tpu.dma_semaphore, #tpu.memory_space<semaphore_mem>>) {add = true}
      %dma_wait3A_83 = arith.constant 0 : i32
      %dma_wait3A_84 = arith.constant 0 : i32
      %dma_wait3A_85 = tpu.memref_slice %arg15[%dma_wait3A_83, %dma_wait3A_84] : memref<10240x128xf32, #tpu.memory_space<vmem_shared>> -> memref<10240x128xf32, #tpu.memory_space<vmem_shared>>
      tpu.wait_indirect_dma semaphore(%run_scoped3A : memref<!tpu.dma_semaphore, #tpu.memory_space<semaphore_mem>>) src(%arg12 : memref<128x128xf32, #tpu.memory_space<vmem>>) dst(%dma_wait3A_85 : memref<10240x128xf32, #tpu.memory_space<vmem_shared>>)
      tpu.yield
    }) : () -> ()
    %dma_wait3A_48 = arith.constant 0 : i32
    %dma_wait3A_49 = arith.constant 0 : i32
    %dma_wait3A_50 = tpu.memref_slice %arg2[%dma_wait3A_48, %dma_wait3A_49] : memref<10000x128xf32, #tpu.memory_space<hbm>> -> memref<10000x128xf32, #tpu.memory_space<hbm>>
    tpu.wait_indirect_dma semaphore(%arg17 : memref<!tpu.dma_semaphore, #tpu.memory_space<semaphore_mem>>) src(%dma_wait3A_50 : memref<10000x128xf32, #tpu.memory_space<hbm>>) dst(%arg13 : memref<128x128xf32, #tpu.memory_space<vmem>>)
    "tpu.region"() ({
      %run_scoped3A = tpu.sem_alloc : memref<!tpu.dma_semaphore, #tpu.memory_space<semaphore_mem>>
      %dma_start3A_80 = arith.constant 0 : i32
      %dma_start3A_81 = arith.constant 0 : i32
      %dma_start3A_82 = tpu.memref_slice %arg15[%dma_start3A_80, %dma_start3A_81] : memref<10240x128xf32, #tpu.memory_space<vmem_shared>> -> memref<10240x128xf32, #tpu.memory_space<vmem_shared>>
      tpu.enqueue_indirect_dma source(%arg13 : memref<128x128xf32, #tpu.memory_space<vmem>>) target(%dma_start3A_82 : memref<10240x128xf32, #tpu.memory_space<vmem_shared>>) offsets(%arg9 : memref<128xi32, #tpu.memory_space<vmem>>) semaphore(%run_scoped3A : memref<!tpu.dma_semaphore, #tpu.memory_space<semaphore_mem>>) {add = true}
      %dma_wait3A_83 = arith.constant 0 : i32
      %dma_wait3A_84 = arith.constant 0 : i32
      %dma_wait3A_85 = tpu.memref_slice %arg15[%dma_wait3A_83, %dma_wait3A_84] : memref<10240x128xf32, #tpu.memory_space<vmem_shared>> -> memref<10240x128xf32, #tpu.memory_space<vmem_shared>>
      tpu.wait_indirect_dma semaphore(%run_scoped3A : memref<!tpu.dma_semaphore, #tpu.memory_space<semaphore_mem>>) src(%arg13 : memref<128x128xf32, #tpu.memory_space<vmem>>) dst(%dma_wait3A_85 : memref<10240x128xf32, #tpu.memory_space<vmem_shared>>)
      tpu.yield
    }) : () -> ()
    %add3A_51 = arith.constant 9984 : i32
    %add3A_52 = arith.addi %mul3A_2, %add3A_51 : i32
    "tpu.region"() ({
      %run_scoped3A = tpu.sem_alloc : memref<!tpu.dma_semaphore, #tpu.memory_space<semaphore_mem>>
      %dma_start3A_80 = tpu.memref_slice %arg3[%add3A_52] : memref<320000xi32, #tpu.memory_space<hbm>> -> memref<16xi32, #tpu.memory_space<hbm>>
      %dma_start3A_81 = tpu.memref_slice %arg3[%add3A_52] : memref<320000xi32, #tpu.memory_space<hbm>> -> memref<16xi32, #tpu.memory_space<hbm>>
      tpu.enqueue_dma source(%dma_start3A_81 : memref<16xi32, #tpu.memory_space<hbm>>) target(%arg10 : memref<16xi32, #tpu.memory_space<vmem>>) target_semaphore(%run_scoped3A : memref<!tpu.dma_semaphore, #tpu.memory_space<semaphore_mem>>)
      %dma_wait3A_82 = tpu.memref_slice %arg3[%add3A_52] : memref<320000xi32, #tpu.memory_space<hbm>> -> memref<16xi32, #tpu.memory_space<hbm>>
      %dma_wait3A_83 = tpu.memref_slice %arg3[%add3A_52] : memref<320000xi32, #tpu.memory_space<hbm>> -> memref<16xi32, #tpu.memory_space<hbm>>
      tpu.wait_dma2 semaphore(%run_scoped3A : memref<!tpu.dma_semaphore, #tpu.memory_space<semaphore_mem>>) src(%dma_wait3A_83 : memref<16xi32, #tpu.memory_space<hbm>>) dst(%arg10 : memref<16xi32, #tpu.memory_space<vmem>>)
      tpu.yield
    }) : () -> ()
    "tpu.region"() ({
      %run_scoped3A = tpu.sem_alloc : memref<!tpu.dma_semaphore, #tpu.memory_space<semaphore_mem>>
      %dma_start3A_80 = tpu.memref_slice %arg4[%add3A_52] : memref<320000xi32, #tpu.memory_space<hbm>> -> memref<16xi32, #tpu.memory_space<hbm>>
      %dma_start3A_81 = tpu.memref_slice %arg4[%add3A_52] : memref<320000xi32, #tpu.memory_space<hbm>> -> memref<16xi32, #tpu.memory_space<hbm>>
      tpu.enqueue_dma source(%dma_start3A_81 : memref<16xi32, #tpu.memory_space<hbm>>) target(%arg11 : memref<16xi32, #tpu.memory_space<vmem>>) target_semaphore(%run_scoped3A : memref<!tpu.dma_semaphore, #tpu.memory_space<semaphore_mem>>)
      %dma_wait3A_82 = tpu.memref_slice %arg4[%add3A_52] : memref<320000xi32, #tpu.memory_space<hbm>> -> memref<16xi32, #tpu.memory_space<hbm>>
      %dma_wait3A_83 = tpu.memref_slice %arg4[%add3A_52] : memref<320000xi32, #tpu.memory_space<hbm>> -> memref<16xi32, #tpu.memory_space<hbm>>
      tpu.wait_dma2 semaphore(%run_scoped3A : memref<!tpu.dma_semaphore, #tpu.memory_space<semaphore_mem>>) src(%dma_wait3A_83 : memref<16xi32, #tpu.memory_space<hbm>>) dst(%arg11 : memref<16xi32, #tpu.memory_space<vmem>>)
      tpu.yield
    }) : () -> ()
    %dma_start3A_53 = arith.constant 0 : i32
    %dma_start3A_54 = arith.constant 0 : i32
    %dma_start3A_55 = tpu.memref_slice %arg2[%dma_start3A_53, %dma_start3A_54] : memref<10000x128xf32, #tpu.memory_space<hbm>> -> memref<10000x128xf32, #tpu.memory_space<hbm>>
    tpu.enqueue_indirect_dma source(%dma_start3A_55 : memref<10000x128xf32, #tpu.memory_space<hbm>>) target(%arg14 : memref<16x128xf32, #tpu.memory_space<vmem>>) offsets(%arg10 : memref<16xi32, #tpu.memory_space<vmem>>) semaphore(%arg16 : memref<!tpu.dma_semaphore, #tpu.memory_space<semaphore_mem>>)
    %dma_wait3A_56 = arith.constant 0 : i32
    %dma_wait3A_57 = arith.constant 0 : i32
    %dma_wait3A_58 = tpu.memref_slice %arg2[%dma_wait3A_56, %dma_wait3A_57] : memref<10000x128xf32, #tpu.memory_space<hbm>> -> memref<10000x128xf32, #tpu.memory_space<hbm>>
    tpu.wait_indirect_dma semaphore(%arg16 : memref<!tpu.dma_semaphore, #tpu.memory_space<semaphore_mem>>) src(%dma_wait3A_58 : memref<10000x128xf32, #tpu.memory_space<hbm>>) dst(%arg14 : memref<16x128xf32, #tpu.memory_space<vmem>>)
    "tpu.region"() ({
      %run_scoped3A = tpu.sem_alloc : memref<!tpu.dma_semaphore, #tpu.memory_space<semaphore_mem>>
      %dma_start3A_80 = arith.constant 0 : i32
      %dma_start3A_81 = arith.constant 0 : i32
      %dma_start3A_82 = tpu.memref_slice %arg15[%dma_start3A_80, %dma_start3A_81] : memref<10240x128xf32, #tpu.memory_space<vmem_shared>> -> memref<10240x128xf32, #tpu.memory_space<vmem_shared>>
      tpu.enqueue_indirect_dma source(%arg14 : memref<16x128xf32, #tpu.memory_space<vmem>>) target(%dma_start3A_82 : memref<10240x128xf32, #tpu.memory_space<vmem_shared>>) offsets(%arg11 : memref<16xi32, #tpu.memory_space<vmem>>) semaphore(%run_scoped3A : memref<!tpu.dma_semaphore, #tpu.memory_space<semaphore_mem>>) {add = true}
      %dma_wait3A_83 = arith.constant 0 : i32
      %dma_wait3A_84 = arith.constant 0 : i32
      %dma_wait3A_85 = tpu.memref_slice %arg15[%dma_wait3A_83, %dma_wait3A_84] : memref<10240x128xf32, #tpu.memory_space<vmem_shared>> -> memref<10240x128xf32, #tpu.memory_space<vmem_shared>>
      tpu.wait_indirect_dma semaphore(%run_scoped3A : memref<!tpu.dma_semaphore, #tpu.memory_space<semaphore_mem>>) src(%arg14 : memref<16x128xf32, #tpu.memory_space<vmem>>) dst(%dma_wait3A_85 : memref<10240x128xf32, #tpu.memory_space<vmem_shared>>)
      tpu.yield
    }) : () -> ()
    %barrier3A_59 = arith.constant 0 : index
    tpu.barrier barrier_id(%barrier3A_59)
    %mul3A_60 = arith.constant 640 : i32
    %mul3A_61 = arith.muli %arg1, %mul3A_60 : i32
    %add3A_62 = arith.constant 0 : i32
    %add3A_63 = arith.addi %mul3A_61, %add3A_62 : i32
    "tpu.region"() ({
      %run_scoped3A = tpu.sem_alloc : memref<!tpu.dma_semaphore, #tpu.memory_space<semaphore_mem>>
      %dma_start3A_80 = arith.constant 0 : i32
      %dma_start3A_81 = tpu.memref_slice %arg15[%add3A_63, %dma_start3A_80] : memref<10240x128xf32, #tpu.memory_space<vmem_shared>> -> memref<128x128xf32, #tpu.memory_space<vmem_shared>>
      %dma_start3A_82 = arith.constant 0 : i32
      %dma_start3A_83 = tpu.memref_slice %arg15[%add3A_63, %dma_start3A_82] : memref<10240x128xf32, #tpu.memory_space<vmem_shared>> -> memref<128x128xf32, #tpu.memory_space<vmem_shared>>
      tpu.enqueue_dma source(%dma_start3A_83 : memref<128x128xf32, #tpu.memory_space<vmem_shared>>) target(%arg12 : memref<128x128xf32, #tpu.memory_space<vmem>>) target_semaphore(%run_scoped3A : memref<!tpu.dma_semaphore, #tpu.memory_space<semaphore_mem>>)
      %dma_wait3A_84 = arith.constant 0 : i32
      %dma_wait3A_85 = tpu.memref_slice %arg15[%add3A_63, %dma_wait3A_84] : memref<10240x128xf32, #tpu.memory_space<vmem_shared>> -> memref<128x128xf32, #tpu.memory_space<vmem_shared>>
      %dma_wait3A_86 = arith.constant 0 : i32
      %dma_wait3A_87 = tpu.memref_slice %arg15[%add3A_63, %dma_wait3A_86] : memref<10240x128xf32, #tpu.memory_space<vmem_shared>> -> memref<128x128xf32, #tpu.memory_space<vmem_shared>>
      tpu.wait_dma2 semaphore(%run_scoped3A : memref<!tpu.dma_semaphore, #tpu.memory_space<semaphore_mem>>) src(%dma_wait3A_87 : memref<128x128xf32, #tpu.memory_space<vmem_shared>>) dst(%arg12 : memref<128x128xf32, #tpu.memory_space<vmem>>)
      tpu.yield
    }) : () -> ()
    "tpu.region"() ({
      %run_scoped3A = tpu.sem_alloc : memref<!tpu.dma_semaphore, #tpu.memory_space<semaphore_mem>>
      %dma_start3A_80 = arith.constant 0 : i32
      %dma_start3A_81 = tpu.memref_slice %arg5[%arg0, %add3A_63, %dma_start3A_80] : memref<2x10240x128xf32, #tpu.memory_space<hbm>> -> memref<1x128x128xf32, #tpu.memory_space<hbm>>
      %dma_start3A_82 = tpu.memref_squeeze %dma_start3A_81 : memref<1x128x128xf32, #tpu.memory_space<hbm>> -> memref<128x128xf32, #tpu.memory_space<hbm>>
      %dma_start3A_83 = arith.constant 0 : i32
      %dma_start3A_84 = tpu.memref_slice %arg5[%arg0, %add3A_63, %dma_start3A_83] : memref<2x10240x128xf32, #tpu.memory_space<hbm>> -> memref<1x128x128xf32, #tpu.memory_space<hbm>>
      %dma_start3A_85 = tpu.memref_squeeze %dma_start3A_84 : memref<1x128x128xf32, #tpu.memory_space<hbm>> -> memref<128x128xf32, #tpu.memory_space<hbm>>
      tpu.enqueue_dma source(%arg12 : memref<128x128xf32, #tpu.memory_space<vmem>>) target(%dma_start3A_85 : memref<128x128xf32, #tpu.memory_space<hbm>>) target_semaphore(%run_scoped3A : memref<!tpu.dma_semaphore, #tpu.memory_space<semaphore_mem>>)
      %dma_wait3A_86 = arith.constant 0 : i32
      %dma_wait3A_87 = tpu.memref_slice %arg5[%arg0, %add3A_63, %dma_wait3A_86] : memref<2x10240x128xf32, #tpu.memory_space<hbm>> -> memref<1x128x128xf32, #tpu.memory_space<hbm>>
      %dma_wait3A_88 = tpu.memref_squeeze %dma_wait3A_87 : memref<1x128x128xf32, #tpu.memory_space<hbm>> -> memref<128x128xf32, #tpu.memory_space<hbm>>
      %dma_wait3A_89 = arith.constant 0 : i32
      %dma_wait3A_90 = tpu.memref_slice %arg5[%arg0, %add3A_63, %dma_wait3A_89] : memref<2x10240x128xf32, #tpu.memory_space<hbm>> -> memref<1x128x128xf32, #tpu.memory_space<hbm>>
      %dma_wait3A_91 = tpu.memref_squeeze %dma_wait3A_90 : memref<1x128x128xf32, #tpu.memory_space<hbm>> -> memref<128x128xf32, #tpu.memory_space<hbm>>
      tpu.wait_dma2 semaphore(%run_scoped3A : memref<!tpu.dma_semaphore, #tpu.memory_space<semaphore_mem>>) src(%arg12 : memref<128x128xf32, #tpu.memory_space<vmem>>) dst(%dma_wait3A_91 : memref<128x128xf32, #tpu.memory_space<hbm>>)
      tpu.yield
    }) : () -> ()
    %mul3A_64 = arith.constant 640 : i32
    %mul3A_65 = arith.muli %arg1, %mul3A_64 : i32
    %add3A_66 = arith.constant 128 : i32
    %add3A_67 = arith.addi %mul3A_65, %add3A_66 : i32
    "tpu.region"() ({
      %run_scoped3A = tpu.sem_alloc : memref<!tpu.dma_semaphore, #tpu.memory_space<semaphore_mem>>
      %dma_start3A_80 = arith.constant 0 : i32
      %dma_start3A_81 = tpu.memref_slice %arg15[%add3A_67, %dma_start3A_80] : memref<10240x128xf32, #tpu.memory_space<vmem_shared>> -> memref<128x128xf32, #tpu.memory_space<vmem_shared>>
      %dma_start3A_82 = arith.constant 0 : i32
      %dma_start3A_83 = tpu.memref_slice %arg15[%add3A_67, %dma_start3A_82] : memref<10240x128xf32, #tpu.memory_space<vmem_shared>> -> memref<128x128xf32, #tpu.memory_space<vmem_shared>>
      tpu.enqueue_dma source(%dma_start3A_83 : memref<128x128xf32, #tpu.memory_space<vmem_shared>>) target(%arg12 : memref<128x128xf32, #tpu.memory_space<vmem>>) target_semaphore(%run_scoped3A : memref<!tpu.dma_semaphore, #tpu.memory_space<semaphore_mem>>)
      %dma_wait3A_84 = arith.constant 0 : i32
      %dma_wait3A_85 = tpu.memref_slice %arg15[%add3A_67, %dma_wait3A_84] : memref<10240x128xf32, #tpu.memory_space<vmem_shared>> -> memref<128x128xf32, #tpu.memory_space<vmem_shared>>
      %dma_wait3A_86 = arith.constant 0 : i32
      %dma_wait3A_87 = tpu.memref_slice %arg15[%add3A_67, %dma_wait3A_86] : memref<10240x128xf32, #tpu.memory_space<vmem_shared>> -> memref<128x128xf32, #tpu.memory_space<vmem_shared>>
      tpu.wait_dma2 semaphore(%run_scoped3A : memref<!tpu.dma_semaphore, #tpu.memory_space<semaphore_mem>>) src(%dma_wait3A_87 : memref<128x128xf32, #tpu.memory_space<vmem_shared>>) dst(%arg12 : memref<128x128xf32, #tpu.memory_space<vmem>>)
      tpu.yield
    }) : () -> ()
    "tpu.region"() ({
      %run_scoped3A = tpu.sem_alloc : memref<!tpu.dma_semaphore, #tpu.memory_space<semaphore_mem>>
      %dma_start3A_80 = arith.constant 0 : i32
      %dma_start3A_81 = tpu.memref_slice %arg5[%arg0, %add3A_67, %dma_start3A_80] : memref<2x10240x128xf32, #tpu.memory_space<hbm>> -> memref<1x128x128xf32, #tpu.memory_space<hbm>>
      %dma_start3A_82 = tpu.memref_squeeze %dma_start3A_81 : memref<1x128x128xf32, #tpu.memory_space<hbm>> -> memref<128x128xf32, #tpu.memory_space<hbm>>
      %dma_start3A_83 = arith.constant 0 : i32
      %dma_start3A_84 = tpu.memref_slice %arg5[%arg0, %add3A_67, %dma_start3A_83] : memref<2x10240x128xf32, #tpu.memory_space<hbm>> -> memref<1x128x128xf32, #tpu.memory_space<hbm>>
      %dma_start3A_85 = tpu.memref_squeeze %dma_start3A_84 : memref<1x128x128xf32, #tpu.memory_space<hbm>> -> memref<128x128xf32, #tpu.memory_space<hbm>>
      tpu.enqueue_dma source(%arg12 : memref<128x128xf32, #tpu.memory_space<vmem>>) target(%dma_start3A_85 : memref<128x128xf32, #tpu.memory_space<hbm>>) target_semaphore(%run_scoped3A : memref<!tpu.dma_semaphore, #tpu.memory_space<semaphore_mem>>)
      %dma_wait3A_86 = arith.constant 0 : i32
      %dma_wait3A_87 = tpu.memref_slice %arg5[%arg0, %add3A_67, %dma_wait3A_86] : memref<2x10240x128xf32, #tpu.memory_space<hbm>> -> memref<1x128x128xf32, #tpu.memory_space<hbm>>
      %dma_wait3A_88 = tpu.memref_squeeze %dma_wait3A_87 : memref<1x128x128xf32, #tpu.memory_space<hbm>> -> memref<128x128xf32, #tpu.memory_space<hbm>>
      %dma_wait3A_89 = arith.constant 0 : i32
      %dma_wait3A_90 = tpu.memref_slice %arg5[%arg0, %add3A_67, %dma_wait3A_89] : memref<2x10240x128xf32, #tpu.memory_space<hbm>> -> memref<1x128x128xf32, #tpu.memory_space<hbm>>
      %dma_wait3A_91 = tpu.memref_squeeze %dma_wait3A_90 : memref<1x128x128xf32, #tpu.memory_space<hbm>> -> memref<128x128xf32, #tpu.memory_space<hbm>>
      tpu.wait_dma2 semaphore(%run_scoped3A : memref<!tpu.dma_semaphore, #tpu.memory_space<semaphore_mem>>) src(%arg12 : memref<128x128xf32, #tpu.memory_space<vmem>>) dst(%dma_wait3A_91 : memref<128x128xf32, #tpu.memory_space<hbm>>)
      tpu.yield
    }) : () -> ()
    %mul3A_68 = arith.constant 640 : i32
    %mul3A_69 = arith.muli %arg1, %mul3A_68 : i32
    %add3A_70 = arith.constant 256 : i32
    %add3A_71 = arith.addi %mul3A_69, %add3A_70 : i32
    "tpu.region"() ({
      %run_scoped3A = tpu.sem_alloc : memref<!tpu.dma_semaphore, #tpu.memory_space<semaphore_mem>>
      %dma_start3A_80 = arith.constant 0 : i32
      %dma_start3A_81 = tpu.memref_slice %arg15[%add3A_71, %dma_start3A_80] : memref<10240x128xf32, #tpu.memory_space<vmem_shared>> -> memref<128x128xf32, #tpu.memory_space<vmem_shared>>
      %dma_start3A_82 = arith.constant 0 : i32
      %dma_start3A_83 = tpu.memref_slice %arg15[%add3A_71, %dma_start3A_82] : memref<10240x128xf32, #tpu.memory_space<vmem_shared>> -> memref<128x128xf32, #tpu.memory_space<vmem_shared>>
      tpu.enqueue_dma source(%dma_start3A_83 : memref<128x128xf32, #tpu.memory_space<vmem_shared>>) target(%arg12 : memref<128x128xf32, #tpu.memory_space<vmem>>) target_semaphore(%run_scoped3A : memref<!tpu.dma_semaphore, #tpu.memory_space<semaphore_mem>>)
      %dma_wait3A_84 = arith.constant 0 : i32
      %dma_wait3A_85 = tpu.memref_slice %arg15[%add3A_71, %dma_wait3A_84] : memref<10240x128xf32, #tpu.memory_space<vmem_shared>> -> memref<128x128xf32, #tpu.memory_space<vmem_shared>>
      %dma_wait3A_86 = arith.constant 0 : i32
      %dma_wait3A_87 = tpu.memref_slice %arg15[%add3A_71, %dma_wait3A_86] : memref<10240x128xf32, #tpu.memory_space<vmem_shared>> -> memref<128x128xf32, #tpu.memory_space<vmem_shared>>
      tpu.wait_dma2 semaphore(%run_scoped3A : memref<!tpu.dma_semaphore, #tpu.memory_space<semaphore_mem>>) src(%dma_wait3A_87 : memref<128x128xf32, #tpu.memory_space<vmem_shared>>) dst(%arg12 : memref<128x128xf32, #tpu.memory_space<vmem>>)
      tpu.yield
    }) : () -> ()
    "tpu.region"() ({
      %run_scoped3A = tpu.sem_alloc : memref<!tpu.dma_semaphore, #tpu.memory_space<semaphore_mem>>
      %dma_start3A_80 = arith.constant 0 : i32
      %dma_start3A_81 = tpu.memref_slice %arg5[%arg0, %add3A_71, %dma_start3A_80] : memref<2x10240x128xf32, #tpu.memory_space<hbm>> -> memref<1x128x128xf32, #tpu.memory_space<hbm>>
      %dma_start3A_82 = tpu.memref_squeeze %dma_start3A_81 : memref<1x128x128xf32, #tpu.memory_space<hbm>> -> memref<128x128xf32, #tpu.memory_space<hbm>>
      %dma_start3A_83 = arith.constant 0 : i32
      %dma_start3A_84 = tpu.memref_slice %arg5[%arg0, %add3A_71, %dma_start3A_83] : memref<2x10240x128xf32, #tpu.memory_space<hbm>> -> memref<1x128x128xf32, #tpu.memory_space<hbm>>
      %dma_start3A_85 = tpu.memref_squeeze %dma_start3A_84 : memref<1x128x128xf32, #tpu.memory_space<hbm>> -> memref<128x128xf32, #tpu.memory_space<hbm>>
      tpu.enqueue_dma source(%arg12 : memref<128x128xf32, #tpu.memory_space<vmem>>) target(%dma_start3A_85 : memref<128x128xf32, #tpu.memory_space<hbm>>) target_semaphore(%run_scoped3A : memref<!tpu.dma_semaphore, #tpu.memory_space<semaphore_mem>>)
      %dma_wait3A_86 = arith.constant 0 : i32
      %dma_wait3A_87 = tpu.memref_slice %arg5[%arg0, %add3A_71, %dma_wait3A_86] : memref<2x10240x128xf32, #tpu.memory_space<hbm>> -> memref<1x128x128xf32, #tpu.memory_space<hbm>>
      %dma_wait3A_88 = tpu.memref_squeeze %dma_wait3A_87 : memref<1x128x128xf32, #tpu.memory_space<hbm>> -> memref<128x128xf32, #tpu.memory_space<hbm>>
      %dma_wait3A_89 = arith.constant 0 : i32
      %dma_wait3A_90 = tpu.memref_slice %arg5[%arg0, %add3A_71, %dma_wait3A_89] : memref<2x10240x128xf32, #tpu.memory_space<hbm>> -> memref<1x128x128xf32, #tpu.memory_space<hbm>>
      %dma_wait3A_91 = tpu.memref_squeeze %dma_wait3A_90 : memref<1x128x128xf32, #tpu.memory_space<hbm>> -> memref<128x128xf32, #tpu.memory_space<hbm>>
      tpu.wait_dma2 semaphore(%run_scoped3A : memref<!tpu.dma_semaphore, #tpu.memory_space<semaphore_mem>>) src(%arg12 : memref<128x128xf32, #tpu.memory_space<vmem>>) dst(%dma_wait3A_91 : memref<128x128xf32, #tpu.memory_space<hbm>>)
      tpu.yield
    }) : () -> ()
    %mul3A_72 = arith.constant 640 : i32
    %mul3A_73 = arith.muli %arg1, %mul3A_72 : i32
    %add3A_74 = arith.constant 384 : i32
    %add3A_75 = arith.addi %mul3A_73, %add3A_74 : i32
    "tpu.region"() ({
      %run_scoped3A = tpu.sem_alloc : memref<!tpu.dma_semaphore, #tpu.memory_space<semaphore_mem>>
      %dma_start3A_80 = arith.constant 0 : i32
      %dma_start3A_81 = tpu.memref_slice %arg15[%add3A_75, %dma_start3A_80] : memref<10240x128xf32, #tpu.memory_space<vmem_shared>> -> memref<128x128xf32, #tpu.memory_space<vmem_shared>>
      %dma_start3A_82 = arith.constant 0 : i32
      %dma_start3A_83 = tpu.memref_slice %arg15[%add3A_75, %dma_start3A_82] : memref<10240x128xf32, #tpu.memory_space<vmem_shared>> -> memref<128x128xf32, #tpu.memory_space<vmem_shared>>
      tpu.enqueue_dma source(%dma_start3A_83 : memref<128x128xf32, #tpu.memory_space<vmem_shared>>) target(%arg12 : memref<128x128xf32, #tpu.memory_space<vmem>>) target_semaphore(%run_scoped3A : memref<!tpu.dma_semaphore, #tpu.memory_space<semaphore_mem>>)
      %dma_wait3A_84 = arith.constant 0 : i32
      %dma_wait3A_85 = tpu.memref_slice %arg15[%add3A_75, %dma_wait3A_84] : memref<10240x128xf32, #tpu.memory_space<vmem_shared>> -> memref<128x128xf32, #tpu.memory_space<vmem_shared>>
      %dma_wait3A_86 = arith.constant 0 : i32
      %dma_wait3A_87 = tpu.memref_slice %arg15[%add3A_75, %dma_wait3A_86] : memref<10240x128xf32, #tpu.memory_space<vmem_shared>> -> memref<128x128xf32, #tpu.memory_space<vmem_shared>>
      tpu.wait_dma2 semaphore(%run_scoped3A : memref<!tpu.dma_semaphore, #tpu.memory_space<semaphore_mem>>) src(%dma_wait3A_87 : memref<128x128xf32, #tpu.memory_space<vmem_shared>>) dst(%arg12 : memref<128x128xf32, #tpu.memory_space<vmem>>)
      tpu.yield
    }) : () -> ()
    "tpu.region"() ({
      %run_scoped3A = tpu.sem_alloc : memref<!tpu.dma_semaphore, #tpu.memory_space<semaphore_mem>>
      %dma_start3A_80 = arith.constant 0 : i32
      %dma_start3A_81 = tpu.memref_slice %arg5[%arg0, %add3A_75, %dma_start3A_80] : memref<2x10240x128xf32, #tpu.memory_space<hbm>> -> memref<1x128x128xf32, #tpu.memory_space<hbm>>
      %dma_start3A_82 = tpu.memref_squeeze %dma_start3A_81 : memref<1x128x128xf32, #tpu.memory_space<hbm>> -> memref<128x128xf32, #tpu.memory_space<hbm>>
      %dma_start3A_83 = arith.constant 0 : i32
      %dma_start3A_84 = tpu.memref_slice %arg5[%arg0, %add3A_75, %dma_start3A_83] : memref<2x10240x128xf32, #tpu.memory_space<hbm>> -> memref<1x128x128xf32, #tpu.memory_space<hbm>>
      %dma_start3A_85 = tpu.memref_squeeze %dma_start3A_84 : memref<1x128x128xf32, #tpu.memory_space<hbm>> -> memref<128x128xf32, #tpu.memory_space<hbm>>
      tpu.enqueue_dma source(%arg12 : memref<128x128xf32, #tpu.memory_space<vmem>>) target(%dma_start3A_85 : memref<128x128xf32, #tpu.memory_space<hbm>>) target_semaphore(%run_scoped3A : memref<!tpu.dma_semaphore, #tpu.memory_space<semaphore_mem>>)
      %dma_wait3A_86 = arith.constant 0 : i32
      %dma_wait3A_87 = tpu.memref_slice %arg5[%arg0, %add3A_75, %dma_wait3A_86] : memref<2x10240x128xf32, #tpu.memory_space<hbm>> -> memref<1x128x128xf32, #tpu.memory_space<hbm>>
      %dma_wait3A_88 = tpu.memref_squeeze %dma_wait3A_87 : memref<1x128x128xf32, #tpu.memory_space<hbm>> -> memref<128x128xf32, #tpu.memory_space<hbm>>
      %dma_wait3A_89 = arith.constant 0 : i32
      %dma_wait3A_90 = tpu.memref_slice %arg5[%arg0, %add3A_75, %dma_wait3A_89] : memref<2x10240x128xf32, #tpu.memory_space<hbm>> -> memref<1x128x128xf32, #tpu.memory_space<hbm>>
      %dma_wait3A_91 = tpu.memref_squeeze %dma_wait3A_90 : memref<1x128x128xf32, #tpu.memory_space<hbm>> -> memref<128x128xf32, #tpu.memory_space<hbm>>
      tpu.wait_dma2 semaphore(%run_scoped3A : memref<!tpu.dma_semaphore, #tpu.memory_space<semaphore_mem>>) src(%arg12 : memref<128x128xf32, #tpu.memory_space<vmem>>) dst(%dma_wait3A_91 : memref<128x128xf32, #tpu.memory_space<hbm>>)
      tpu.yield
    }) : () -> ()
    %mul3A_76 = arith.constant 640 : i32
    %mul3A_77 = arith.muli %arg1, %mul3A_76 : i32
    %add3A_78 = arith.constant 512 : i32
    %add3A_79 = arith.addi %mul3A_77, %add3A_78 : i32
    "tpu.region"() ({
      %run_scoped3A = tpu.sem_alloc : memref<!tpu.dma_semaphore, #tpu.memory_space<semaphore_mem>>
      %dma_start3A_80 = arith.constant 0 : i32
      %dma_start3A_81 = tpu.memref_slice %arg15[%add3A_79, %dma_start3A_80] : memref<10240x128xf32, #tpu.memory_space<vmem_shared>> -> memref<128x128xf32, #tpu.memory_space<vmem_shared>>
      %dma_start3A_82 = arith.constant 0 : i32
      %dma_start3A_83 = tpu.memref_slice %arg15[%add3A_79, %dma_start3A_82] : memref<10240x128xf32, #tpu.memory_space<vmem_shared>> -> memref<128x128xf32, #tpu.memory_space<vmem_shared>>
      tpu.enqueue_dma source(%dma_start3A_83 : memref<128x128xf32, #tpu.memory_space<vmem_shared>>) target(%arg12 : memref<128x128xf32, #tpu.memory_space<vmem>>) target_semaphore(%run_scoped3A : memref<!tpu.dma_semaphore, #tpu.memory_space<semaphore_mem>>)
      %dma_wait3A_84 = arith.constant 0 : i32
      %dma_wait3A_85 = tpu.memref_slice %arg15[%add3A_79, %dma_wait3A_84] : memref<10240x128xf32, #tpu.memory_space<vmem_shared>> -> memref<128x128xf32, #tpu.memory_space<vmem_shared>>
      %dma_wait3A_86 = arith.constant 0 : i32
      %dma_wait3A_87 = tpu.memref_slice %arg15[%add3A_79, %dma_wait3A_86] : memref<10240x128xf32, #tpu.memory_space<vmem_shared>> -> memref<128x128xf32, #tpu.memory_space<vmem_shared>>
      tpu.wait_dma2 semaphore(%run_scoped3A : memref<!tpu.dma_semaphore, #tpu.memory_space<semaphore_mem>>) src(%dma_wait3A_87 : memref<128x128xf32, #tpu.memory_space<vmem_shared>>) dst(%arg12 : memref<128x128xf32, #tpu.memory_space<vmem>>)
      tpu.yield
    }) : () -> ()
    "tpu.region"() ({
      %run_scoped3A = tpu.sem_alloc : memref<!tpu.dma_semaphore, #tpu.memory_space<semaphore_mem>>
      %dma_start3A_80 = arith.constant 0 : i32
      %dma_start3A_81 = tpu.memref_slice %arg5[%arg0, %add3A_79, %dma_start3A_80] : memref<2x10240x128xf32, #tpu.memory_space<hbm>> -> memref<1x128x128xf32, #tpu.memory_space<hbm>>
      %dma_start3A_82 = tpu.memref_squeeze %dma_start3A_81 : memref<1x128x128xf32, #tpu.memory_space<hbm>> -> memref<128x128xf32, #tpu.memory_space<hbm>>
      %dma_start3A_83 = arith.constant 0 : i32
      %dma_start3A_84 = tpu.memref_slice %arg5[%arg0, %add3A_79, %dma_start3A_83] : memref<2x10240x128xf32, #tpu.memory_space<hbm>> -> memref<1x128x128xf32, #tpu.memory_space<hbm>>
      %dma_start3A_85 = tpu.memref_squeeze %dma_start3A_84 : memref<1x128x128xf32, #tpu.memory_space<hbm>> -> memref<128x128xf32, #tpu.memory_space<hbm>>
      tpu.enqueue_dma source(%arg12 : memref<128x128xf32, #tpu.memory_space<vmem>>) target(%dma_start3A_85 : memref<128x128xf32, #tpu.memory_space<hbm>>) target_semaphore(%run_scoped3A : memref<!tpu.dma_semaphore, #tpu.memory_space<semaphore_mem>>)
      %dma_wait3A_86 = arith.constant 0 : i32
      %dma_wait3A_87 = tpu.memref_slice %arg5[%arg0, %add3A_79, %dma_wait3A_86] : memref<2x10240x128xf32, #tpu.memory_space<hbm>> -> memref<1x128x128xf32, #tpu.memory_space<hbm>>
      %dma_wait3A_88 = tpu.memref_squeeze %dma_wait3A_87 : memref<1x128x128xf32, #tpu.memory_space<hbm>> -> memref<128x128xf32, #tpu.memory_space<hbm>>
      %dma_wait3A_89 = arith.constant 0 : i32
      %dma_wait3A_90 = tpu.memref_slice %arg5[%arg0, %add3A_79, %dma_wait3A_89] : memref<2x10240x128xf32, #tpu.memory_space<hbm>> -> memref<1x128x128xf32, #tpu.memory_space<hbm>>
      %dma_wait3A_91 = tpu.memref_squeeze %dma_wait3A_90 : memref<1x128x128xf32, #tpu.memory_space<hbm>> -> memref<128x128xf32, #tpu.memory_space<hbm>>
      tpu.wait_dma2 semaphore(%run_scoped3A : memref<!tpu.dma_semaphore, #tpu.memory_space<semaphore_mem>>) src(%arg12 : memref<128x128xf32, #tpu.memory_space<vmem>>) dst(%dma_wait3A_91 : memref<128x128xf32, #tpu.memory_space<hbm>>)
      tpu.yield
    }) : () -> ()
    return
  }
}

#map = affine_map<(d0, d1) -> (0)>
#map1 = affine_map<(d0, d1) -> (0, 0, 0)>
module attributes {stable_mosaic.version = 14 : i64} {
  func.func @_deg(%arg0: i32, %arg1: i32, %arg2: memref<320000xi32, #tpu.memory_space<hbm>>, %arg3: memref<320000xi32, #tpu.memory_space<hbm>>, %arg4: memref<2x10240x128xf32, #tpu.memory_space<hbm>>, %arg5: memref<2x10240x128xf32, #tpu.memory_space<hbm>>, %arg6: memref<128xi32, #tpu.memory_space<vmem>>, %arg7: memref<128xi32, #tpu.memory_space<vmem>>, %arg8: memref<16xi32, #tpu.memory_space<vmem>>, %arg9: memref<128x128xf32, #tpu.memory_space<vmem>>, %arg10: memref<16x128xf32, #tpu.memory_space<vmem>>, %arg11: memref<128x128xf32, #tpu.memory_space<vmem>>, %arg12: memref<10240x128xf32, #tpu.memory_space<vmem_shared>>, %arg13: memref<!tpu.dma_semaphore, #tpu.memory_space<semaphore_mem>>, %arg14: memref<!tpu.dma_semaphore, #tpu.memory_space<semaphore_mem>>) attributes {dimension_semantics = [#tpu.dimension_semantics<core_parallel>, #tpu.dimension_semantics<subcore_parallel>], iteration_bounds = array<i64: 2, 16>, scalar_prefetch = 0 : i64, scratch_operands = 9 : i64, tpu.core_type = #tpu.core_type<sc_vector_subcore>, window_params = [{transform_indices = #map}, {transform_indices = #map}, {transform_indices = #map1}, {transform_indices = #map1}]} {
    %mul3A = arith.constant 2 : i32
    %mul3A_0 = arith.muli %arg1, %mul3A : i32
    %add3A = arith.addi %mul3A_0, %arg0 : i32
    %mul3A_1 = arith.constant 10000 : i32
    %mul3A_2 = arith.muli %add3A, %mul3A_1 : i32
    %broadcast_in_dim3A = arith.constant 1.000000e+00 : f32
    %broadcast_in_dim3A_3 = vector.broadcast %broadcast_in_dim3A : f32 to vector<16xf32>
    %scan3A = arith.constant 0 : i32
    %scan3A_4 = arith.constant 0 : i32
    %scan3A_5 = arith.constant 128 : i32
    %scan3A_6 = arith.addi %scan3A_4, %scan3A_5 : i32
    %scan3A_7 = arith.constant 1 : i32
    %scan3A_8 = scf.for %scan3A_166 = %scan3A_4 to %scan3A_6 step %scan3A_7 iter_args(%scan3A_167 = %scan3A) -> (i32)  : i32 {
      %swap3A = arith.index_cast %scan3A_166 : i32 to index
      %swap3A_168 = arith.constant 0 : index
      %swap3A_169 = tpu.vector_load %arg9[%swap3A, %swap3A_168] {strides = array<i32>} : memref<128x128xf32, #tpu.memory_space<vmem>>, vector<1x16xf32>,
      %swap3A_170 = vector.shape_cast %swap3A_169 : vector<1x16xf32> to vector<16xf32>
      %swap3A_171 = vector.shape_cast %broadcast_in_dim3A_3 : vector<16xf32> to vector<1x16xf32>
      tpu.vector_store %arg9[%swap3A, %swap3A_168], %swap3A_171 {strides = array<i32>} : memref<128x128xf32, #tpu.memory_space<vmem>>, vector<1x16xf32>,
      %swap3A_172 = arith.index_cast %scan3A_166 : i32 to index
      %swap3A_173 = arith.constant 16 : index
      %swap3A_174 = tpu.vector_load %arg9[%swap3A_172, %swap3A_173] {strides = array<i32>} : memref<128x128xf32, #tpu.memory_space<vmem>>, vector<1x16xf32>,
      %swap3A_175 = vector.shape_cast %swap3A_174 : vector<1x16xf32> to vector<16xf32>
      %swap3A_176 = vector.shape_cast %broadcast_in_dim3A_3 : vector<16xf32> to vector<1x16xf32>
      tpu.vector_store %arg9[%swap3A_172, %swap3A_173], %swap3A_176 {strides = array<i32>} : memref<128x128xf32, #tpu.memory_space<vmem>>, vector<1x16xf32>,
      %swap3A_177 = arith.index_cast %scan3A_166 : i32 to index
      %swap3A_178 = arith.constant 32 : index
      %swap3A_179 = tpu.vector_load %arg9[%swap3A_177, %swap3A_178] {strides = array<i32>} : memref<128x128xf32, #tpu.memory_space<vmem>>, vector<1x16xf32>,
      %swap3A_180 = vector.shape_cast %swap3A_179 : vector<1x16xf32> to vector<16xf32>
      %swap3A_181 = vector.shape_cast %broadcast_in_dim3A_3 : vector<16xf32> to vector<1x16xf32>
      tpu.vector_store %arg9[%swap3A_177, %swap3A_178], %swap3A_181 {strides = array<i32>} : memref<128x128xf32, #tpu.memory_space<vmem>>, vector<1x16xf32>,
      %swap3A_182 = arith.index_cast %scan3A_166 : i32 to index
      %swap3A_183 = arith.constant 48 : index
      %swap3A_184 = tpu.vector_load %arg9[%swap3A_182, %swap3A_183] {strides = array<i32>} : memref<128x128xf32, #tpu.memory_space<vmem>>, vector<1x16xf32>,
      %swap3A_185 = vector.shape_cast %swap3A_184 : vector<1x16xf32> to vector<16xf32>
      %swap3A_186 = vector.shape_cast %broadcast_in_dim3A_3 : vector<16xf32> to vector<1x16xf32>
      tpu.vector_store %arg9[%swap3A_182, %swap3A_183], %swap3A_186 {strides = array<i32>} : memref<128x128xf32, #tpu.memory_space<vmem>>, vector<1x16xf32>,
      %swap3A_187 = arith.index_cast %scan3A_166 : i32 to index
      %swap3A_188 = arith.constant 64 : index
      %swap3A_189 = tpu.vector_load %arg9[%swap3A_187, %swap3A_188] {strides = array<i32>} : memref<128x128xf32, #tpu.memory_space<vmem>>, vector<1x16xf32>,
      %swap3A_190 = vector.shape_cast %swap3A_189 : vector<1x16xf32> to vector<16xf32>
      %swap3A_191 = vector.shape_cast %broadcast_in_dim3A_3 : vector<16xf32> to vector<1x16xf32>
      tpu.vector_store %arg9[%swap3A_187, %swap3A_188], %swap3A_191 {strides = array<i32>} : memref<128x128xf32, #tpu.memory_space<vmem>>, vector<1x16xf32>,
      %swap3A_192 = arith.index_cast %scan3A_166 : i32 to index
      %swap3A_193 = arith.constant 80 : index
      %swap3A_194 = tpu.vector_load %arg9[%swap3A_192, %swap3A_193] {strides = array<i32>} : memref<128x128xf32, #tpu.memory_space<vmem>>, vector<1x16xf32>,
      %swap3A_195 = vector.shape_cast %swap3A_194 : vector<1x16xf32> to vector<16xf32>
      %swap3A_196 = vector.shape_cast %broadcast_in_dim3A_3 : vector<16xf32> to vector<1x16xf32>
      tpu.vector_store %arg9[%swap3A_192, %swap3A_193], %swap3A_196 {strides = array<i32>} : memref<128x128xf32, #tpu.memory_space<vmem>>, vector<1x16xf32>,
      %swap3A_197 = arith.index_cast %scan3A_166 : i32 to index
      %swap3A_198 = arith.constant 96 : index
      %swap3A_199 = tpu.vector_load %arg9[%swap3A_197, %swap3A_198] {strides = array<i32>} : memref<128x128xf32, #tpu.memory_space<vmem>>, vector<1x16xf32>,
      %swap3A_200 = vector.shape_cast %swap3A_199 : vector<1x16xf32> to vector<16xf32>
      %swap3A_201 = vector.shape_cast %broadcast_in_dim3A_3 : vector<16xf32> to vector<1x16xf32>
      tpu.vector_store %arg9[%swap3A_197, %swap3A_198], %swap3A_201 {strides = array<i32>} : memref<128x128xf32, #tpu.memory_space<vmem>>, vector<1x16xf32>,
      %swap3A_202 = arith.index_cast %scan3A_166 : i32 to index
      %swap3A_203 = arith.constant 112 : index
      %swap3A_204 = tpu.vector_load %arg9[%swap3A_202, %swap3A_203] {strides = array<i32>} : memref<128x128xf32, #tpu.memory_space<vmem>>, vector<1x16xf32>,
      %swap3A_205 = vector.shape_cast %swap3A_204 : vector<1x16xf32> to vector<16xf32>
      %swap3A_206 = vector.shape_cast %broadcast_in_dim3A_3 : vector<16xf32> to vector<1x16xf32>
      tpu.vector_store %arg9[%swap3A_202, %swap3A_203], %swap3A_206 {strides = array<i32>} : memref<128x128xf32, #tpu.memory_space<vmem>>, vector<1x16xf32>,
      %scan3A_207 = arith.constant 0 : i32
      scf.yield %scan3A_207 : i32
    }
    %scan3A_9 = arith.constant 128 : i32
    %broadcast_in_dim3A_10 = arith.constant 1.000000e+00 : f32
    %broadcast_in_dim3A_11 = vector.broadcast %broadcast_in_dim3A_10 : f32 to vector<16xf32>
    %scan3A_12 = arith.constant 0 : i32
    %scan3A_13 = arith.constant 0 : i32
    %scan3A_14 = arith.constant 16 : i32
    %scan3A_15 = arith.addi %scan3A_13, %scan3A_14 : i32
    %scan3A_16 = arith.constant 1 : i32
    %scan3A_17 = scf.for %scan3A_166 = %scan3A_13 to %scan3A_15 step %scan3A_16 iter_args(%scan3A_167 = %scan3A_12) -> (i32)  : i32 {
      %swap3A = arith.index_cast %scan3A_166 : i32 to index
      %swap3A_168 = arith.constant 0 : index
      %swap3A_169 = tpu.vector_load %arg10[%swap3A, %swap3A_168] {strides = array<i32>} : memref<16x128xf32, #tpu.memory_space<vmem>>, vector<1x16xf32>,
      %swap3A_170 = vector.shape_cast %swap3A_169 : vector<1x16xf32> to vector<16xf32>
      %swap3A_171 = vector.shape_cast %broadcast_in_dim3A_11 : vector<16xf32> to vector<1x16xf32>
      tpu.vector_store %arg10[%swap3A, %swap3A_168], %swap3A_171 {strides = array<i32>} : memref<16x128xf32, #tpu.memory_space<vmem>>, vector<1x16xf32>,
      %swap3A_172 = arith.index_cast %scan3A_166 : i32 to index
      %swap3A_173 = arith.constant 16 : index
      %swap3A_174 = tpu.vector_load %arg10[%swap3A_172, %swap3A_173] {strides = array<i32>} : memref<16x128xf32, #tpu.memory_space<vmem>>, vector<1x16xf32>,
      %swap3A_175 = vector.shape_cast %swap3A_174 : vector<1x16xf32> to vector<16xf32>
      %swap3A_176 = vector.shape_cast %broadcast_in_dim3A_11 : vector<16xf32> to vector<1x16xf32>
      tpu.vector_store %arg10[%swap3A_172, %swap3A_173], %swap3A_176 {strides = array<i32>} : memref<16x128xf32, #tpu.memory_space<vmem>>, vector<1x16xf32>,
      %swap3A_177 = arith.index_cast %scan3A_166 : i32 to index
      %swap3A_178 = arith.constant 32 : index
      %swap3A_179 = tpu.vector_load %arg10[%swap3A_177, %swap3A_178] {strides = array<i32>} : memref<16x128xf32, #tpu.memory_space<vmem>>, vector<1x16xf32>,
      %swap3A_180 = vector.shape_cast %swap3A_179 : vector<1x16xf32> to vector<16xf32>
      %swap3A_181 = vector.shape_cast %broadcast_in_dim3A_11 : vector<16xf32> to vector<1x16xf32>
      tpu.vector_store %arg10[%swap3A_177, %swap3A_178], %swap3A_181 {strides = array<i32>} : memref<16x128xf32, #tpu.memory_space<vmem>>, vector<1x16xf32>,
      %swap3A_182 = arith.index_cast %scan3A_166 : i32 to index
      %swap3A_183 = arith.constant 48 : index
      %swap3A_184 = tpu.vector_load %arg10[%swap3A_182, %swap3A_183] {strides = array<i32>} : memref<16x128xf32, #tpu.memory_space<vmem>>, vector<1x16xf32>,
      %swap3A_185 = vector.shape_cast %swap3A_184 : vector<1x16xf32> to vector<16xf32>
      %swap3A_186 = vector.shape_cast %broadcast_in_dim3A_11 : vector<16xf32> to vector<1x16xf32>
      tpu.vector_store %arg10[%swap3A_182, %swap3A_183], %swap3A_186 {strides = array<i32>} : memref<16x128xf32, #tpu.memory_space<vmem>>, vector<1x16xf32>,
      %swap3A_187 = arith.index_cast %scan3A_166 : i32 to index
      %swap3A_188 = arith.constant 64 : index
      %swap3A_189 = tpu.vector_load %arg10[%swap3A_187, %swap3A_188] {strides = array<i32>} : memref<16x128xf32, #tpu.memory_space<vmem>>, vector<1x16xf32>,
      %swap3A_190 = vector.shape_cast %swap3A_189 : vector<1x16xf32> to vector<16xf32>
      %swap3A_191 = vector.shape_cast %broadcast_in_dim3A_11 : vector<16xf32> to vector<1x16xf32>
      tpu.vector_store %arg10[%swap3A_187, %swap3A_188], %swap3A_191 {strides = array<i32>} : memref<16x128xf32, #tpu.memory_space<vmem>>, vector<1x16xf32>,
      %swap3A_192 = arith.index_cast %scan3A_166 : i32 to index
      %swap3A_193 = arith.constant 80 : index
      %swap3A_194 = tpu.vector_load %arg10[%swap3A_192, %swap3A_193] {strides = array<i32>} : memref<16x128xf32, #tpu.memory_space<vmem>>, vector<1x16xf32>,
      %swap3A_195 = vector.shape_cast %swap3A_194 : vector<1x16xf32> to vector<16xf32>
      %swap3A_196 = vector.shape_cast %broadcast_in_dim3A_11 : vector<16xf32> to vector<1x16xf32>
      tpu.vector_store %arg10[%swap3A_192, %swap3A_193], %swap3A_196 {strides = array<i32>} : memref<16x128xf32, #tpu.memory_space<vmem>>, vector<1x16xf32>,
      %swap3A_197 = arith.index_cast %scan3A_166 : i32 to index
      %swap3A_198 = arith.constant 96 : index
      %swap3A_199 = tpu.vector_load %arg10[%swap3A_197, %swap3A_198] {strides = array<i32>} : memref<16x128xf32, #tpu.memory_space<vmem>>, vector<1x16xf32>,
      %swap3A_200 = vector.shape_cast %swap3A_199 : vector<1x16xf32> to vector<16xf32>
      %swap3A_201 = vector.shape_cast %broadcast_in_dim3A_11 : vector<16xf32> to vector<1x16xf32>
      tpu.vector_store %arg10[%swap3A_197, %swap3A_198], %swap3A_201 {strides = array<i32>} : memref<16x128xf32, #tpu.memory_space<vmem>>, vector<1x16xf32>,
      %swap3A_202 = arith.index_cast %scan3A_166 : i32 to index
      %swap3A_203 = arith.constant 112 : index
      %swap3A_204 = tpu.vector_load %arg10[%swap3A_202, %swap3A_203] {strides = array<i32>} : memref<16x128xf32, #tpu.memory_space<vmem>>, vector<1x16xf32>,
      %swap3A_205 = vector.shape_cast %swap3A_204 : vector<1x16xf32> to vector<16xf32>
      %swap3A_206 = vector.shape_cast %broadcast_in_dim3A_11 : vector<16xf32> to vector<1x16xf32>
      tpu.vector_store %arg10[%swap3A_202, %swap3A_203], %swap3A_206 {strides = array<i32>} : memref<16x128xf32, #tpu.memory_space<vmem>>, vector<1x16xf32>,
      %scan3A_207 = arith.constant 0 : i32
      scf.yield %scan3A_207 : i32
    }
    %scan3A_18 = arith.constant 16 : i32
    %broadcast_in_dim3A_19 = arith.constant 0.000000e+00 : f32
    %broadcast_in_dim3A_20 = vector.broadcast %broadcast_in_dim3A_19 : f32 to vector<16xf32>
    %scan3A_21 = arith.constant 0 : i32
    %scan3A_22 = arith.constant 0 : i32
    %scan3A_23 = arith.constant 128 : i32
    %scan3A_24 = arith.addi %scan3A_22, %scan3A_23 : i32
    %scan3A_25 = arith.constant 1 : i32
    %scan3A_26 = scf.for %scan3A_166 = %scan3A_22 to %scan3A_24 step %scan3A_25 iter_args(%scan3A_167 = %scan3A_21) -> (i32)  : i32 {
      %swap3A = arith.index_cast %scan3A_166 : i32 to index
      %swap3A_168 = arith.constant 0 : index
      %swap3A_169 = tpu.vector_load %arg11[%swap3A, %swap3A_168] {strides = array<i32>} : memref<128x128xf32, #tpu.memory_space<vmem>>, vector<1x16xf32>,
      %swap3A_170 = vector.shape_cast %swap3A_169 : vector<1x16xf32> to vector<16xf32>
      %swap3A_171 = vector.shape_cast %broadcast_in_dim3A_20 : vector<16xf32> to vector<1x16xf32>
      tpu.vector_store %arg11[%swap3A, %swap3A_168], %swap3A_171 {strides = array<i32>} : memref<128x128xf32, #tpu.memory_space<vmem>>, vector<1x16xf32>,
      %swap3A_172 = arith.index_cast %scan3A_166 : i32 to index
      %swap3A_173 = arith.constant 16 : index
      %swap3A_174 = tpu.vector_load %arg11[%swap3A_172, %swap3A_173] {strides = array<i32>} : memref<128x128xf32, #tpu.memory_space<vmem>>, vector<1x16xf32>,
      %swap3A_175 = vector.shape_cast %swap3A_174 : vector<1x16xf32> to vector<16xf32>
      %swap3A_176 = vector.shape_cast %broadcast_in_dim3A_20 : vector<16xf32> to vector<1x16xf32>
      tpu.vector_store %arg11[%swap3A_172, %swap3A_173], %swap3A_176 {strides = array<i32>} : memref<128x128xf32, #tpu.memory_space<vmem>>, vector<1x16xf32>,
      %swap3A_177 = arith.index_cast %scan3A_166 : i32 to index
      %swap3A_178 = arith.constant 32 : index
      %swap3A_179 = tpu.vector_load %arg11[%swap3A_177, %swap3A_178] {strides = array<i32>} : memref<128x128xf32, #tpu.memory_space<vmem>>, vector<1x16xf32>,
      %swap3A_180 = vector.shape_cast %swap3A_179 : vector<1x16xf32> to vector<16xf32>
      %swap3A_181 = vector.shape_cast %broadcast_in_dim3A_20 : vector<16xf32> to vector<1x16xf32>
      tpu.vector_store %arg11[%swap3A_177, %swap3A_178], %swap3A_181 {strides = array<i32>} : memref<128x128xf32, #tpu.memory_space<vmem>>, vector<1x16xf32>,
      %swap3A_182 = arith.index_cast %scan3A_166 : i32 to index
      %swap3A_183 = arith.constant 48 : index
      %swap3A_184 = tpu.vector_load %arg11[%swap3A_182, %swap3A_183] {strides = array<i32>} : memref<128x128xf32, #tpu.memory_space<vmem>>, vector<1x16xf32>,
      %swap3A_185 = vector.shape_cast %swap3A_184 : vector<1x16xf32> to vector<16xf32>
      %swap3A_186 = vector.shape_cast %broadcast_in_dim3A_20 : vector<16xf32> to vector<1x16xf32>
      tpu.vector_store %arg11[%swap3A_182, %swap3A_183], %swap3A_186 {strides = array<i32>} : memref<128x128xf32, #tpu.memory_space<vmem>>, vector<1x16xf32>,
      %swap3A_187 = arith.index_cast %scan3A_166 : i32 to index
      %swap3A_188 = arith.constant 64 : index
      %swap3A_189 = tpu.vector_load %arg11[%swap3A_187, %swap3A_188] {strides = array<i32>} : memref<128x128xf32, #tpu.memory_space<vmem>>, vector<1x16xf32>,
      %swap3A_190 = vector.shape_cast %swap3A_189 : vector<1x16xf32> to vector<16xf32>
      %swap3A_191 = vector.shape_cast %broadcast_in_dim3A_20 : vector<16xf32> to vector<1x16xf32>
      tpu.vector_store %arg11[%swap3A_187, %swap3A_188], %swap3A_191 {strides = array<i32>} : memref<128x128xf32, #tpu.memory_space<vmem>>, vector<1x16xf32>,
      %swap3A_192 = arith.index_cast %scan3A_166 : i32 to index
      %swap3A_193 = arith.constant 80 : index
      %swap3A_194 = tpu.vector_load %arg11[%swap3A_192, %swap3A_193] {strides = array<i32>} : memref<128x128xf32, #tpu.memory_space<vmem>>, vector<1x16xf32>,
      %swap3A_195 = vector.shape_cast %swap3A_194 : vector<1x16xf32> to vector<16xf32>
      %swap3A_196 = vector.shape_cast %broadcast_in_dim3A_20 : vector<16xf32> to vector<1x16xf32>
      tpu.vector_store %arg11[%swap3A_192, %swap3A_193], %swap3A_196 {strides = array<i32>} : memref<128x128xf32, #tpu.memory_space<vmem>>, vector<1x16xf32>,
      %swap3A_197 = arith.index_cast %scan3A_166 : i32 to index
      %swap3A_198 = arith.constant 96 : index
      %swap3A_199 = tpu.vector_load %arg11[%swap3A_197, %swap3A_198] {strides = array<i32>} : memref<128x128xf32, #tpu.memory_space<vmem>>, vector<1x16xf32>,
      %swap3A_200 = vector.shape_cast %swap3A_199 : vector<1x16xf32> to vector<16xf32>
      %swap3A_201 = vector.shape_cast %broadcast_in_dim3A_20 : vector<16xf32> to vector<1x16xf32>
      tpu.vector_store %arg11[%swap3A_197, %swap3A_198], %swap3A_201 {strides = array<i32>} : memref<128x128xf32, #tpu.memory_space<vmem>>, vector<1x16xf32>,
      %swap3A_202 = arith.index_cast %scan3A_166 : i32 to index
      %swap3A_203 = arith.constant 112 : index
      %swap3A_204 = tpu.vector_load %arg11[%swap3A_202, %swap3A_203] {strides = array<i32>} : memref<128x128xf32, #tpu.memory_space<vmem>>, vector<1x16xf32>,
      %swap3A_205 = vector.shape_cast %swap3A_204 : vector<1x16xf32> to vector<16xf32>
      %swap3A_206 = vector.shape_cast %broadcast_in_dim3A_20 : vector<16xf32> to vector<1x16xf32>
      tpu.vector_store %arg11[%swap3A_202, %swap3A_203], %swap3A_206 {strides = array<i32>} : memref<128x128xf32, #tpu.memory_space<vmem>>, vector<1x16xf32>,
      %scan3A_207 = arith.constant 0 : i32
      scf.yield %scan3A_207 : i32
    }
    %scan3A_27 = arith.constant 128 : i32
    %mul3A_28 = arith.constant 640 : i32
    %mul3A_29 = arith.muli %arg1, %mul3A_28 : i32
    %add3A_30 = arith.constant 0 : i32
    %add3A_31 = arith.addi %mul3A_29, %add3A_30 : i32
    "tpu.region"() ({
      %run_scoped3A = tpu.sem_alloc : memref<!tpu.dma_semaphore, #tpu.memory_space<semaphore_mem>>
      %dma_start3A_166 = arith.constant 0 : i32
      %dma_start3A_167 = tpu.memref_slice %arg12[%add3A_31, %dma_start3A_166] : memref<10240x128xf32, #tpu.memory_space<vmem_shared>> -> memref<128x128xf32, #tpu.memory_space<vmem_shared>>
      %dma_start3A_168 = arith.constant 0 : i32
      %dma_start3A_169 = tpu.memref_slice %arg12[%add3A_31, %dma_start3A_168] : memref<10240x128xf32, #tpu.memory_space<vmem_shared>> -> memref<128x128xf32, #tpu.memory_space<vmem_shared>>
      tpu.enqueue_dma source(%arg11 : memref<128x128xf32, #tpu.memory_space<vmem>>) target(%dma_start3A_169 : memref<128x128xf32, #tpu.memory_space<vmem_shared>>) target_semaphore(%run_scoped3A : memref<!tpu.dma_semaphore, #tpu.memory_space<semaphore_mem>>)
      %dma_wait3A_170 = arith.constant 0 : i32
      %dma_wait3A_171 = tpu.memref_slice %arg12[%add3A_31, %dma_wait3A_170] : memref<10240x128xf32, #tpu.memory_space<vmem_shared>> -> memref<128x128xf32, #tpu.memory_space<vmem_shared>>
      %dma_wait3A_172 = arith.constant 0 : i32
      %dma_wait3A_173 = tpu.memref_slice %arg12[%add3A_31, %dma_wait3A_172] : memref<10240x128xf32, #tpu.memory_space<vmem_shared>> -> memref<128x128xf32, #tpu.memory_space<vmem_shared>>
      tpu.wait_dma2 semaphore(%run_scoped3A : memref<!tpu.dma_semaphore, #tpu.memory_space<semaphore_mem>>) src(%arg11 : memref<128x128xf32, #tpu.memory_space<vmem>>) dst(%dma_wait3A_173 : memref<128x128xf32, #tpu.memory_space<vmem_shared>>)
      tpu.yield
    }) : () -> ()
    %mul3A_32 = arith.constant 640 : i32
    %mul3A_33 = arith.muli %arg1, %mul3A_32 : i32
    %add3A_34 = arith.constant 128 : i32
    %add3A_35 = arith.addi %mul3A_33, %add3A_34 : i32
    "tpu.region"() ({
      %run_scoped3A = tpu.sem_alloc : memref<!tpu.dma_semaphore, #tpu.memory_space<semaphore_mem>>
      %dma_start3A_166 = arith.constant 0 : i32
      %dma_start3A_167 = tpu.memref_slice %arg12[%add3A_35, %dma_start3A_166] : memref<10240x128xf32, #tpu.memory_space<vmem_shared>> -> memref<128x128xf32, #tpu.memory_space<vmem_shared>>
      %dma_start3A_168 = arith.constant 0 : i32
      %dma_start3A_169 = tpu.memref_slice %arg12[%add3A_35, %dma_start3A_168] : memref<10240x128xf32, #tpu.memory_space<vmem_shared>> -> memref<128x128xf32, #tpu.memory_space<vmem_shared>>
      tpu.enqueue_dma source(%arg11 : memref<128x128xf32, #tpu.memory_space<vmem>>) target(%dma_start3A_169 : memref<128x128xf32, #tpu.memory_space<vmem_shared>>) target_semaphore(%run_scoped3A : memref<!tpu.dma_semaphore, #tpu.memory_space<semaphore_mem>>)
      %dma_wait3A_170 = arith.constant 0 : i32
      %dma_wait3A_171 = tpu.memref_slice %arg12[%add3A_35, %dma_wait3A_170] : memref<10240x128xf32, #tpu.memory_space<vmem_shared>> -> memref<128x128xf32, #tpu.memory_space<vmem_shared>>
      %dma_wait3A_172 = arith.constant 0 : i32
      %dma_wait3A_173 = tpu.memref_slice %arg12[%add3A_35, %dma_wait3A_172] : memref<10240x128xf32, #tpu.memory_space<vmem_shared>> -> memref<128x128xf32, #tpu.memory_space<vmem_shared>>
      tpu.wait_dma2 semaphore(%run_scoped3A : memref<!tpu.dma_semaphore, #tpu.memory_space<semaphore_mem>>) src(%arg11 : memref<128x128xf32, #tpu.memory_space<vmem>>) dst(%dma_wait3A_173 : memref<128x128xf32, #tpu.memory_space<vmem_shared>>)
      tpu.yield
    }) : () -> ()
    %mul3A_36 = arith.constant 640 : i32
    %mul3A_37 = arith.muli %arg1, %mul3A_36 : i32
    %add3A_38 = arith.constant 256 : i32
    %add3A_39 = arith.addi %mul3A_37, %add3A_38 : i32
    "tpu.region"() ({
      %run_scoped3A = tpu.sem_alloc : memref<!tpu.dma_semaphore, #tpu.memory_space<semaphore_mem>>
      %dma_start3A_166 = arith.constant 0 : i32
      %dma_start3A_167 = tpu.memref_slice %arg12[%add3A_39, %dma_start3A_166] : memref<10240x128xf32, #tpu.memory_space<vmem_shared>> -> memref<128x128xf32, #tpu.memory_space<vmem_shared>>
      %dma_start3A_168 = arith.constant 0 : i32
      %dma_start3A_169 = tpu.memref_slice %arg12[%add3A_39, %dma_start3A_168] : memref<10240x128xf32, #tpu.memory_space<vmem_shared>> -> memref<128x128xf32, #tpu.memory_space<vmem_shared>>
      tpu.enqueue_dma source(%arg11 : memref<128x128xf32, #tpu.memory_space<vmem>>) target(%dma_start3A_169 : memref<128x128xf32, #tpu.memory_space<vmem_shared>>) target_semaphore(%run_scoped3A : memref<!tpu.dma_semaphore, #tpu.memory_space<semaphore_mem>>)
      %dma_wait3A_170 = arith.constant 0 : i32
      %dma_wait3A_171 = tpu.memref_slice %arg12[%add3A_39, %dma_wait3A_170] : memref<10240x128xf32, #tpu.memory_space<vmem_shared>> -> memref<128x128xf32, #tpu.memory_space<vmem_shared>>
      %dma_wait3A_172 = arith.constant 0 : i32
      %dma_wait3A_173 = tpu.memref_slice %arg12[%add3A_39, %dma_wait3A_172] : memref<10240x128xf32, #tpu.memory_space<vmem_shared>> -> memref<128x128xf32, #tpu.memory_space<vmem_shared>>
      tpu.wait_dma2 semaphore(%run_scoped3A : memref<!tpu.dma_semaphore, #tpu.memory_space<semaphore_mem>>) src(%arg11 : memref<128x128xf32, #tpu.memory_space<vmem>>) dst(%dma_wait3A_173 : memref<128x128xf32, #tpu.memory_space<vmem_shared>>)
      tpu.yield
    }) : () -> ()
    %mul3A_40 = arith.constant 640 : i32
    %mul3A_41 = arith.muli %arg1, %mul3A_40 : i32
    %add3A_42 = arith.constant 384 : i32
    %add3A_43 = arith.addi %mul3A_41, %add3A_42 : i32
    "tpu.region"() ({
      %run_scoped3A = tpu.sem_alloc : memref<!tpu.dma_semaphore, #tpu.memory_space<semaphore_mem>>
      %dma_start3A_166 = arith.constant 0 : i32
      %dma_start3A_167 = tpu.memref_slice %arg12[%add3A_43, %dma_start3A_166] : memref<10240x128xf32, #tpu.memory_space<vmem_shared>> -> memref<128x128xf32, #tpu.memory_space<vmem_shared>>
      %dma_start3A_168 = arith.constant 0 : i32
      %dma_start3A_169 = tpu.memref_slice %arg12[%add3A_43, %dma_start3A_168] : memref<10240x128xf32, #tpu.memory_space<vmem_shared>> -> memref<128x128xf32, #tpu.memory_space<vmem_shared>>
      tpu.enqueue_dma source(%arg11 : memref<128x128xf32, #tpu.memory_space<vmem>>) target(%dma_start3A_169 : memref<128x128xf32, #tpu.memory_space<vmem_shared>>) target_semaphore(%run_scoped3A : memref<!tpu.dma_semaphore, #tpu.memory_space<semaphore_mem>>)
      %dma_wait3A_170 = arith.constant 0 : i32
      %dma_wait3A_171 = tpu.memref_slice %arg12[%add3A_43, %dma_wait3A_170] : memref<10240x128xf32, #tpu.memory_space<vmem_shared>> -> memref<128x128xf32, #tpu.memory_space<vmem_shared>>
      %dma_wait3A_172 = arith.constant 0 : i32
      %dma_wait3A_173 = tpu.memref_slice %arg12[%add3A_43, %dma_wait3A_172] : memref<10240x128xf32, #tpu.memory_space<vmem_shared>> -> memref<128x128xf32, #tpu.memory_space<vmem_shared>>
      tpu.wait_dma2 semaphore(%run_scoped3A : memref<!tpu.dma_semaphore, #tpu.memory_space<semaphore_mem>>) src(%arg11 : memref<128x128xf32, #tpu.memory_space<vmem>>) dst(%dma_wait3A_173 : memref<128x128xf32, #tpu.memory_space<vmem_shared>>)
      tpu.yield
    }) : () -> ()
    %mul3A_44 = arith.constant 640 : i32
    %mul3A_45 = arith.muli %arg1, %mul3A_44 : i32
    %add3A_46 = arith.constant 512 : i32
    %add3A_47 = arith.addi %mul3A_45, %add3A_46 : i32
    "tpu.region"() ({
      %run_scoped3A = tpu.sem_alloc : memref<!tpu.dma_semaphore, #tpu.memory_space<semaphore_mem>>
      %dma_start3A_166 = arith.constant 0 : i32
      %dma_start3A_167 = tpu.memref_slice %arg12[%add3A_47, %dma_start3A_166] : memref<10240x128xf32, #tpu.memory_space<vmem_shared>> -> memref<128x128xf32, #tpu.memory_space<vmem_shared>>
      %dma_start3A_168 = arith.constant 0 : i32
      %dma_start3A_169 = tpu.memref_slice %arg12[%add3A_47, %dma_start3A_168] : memref<10240x128xf32, #tpu.memory_space<vmem_shared>> -> memref<128x128xf32, #tpu.memory_space<vmem_shared>>
      tpu.enqueue_dma source(%arg11 : memref<128x128xf32, #tpu.memory_space<vmem>>) target(%dma_start3A_169 : memref<128x128xf32, #tpu.memory_space<vmem_shared>>) target_semaphore(%run_scoped3A : memref<!tpu.dma_semaphore, #tpu.memory_space<semaphore_mem>>)
      %dma_wait3A_170 = arith.constant 0 : i32
      %dma_wait3A_171 = tpu.memref_slice %arg12[%add3A_47, %dma_wait3A_170] : memref<10240x128xf32, #tpu.memory_space<vmem_shared>> -> memref<128x128xf32, #tpu.memory_space<vmem_shared>>
      %dma_wait3A_172 = arith.constant 0 : i32
      %dma_wait3A_173 = tpu.memref_slice %arg12[%add3A_47, %dma_wait3A_172] : memref<10240x128xf32, #tpu.memory_space<vmem_shared>> -> memref<128x128xf32, #tpu.memory_space<vmem_shared>>
      tpu.wait_dma2 semaphore(%run_scoped3A : memref<!tpu.dma_semaphore, #tpu.memory_space<semaphore_mem>>) src(%arg11 : memref<128x128xf32, #tpu.memory_space<vmem>>) dst(%dma_wait3A_173 : memref<128x128xf32, #tpu.memory_space<vmem_shared>>)
      tpu.yield
    }) : () -> ()
    %barrier3A = arith.constant 0 : index
    tpu.barrier barrier_id(%barrier3A)
    "tpu.region"() ({
      %run_scoped3A = tpu.sem_alloc : memref<!tpu.dma_semaphore, #tpu.memory_space<semaphore_mem>>
      %dma_start3A_166 = tpu.memref_slice %arg2[%mul3A_2] : memref<320000xi32, #tpu.memory_space<hbm>> -> memref<128xi32, #tpu.memory_space<hbm>>
      %dma_start3A_167 = tpu.memref_slice %arg2[%mul3A_2] : memref<320000xi32, #tpu.memory_space<hbm>> -> memref<128xi32, #tpu.memory_space<hbm>>
      tpu.enqueue_dma source(%dma_start3A_167 : memref<128xi32, #tpu.memory_space<hbm>>) target(%arg6 : memref<128xi32, #tpu.memory_space<vmem>>) target_semaphore(%run_scoped3A : memref<!tpu.dma_semaphore, #tpu.memory_space<semaphore_mem>>)
      %dma_wait3A_168 = tpu.memref_slice %arg2[%mul3A_2] : memref<320000xi32, #tpu.memory_space<hbm>> -> memref<128xi32, #tpu.memory_space<hbm>>
      %dma_wait3A_169 = tpu.memref_slice %arg2[%mul3A_2] : memref<320000xi32, #tpu.memory_space<hbm>> -> memref<128xi32, #tpu.memory_space<hbm>>
      tpu.wait_dma2 semaphore(%run_scoped3A : memref<!tpu.dma_semaphore, #tpu.memory_space<semaphore_mem>>) src(%dma_wait3A_169 : memref<128xi32, #tpu.memory_space<hbm>>) dst(%arg6 : memref<128xi32, #tpu.memory_space<vmem>>)
      tpu.yield
    }) : () -> ()
    %dma_start3A = arith.constant 0 : i32
    %dma_start3A_48 = arith.constant 0 : i32
    %dma_start3A_49 = tpu.memref_slice %arg12[%dma_start3A, %dma_start3A_48] : memref<10240x128xf32, #tpu.memory_space<vmem_shared>> -> memref<10240x128xf32, #tpu.memory_space<vmem_shared>>
    tpu.enqueue_indirect_dma source(%arg9 : memref<128x128xf32, #tpu.memory_space<vmem>>) target(%dma_start3A_49 : memref<10240x128xf32, #tpu.memory_space<vmem_shared>>) offsets(%arg6 : memref<128xi32, #tpu.memory_space<vmem>>) semaphore(%arg13 : memref<!tpu.dma_semaphore, #tpu.memory_space<semaphore_mem>>) {add = true}
    %scan3A_50 = arith.constant 0 : i32
    %scan3A_51 = arith.constant 0 : i32
    %scan3A_52 = arith.constant 38 : i32
    %scan3A_53 = arith.addi %scan3A_51, %scan3A_52 : i32
    %scan3A_54 = arith.constant 1 : i32
    %scan3A_55 = scf.for %scan3A_166 = %scan3A_51 to %scan3A_53 step %scan3A_54 iter_args(%scan3A_167 = %scan3A_50) -> (i32)  : i32 {
      %mul3A_168 = arith.constant 2 : i32
      %mul3A_169 = arith.muli %mul3A_168, %scan3A_166 : i32
      %mul3A_170 = arith.constant 128 : i32
      %mul3A_171 = arith.muli %mul3A_169, %mul3A_170 : i32
      %add3A_172 = arith.addi %mul3A_2, %mul3A_171 : i32
      %add3A_173 = arith.constant 128 : i32
      %add3A_174 = arith.addi %add3A_172, %add3A_173 : i32
      "tpu.region"() ({
        %run_scoped3A = tpu.sem_alloc : memref<!tpu.dma_semaphore, #tpu.memory_space<semaphore_mem>>
        %dma_start3A_190 = tpu.memref_slice %arg2[%add3A_174] : memref<320000xi32, #tpu.memory_space<hbm>> -> memref<128xi32, #tpu.memory_space<hbm>>
        %dma_start3A_191 = tpu.memref_slice %arg2[%add3A_174] : memref<320000xi32, #tpu.memory_space<hbm>> -> memref<128xi32, #tpu.memory_space<hbm>>
        tpu.enqueue_dma source(%dma_start3A_191 : memref<128xi32, #tpu.memory_space<hbm>>) target(%arg7 : memref<128xi32, #tpu.memory_space<vmem>>) target_semaphore(%run_scoped3A : memref<!tpu.dma_semaphore, #tpu.memory_space<semaphore_mem>>)
        %dma_wait3A_192 = tpu.memref_slice %arg2[%add3A_174] : memref<320000xi32, #tpu.memory_space<hbm>> -> memref<128xi32, #tpu.memory_space<hbm>>
        %dma_wait3A_193 = tpu.memref_slice %arg2[%add3A_174] : memref<320000xi32, #tpu.memory_space<hbm>> -> memref<128xi32, #tpu.memory_space<hbm>>
        tpu.wait_dma2 semaphore(%run_scoped3A : memref<!tpu.dma_semaphore, #tpu.memory_space<semaphore_mem>>) src(%dma_wait3A_193 : memref<128xi32, #tpu.memory_space<hbm>>) dst(%arg7 : memref<128xi32, #tpu.memory_space<vmem>>)
        tpu.yield
      }) : () -> ()
      %dma_start3A_175 = arith.constant 0 : i32
      %dma_start3A_176 = arith.constant 0 : i32
      %dma_start3A_177 = tpu.memref_slice %arg12[%dma_start3A_175, %dma_start3A_176] : memref<10240x128xf32, #tpu.memory_space<vmem_shared>> -> memref<10240x128xf32, #tpu.memory_space<vmem_shared>>
      tpu.enqueue_indirect_dma source(%arg9 : memref<128x128xf32, #tpu.memory_space<vmem>>) target(%dma_start3A_177 : memref<10240x128xf32, #tpu.memory_space<vmem_shared>>) offsets(%arg7 : memref<128xi32, #tpu.memory_space<vmem>>) semaphore(%arg14 : memref<!tpu.dma_semaphore, #tpu.memory_space<semaphore_mem>>) {add = true}
      %dma_wait3A_178 = arith.constant 0 : i32
      %dma_wait3A_179 = arith.constant 0 : i32
      %dma_wait3A_180 = tpu.memref_slice %arg12[%dma_wait3A_178, %dma_wait3A_179] : memref<10240x128xf32, #tpu.memory_space<vmem_shared>> -> memref<10240x128xf32, #tpu.memory_space<vmem_shared>>
      tpu.wait_indirect_dma semaphore(%arg13 : memref<!tpu.dma_semaphore, #tpu.memory_space<semaphore_mem>>) src(%arg9 : memref<128x128xf32, #tpu.memory_space<vmem>>) dst(%dma_wait3A_180 : memref<10240x128xf32, #tpu.memory_space<vmem_shared>>)
      %add3A_181 = arith.constant 256 : i32
      %add3A_182 = arith.addi %add3A_172, %add3A_181 : i32
      "tpu.region"() ({
        %run_scoped3A = tpu.sem_alloc : memref<!tpu.dma_semaphore, #tpu.memory_space<semaphore_mem>>
        %dma_start3A_190 = tpu.memref_slice %arg2[%add3A_182] : memref<320000xi32, #tpu.memory_space<hbm>> -> memref<128xi32, #tpu.memory_space<hbm>>
        %dma_start3A_191 = tpu.memref_slice %arg2[%add3A_182] : memref<320000xi32, #tpu.memory_space<hbm>> -> memref<128xi32, #tpu.memory_space<hbm>>
        tpu.enqueue_dma source(%dma_start3A_191 : memref<128xi32, #tpu.memory_space<hbm>>) target(%arg6 : memref<128xi32, #tpu.memory_space<vmem>>) target_semaphore(%run_scoped3A : memref<!tpu.dma_semaphore, #tpu.memory_space<semaphore_mem>>)
        %dma_wait3A_192 = tpu.memref_slice %arg2[%add3A_182] : memref<320000xi32, #tpu.memory_space<hbm>> -> memref<128xi32, #tpu.memory_space<hbm>>
        %dma_wait3A_193 = tpu.memref_slice %arg2[%add3A_182] : memref<320000xi32, #tpu.memory_space<hbm>> -> memref<128xi32, #tpu.memory_space<hbm>>
        tpu.wait_dma2 semaphore(%run_scoped3A : memref<!tpu.dma_semaphore, #tpu.memory_space<semaphore_mem>>) src(%dma_wait3A_193 : memref<128xi32, #tpu.memory_space<hbm>>) dst(%arg6 : memref<128xi32, #tpu.memory_space<vmem>>)
        tpu.yield
      }) : () -> ()
      %dma_start3A_183 = arith.constant 0 : i32
      %dma_start3A_184 = arith.constant 0 : i32
      %dma_start3A_185 = tpu.memref_slice %arg12[%dma_start3A_183, %dma_start3A_184] : memref<10240x128xf32, #tpu.memory_space<vmem_shared>> -> memref<10240x128xf32, #tpu.memory_space<vmem_shared>>
      tpu.enqueue_indirect_dma source(%arg9 : memref<128x128xf32, #tpu.memory_space<vmem>>) target(%dma_start3A_185 : memref<10240x128xf32, #tpu.memory_space<vmem_shared>>) offsets(%arg6 : memref<128xi32, #tpu.memory_space<vmem>>) semaphore(%arg13 : memref<!tpu.dma_semaphore, #tpu.memory_space<semaphore_mem>>) {add = true}
      %dma_wait3A_186 = arith.constant 0 : i32
      %dma_wait3A_187 = arith.constant 0 : i32
      %dma_wait3A_188 = tpu.memref_slice %arg12[%dma_wait3A_186, %dma_wait3A_187] : memref<10240x128xf32, #tpu.memory_space<vmem_shared>> -> memref<10240x128xf32, #tpu.memory_space<vmem_shared>>
      tpu.wait_indirect_dma semaphore(%arg14 : memref<!tpu.dma_semaphore, #tpu.memory_space<semaphore_mem>>) src(%arg9 : memref<128x128xf32, #tpu.memory_space<vmem>>) dst(%dma_wait3A_188 : memref<10240x128xf32, #tpu.memory_space<vmem_shared>>)
      %scan3A_189 = arith.constant 0 : i32
      scf.yield %scan3A_189 : i32
    }
    %scan3A_56 = arith.constant 38 : i32
    %add3A_57 = arith.constant 9856 : i32
    %add3A_58 = arith.addi %mul3A_2, %add3A_57 : i32
    "tpu.region"() ({
      %run_scoped3A = tpu.sem_alloc : memref<!tpu.dma_semaphore, #tpu.memory_space<semaphore_mem>>
      %dma_start3A_166 = tpu.memref_slice %arg2[%add3A_58] : memref<320000xi32, #tpu.memory_space<hbm>> -> memref<128xi32, #tpu.memory_space<hbm>>
      %dma_start3A_167 = tpu.memref_slice %arg2[%add3A_58] : memref<320000xi32, #tpu.memory_space<hbm>> -> memref<128xi32, #tpu.memory_space<hbm>>
      tpu.enqueue_dma source(%dma_start3A_167 : memref<128xi32, #tpu.memory_space<hbm>>) target(%arg7 : memref<128xi32, #tpu.memory_space<vmem>>) target_semaphore(%run_scoped3A : memref<!tpu.dma_semaphore, #tpu.memory_space<semaphore_mem>>)
      %dma_wait3A_168 = tpu.memref_slice %arg2[%add3A_58] : memref<320000xi32, #tpu.memory_space<hbm>> -> memref<128xi32, #tpu.memory_space<hbm>>
      %dma_wait3A_169 = tpu.memref_slice %arg2[%add3A_58] : memref<320000xi32, #tpu.memory_space<hbm>> -> memref<128xi32, #tpu.memory_space<hbm>>
      tpu.wait_dma2 semaphore(%run_scoped3A : memref<!tpu.dma_semaphore, #tpu.memory_space<semaphore_mem>>) src(%dma_wait3A_169 : memref<128xi32, #tpu.memory_space<hbm>>) dst(%arg7 : memref<128xi32, #tpu.memory_space<vmem>>)
      tpu.yield
    }) : () -> ()
    %dma_start3A_59 = arith.constant 0 : i32
    %dma_start3A_60 = arith.constant 0 : i32
    %dma_start3A_61 = tpu.memref_slice %arg12[%dma_start3A_59, %dma_start3A_60] : memref<10240x128xf32, #tpu.memory_space<vmem_shared>> -> memref<10240x128xf32, #tpu.memory_space<vmem_shared>>
    tpu.enqueue_indirect_dma source(%arg9 : memref<128x128xf32, #tpu.memory_space<vmem>>) target(%dma_start3A_61 : memref<10240x128xf32, #tpu.memory_space<vmem_shared>>) offsets(%arg7 : memref<128xi32, #tpu.memory_space<vmem>>) semaphore(%arg14 : memref<!tpu.dma_semaphore, #tpu.memory_space<semaphore_mem>>) {add = true}
    %dma_wait3A = arith.constant 0 : i32
    %dma_wait3A_62 = arith.constant 0 : i32
    %dma_wait3A_63 = tpu.memref_slice %arg12[%dma_wait3A, %dma_wait3A_62] : memref<10240x128xf32, #tpu.memory_space<vmem_shared>> -> memref<10240x128xf32, #tpu.memory_space<vmem_shared>>
    tpu.wait_indirect_dma semaphore(%arg13 : memref<!tpu.dma_semaphore, #tpu.memory_space<semaphore_mem>>) src(%arg9 : memref<128x128xf32, #tpu.memory_space<vmem>>) dst(%dma_wait3A_63 : memref<10240x128xf32, #tpu.memory_space<vmem_shared>>)
    %dma_wait3A_64 = arith.constant 0 : i32
    %dma_wait3A_65 = arith.constant 0 : i32
    %dma_wait3A_66 = tpu.memref_slice %arg12[%dma_wait3A_64, %dma_wait3A_65] : memref<10240x128xf32, #tpu.memory_space<vmem_shared>> -> memref<10240x128xf32, #tpu.memory_space<vmem_shared>>
    tpu.wait_indirect_dma semaphore(%arg14 : memref<!tpu.dma_semaphore, #tpu.memory_space<semaphore_mem>>) src(%arg9 : memref<128x128xf32, #tpu.memory_space<vmem>>) dst(%dma_wait3A_66 : memref<10240x128xf32, #tpu.memory_space<vmem_shared>>)
    %add3A_67 = arith.constant 9984 : i32
    %add3A_68 = arith.addi %mul3A_2, %add3A_67 : i32
    "tpu.region"() ({
      %run_scoped3A = tpu.sem_alloc : memref<!tpu.dma_semaphore, #tpu.memory_space<semaphore_mem>>
      %dma_start3A_166 = tpu.memref_slice %arg2[%add3A_68] : memref<320000xi32, #tpu.memory_space<hbm>> -> memref<16xi32, #tpu.memory_space<hbm>>
      %dma_start3A_167 = tpu.memref_slice %arg2[%add3A_68] : memref<320000xi32, #tpu.memory_space<hbm>> -> memref<16xi32, #tpu.memory_space<hbm>>
      tpu.enqueue_dma source(%dma_start3A_167 : memref<16xi32, #tpu.memory_space<hbm>>) target(%arg8 : memref<16xi32, #tpu.memory_space<vmem>>) target_semaphore(%run_scoped3A : memref<!tpu.dma_semaphore, #tpu.memory_space<semaphore_mem>>)
      %dma_wait3A_168 = tpu.memref_slice %arg2[%add3A_68] : memref<320000xi32, #tpu.memory_space<hbm>> -> memref<16xi32, #tpu.memory_space<hbm>>
      %dma_wait3A_169 = tpu.memref_slice %arg2[%add3A_68] : memref<320000xi32, #tpu.memory_space<hbm>> -> memref<16xi32, #tpu.memory_space<hbm>>
      tpu.wait_dma2 semaphore(%run_scoped3A : memref<!tpu.dma_semaphore, #tpu.memory_space<semaphore_mem>>) src(%dma_wait3A_169 : memref<16xi32, #tpu.memory_space<hbm>>) dst(%arg8 : memref<16xi32, #tpu.memory_space<vmem>>)
      tpu.yield
    }) : () -> ()
    "tpu.region"() ({
      %run_scoped3A = tpu.sem_alloc : memref<!tpu.dma_semaphore, #tpu.memory_space<semaphore_mem>>
      %dma_start3A_166 = arith.constant 0 : i32
      %dma_start3A_167 = arith.constant 0 : i32
      %dma_start3A_168 = tpu.memref_slice %arg12[%dma_start3A_166, %dma_start3A_167] : memref<10240x128xf32, #tpu.memory_space<vmem_shared>> -> memref<10240x128xf32, #tpu.memory_space<vmem_shared>>
      tpu.enqueue_indirect_dma source(%arg10 : memref<16x128xf32, #tpu.memory_space<vmem>>) target(%dma_start3A_168 : memref<10240x128xf32, #tpu.memory_space<vmem_shared>>) offsets(%arg8 : memref<16xi32, #tpu.memory_space<vmem>>) semaphore(%run_scoped3A : memref<!tpu.dma_semaphore, #tpu.memory_space<semaphore_mem>>) {add = true}
      %dma_wait3A_169 = arith.constant 0 : i32
      %dma_wait3A_170 = arith.constant 0 : i32
      %dma_wait3A_171 = tpu.memref_slice %arg12[%dma_wait3A_169, %dma_wait3A_170] : memref<10240x128xf32, #tpu.memory_space<vmem_shared>> -> memref<10240x128xf32, #tpu.memory_space<vmem_shared>>
      tpu.wait_indirect_dma semaphore(%run_scoped3A : memref<!tpu.dma_semaphore, #tpu.memory_space<semaphore_mem>>) src(%arg10 : memref<16x128xf32, #tpu.memory_space<vmem>>) dst(%dma_wait3A_171 : memref<10240x128xf32, #tpu.memory_space<vmem_shared>>)
      tpu.yield
    }) : () -> ()
    %barrier3A_69 = arith.constant 0 : index
    tpu.barrier barrier_id(%barrier3A_69)
    %mul3A_70 = arith.constant 640 : i32
    %mul3A_71 = arith.muli %arg1, %mul3A_70 : i32
    %add3A_72 = arith.constant 0 : i32
    %add3A_73 = arith.addi %mul3A_71, %add3A_72 : i32
    "tpu.region"() ({
      %run_scoped3A = tpu.sem_alloc : memref<!tpu.dma_semaphore, #tpu.memory_space<semaphore_mem>>
      %dma_start3A_166 = arith.constant 0 : i32
      %dma_start3A_167 = tpu.memref_slice %arg12[%add3A_73, %dma_start3A_166] : memref<10240x128xf32, #tpu.memory_space<vmem_shared>> -> memref<128x128xf32, #tpu.memory_space<vmem_shared>>
      %dma_start3A_168 = arith.constant 0 : i32
      %dma_start3A_169 = tpu.memref_slice %arg12[%add3A_73, %dma_start3A_168] : memref<10240x128xf32, #tpu.memory_space<vmem_shared>> -> memref<128x128xf32, #tpu.memory_space<vmem_shared>>
      tpu.enqueue_dma source(%dma_start3A_169 : memref<128x128xf32, #tpu.memory_space<vmem_shared>>) target(%arg11 : memref<128x128xf32, #tpu.memory_space<vmem>>) target_semaphore(%run_scoped3A : memref<!tpu.dma_semaphore, #tpu.memory_space<semaphore_mem>>)
      %dma_wait3A_170 = arith.constant 0 : i32
      %dma_wait3A_171 = tpu.memref_slice %arg12[%add3A_73, %dma_wait3A_170] : memref<10240x128xf32, #tpu.memory_space<vmem_shared>> -> memref<128x128xf32, #tpu.memory_space<vmem_shared>>
      %dma_wait3A_172 = arith.constant 0 : i32
      %dma_wait3A_173 = tpu.memref_slice %arg12[%add3A_73, %dma_wait3A_172] : memref<10240x128xf32, #tpu.memory_space<vmem_shared>> -> memref<128x128xf32, #tpu.memory_space<vmem_shared>>
      tpu.wait_dma2 semaphore(%run_scoped3A : memref<!tpu.dma_semaphore, #tpu.memory_space<semaphore_mem>>) src(%dma_wait3A_173 : memref<128x128xf32, #tpu.memory_space<vmem_shared>>) dst(%arg11 : memref<128x128xf32, #tpu.memory_space<vmem>>)
      tpu.yield
    }) : () -> ()
    "tpu.region"() ({
      %run_scoped3A = tpu.sem_alloc : memref<!tpu.dma_semaphore, #tpu.memory_space<semaphore_mem>>
      %dma_start3A_166 = arith.constant 0 : i32
      %dma_start3A_167 = tpu.memref_slice %arg4[%arg0, %add3A_73, %dma_start3A_166] : memref<2x10240x128xf32, #tpu.memory_space<hbm>> -> memref<1x128x128xf32, #tpu.memory_space<hbm>>
      %dma_start3A_168 = tpu.memref_squeeze %dma_start3A_167 : memref<1x128x128xf32, #tpu.memory_space<hbm>> -> memref<128x128xf32, #tpu.memory_space<hbm>>
      %dma_start3A_169 = arith.constant 0 : i32
      %dma_start3A_170 = tpu.memref_slice %arg4[%arg0, %add3A_73, %dma_start3A_169] : memref<2x10240x128xf32, #tpu.memory_space<hbm>> -> memref<1x128x128xf32, #tpu.memory_space<hbm>>
      %dma_start3A_171 = tpu.memref_squeeze %dma_start3A_170 : memref<1x128x128xf32, #tpu.memory_space<hbm>> -> memref<128x128xf32, #tpu.memory_space<hbm>>
      tpu.enqueue_dma source(%arg11 : memref<128x128xf32, #tpu.memory_space<vmem>>) target(%dma_start3A_171 : memref<128x128xf32, #tpu.memory_space<hbm>>) target_semaphore(%run_scoped3A : memref<!tpu.dma_semaphore, #tpu.memory_space<semaphore_mem>>)
      %dma_wait3A_172 = arith.constant 0 : i32
      %dma_wait3A_173 = tpu.memref_slice %arg4[%arg0, %add3A_73, %dma_wait3A_172] : memref<2x10240x128xf32, #tpu.memory_space<hbm>> -> memref<1x128x128xf32, #tpu.memory_space<hbm>>
      %dma_wait3A_174 = tpu.memref_squeeze %dma_wait3A_173 : memref<1x128x128xf32, #tpu.memory_space<hbm>> -> memref<128x128xf32, #tpu.memory_space<hbm>>
      %dma_wait3A_175 = arith.constant 0 : i32
      %dma_wait3A_176 = tpu.memref_slice %arg4[%arg0, %add3A_73, %dma_wait3A_175] : memref<2x10240x128xf32, #tpu.memory_space<hbm>> -> memref<1x128x128xf32, #tpu.memory_space<hbm>>
      %dma_wait3A_177 = tpu.memref_squeeze %dma_wait3A_176 : memref<1x128x128xf32, #tpu.memory_space<hbm>> -> memref<128x128xf32, #tpu.memory_space<hbm>>
      tpu.wait_dma2 semaphore(%run_scoped3A : memref<!tpu.dma_semaphore, #tpu.memory_space<semaphore_mem>>) src(%arg11 : memref<128x128xf32, #tpu.memory_space<vmem>>) dst(%dma_wait3A_177 : memref<128x128xf32, #tpu.memory_space<hbm>>)
      tpu.yield
    }) : () -> ()
    %mul3A_74 = arith.constant 640 : i32
    %mul3A_75 = arith.muli %arg1, %mul3A_74 : i32
    %add3A_76 = arith.constant 128 : i32
    %add3A_77 = arith.addi %mul3A_75, %add3A_76 : i32
    "tpu.region"() ({
      %run_scoped3A = tpu.sem_alloc : memref<!tpu.dma_semaphore, #tpu.memory_space<semaphore_mem>>
      %dma_start3A_166 = arith.constant 0 : i32
      %dma_start3A_167 = tpu.memref_slice %arg12[%add3A_77, %dma_start3A_166] : memref<10240x128xf32, #tpu.memory_space<vmem_shared>> -> memref<128x128xf32, #tpu.memory_space<vmem_shared>>
      %dma_start3A_168 = arith.constant 0 : i32
      %dma_start3A_169 = tpu.memref_slice %arg12[%add3A_77, %dma_start3A_168] : memref<10240x128xf32, #tpu.memory_space<vmem_shared>> -> memref<128x128xf32, #tpu.memory_space<vmem_shared>>
      tpu.enqueue_dma source(%dma_start3A_169 : memref<128x128xf32, #tpu.memory_space<vmem_shared>>) target(%arg11 : memref<128x128xf32, #tpu.memory_space<vmem>>) target_semaphore(%run_scoped3A : memref<!tpu.dma_semaphore, #tpu.memory_space<semaphore_mem>>)
      %dma_wait3A_170 = arith.constant 0 : i32
      %dma_wait3A_171 = tpu.memref_slice %arg12[%add3A_77, %dma_wait3A_170] : memref<10240x128xf32, #tpu.memory_space<vmem_shared>> -> memref<128x128xf32, #tpu.memory_space<vmem_shared>>
      %dma_wait3A_172 = arith.constant 0 : i32
      %dma_wait3A_173 = tpu.memref_slice %arg12[%add3A_77, %dma_wait3A_172] : memref<10240x128xf32, #tpu.memory_space<vmem_shared>> -> memref<128x128xf32, #tpu.memory_space<vmem_shared>>
      tpu.wait_dma2 semaphore(%run_scoped3A : memref<!tpu.dma_semaphore, #tpu.memory_space<semaphore_mem>>) src(%dma_wait3A_173 : memref<128x128xf32, #tpu.memory_space<vmem_shared>>) dst(%arg11 : memref<128x128xf32, #tpu.memory_space<vmem>>)
      tpu.yield
    }) : () -> ()
    "tpu.region"() ({
      %run_scoped3A = tpu.sem_alloc : memref<!tpu.dma_semaphore, #tpu.memory_space<semaphore_mem>>
      %dma_start3A_166 = arith.constant 0 : i32
      %dma_start3A_167 = tpu.memref_slice %arg4[%arg0, %add3A_77, %dma_start3A_166] : memref<2x10240x128xf32, #tpu.memory_space<hbm>> -> memref<1x128x128xf32, #tpu.memory_space<hbm>>
      %dma_start3A_168 = tpu.memref_squeeze %dma_start3A_167 : memref<1x128x128xf32, #tpu.memory_space<hbm>> -> memref<128x128xf32, #tpu.memory_space<hbm>>
      %dma_start3A_169 = arith.constant 0 : i32
      %dma_start3A_170 = tpu.memref_slice %arg4[%arg0, %add3A_77, %dma_start3A_169] : memref<2x10240x128xf32, #tpu.memory_space<hbm>> -> memref<1x128x128xf32, #tpu.memory_space<hbm>>
      %dma_start3A_171 = tpu.memref_squeeze %dma_start3A_170 : memref<1x128x128xf32, #tpu.memory_space<hbm>> -> memref<128x128xf32, #tpu.memory_space<hbm>>
      tpu.enqueue_dma source(%arg11 : memref<128x128xf32, #tpu.memory_space<vmem>>) target(%dma_start3A_171 : memref<128x128xf32, #tpu.memory_space<hbm>>) target_semaphore(%run_scoped3A : memref<!tpu.dma_semaphore, #tpu.memory_space<semaphore_mem>>)
      %dma_wait3A_172 = arith.constant 0 : i32
      %dma_wait3A_173 = tpu.memref_slice %arg4[%arg0, %add3A_77, %dma_wait3A_172] : memref<2x10240x128xf32, #tpu.memory_space<hbm>> -> memref<1x128x128xf32, #tpu.memory_space<hbm>>
      %dma_wait3A_174 = tpu.memref_squeeze %dma_wait3A_173 : memref<1x128x128xf32, #tpu.memory_space<hbm>> -> memref<128x128xf32, #tpu.memory_space<hbm>>
      %dma_wait3A_175 = arith.constant 0 : i32
      %dma_wait3A_176 = tpu.memref_slice %arg4[%arg0, %add3A_77, %dma_wait3A_175] : memref<2x10240x128xf32, #tpu.memory_space<hbm>> -> memref<1x128x128xf32, #tpu.memory_space<hbm>>
      %dma_wait3A_177 = tpu.memref_squeeze %dma_wait3A_176 : memref<1x128x128xf32, #tpu.memory_space<hbm>> -> memref<128x128xf32, #tpu.memory_space<hbm>>
      tpu.wait_dma2 semaphore(%run_scoped3A : memref<!tpu.dma_semaphore, #tpu.memory_space<semaphore_mem>>) src(%arg11 : memref<128x128xf32, #tpu.memory_space<vmem>>) dst(%dma_wait3A_177 : memref<128x128xf32, #tpu.memory_space<hbm>>)
      tpu.yield
    }) : () -> ()
    %mul3A_78 = arith.constant 640 : i32
    %mul3A_79 = arith.muli %arg1, %mul3A_78 : i32
    %add3A_80 = arith.constant 256 : i32
    %add3A_81 = arith.addi %mul3A_79, %add3A_80 : i32
    "tpu.region"() ({
      %run_scoped3A = tpu.sem_alloc : memref<!tpu.dma_semaphore, #tpu.memory_space<semaphore_mem>>
      %dma_start3A_166 = arith.constant 0 : i32
      %dma_start3A_167 = tpu.memref_slice %arg12[%add3A_81, %dma_start3A_166] : memref<10240x128xf32, #tpu.memory_space<vmem_shared>> -> memref<128x128xf32, #tpu.memory_space<vmem_shared>>
      %dma_start3A_168 = arith.constant 0 : i32
      %dma_start3A_169 = tpu.memref_slice %arg12[%add3A_81, %dma_start3A_168] : memref<10240x128xf32, #tpu.memory_space<vmem_shared>> -> memref<128x128xf32, #tpu.memory_space<vmem_shared>>
      tpu.enqueue_dma source(%dma_start3A_169 : memref<128x128xf32, #tpu.memory_space<vmem_shared>>) target(%arg11 : memref<128x128xf32, #tpu.memory_space<vmem>>) target_semaphore(%run_scoped3A : memref<!tpu.dma_semaphore, #tpu.memory_space<semaphore_mem>>)
      %dma_wait3A_170 = arith.constant 0 : i32
      %dma_wait3A_171 = tpu.memref_slice %arg12[%add3A_81, %dma_wait3A_170] : memref<10240x128xf32, #tpu.memory_space<vmem_shared>> -> memref<128x128xf32, #tpu.memory_space<vmem_shared>>
      %dma_wait3A_172 = arith.constant 0 : i32
      %dma_wait3A_173 = tpu.memref_slice %arg12[%add3A_81, %dma_wait3A_172] : memref<10240x128xf32, #tpu.memory_space<vmem_shared>> -> memref<128x128xf32, #tpu.memory_space<vmem_shared>>
      tpu.wait_dma2 semaphore(%run_scoped3A : memref<!tpu.dma_semaphore, #tpu.memory_space<semaphore_mem>>) src(%dma_wait3A_173 : memref<128x128xf32, #tpu.memory_space<vmem_shared>>) dst(%arg11 : memref<128x128xf32, #tpu.memory_space<vmem>>)
      tpu.yield
    }) : () -> ()
    "tpu.region"() ({
      %run_scoped3A = tpu.sem_alloc : memref<!tpu.dma_semaphore, #tpu.memory_space<semaphore_mem>>
      %dma_start3A_166 = arith.constant 0 : i32
      %dma_start3A_167 = tpu.memref_slice %arg4[%arg0, %add3A_81, %dma_start3A_166] : memref<2x10240x128xf32, #tpu.memory_space<hbm>> -> memref<1x128x128xf32, #tpu.memory_space<hbm>>
      %dma_start3A_168 = tpu.memref_squeeze %dma_start3A_167 : memref<1x128x128xf32, #tpu.memory_space<hbm>> -> memref<128x128xf32, #tpu.memory_space<hbm>>
      %dma_start3A_169 = arith.constant 0 : i32
      %dma_start3A_170 = tpu.memref_slice %arg4[%arg0, %add3A_81, %dma_start3A_169] : memref<2x10240x128xf32, #tpu.memory_space<hbm>> -> memref<1x128x128xf32, #tpu.memory_space<hbm>>
      %dma_start3A_171 = tpu.memref_squeeze %dma_start3A_170 : memref<1x128x128xf32, #tpu.memory_space<hbm>> -> memref<128x128xf32, #tpu.memory_space<hbm>>
      tpu.enqueue_dma source(%arg11 : memref<128x128xf32, #tpu.memory_space<vmem>>) target(%dma_start3A_171 : memref<128x128xf32, #tpu.memory_space<hbm>>) target_semaphore(%run_scoped3A : memref<!tpu.dma_semaphore, #tpu.memory_space<semaphore_mem>>)
      %dma_wait3A_172 = arith.constant 0 : i32
      %dma_wait3A_173 = tpu.memref_slice %arg4[%arg0, %add3A_81, %dma_wait3A_172] : memref<2x10240x128xf32, #tpu.memory_space<hbm>> -> memref<1x128x128xf32, #tpu.memory_space<hbm>>
      %dma_wait3A_174 = tpu.memref_squeeze %dma_wait3A_173 : memref<1x128x128xf32, #tpu.memory_space<hbm>> -> memref<128x128xf32, #tpu.memory_space<hbm>>
      %dma_wait3A_175 = arith.constant 0 : i32
      %dma_wait3A_176 = tpu.memref_slice %arg4[%arg0, %add3A_81, %dma_wait3A_175] : memref<2x10240x128xf32, #tpu.memory_space<hbm>> -> memref<1x128x128xf32, #tpu.memory_space<hbm>>
      %dma_wait3A_177 = tpu.memref_squeeze %dma_wait3A_176 : memref<1x128x128xf32, #tpu.memory_space<hbm>> -> memref<128x128xf32, #tpu.memory_space<hbm>>
      tpu.wait_dma2 semaphore(%run_scoped3A : memref<!tpu.dma_semaphore, #tpu.memory_space<semaphore_mem>>) src(%arg11 : memref<128x128xf32, #tpu.memory_space<vmem>>) dst(%dma_wait3A_177 : memref<128x128xf32, #tpu.memory_space<hbm>>)
      tpu.yield
    }) : () -> ()
    %mul3A_82 = arith.constant 640 : i32
    %mul3A_83 = arith.muli %arg1, %mul3A_82 : i32
    %add3A_84 = arith.constant 384 : i32
    %add3A_85 = arith.addi %mul3A_83, %add3A_84 : i32
    "tpu.region"() ({
      %run_scoped3A = tpu.sem_alloc : memref<!tpu.dma_semaphore, #tpu.memory_space<semaphore_mem>>
      %dma_start3A_166 = arith.constant 0 : i32
      %dma_start3A_167 = tpu.memref_slice %arg12[%add3A_85, %dma_start3A_166] : memref<10240x128xf32, #tpu.memory_space<vmem_shared>> -> memref<128x128xf32, #tpu.memory_space<vmem_shared>>
      %dma_start3A_168 = arith.constant 0 : i32
      %dma_start3A_169 = tpu.memref_slice %arg12[%add3A_85, %dma_start3A_168] : memref<10240x128xf32, #tpu.memory_space<vmem_shared>> -> memref<128x128xf32, #tpu.memory_space<vmem_shared>>
      tpu.enqueue_dma source(%dma_start3A_169 : memref<128x128xf32, #tpu.memory_space<vmem_shared>>) target(%arg11 : memref<128x128xf32, #tpu.memory_space<vmem>>) target_semaphore(%run_scoped3A : memref<!tpu.dma_semaphore, #tpu.memory_space<semaphore_mem>>)
      %dma_wait3A_170 = arith.constant 0 : i32
      %dma_wait3A_171 = tpu.memref_slice %arg12[%add3A_85, %dma_wait3A_170] : memref<10240x128xf32, #tpu.memory_space<vmem_shared>> -> memref<128x128xf32, #tpu.memory_space<vmem_shared>>
      %dma_wait3A_172 = arith.constant 0 : i32
      %dma_wait3A_173 = tpu.memref_slice %arg12[%add3A_85, %dma_wait3A_172] : memref<10240x128xf32, #tpu.memory_space<vmem_shared>> -> memref<128x128xf32, #tpu.memory_space<vmem_shared>>
      tpu.wait_dma2 semaphore(%run_scoped3A : memref<!tpu.dma_semaphore, #tpu.memory_space<semaphore_mem>>) src(%dma_wait3A_173 : memref<128x128xf32, #tpu.memory_space<vmem_shared>>) dst(%arg11 : memref<128x128xf32, #tpu.memory_space<vmem>>)
      tpu.yield
    }) : () -> ()
    "tpu.region"() ({
      %run_scoped3A = tpu.sem_alloc : memref<!tpu.dma_semaphore, #tpu.memory_space<semaphore_mem>>
      %dma_start3A_166 = arith.constant 0 : i32
      %dma_start3A_167 = tpu.memref_slice %arg4[%arg0, %add3A_85, %dma_start3A_166] : memref<2x10240x128xf32, #tpu.memory_space<hbm>> -> memref<1x128x128xf32, #tpu.memory_space<hbm>>
      %dma_start3A_168 = tpu.memref_squeeze %dma_start3A_167 : memref<1x128x128xf32, #tpu.memory_space<hbm>> -> memref<128x128xf32, #tpu.memory_space<hbm>>
      %dma_start3A_169 = arith.constant 0 : i32
      %dma_start3A_170 = tpu.memref_slice %arg4[%arg0, %add3A_85, %dma_start3A_169] : memref<2x10240x128xf32, #tpu.memory_space<hbm>> -> memref<1x128x128xf32, #tpu.memory_space<hbm>>
      %dma_start3A_171 = tpu.memref_squeeze %dma_start3A_170 : memref<1x128x128xf32, #tpu.memory_space<hbm>> -> memref<128x128xf32, #tpu.memory_space<hbm>>
      tpu.enqueue_dma source(%arg11 : memref<128x128xf32, #tpu.memory_space<vmem>>) target(%dma_start3A_171 : memref<128x128xf32, #tpu.memory_space<hbm>>) target_semaphore(%run_scoped3A : memref<!tpu.dma_semaphore, #tpu.memory_space<semaphore_mem>>)
      %dma_wait3A_172 = arith.constant 0 : i32
      %dma_wait3A_173 = tpu.memref_slice %arg4[%arg0, %add3A_85, %dma_wait3A_172] : memref<2x10240x128xf32, #tpu.memory_space<hbm>> -> memref<1x128x128xf32, #tpu.memory_space<hbm>>
      %dma_wait3A_174 = tpu.memref_squeeze %dma_wait3A_173 : memref<1x128x128xf32, #tpu.memory_space<hbm>> -> memref<128x128xf32, #tpu.memory_space<hbm>>
      %dma_wait3A_175 = arith.constant 0 : i32
      %dma_wait3A_176 = tpu.memref_slice %arg4[%arg0, %add3A_85, %dma_wait3A_175] : memref<2x10240x128xf32, #tpu.memory_space<hbm>> -> memref<1x128x128xf32, #tpu.memory_space<hbm>>
      %dma_wait3A_177 = tpu.memref_squeeze %dma_wait3A_176 : memref<1x128x128xf32, #tpu.memory_space<hbm>> -> memref<128x128xf32, #tpu.memory_space<hbm>>
      tpu.wait_dma2 semaphore(%run_scoped3A : memref<!tpu.dma_semaphore, #tpu.memory_space<semaphore_mem>>) src(%arg11 : memref<128x128xf32, #tpu.memory_space<vmem>>) dst(%dma_wait3A_177 : memref<128x128xf32, #tpu.memory_space<hbm>>)
      tpu.yield
    }) : () -> ()
    %mul3A_86 = arith.constant 640 : i32
    %mul3A_87 = arith.muli %arg1, %mul3A_86 : i32
    %add3A_88 = arith.constant 512 : i32
    %add3A_89 = arith.addi %mul3A_87, %add3A_88 : i32
    "tpu.region"() ({
      %run_scoped3A = tpu.sem_alloc : memref<!tpu.dma_semaphore, #tpu.memory_space<semaphore_mem>>
      %dma_start3A_166 = arith.constant 0 : i32
      %dma_start3A_167 = tpu.memref_slice %arg12[%add3A_89, %dma_start3A_166] : memref<10240x128xf32, #tpu.memory_space<vmem_shared>> -> memref<128x128xf32, #tpu.memory_space<vmem_shared>>
      %dma_start3A_168 = arith.constant 0 : i32
      %dma_start3A_169 = tpu.memref_slice %arg12[%add3A_89, %dma_start3A_168] : memref<10240x128xf32, #tpu.memory_space<vmem_shared>> -> memref<128x128xf32, #tpu.memory_space<vmem_shared>>
      tpu.enqueue_dma source(%dma_start3A_169 : memref<128x128xf32, #tpu.memory_space<vmem_shared>>) target(%arg11 : memref<128x128xf32, #tpu.memory_space<vmem>>) target_semaphore(%run_scoped3A : memref<!tpu.dma_semaphore, #tpu.memory_space<semaphore_mem>>)
      %dma_wait3A_170 = arith.constant 0 : i32
      %dma_wait3A_171 = tpu.memref_slice %arg12[%add3A_89, %dma_wait3A_170] : memref<10240x128xf32, #tpu.memory_space<vmem_shared>> -> memref<128x128xf32, #tpu.memory_space<vmem_shared>>
      %dma_wait3A_172 = arith.constant 0 : i32
      %dma_wait3A_173 = tpu.memref_slice %arg12[%add3A_89, %dma_wait3A_172] : memref<10240x128xf32, #tpu.memory_space<vmem_shared>> -> memref<128x128xf32, #tpu.memory_space<vmem_shared>>
      tpu.wait_dma2 semaphore(%run_scoped3A : memref<!tpu.dma_semaphore, #tpu.memory_space<semaphore_mem>>) src(%dma_wait3A_173 : memref<128x128xf32, #tpu.memory_space<vmem_shared>>) dst(%arg11 : memref<128x128xf32, #tpu.memory_space<vmem>>)
      tpu.yield
    }) : () -> ()
    "tpu.region"() ({
      %run_scoped3A = tpu.sem_alloc : memref<!tpu.dma_semaphore, #tpu.memory_space<semaphore_mem>>
      %dma_start3A_166 = arith.constant 0 : i32
      %dma_start3A_167 = tpu.memref_slice %arg4[%arg0, %add3A_89, %dma_start3A_166] : memref<2x10240x128xf32, #tpu.memory_space<hbm>> -> memref<1x128x128xf32, #tpu.memory_space<hbm>>
      %dma_start3A_168 = tpu.memref_squeeze %dma_start3A_167 : memref<1x128x128xf32, #tpu.memory_space<hbm>> -> memref<128x128xf32, #tpu.memory_space<hbm>>
      %dma_start3A_169 = arith.constant 0 : i32
      %dma_start3A_170 = tpu.memref_slice %arg4[%arg0, %add3A_89, %dma_start3A_169] : memref<2x10240x128xf32, #tpu.memory_space<hbm>> -> memref<1x128x128xf32, #tpu.memory_space<hbm>>
      %dma_start3A_171 = tpu.memref_squeeze %dma_start3A_170 : memref<1x128x128xf32, #tpu.memory_space<hbm>> -> memref<128x128xf32, #tpu.memory_space<hbm>>
      tpu.enqueue_dma source(%arg11 : memref<128x128xf32, #tpu.memory_space<vmem>>) target(%dma_start3A_171 : memref<128x128xf32, #tpu.memory_space<hbm>>) target_semaphore(%run_scoped3A : memref<!tpu.dma_semaphore, #tpu.memory_space<semaphore_mem>>)
      %dma_wait3A_172 = arith.constant 0 : i32
      %dma_wait3A_173 = tpu.memref_slice %arg4[%arg0, %add3A_89, %dma_wait3A_172] : memref<2x10240x128xf32, #tpu.memory_space<hbm>> -> memref<1x128x128xf32, #tpu.memory_space<hbm>>
      %dma_wait3A_174 = tpu.memref_squeeze %dma_wait3A_173 : memref<1x128x128xf32, #tpu.memory_space<hbm>> -> memref<128x128xf32, #tpu.memory_space<hbm>>
      %dma_wait3A_175 = arith.constant 0 : i32
      %dma_wait3A_176 = tpu.memref_slice %arg4[%arg0, %add3A_89, %dma_wait3A_175] : memref<2x10240x128xf32, #tpu.memory_space<hbm>> -> memref<1x128x128xf32, #tpu.memory_space<hbm>>
      %dma_wait3A_177 = tpu.memref_squeeze %dma_wait3A_176 : memref<1x128x128xf32, #tpu.memory_space<hbm>> -> memref<128x128xf32, #tpu.memory_space<hbm>>
      tpu.wait_dma2 semaphore(%run_scoped3A : memref<!tpu.dma_semaphore, #tpu.memory_space<semaphore_mem>>) src(%arg11 : memref<128x128xf32, #tpu.memory_space<vmem>>) dst(%dma_wait3A_177 : memref<128x128xf32, #tpu.memory_space<hbm>>)
      tpu.yield
    }) : () -> ()
    %barrier3A_90 = arith.constant 0 : index
    tpu.barrier barrier_id(%barrier3A_90)
    %broadcast_in_dim3A_91 = arith.constant 0.000000e+00 : f32
    %broadcast_in_dim3A_92 = vector.broadcast %broadcast_in_dim3A_91 : f32 to vector<16xf32>
    %scan3A_93 = arith.constant 0 : i32
    %scan3A_94 = arith.constant 0 : i32
    %scan3A_95 = arith.constant 128 : i32
    %scan3A_96 = arith.addi %scan3A_94, %scan3A_95 : i32
    %scan3A_97 = arith.constant 1 : i32
    %scan3A_98 = scf.for %scan3A_166 = %scan3A_94 to %scan3A_96 step %scan3A_97 iter_args(%scan3A_167 = %scan3A_93) -> (i32)  : i32 {
      %swap3A = arith.index_cast %scan3A_166 : i32 to index
      %swap3A_168 = arith.constant 0 : index
      %swap3A_169 = tpu.vector_load %arg11[%swap3A, %swap3A_168] {strides = array<i32>} : memref<128x128xf32, #tpu.memory_space<vmem>>, vector<1x16xf32>,
      %swap3A_170 = vector.shape_cast %swap3A_169 : vector<1x16xf32> to vector<16xf32>
      %swap3A_171 = vector.shape_cast %broadcast_in_dim3A_92 : vector<16xf32> to vector<1x16xf32>
      tpu.vector_store %arg11[%swap3A, %swap3A_168], %swap3A_171 {strides = array<i32>} : memref<128x128xf32, #tpu.memory_space<vmem>>, vector<1x16xf32>,
      %swap3A_172 = arith.index_cast %scan3A_166 : i32 to index
      %swap3A_173 = arith.constant 16 : index
      %swap3A_174 = tpu.vector_load %arg11[%swap3A_172, %swap3A_173] {strides = array<i32>} : memref<128x128xf32, #tpu.memory_space<vmem>>, vector<1x16xf32>,
      %swap3A_175 = vector.shape_cast %swap3A_174 : vector<1x16xf32> to vector<16xf32>
      %swap3A_176 = vector.shape_cast %broadcast_in_dim3A_92 : vector<16xf32> to vector<1x16xf32>
      tpu.vector_store %arg11[%swap3A_172, %swap3A_173], %swap3A_176 {strides = array<i32>} : memref<128x128xf32, #tpu.memory_space<vmem>>, vector<1x16xf32>,
      %swap3A_177 = arith.index_cast %scan3A_166 : i32 to index
      %swap3A_178 = arith.constant 32 : index
      %swap3A_179 = tpu.vector_load %arg11[%swap3A_177, %swap3A_178] {strides = array<i32>} : memref<128x128xf32, #tpu.memory_space<vmem>>, vector<1x16xf32>,
      %swap3A_180 = vector.shape_cast %swap3A_179 : vector<1x16xf32> to vector<16xf32>
      %swap3A_181 = vector.shape_cast %broadcast_in_dim3A_92 : vector<16xf32> to vector<1x16xf32>
      tpu.vector_store %arg11[%swap3A_177, %swap3A_178], %swap3A_181 {strides = array<i32>} : memref<128x128xf32, #tpu.memory_space<vmem>>, vector<1x16xf32>,
      %swap3A_182 = arith.index_cast %scan3A_166 : i32 to index
      %swap3A_183 = arith.constant 48 : index
      %swap3A_184 = tpu.vector_load %arg11[%swap3A_182, %swap3A_183] {strides = array<i32>} : memref<128x128xf32, #tpu.memory_space<vmem>>, vector<1x16xf32>,
      %swap3A_185 = vector.shape_cast %swap3A_184 : vector<1x16xf32> to vector<16xf32>
      %swap3A_186 = vector.shape_cast %broadcast_in_dim3A_92 : vector<16xf32> to vector<1x16xf32>
      tpu.vector_store %arg11[%swap3A_182, %swap3A_183], %swap3A_186 {strides = array<i32>} : memref<128x128xf32, #tpu.memory_space<vmem>>, vector<1x16xf32>,
      %swap3A_187 = arith.index_cast %scan3A_166 : i32 to index
      %swap3A_188 = arith.constant 64 : index
      %swap3A_189 = tpu.vector_load %arg11[%swap3A_187, %swap3A_188] {strides = array<i32>} : memref<128x128xf32, #tpu.memory_space<vmem>>, vector<1x16xf32>,
      %swap3A_190 = vector.shape_cast %swap3A_189 : vector<1x16xf32> to vector<16xf32>
      %swap3A_191 = vector.shape_cast %broadcast_in_dim3A_92 : vector<16xf32> to vector<1x16xf32>
      tpu.vector_store %arg11[%swap3A_187, %swap3A_188], %swap3A_191 {strides = array<i32>} : memref<128x128xf32, #tpu.memory_space<vmem>>, vector<1x16xf32>,
      %swap3A_192 = arith.index_cast %scan3A_166 : i32 to index
      %swap3A_193 = arith.constant 80 : index
      %swap3A_194 = tpu.vector_load %arg11[%swap3A_192, %swap3A_193] {strides = array<i32>} : memref<128x128xf32, #tpu.memory_space<vmem>>, vector<1x16xf32>,
      %swap3A_195 = vector.shape_cast %swap3A_194 : vector<1x16xf32> to vector<16xf32>
      %swap3A_196 = vector.shape_cast %broadcast_in_dim3A_92 : vector<16xf32> to vector<1x16xf32>
      tpu.vector_store %arg11[%swap3A_192, %swap3A_193], %swap3A_196 {strides = array<i32>} : memref<128x128xf32, #tpu.memory_space<vmem>>, vector<1x16xf32>,
      %swap3A_197 = arith.index_cast %scan3A_166 : i32 to index
      %swap3A_198 = arith.constant 96 : index
      %swap3A_199 = tpu.vector_load %arg11[%swap3A_197, %swap3A_198] {strides = array<i32>} : memref<128x128xf32, #tpu.memory_space<vmem>>, vector<1x16xf32>,
      %swap3A_200 = vector.shape_cast %swap3A_199 : vector<1x16xf32> to vector<16xf32>
      %swap3A_201 = vector.shape_cast %broadcast_in_dim3A_92 : vector<16xf32> to vector<1x16xf32>
      tpu.vector_store %arg11[%swap3A_197, %swap3A_198], %swap3A_201 {strides = array<i32>} : memref<128x128xf32, #tpu.memory_space<vmem>>, vector<1x16xf32>,
      %swap3A_202 = arith.index_cast %scan3A_166 : i32 to index
      %swap3A_203 = arith.constant 112 : index
      %swap3A_204 = tpu.vector_load %arg11[%swap3A_202, %swap3A_203] {strides = array<i32>} : memref<128x128xf32, #tpu.memory_space<vmem>>, vector<1x16xf32>,
      %swap3A_205 = vector.shape_cast %swap3A_204 : vector<1x16xf32> to vector<16xf32>
      %swap3A_206 = vector.shape_cast %broadcast_in_dim3A_92 : vector<16xf32> to vector<1x16xf32>
      tpu.vector_store %arg11[%swap3A_202, %swap3A_203], %swap3A_206 {strides = array<i32>} : memref<128x128xf32, #tpu.memory_space<vmem>>, vector<1x16xf32>,
      %scan3A_207 = arith.constant 0 : i32
      scf.yield %scan3A_207 : i32
    }
    %scan3A_99 = arith.constant 128 : i32
    %mul3A_100 = arith.constant 640 : i32
    %mul3A_101 = arith.muli %arg1, %mul3A_100 : i32
    %add3A_102 = arith.constant 0 : i32
    %add3A_103 = arith.addi %mul3A_101, %add3A_102 : i32
    "tpu.region"() ({
      %run_scoped3A = tpu.sem_alloc : memref<!tpu.dma_semaphore, #tpu.memory_space<semaphore_mem>>
      %dma_start3A_166 = arith.constant 0 : i32
      %dma_start3A_167 = tpu.memref_slice %arg12[%add3A_103, %dma_start3A_166] : memref<10240x128xf32, #tpu.memory_space<vmem_shared>> -> memref<128x128xf32, #tpu.memory_space<vmem_shared>>
      %dma_start3A_168 = arith.constant 0 : i32
      %dma_start3A_169 = tpu.memref_slice %arg12[%add3A_103, %dma_start3A_168] : memref<10240x128xf32, #tpu.memory_space<vmem_shared>> -> memref<128x128xf32, #tpu.memory_space<vmem_shared>>
      tpu.enqueue_dma source(%arg11 : memref<128x128xf32, #tpu.memory_space<vmem>>) target(%dma_start3A_169 : memref<128x128xf32, #tpu.memory_space<vmem_shared>>) target_semaphore(%run_scoped3A : memref<!tpu.dma_semaphore, #tpu.memory_space<semaphore_mem>>)
      %dma_wait3A_170 = arith.constant 0 : i32
      %dma_wait3A_171 = tpu.memref_slice %arg12[%add3A_103, %dma_wait3A_170] : memref<10240x128xf32, #tpu.memory_space<vmem_shared>> -> memref<128x128xf32, #tpu.memory_space<vmem_shared>>
      %dma_wait3A_172 = arith.constant 0 : i32
      %dma_wait3A_173 = tpu.memref_slice %arg12[%add3A_103, %dma_wait3A_172] : memref<10240x128xf32, #tpu.memory_space<vmem_shared>> -> memref<128x128xf32, #tpu.memory_space<vmem_shared>>
      tpu.wait_dma2 semaphore(%run_scoped3A : memref<!tpu.dma_semaphore, #tpu.memory_space<semaphore_mem>>) src(%arg11 : memref<128x128xf32, #tpu.memory_space<vmem>>) dst(%dma_wait3A_173 : memref<128x128xf32, #tpu.memory_space<vmem_shared>>)
      tpu.yield
    }) : () -> ()
    %mul3A_104 = arith.constant 640 : i32
    %mul3A_105 = arith.muli %arg1, %mul3A_104 : i32
    %add3A_106 = arith.constant 128 : i32
    %add3A_107 = arith.addi %mul3A_105, %add3A_106 : i32
    "tpu.region"() ({
      %run_scoped3A = tpu.sem_alloc : memref<!tpu.dma_semaphore, #tpu.memory_space<semaphore_mem>>
      %dma_start3A_166 = arith.constant 0 : i32
      %dma_start3A_167 = tpu.memref_slice %arg12[%add3A_107, %dma_start3A_166] : memref<10240x128xf32, #tpu.memory_space<vmem_shared>> -> memref<128x128xf32, #tpu.memory_space<vmem_shared>>
      %dma_start3A_168 = arith.constant 0 : i32
      %dma_start3A_169 = tpu.memref_slice %arg12[%add3A_107, %dma_start3A_168] : memref<10240x128xf32, #tpu.memory_space<vmem_shared>> -> memref<128x128xf32, #tpu.memory_space<vmem_shared>>
      tpu.enqueue_dma source(%arg11 : memref<128x128xf32, #tpu.memory_space<vmem>>) target(%dma_start3A_169 : memref<128x128xf32, #tpu.memory_space<vmem_shared>>) target_semaphore(%run_scoped3A : memref<!tpu.dma_semaphore, #tpu.memory_space<semaphore_mem>>)
      %dma_wait3A_170 = arith.constant 0 : i32
      %dma_wait3A_171 = tpu.memref_slice %arg12[%add3A_107, %dma_wait3A_170] : memref<10240x128xf32, #tpu.memory_space<vmem_shared>> -> memref<128x128xf32, #tpu.memory_space<vmem_shared>>
      %dma_wait3A_172 = arith.constant 0 : i32
      %dma_wait3A_173 = tpu.memref_slice %arg12[%add3A_107, %dma_wait3A_172] : memref<10240x128xf32, #tpu.memory_space<vmem_shared>> -> memref<128x128xf32, #tpu.memory_space<vmem_shared>>
      tpu.wait_dma2 semaphore(%run_scoped3A : memref<!tpu.dma_semaphore, #tpu.memory_space<semaphore_mem>>) src(%arg11 : memref<128x128xf32, #tpu.memory_space<vmem>>) dst(%dma_wait3A_173 : memref<128x128xf32, #tpu.memory_space<vmem_shared>>)
      tpu.yield
    }) : () -> ()
    %mul3A_108 = arith.constant 640 : i32
    %mul3A_109 = arith.muli %arg1, %mul3A_108 : i32
    %add3A_110 = arith.constant 256 : i32
    %add3A_111 = arith.addi %mul3A_109, %add3A_110 : i32
    "tpu.region"() ({
      %run_scoped3A = tpu.sem_alloc : memref<!tpu.dma_semaphore, #tpu.memory_space<semaphore_mem>>
      %dma_start3A_166 = arith.constant 0 : i32
      %dma_start3A_167 = tpu.memref_slice %arg12[%add3A_111, %dma_start3A_166] : memref<10240x128xf32, #tpu.memory_space<vmem_shared>> -> memref<128x128xf32, #tpu.memory_space<vmem_shared>>
      %dma_start3A_168 = arith.constant 0 : i32
      %dma_start3A_169 = tpu.memref_slice %arg12[%add3A_111, %dma_start3A_168] : memref<10240x128xf32, #tpu.memory_space<vmem_shared>> -> memref<128x128xf32, #tpu.memory_space<vmem_shared>>
      tpu.enqueue_dma source(%arg11 : memref<128x128xf32, #tpu.memory_space<vmem>>) target(%dma_start3A_169 : memref<128x128xf32, #tpu.memory_space<vmem_shared>>) target_semaphore(%run_scoped3A : memref<!tpu.dma_semaphore, #tpu.memory_space<semaphore_mem>>)
      %dma_wait3A_170 = arith.constant 0 : i32
      %dma_wait3A_171 = tpu.memref_slice %arg12[%add3A_111, %dma_wait3A_170] : memref<10240x128xf32, #tpu.memory_space<vmem_shared>> -> memref<128x128xf32, #tpu.memory_space<vmem_shared>>
      %dma_wait3A_172 = arith.constant 0 : i32
      %dma_wait3A_173 = tpu.memref_slice %arg12[%add3A_111, %dma_wait3A_172] : memref<10240x128xf32, #tpu.memory_space<vmem_shared>> -> memref<128x128xf32, #tpu.memory_space<vmem_shared>>
      tpu.wait_dma2 semaphore(%run_scoped3A : memref<!tpu.dma_semaphore, #tpu.memory_space<semaphore_mem>>) src(%arg11 : memref<128x128xf32, #tpu.memory_space<vmem>>) dst(%dma_wait3A_173 : memref<128x128xf32, #tpu.memory_space<vmem_shared>>)
      tpu.yield
    }) : () -> ()
    %mul3A_112 = arith.constant 640 : i32
    %mul3A_113 = arith.muli %arg1, %mul3A_112 : i32
    %add3A_114 = arith.constant 384 : i32
    %add3A_115 = arith.addi %mul3A_113, %add3A_114 : i32
    "tpu.region"() ({
      %run_scoped3A = tpu.sem_alloc : memref<!tpu.dma_semaphore, #tpu.memory_space<semaphore_mem>>
      %dma_start3A_166 = arith.constant 0 : i32
      %dma_start3A_167 = tpu.memref_slice %arg12[%add3A_115, %dma_start3A_166] : memref<10240x128xf32, #tpu.memory_space<vmem_shared>> -> memref<128x128xf32, #tpu.memory_space<vmem_shared>>
      %dma_start3A_168 = arith.constant 0 : i32
      %dma_start3A_169 = tpu.memref_slice %arg12[%add3A_115, %dma_start3A_168] : memref<10240x128xf32, #tpu.memory_space<vmem_shared>> -> memref<128x128xf32, #tpu.memory_space<vmem_shared>>
      tpu.enqueue_dma source(%arg11 : memref<128x128xf32, #tpu.memory_space<vmem>>) target(%dma_start3A_169 : memref<128x128xf32, #tpu.memory_space<vmem_shared>>) target_semaphore(%run_scoped3A : memref<!tpu.dma_semaphore, #tpu.memory_space<semaphore_mem>>)
      %dma_wait3A_170 = arith.constant 0 : i32
      %dma_wait3A_171 = tpu.memref_slice %arg12[%add3A_115, %dma_wait3A_170] : memref<10240x128xf32, #tpu.memory_space<vmem_shared>> -> memref<128x128xf32, #tpu.memory_space<vmem_shared>>
      %dma_wait3A_172 = arith.constant 0 : i32
      %dma_wait3A_173 = tpu.memref_slice %arg12[%add3A_115, %dma_wait3A_172] : memref<10240x128xf32, #tpu.memory_space<vmem_shared>> -> memref<128x128xf32, #tpu.memory_space<vmem_shared>>
      tpu.wait_dma2 semaphore(%run_scoped3A : memref<!tpu.dma_semaphore, #tpu.memory_space<semaphore_mem>>) src(%arg11 : memref<128x128xf32, #tpu.memory_space<vmem>>) dst(%dma_wait3A_173 : memref<128x128xf32, #tpu.memory_space<vmem_shared>>)
      tpu.yield
    }) : () -> ()
    %mul3A_116 = arith.constant 640 : i32
    %mul3A_117 = arith.muli %arg1, %mul3A_116 : i32
    %add3A_118 = arith.constant 512 : i32
    %add3A_119 = arith.addi %mul3A_117, %add3A_118 : i32
    "tpu.region"() ({
      %run_scoped3A = tpu.sem_alloc : memref<!tpu.dma_semaphore, #tpu.memory_space<semaphore_mem>>
      %dma_start3A_166 = arith.constant 0 : i32
      %dma_start3A_167 = tpu.memref_slice %arg12[%add3A_119, %dma_start3A_166] : memref<10240x128xf32, #tpu.memory_space<vmem_shared>> -> memref<128x128xf32, #tpu.memory_space<vmem_shared>>
      %dma_start3A_168 = arith.constant 0 : i32
      %dma_start3A_169 = tpu.memref_slice %arg12[%add3A_119, %dma_start3A_168] : memref<10240x128xf32, #tpu.memory_space<vmem_shared>> -> memref<128x128xf32, #tpu.memory_space<vmem_shared>>
      tpu.enqueue_dma source(%arg11 : memref<128x128xf32, #tpu.memory_space<vmem>>) target(%dma_start3A_169 : memref<128x128xf32, #tpu.memory_space<vmem_shared>>) target_semaphore(%run_scoped3A : memref<!tpu.dma_semaphore, #tpu.memory_space<semaphore_mem>>)
      %dma_wait3A_170 = arith.constant 0 : i32
      %dma_wait3A_171 = tpu.memref_slice %arg12[%add3A_119, %dma_wait3A_170] : memref<10240x128xf32, #tpu.memory_space<vmem_shared>> -> memref<128x128xf32, #tpu.memory_space<vmem_shared>>
      %dma_wait3A_172 = arith.constant 0 : i32
      %dma_wait3A_173 = tpu.memref_slice %arg12[%add3A_119, %dma_wait3A_172] : memref<10240x128xf32, #tpu.memory_space<vmem_shared>> -> memref<128x128xf32, #tpu.memory_space<vmem_shared>>
      tpu.wait_dma2 semaphore(%run_scoped3A : memref<!tpu.dma_semaphore, #tpu.memory_space<semaphore_mem>>) src(%arg11 : memref<128x128xf32, #tpu.memory_space<vmem>>) dst(%dma_wait3A_173 : memref<128x128xf32, #tpu.memory_space<vmem_shared>>)
      tpu.yield
    }) : () -> ()
    %barrier3A_120 = arith.constant 0 : index
    tpu.barrier barrier_id(%barrier3A_120)
    "tpu.region"() ({
      %run_scoped3A = tpu.sem_alloc : memref<!tpu.dma_semaphore, #tpu.memory_space<semaphore_mem>>
      %dma_start3A_166 = tpu.memref_slice %arg3[%mul3A_2] : memref<320000xi32, #tpu.memory_space<hbm>> -> memref<128xi32, #tpu.memory_space<hbm>>
      %dma_start3A_167 = tpu.memref_slice %arg3[%mul3A_2] : memref<320000xi32, #tpu.memory_space<hbm>> -> memref<128xi32, #tpu.memory_space<hbm>>
      tpu.enqueue_dma source(%dma_start3A_167 : memref<128xi32, #tpu.memory_space<hbm>>) target(%arg6 : memref<128xi32, #tpu.memory_space<vmem>>) target_semaphore(%run_scoped3A : memref<!tpu.dma_semaphore, #tpu.memory_space<semaphore_mem>>)
      %dma_wait3A_168 = tpu.memref_slice %arg3[%mul3A_2] : memref<320000xi32, #tpu.memory_space<hbm>> -> memref<128xi32, #tpu.memory_space<hbm>>
      %dma_wait3A_169 = tpu.memref_slice %arg3[%mul3A_2] : memref<320000xi32, #tpu.memory_space<hbm>> -> memref<128xi32, #tpu.memory_space<hbm>>
      tpu.wait_dma2 semaphore(%run_scoped3A : memref<!tpu.dma_semaphore, #tpu.memory_space<semaphore_mem>>) src(%dma_wait3A_169 : memref<128xi32, #tpu.memory_space<hbm>>) dst(%arg6 : memref<128xi32, #tpu.memory_space<vmem>>)
      tpu.yield
    }) : () -> ()
    %dma_start3A_121 = arith.constant 0 : i32
    %dma_start3A_122 = arith.constant 0 : i32
    %dma_start3A_123 = tpu.memref_slice %arg12[%dma_start3A_121, %dma_start3A_122] : memref<10240x128xf32, #tpu.memory_space<vmem_shared>> -> memref<10240x128xf32, #tpu.memory_space<vmem_shared>>
    tpu.enqueue_indirect_dma source(%arg9 : memref<128x128xf32, #tpu.memory_space<vmem>>) target(%dma_start3A_123 : memref<10240x128xf32, #tpu.memory_space<vmem_shared>>) offsets(%arg6 : memref<128xi32, #tpu.memory_space<vmem>>) semaphore(%arg13 : memref<!tpu.dma_semaphore, #tpu.memory_space<semaphore_mem>>) {add = true}
    %scan3A_124 = arith.constant 0 : i32
    %scan3A_125 = arith.constant 0 : i32
    %scan3A_126 = arith.constant 38 : i32
    %scan3A_127 = arith.addi %scan3A_125, %scan3A_126 : i32
    %scan3A_128 = arith.constant 1 : i32
    %scan3A_129 = scf.for %scan3A_166 = %scan3A_125 to %scan3A_127 step %scan3A_128 iter_args(%scan3A_167 = %scan3A_124) -> (i32)  : i32 {
      %mul3A_168 = arith.constant 2 : i32
      %mul3A_169 = arith.muli %mul3A_168, %scan3A_166 : i32
      %mul3A_170 = arith.constant 128 : i32
      %mul3A_171 = arith.muli %mul3A_169, %mul3A_170 : i32
      %add3A_172 = arith.addi %mul3A_2, %mul3A_171 : i32
      %add3A_173 = arith.constant 128 : i32
      %add3A_174 = arith.addi %add3A_172, %add3A_173 : i32
      "tpu.region"() ({
        %run_scoped3A = tpu.sem_alloc : memref<!tpu.dma_semaphore, #tpu.memory_space<semaphore_mem>>
        %dma_start3A_190 = tpu.memref_slice %arg3[%add3A_174] : memref<320000xi32, #tpu.memory_space<hbm>> -> memref<128xi32, #tpu.memory_space<hbm>>
        %dma_start3A_191 = tpu.memref_slice %arg3[%add3A_174] : memref<320000xi32, #tpu.memory_space<hbm>> -> memref<128xi32, #tpu.memory_space<hbm>>
        tpu.enqueue_dma source(%dma_start3A_191 : memref<128xi32, #tpu.memory_space<hbm>>) target(%arg7 : memref<128xi32, #tpu.memory_space<vmem>>) target_semaphore(%run_scoped3A : memref<!tpu.dma_semaphore, #tpu.memory_space<semaphore_mem>>)
        %dma_wait3A_192 = tpu.memref_slice %arg3[%add3A_174] : memref<320000xi32, #tpu.memory_space<hbm>> -> memref<128xi32, #tpu.memory_space<hbm>>
        %dma_wait3A_193 = tpu.memref_slice %arg3[%add3A_174] : memref<320000xi32, #tpu.memory_space<hbm>> -> memref<128xi32, #tpu.memory_space<hbm>>
        tpu.wait_dma2 semaphore(%run_scoped3A : memref<!tpu.dma_semaphore, #tpu.memory_space<semaphore_mem>>) src(%dma_wait3A_193 : memref<128xi32, #tpu.memory_space<hbm>>) dst(%arg7 : memref<128xi32, #tpu.memory_space<vmem>>)
        tpu.yield
      }) : () -> ()
      %dma_start3A_175 = arith.constant 0 : i32
      %dma_start3A_176 = arith.constant 0 : i32
      %dma_start3A_177 = tpu.memref_slice %arg12[%dma_start3A_175, %dma_start3A_176] : memref<10240x128xf32, #tpu.memory_space<vmem_shared>> -> memref<10240x128xf32, #tpu.memory_space<vmem_shared>>
      tpu.enqueue_indirect_dma source(%arg9 : memref<128x128xf32, #tpu.memory_space<vmem>>) target(%dma_start3A_177 : memref<10240x128xf32, #tpu.memory_space<vmem_shared>>) offsets(%arg7 : memref<128xi32, #tpu.memory_space<vmem>>) semaphore(%arg14 : memref<!tpu.dma_semaphore, #tpu.memory_space<semaphore_mem>>) {add = true}
      %dma_wait3A_178 = arith.constant 0 : i32
      %dma_wait3A_179 = arith.constant 0 : i32
      %dma_wait3A_180 = tpu.memref_slice %arg12[%dma_wait3A_178, %dma_wait3A_179] : memref<10240x128xf32, #tpu.memory_space<vmem_shared>> -> memref<10240x128xf32, #tpu.memory_space<vmem_shared>>
      tpu.wait_indirect_dma semaphore(%arg13 : memref<!tpu.dma_semaphore, #tpu.memory_space<semaphore_mem>>) src(%arg9 : memref<128x128xf32, #tpu.memory_space<vmem>>) dst(%dma_wait3A_180 : memref<10240x128xf32, #tpu.memory_space<vmem_shared>>)
      %add3A_181 = arith.constant 256 : i32
      %add3A_182 = arith.addi %add3A_172, %add3A_181 : i32
      "tpu.region"() ({
        %run_scoped3A = tpu.sem_alloc : memref<!tpu.dma_semaphore, #tpu.memory_space<semaphore_mem>>
        %dma_start3A_190 = tpu.memref_slice %arg3[%add3A_182] : memref<320000xi32, #tpu.memory_space<hbm>> -> memref<128xi32, #tpu.memory_space<hbm>>
        %dma_start3A_191 = tpu.memref_slice %arg3[%add3A_182] : memref<320000xi32, #tpu.memory_space<hbm>> -> memref<128xi32, #tpu.memory_space<hbm>>
        tpu.enqueue_dma source(%dma_start3A_191 : memref<128xi32, #tpu.memory_space<hbm>>) target(%arg6 : memref<128xi32, #tpu.memory_space<vmem>>) target_semaphore(%run_scoped3A : memref<!tpu.dma_semaphore, #tpu.memory_space<semaphore_mem>>)
        %dma_wait3A_192 = tpu.memref_slice %arg3[%add3A_182] : memref<320000xi32, #tpu.memory_space<hbm>> -> memref<128xi32, #tpu.memory_space<hbm>>
        %dma_wait3A_193 = tpu.memref_slice %arg3[%add3A_182] : memref<320000xi32, #tpu.memory_space<hbm>> -> memref<128xi32, #tpu.memory_space<hbm>>
        tpu.wait_dma2 semaphore(%run_scoped3A : memref<!tpu.dma_semaphore, #tpu.memory_space<semaphore_mem>>) src(%dma_wait3A_193 : memref<128xi32, #tpu.memory_space<hbm>>) dst(%arg6 : memref<128xi32, #tpu.memory_space<vmem>>)
        tpu.yield
      }) : () -> ()
      %dma_start3A_183 = arith.constant 0 : i32
      %dma_start3A_184 = arith.constant 0 : i32
      %dma_start3A_185 = tpu.memref_slice %arg12[%dma_start3A_183, %dma_start3A_184] : memref<10240x128xf32, #tpu.memory_space<vmem_shared>> -> memref<10240x128xf32, #tpu.memory_space<vmem_shared>>
      tpu.enqueue_indirect_dma source(%arg9 : memref<128x128xf32, #tpu.memory_space<vmem>>) target(%dma_start3A_185 : memref<10240x128xf32, #tpu.memory_space<vmem_shared>>) offsets(%arg6 : memref<128xi32, #tpu.memory_space<vmem>>) semaphore(%arg13 : memref<!tpu.dma_semaphore, #tpu.memory_space<semaphore_mem>>) {add = true}
      %dma_wait3A_186 = arith.constant 0 : i32
      %dma_wait3A_187 = arith.constant 0 : i32
      %dma_wait3A_188 = tpu.memref_slice %arg12[%dma_wait3A_186, %dma_wait3A_187] : memref<10240x128xf32, #tpu.memory_space<vmem_shared>> -> memref<10240x128xf32, #tpu.memory_space<vmem_shared>>
      tpu.wait_indirect_dma semaphore(%arg14 : memref<!tpu.dma_semaphore, #tpu.memory_space<semaphore_mem>>) src(%arg9 : memref<128x128xf32, #tpu.memory_space<vmem>>) dst(%dma_wait3A_188 : memref<10240x128xf32, #tpu.memory_space<vmem_shared>>)
      %scan3A_189 = arith.constant 0 : i32
      scf.yield %scan3A_189 : i32
    }
    %scan3A_130 = arith.constant 38 : i32
    %add3A_131 = arith.constant 9856 : i32
    %add3A_132 = arith.addi %mul3A_2, %add3A_131 : i32
    "tpu.region"() ({
      %run_scoped3A = tpu.sem_alloc : memref<!tpu.dma_semaphore, #tpu.memory_space<semaphore_mem>>
      %dma_start3A_166 = tpu.memref_slice %arg3[%add3A_132] : memref<320000xi32, #tpu.memory_space<hbm>> -> memref<128xi32, #tpu.memory_space<hbm>>
      %dma_start3A_167 = tpu.memref_slice %arg3[%add3A_132] : memref<320000xi32, #tpu.memory_space<hbm>> -> memref<128xi32, #tpu.memory_space<hbm>>
      tpu.enqueue_dma source(%dma_start3A_167 : memref<128xi32, #tpu.memory_space<hbm>>) target(%arg7 : memref<128xi32, #tpu.memory_space<vmem>>) target_semaphore(%run_scoped3A : memref<!tpu.dma_semaphore, #tpu.memory_space<semaphore_mem>>)
      %dma_wait3A_168 = tpu.memref_slice %arg3[%add3A_132] : memref<320000xi32, #tpu.memory_space<hbm>> -> memref<128xi32, #tpu.memory_space<hbm>>
      %dma_wait3A_169 = tpu.memref_slice %arg3[%add3A_132] : memref<320000xi32, #tpu.memory_space<hbm>> -> memref<128xi32, #tpu.memory_space<hbm>>
      tpu.wait_dma2 semaphore(%run_scoped3A : memref<!tpu.dma_semaphore, #tpu.memory_space<semaphore_mem>>) src(%dma_wait3A_169 : memref<128xi32, #tpu.memory_space<hbm>>) dst(%arg7 : memref<128xi32, #tpu.memory_space<vmem>>)
      tpu.yield
    }) : () -> ()
    %dma_start3A_133 = arith.constant 0 : i32
    %dma_start3A_134 = arith.constant 0 : i32
    %dma_start3A_135 = tpu.memref_slice %arg12[%dma_start3A_133, %dma_start3A_134] : memref<10240x128xf32, #tpu.memory_space<vmem_shared>> -> memref<10240x128xf32, #tpu.memory_space<vmem_shared>>
    tpu.enqueue_indirect_dma source(%arg9 : memref<128x128xf32, #tpu.memory_space<vmem>>) target(%dma_start3A_135 : memref<10240x128xf32, #tpu.memory_space<vmem_shared>>) offsets(%arg7 : memref<128xi32, #tpu.memory_space<vmem>>) semaphore(%arg14 : memref<!tpu.dma_semaphore, #tpu.memory_space<semaphore_mem>>) {add = true}
    %dma_wait3A_136 = arith.constant 0 : i32
    %dma_wait3A_137 = arith.constant 0 : i32
    %dma_wait3A_138 = tpu.memref_slice %arg12[%dma_wait3A_136, %dma_wait3A_137] : memref<10240x128xf32, #tpu.memory_space<vmem_shared>> -> memref<10240x128xf32, #tpu.memory_space<vmem_shared>>
    tpu.wait_indirect_dma semaphore(%arg13 : memref<!tpu.dma_semaphore, #tpu.memory_space<semaphore_mem>>) src(%arg9 : memref<128x128xf32, #tpu.memory_space<vmem>>) dst(%dma_wait3A_138 : memref<10240x128xf32, #tpu.memory_space<vmem_shared>>)
    %dma_wait3A_139 = arith.constant 0 : i32
    %dma_wait3A_140 = arith.constant 0 : i32
    %dma_wait3A_141 = tpu.memref_slice %arg12[%dma_wait3A_139, %dma_wait3A_140] : memref<10240x128xf32, #tpu.memory_space<vmem_shared>> -> memref<10240x128xf32, #tpu.memory_space<vmem_shared>>
    tpu.wait_indirect_dma semaphore(%arg14 : memref<!tpu.dma_semaphore, #tpu.memory_space<semaphore_mem>>) src(%arg9 : memref<128x128xf32, #tpu.memory_space<vmem>>) dst(%dma_wait3A_141 : memref<10240x128xf32, #tpu.memory_space<vmem_shared>>)
    %add3A_142 = arith.constant 9984 : i32
    %add3A_143 = arith.addi %mul3A_2, %add3A_142 : i32
    "tpu.region"() ({
      %run_scoped3A = tpu.sem_alloc : memref<!tpu.dma_semaphore, #tpu.memory_space<semaphore_mem>>
      %dma_start3A_166 = tpu.memref_slice %arg3[%add3A_143] : memref<320000xi32, #tpu.memory_space<hbm>> -> memref<16xi32, #tpu.memory_space<hbm>>
      %dma_start3A_167 = tpu.memref_slice %arg3[%add3A_143] : memref<320000xi32, #tpu.memory_space<hbm>> -> memref<16xi32, #tpu.memory_space<hbm>>
      tpu.enqueue_dma source(%dma_start3A_167 : memref<16xi32, #tpu.memory_space<hbm>>) target(%arg8 : memref<16xi32, #tpu.memory_space<vmem>>) target_semaphore(%run_scoped3A : memref<!tpu.dma_semaphore, #tpu.memory_space<semaphore_mem>>)
      %dma_wait3A_168 = tpu.memref_slice %arg3[%add3A_143] : memref<320000xi32, #tpu.memory_space<hbm>> -> memref<16xi32, #tpu.memory_space<hbm>>
      %dma_wait3A_169 = tpu.memref_slice %arg3[%add3A_143] : memref<320000xi32, #tpu.memory_space<hbm>> -> memref<16xi32, #tpu.memory_space<hbm>>
      tpu.wait_dma2 semaphore(%run_scoped3A : memref<!tpu.dma_semaphore, #tpu.memory_space<semaphore_mem>>) src(%dma_wait3A_169 : memref<16xi32, #tpu.memory_space<hbm>>) dst(%arg8 : memref<16xi32, #tpu.memory_space<vmem>>)
      tpu.yield
    }) : () -> ()
    "tpu.region"() ({
      %run_scoped3A = tpu.sem_alloc : memref<!tpu.dma_semaphore, #tpu.memory_space<semaphore_mem>>
      %dma_start3A_166 = arith.constant 0 : i32
      %dma_start3A_167 = arith.constant 0 : i32
      %dma_start3A_168 = tpu.memref_slice %arg12[%dma_start3A_166, %dma_start3A_167] : memref<10240x128xf32, #tpu.memory_space<vmem_shared>> -> memref<10240x128xf32, #tpu.memory_space<vmem_shared>>
      tpu.enqueue_indirect_dma source(%arg10 : memref<16x128xf32, #tpu.memory_space<vmem>>) target(%dma_start3A_168 : memref<10240x128xf32, #tpu.memory_space<vmem_shared>>) offsets(%arg8 : memref<16xi32, #tpu.memory_space<vmem>>) semaphore(%run_scoped3A : memref<!tpu.dma_semaphore, #tpu.memory_space<semaphore_mem>>) {add = true}
      %dma_wait3A_169 = arith.constant 0 : i32
      %dma_wait3A_170 = arith.constant 0 : i32
      %dma_wait3A_171 = tpu.memref_slice %arg12[%dma_wait3A_169, %dma_wait3A_170] : memref<10240x128xf32, #tpu.memory_space<vmem_shared>> -> memref<10240x128xf32, #tpu.memory_space<vmem_shared>>
      tpu.wait_indirect_dma semaphore(%run_scoped3A : memref<!tpu.dma_semaphore, #tpu.memory_space<semaphore_mem>>) src(%arg10 : memref<16x128xf32, #tpu.memory_space<vmem>>) dst(%dma_wait3A_171 : memref<10240x128xf32, #tpu.memory_space<vmem_shared>>)
      tpu.yield
    }) : () -> ()
    %barrier3A_144 = arith.constant 0 : index
    tpu.barrier barrier_id(%barrier3A_144)
    %mul3A_145 = arith.constant 640 : i32
    %mul3A_146 = arith.muli %arg1, %mul3A_145 : i32
    %add3A_147 = arith.constant 0 : i32
    %add3A_148 = arith.addi %mul3A_146, %add3A_147 : i32
    "tpu.region"() ({
      %run_scoped3A = tpu.sem_alloc : memref<!tpu.dma_semaphore, #tpu.memory_space<semaphore_mem>>
      %dma_start3A_166 = arith.constant 0 : i32
      %dma_start3A_167 = tpu.memref_slice %arg12[%add3A_148, %dma_start3A_166] : memref<10240x128xf32, #tpu.memory_space<vmem_shared>> -> memref<128x128xf32, #tpu.memory_space<vmem_shared>>
      %dma_start3A_168 = arith.constant 0 : i32
      %dma_start3A_169 = tpu.memref_slice %arg12[%add3A_148, %dma_start3A_168] : memref<10240x128xf32, #tpu.memory_space<vmem_shared>> -> memref<128x128xf32, #tpu.memory_space<vmem_shared>>
      tpu.enqueue_dma source(%dma_start3A_169 : memref<128x128xf32, #tpu.memory_space<vmem_shared>>) target(%arg11 : memref<128x128xf32, #tpu.memory_space<vmem>>) target_semaphore(%run_scoped3A : memref<!tpu.dma_semaphore, #tpu.memory_space<semaphore_mem>>)
      %dma_wait3A_170 = arith.constant 0 : i32
      %dma_wait3A_171 = tpu.memref_slice %arg12[%add3A_148, %dma_wait3A_170] : memref<10240x128xf32, #tpu.memory_space<vmem_shared>> -> memref<128x128xf32, #tpu.memory_space<vmem_shared>>
      %dma_wait3A_172 = arith.constant 0 : i32
      %dma_wait3A_173 = tpu.memref_slice %arg12[%add3A_148, %dma_wait3A_172] : memref<10240x128xf32, #tpu.memory_space<vmem_shared>> -> memref<128x128xf32, #tpu.memory_space<vmem_shared>>
      tpu.wait_dma2 semaphore(%run_scoped3A : memref<!tpu.dma_semaphore, #tpu.memory_space<semaphore_mem>>) src(%dma_wait3A_173 : memref<128x128xf32, #tpu.memory_space<vmem_shared>>) dst(%arg11 : memref<128x128xf32, #tpu.memory_space<vmem>>)
      tpu.yield
    }) : () -> ()
    "tpu.region"() ({
      %run_scoped3A = tpu.sem_alloc : memref<!tpu.dma_semaphore, #tpu.memory_space<semaphore_mem>>
      %dma_start3A_166 = arith.constant 0 : i32
      %dma_start3A_167 = tpu.memref_slice %arg5[%arg0, %add3A_148, %dma_start3A_166] : memref<2x10240x128xf32, #tpu.memory_space<hbm>> -> memref<1x128x128xf32, #tpu.memory_space<hbm>>
      %dma_start3A_168 = tpu.memref_squeeze %dma_start3A_167 : memref<1x128x128xf32, #tpu.memory_space<hbm>> -> memref<128x128xf32, #tpu.memory_space<hbm>>
      %dma_start3A_169 = arith.constant 0 : i32
      %dma_start3A_170 = tpu.memref_slice %arg5[%arg0, %add3A_148, %dma_start3A_169] : memref<2x10240x128xf32, #tpu.memory_space<hbm>> -> memref<1x128x128xf32, #tpu.memory_space<hbm>>
      %dma_start3A_171 = tpu.memref_squeeze %dma_start3A_170 : memref<1x128x128xf32, #tpu.memory_space<hbm>> -> memref<128x128xf32, #tpu.memory_space<hbm>>
      tpu.enqueue_dma source(%arg11 : memref<128x128xf32, #tpu.memory_space<vmem>>) target(%dma_start3A_171 : memref<128x128xf32, #tpu.memory_space<hbm>>) target_semaphore(%run_scoped3A : memref<!tpu.dma_semaphore, #tpu.memory_space<semaphore_mem>>)
      %dma_wait3A_172 = arith.constant 0 : i32
      %dma_wait3A_173 = tpu.memref_slice %arg5[%arg0, %add3A_148, %dma_wait3A_172] : memref<2x10240x128xf32, #tpu.memory_space<hbm>> -> memref<1x128x128xf32, #tpu.memory_space<hbm>>
      %dma_wait3A_174 = tpu.memref_squeeze %dma_wait3A_173 : memref<1x128x128xf32, #tpu.memory_space<hbm>> -> memref<128x128xf32, #tpu.memory_space<hbm>>
      %dma_wait3A_175 = arith.constant 0 : i32
      %dma_wait3A_176 = tpu.memref_slice %arg5[%arg0, %add3A_148, %dma_wait3A_175] : memref<2x10240x128xf32, #tpu.memory_space<hbm>> -> memref<1x128x128xf32, #tpu.memory_space<hbm>>
      %dma_wait3A_177 = tpu.memref_squeeze %dma_wait3A_176 : memref<1x128x128xf32, #tpu.memory_space<hbm>> -> memref<128x128xf32, #tpu.memory_space<hbm>>
      tpu.wait_dma2 semaphore(%run_scoped3A : memref<!tpu.dma_semaphore, #tpu.memory_space<semaphore_mem>>) src(%arg11 : memref<128x128xf32, #tpu.memory_space<vmem>>) dst(%dma_wait3A_177 : memref<128x128xf32, #tpu.memory_space<hbm>>)
      tpu.yield
    }) : () -> ()
    %mul3A_149 = arith.constant 640 : i32
    %mul3A_150 = arith.muli %arg1, %mul3A_149 : i32
    %add3A_151 = arith.constant 128 : i32
    %add3A_152 = arith.addi %mul3A_150, %add3A_151 : i32
    "tpu.region"() ({
      %run_scoped3A = tpu.sem_alloc : memref<!tpu.dma_semaphore, #tpu.memory_space<semaphore_mem>>
      %dma_start3A_166 = arith.constant 0 : i32
      %dma_start3A_167 = tpu.memref_slice %arg12[%add3A_152, %dma_start3A_166] : memref<10240x128xf32, #tpu.memory_space<vmem_shared>> -> memref<128x128xf32, #tpu.memory_space<vmem_shared>>
      %dma_start3A_168 = arith.constant 0 : i32
      %dma_start3A_169 = tpu.memref_slice %arg12[%add3A_152, %dma_start3A_168] : memref<10240x128xf32, #tpu.memory_space<vmem_shared>> -> memref<128x128xf32, #tpu.memory_space<vmem_shared>>
      tpu.enqueue_dma source(%dma_start3A_169 : memref<128x128xf32, #tpu.memory_space<vmem_shared>>) target(%arg11 : memref<128x128xf32, #tpu.memory_space<vmem>>) target_semaphore(%run_scoped3A : memref<!tpu.dma_semaphore, #tpu.memory_space<semaphore_mem>>)
      %dma_wait3A_170 = arith.constant 0 : i32
      %dma_wait3A_171 = tpu.memref_slice %arg12[%add3A_152, %dma_wait3A_170] : memref<10240x128xf32, #tpu.memory_space<vmem_shared>> -> memref<128x128xf32, #tpu.memory_space<vmem_shared>>
      %dma_wait3A_172 = arith.constant 0 : i32
      %dma_wait3A_173 = tpu.memref_slice %arg12[%add3A_152, %dma_wait3A_172] : memref<10240x128xf32, #tpu.memory_space<vmem_shared>> -> memref<128x128xf32, #tpu.memory_space<vmem_shared>>
      tpu.wait_dma2 semaphore(%run_scoped3A : memref<!tpu.dma_semaphore, #tpu.memory_space<semaphore_mem>>) src(%dma_wait3A_173 : memref<128x128xf32, #tpu.memory_space<vmem_shared>>) dst(%arg11 : memref<128x128xf32, #tpu.memory_space<vmem>>)
      tpu.yield
    }) : () -> ()
    "tpu.region"() ({
      %run_scoped3A = tpu.sem_alloc : memref<!tpu.dma_semaphore, #tpu.memory_space<semaphore_mem>>
      %dma_start3A_166 = arith.constant 0 : i32
      %dma_start3A_167 = tpu.memref_slice %arg5[%arg0, %add3A_152, %dma_start3A_166] : memref<2x10240x128xf32, #tpu.memory_space<hbm>> -> memref<1x128x128xf32, #tpu.memory_space<hbm>>
      %dma_start3A_168 = tpu.memref_squeeze %dma_start3A_167 : memref<1x128x128xf32, #tpu.memory_space<hbm>> -> memref<128x128xf32, #tpu.memory_space<hbm>>
      %dma_start3A_169 = arith.constant 0 : i32
      %dma_start3A_170 = tpu.memref_slice %arg5[%arg0, %add3A_152, %dma_start3A_169] : memref<2x10240x128xf32, #tpu.memory_space<hbm>> -> memref<1x128x128xf32, #tpu.memory_space<hbm>>
      %dma_start3A_171 = tpu.memref_squeeze %dma_start3A_170 : memref<1x128x128xf32, #tpu.memory_space<hbm>> -> memref<128x128xf32, #tpu.memory_space<hbm>>
      tpu.enqueue_dma source(%arg11 : memref<128x128xf32, #tpu.memory_space<vmem>>) target(%dma_start3A_171 : memref<128x128xf32, #tpu.memory_space<hbm>>) target_semaphore(%run_scoped3A : memref<!tpu.dma_semaphore, #tpu.memory_space<semaphore_mem>>)
      %dma_wait3A_172 = arith.constant 0 : i32
      %dma_wait3A_173 = tpu.memref_slice %arg5[%arg0, %add3A_152, %dma_wait3A_172] : memref<2x10240x128xf32, #tpu.memory_space<hbm>> -> memref<1x128x128xf32, #tpu.memory_space<hbm>>
      %dma_wait3A_174 = tpu.memref_squeeze %dma_wait3A_173 : memref<1x128x128xf32, #tpu.memory_space<hbm>> -> memref<128x128xf32, #tpu.memory_space<hbm>>
      %dma_wait3A_175 = arith.constant 0 : i32
      %dma_wait3A_176 = tpu.memref_slice %arg5[%arg0, %add3A_152, %dma_wait3A_175] : memref<2x10240x128xf32, #tpu.memory_space<hbm>> -> memref<1x128x128xf32, #tpu.memory_space<hbm>>
      %dma_wait3A_177 = tpu.memref_squeeze %dma_wait3A_176 : memref<1x128x128xf32, #tpu.memory_space<hbm>> -> memref<128x128xf32, #tpu.memory_space<hbm>>
      tpu.wait_dma2 semaphore(%run_scoped3A : memref<!tpu.dma_semaphore, #tpu.memory_space<semaphore_mem>>) src(%arg11 : memref<128x128xf32, #tpu.memory_space<vmem>>) dst(%dma_wait3A_177 : memref<128x128xf32, #tpu.memory_space<hbm>>)
      tpu.yield
    }) : () -> ()
    %mul3A_153 = arith.constant 640 : i32
    %mul3A_154 = arith.muli %arg1, %mul3A_153 : i32
    %add3A_155 = arith.constant 256 : i32
    %add3A_156 = arith.addi %mul3A_154, %add3A_155 : i32
    "tpu.region"() ({
      %run_scoped3A = tpu.sem_alloc : memref<!tpu.dma_semaphore, #tpu.memory_space<semaphore_mem>>
      %dma_start3A_166 = arith.constant 0 : i32
      %dma_start3A_167 = tpu.memref_slice %arg12[%add3A_156, %dma_start3A_166] : memref<10240x128xf32, #tpu.memory_space<vmem_shared>> -> memref<128x128xf32, #tpu.memory_space<vmem_shared>>
      %dma_start3A_168 = arith.constant 0 : i32
      %dma_start3A_169 = tpu.memref_slice %arg12[%add3A_156, %dma_start3A_168] : memref<10240x128xf32, #tpu.memory_space<vmem_shared>> -> memref<128x128xf32, #tpu.memory_space<vmem_shared>>
      tpu.enqueue_dma source(%dma_start3A_169 : memref<128x128xf32, #tpu.memory_space<vmem_shared>>) target(%arg11 : memref<128x128xf32, #tpu.memory_space<vmem>>) target_semaphore(%run_scoped3A : memref<!tpu.dma_semaphore, #tpu.memory_space<semaphore_mem>>)
      %dma_wait3A_170 = arith.constant 0 : i32
      %dma_wait3A_171 = tpu.memref_slice %arg12[%add3A_156, %dma_wait3A_170] : memref<10240x128xf32, #tpu.memory_space<vmem_shared>> -> memref<128x128xf32, #tpu.memory_space<vmem_shared>>
      %dma_wait3A_172 = arith.constant 0 : i32
      %dma_wait3A_173 = tpu.memref_slice %arg12[%add3A_156, %dma_wait3A_172] : memref<10240x128xf32, #tpu.memory_space<vmem_shared>> -> memref<128x128xf32, #tpu.memory_space<vmem_shared>>
      tpu.wait_dma2 semaphore(%run_scoped3A : memref<!tpu.dma_semaphore, #tpu.memory_space<semaphore_mem>>) src(%dma_wait3A_173 : memref<128x128xf32, #tpu.memory_space<vmem_shared>>) dst(%arg11 : memref<128x128xf32, #tpu.memory_space<vmem>>)
      tpu.yield
    }) : () -> ()
    "tpu.region"() ({
      %run_scoped3A = tpu.sem_alloc : memref<!tpu.dma_semaphore, #tpu.memory_space<semaphore_mem>>
      %dma_start3A_166 = arith.constant 0 : i32
      %dma_start3A_167 = tpu.memref_slice %arg5[%arg0, %add3A_156, %dma_start3A_166] : memref<2x10240x128xf32, #tpu.memory_space<hbm>> -> memref<1x128x128xf32, #tpu.memory_space<hbm>>
      %dma_start3A_168 = tpu.memref_squeeze %dma_start3A_167 : memref<1x128x128xf32, #tpu.memory_space<hbm>> -> memref<128x128xf32, #tpu.memory_space<hbm>>
      %dma_start3A_169 = arith.constant 0 : i32
      %dma_start3A_170 = tpu.memref_slice %arg5[%arg0, %add3A_156, %dma_start3A_169] : memref<2x10240x128xf32, #tpu.memory_space<hbm>> -> memref<1x128x128xf32, #tpu.memory_space<hbm>>
      %dma_start3A_171 = tpu.memref_squeeze %dma_start3A_170 : memref<1x128x128xf32, #tpu.memory_space<hbm>> -> memref<128x128xf32, #tpu.memory_space<hbm>>
      tpu.enqueue_dma source(%arg11 : memref<128x128xf32, #tpu.memory_space<vmem>>) target(%dma_start3A_171 : memref<128x128xf32, #tpu.memory_space<hbm>>) target_semaphore(%run_scoped3A : memref<!tpu.dma_semaphore, #tpu.memory_space<semaphore_mem>>)
      %dma_wait3A_172 = arith.constant 0 : i32
      %dma_wait3A_173 = tpu.memref_slice %arg5[%arg0, %add3A_156, %dma_wait3A_172] : memref<2x10240x128xf32, #tpu.memory_space<hbm>> -> memref<1x128x128xf32, #tpu.memory_space<hbm>>
      %dma_wait3A_174 = tpu.memref_squeeze %dma_wait3A_173 : memref<1x128x128xf32, #tpu.memory_space<hbm>> -> memref<128x128xf32, #tpu.memory_space<hbm>>
      %dma_wait3A_175 = arith.constant 0 : i32
      %dma_wait3A_176 = tpu.memref_slice %arg5[%arg0, %add3A_156, %dma_wait3A_175] : memref<2x10240x128xf32, #tpu.memory_space<hbm>> -> memref<1x128x128xf32, #tpu.memory_space<hbm>>
      %dma_wait3A_177 = tpu.memref_squeeze %dma_wait3A_176 : memref<1x128x128xf32, #tpu.memory_space<hbm>> -> memref<128x128xf32, #tpu.memory_space<hbm>>
      tpu.wait_dma2 semaphore(%run_scoped3A : memref<!tpu.dma_semaphore, #tpu.memory_space<semaphore_mem>>) src(%arg11 : memref<128x128xf32, #tpu.memory_space<vmem>>) dst(%dma_wait3A_177 : memref<128x128xf32, #tpu.memory_space<hbm>>)
      tpu.yield
    }) : () -> ()
    %mul3A_157 = arith.constant 640 : i32
    %mul3A_158 = arith.muli %arg1, %mul3A_157 : i32
    %add3A_159 = arith.constant 384 : i32
    %add3A_160 = arith.addi %mul3A_158, %add3A_159 : i32
    "tpu.region"() ({
      %run_scoped3A = tpu.sem_alloc : memref<!tpu.dma_semaphore, #tpu.memory_space<semaphore_mem>>
      %dma_start3A_166 = arith.constant 0 : i32
      %dma_start3A_167 = tpu.memref_slice %arg12[%add3A_160, %dma_start3A_166] : memref<10240x128xf32, #tpu.memory_space<vmem_shared>> -> memref<128x128xf32, #tpu.memory_space<vmem_shared>>
      %dma_start3A_168 = arith.constant 0 : i32
      %dma_start3A_169 = tpu.memref_slice %arg12[%add3A_160, %dma_start3A_168] : memref<10240x128xf32, #tpu.memory_space<vmem_shared>> -> memref<128x128xf32, #tpu.memory_space<vmem_shared>>
      tpu.enqueue_dma source(%dma_start3A_169 : memref<128x128xf32, #tpu.memory_space<vmem_shared>>) target(%arg11 : memref<128x128xf32, #tpu.memory_space<vmem>>) target_semaphore(%run_scoped3A : memref<!tpu.dma_semaphore, #tpu.memory_space<semaphore_mem>>)
      %dma_wait3A_170 = arith.constant 0 : i32
      %dma_wait3A_171 = tpu.memref_slice %arg12[%add3A_160, %dma_wait3A_170] : memref<10240x128xf32, #tpu.memory_space<vmem_shared>> -> memref<128x128xf32, #tpu.memory_space<vmem_shared>>
      %dma_wait3A_172 = arith.constant 0 : i32
      %dma_wait3A_173 = tpu.memref_slice %arg12[%add3A_160, %dma_wait3A_172] : memref<10240x128xf32, #tpu.memory_space<vmem_shared>> -> memref<128x128xf32, #tpu.memory_space<vmem_shared>>
      tpu.wait_dma2 semaphore(%run_scoped3A : memref<!tpu.dma_semaphore, #tpu.memory_space<semaphore_mem>>) src(%dma_wait3A_173 : memref<128x128xf32, #tpu.memory_space<vmem_shared>>) dst(%arg11 : memref<128x128xf32, #tpu.memory_space<vmem>>)
      tpu.yield
    }) : () -> ()
    "tpu.region"() ({
      %run_scoped3A = tpu.sem_alloc : memref<!tpu.dma_semaphore, #tpu.memory_space<semaphore_mem>>
      %dma_start3A_166 = arith.constant 0 : i32
      %dma_start3A_167 = tpu.memref_slice %arg5[%arg0, %add3A_160, %dma_start3A_166] : memref<2x10240x128xf32, #tpu.memory_space<hbm>> -> memref<1x128x128xf32, #tpu.memory_space<hbm>>
      %dma_start3A_168 = tpu.memref_squeeze %dma_start3A_167 : memref<1x128x128xf32, #tpu.memory_space<hbm>> -> memref<128x128xf32, #tpu.memory_space<hbm>>
      %dma_start3A_169 = arith.constant 0 : i32
      %dma_start3A_170 = tpu.memref_slice %arg5[%arg0, %add3A_160, %dma_start3A_169] : memref<2x10240x128xf32, #tpu.memory_space<hbm>> -> memref<1x128x128xf32, #tpu.memory_space<hbm>>
      %dma_start3A_171 = tpu.memref_squeeze %dma_start3A_170 : memref<1x128x128xf32, #tpu.memory_space<hbm>> -> memref<128x128xf32, #tpu.memory_space<hbm>>
      tpu.enqueue_dma source(%arg11 : memref<128x128xf32, #tpu.memory_space<vmem>>) target(%dma_start3A_171 : memref<128x128xf32, #tpu.memory_space<hbm>>) target_semaphore(%run_scoped3A : memref<!tpu.dma_semaphore, #tpu.memory_space<semaphore_mem>>)
      %dma_wait3A_172 = arith.constant 0 : i32
      %dma_wait3A_173 = tpu.memref_slice %arg5[%arg0, %add3A_160, %dma_wait3A_172] : memref<2x10240x128xf32, #tpu.memory_space<hbm>> -> memref<1x128x128xf32, #tpu.memory_space<hbm>>
      %dma_wait3A_174 = tpu.memref_squeeze %dma_wait3A_173 : memref<1x128x128xf32, #tpu.memory_space<hbm>> -> memref<128x128xf32, #tpu.memory_space<hbm>>
      %dma_wait3A_175 = arith.constant 0 : i32
      %dma_wait3A_176 = tpu.memref_slice %arg5[%arg0, %add3A_160, %dma_wait3A_175] : memref<2x10240x128xf32, #tpu.memory_space<hbm>> -> memref<1x128x128xf32, #tpu.memory_space<hbm>>
      %dma_wait3A_177 = tpu.memref_squeeze %dma_wait3A_176 : memref<1x128x128xf32, #tpu.memory_space<hbm>> -> memref<128x128xf32, #tpu.memory_space<hbm>>
      tpu.wait_dma2 semaphore(%run_scoped3A : memref<!tpu.dma_semaphore, #tpu.memory_space<semaphore_mem>>) src(%arg11 : memref<128x128xf32, #tpu.memory_space<vmem>>) dst(%dma_wait3A_177 : memref<128x128xf32, #tpu.memory_space<hbm>>)
      tpu.yield
    }) : () -> ()
    %mul3A_161 = arith.constant 640 : i32
    %mul3A_162 = arith.muli %arg1, %mul3A_161 : i32
    %add3A_163 = arith.constant 512 : i32
    %add3A_164 = arith.addi %mul3A_162, %add3A_163 : i32
    "tpu.region"() ({
      %run_scoped3A = tpu.sem_alloc : memref<!tpu.dma_semaphore, #tpu.memory_space<semaphore_mem>>
      %dma_start3A_166 = arith.constant 0 : i32
      %dma_start3A_167 = tpu.memref_slice %arg12[%add3A_164, %dma_start3A_166] : memref<10240x128xf32, #tpu.memory_space<vmem_shared>> -> memref<128x128xf32, #tpu.memory_space<vmem_shared>>
      %dma_start3A_168 = arith.constant 0 : i32
      %dma_start3A_169 = tpu.memref_slice %arg12[%add3A_164, %dma_start3A_168] : memref<10240x128xf32, #tpu.memory_space<vmem_shared>> -> memref<128x128xf32, #tpu.memory_space<vmem_shared>>
      tpu.enqueue_dma source(%dma_start3A_169 : memref<128x128xf32, #tpu.memory_space<vmem_shared>>) target(%arg11 : memref<128x128xf32, #tpu.memory_space<vmem>>) target_semaphore(%run_scoped3A : memref<!tpu.dma_semaphore, #tpu.memory_space<semaphore_mem>>)
      %dma_wait3A_170 = arith.constant 0 : i32
      %dma_wait3A_171 = tpu.memref_slice %arg12[%add3A_164, %dma_wait3A_170] : memref<10240x128xf32, #tpu.memory_space<vmem_shared>> -> memref<128x128xf32, #tpu.memory_space<vmem_shared>>
      %dma_wait3A_172 = arith.constant 0 : i32
      %dma_wait3A_173 = tpu.memref_slice %arg12[%add3A_164, %dma_wait3A_172] : memref<10240x128xf32, #tpu.memory_space<vmem_shared>> -> memref<128x128xf32, #tpu.memory_space<vmem_shared>>
      tpu.wait_dma2 semaphore(%run_scoped3A : memref<!tpu.dma_semaphore, #tpu.memory_space<semaphore_mem>>) src(%dma_wait3A_173 : memref<128x128xf32, #tpu.memory_space<vmem_shared>>) dst(%arg11 : memref<128x128xf32, #tpu.memory_space<vmem>>)
      tpu.yield
    }) : () -> ()
    "tpu.region"() ({
      %run_scoped3A = tpu.sem_alloc : memref<!tpu.dma_semaphore, #tpu.memory_space<semaphore_mem>>
      %dma_start3A_166 = arith.constant 0 : i32
      %dma_start3A_167 = tpu.memref_slice %arg5[%arg0, %add3A_164, %dma_start3A_166] : memref<2x10240x128xf32, #tpu.memory_space<hbm>> -> memref<1x128x128xf32, #tpu.memory_space<hbm>>
      %dma_start3A_168 = tpu.memref_squeeze %dma_start3A_167 : memref<1x128x128xf32, #tpu.memory_space<hbm>> -> memref<128x128xf32, #tpu.memory_space<hbm>>
      %dma_start3A_169 = arith.constant 0 : i32
      %dma_start3A_170 = tpu.memref_slice %arg5[%arg0, %add3A_164, %dma_start3A_169] : memref<2x10240x128xf32, #tpu.memory_space<hbm>> -> memref<1x128x128xf32, #tpu.memory_space<hbm>>
      %dma_start3A_171 = tpu.memref_squeeze %dma_start3A_170 : memref<1x128x128xf32, #tpu.memory_space<hbm>> -> memref<128x128xf32, #tpu.memory_space<hbm>>
      tpu.enqueue_dma source(%arg11 : memref<128x128xf32, #tpu.memory_space<vmem>>) target(%dma_start3A_171 : memref<128x128xf32, #tpu.memory_space<hbm>>) target_semaphore(%run_scoped3A : memref<!tpu.dma_semaphore, #tpu.memory_space<semaphore_mem>>)
      %dma_wait3A_172 = arith.constant 0 : i32
      %dma_wait3A_173 = tpu.memref_slice %arg5[%arg0, %add3A_164, %dma_wait3A_172] : memref<2x10240x128xf32, #tpu.memory_space<hbm>> -> memref<1x128x128xf32, #tpu.memory_space<hbm>>
      %dma_wait3A_174 = tpu.memref_squeeze %dma_wait3A_173 : memref<1x128x128xf32, #tpu.memory_space<hbm>> -> memref<128x128xf32, #tpu.memory_space<hbm>>
      %dma_wait3A_175 = arith.constant 0 : i32
      %dma_wait3A_176 = tpu.memref_slice %arg5[%arg0, %add3A_164, %dma_wait3A_175] : memref<2x10240x128xf32, #tpu.memory_space<hbm>> -> memref<1x128x128xf32, #tpu.memory_space<hbm>>
      %dma_wait3A_177 = tpu.memref_squeeze %dma_wait3A_176 : memref<1x128x128xf32, #tpu.memory_space<hbm>> -> memref<128x128xf32, #tpu.memory_space<hbm>>
      tpu.wait_dma2 semaphore(%run_scoped3A : memref<!tpu.dma_semaphore, #tpu.memory_space<semaphore_mem>>) src(%arg11 : memref<128x128xf32, #tpu.memory_space<vmem>>) dst(%dma_wait3A_177 : memref<128x128xf32, #tpu.memory_space<hbm>>)
      tpu.yield
    }) : () -> ()
    %barrier3A_165 = arith.constant 0 : index
    tpu.barrier barrier_id(%barrier3A_165)
    return
  }
}

#map = affine_map<(d0, d1) -> (0, 0)>
#map1 = affine_map<(d0, d1) -> (0)>
#map2 = affine_map<(d0, d1) -> (0, 0, 0)>
module attributes {stable_mosaic.version = 14 : i64} {
  func.func @agg(%arg0: i32, %arg1: i32, %arg2: memref<10000x128xf32, #tpu.memory_space<hbm>>, %arg3: memref<320000xi32, #tpu.memory_space<hbm>>, %arg4: memref<320000xi32, #tpu.memory_space<hbm>>, %arg5: memref<2x10240x128xf32, #tpu.memory_space<hbm>>, %arg6: memref<128xi32, #tpu.memory_space<vmem>>, %arg7: memref<128xi32, #tpu.memory_space<vmem>>, %arg8: memref<128xi32, #tpu.memory_space<vmem>>, %arg9: memref<128xi32, #tpu.memory_space<vmem>>, %arg10: memref<16xi32, #tpu.memory_space<vmem>>, %arg11: memref<16xi32, #tpu.memory_space<vmem>>, %arg12: memref<128x128xf32, #tpu.memory_space<vmem>>, %arg13: memref<128x128xf32, #tpu.memory_space<vmem>>, %arg14: memref<16x128xf32, #tpu.memory_space<vmem>>, %arg15: memref<10240x128xf32, #tpu.memory_space<vmem_shared>>, %arg16: memref<!tpu.dma_semaphore, #tpu.memory_space<semaphore_mem>>, %arg17: memref<!tpu.dma_semaphore, #tpu.memory_space<semaphore_mem>>) attributes {dimension_semantics = [#tpu.dimension_semantics<core_parallel>, #tpu.dimension_semantics<subcore_parallel>], iteration_bounds = array<i64: 2, 16>, scalar_prefetch = 0 : i64, scratch_operands = 12 : i64, tpu.core_type = #tpu.core_type<sc_vector_subcore>, window_params = [{transform_indices = #map}, {transform_indices = #map1}, {transform_indices = #map1}, {transform_indices = #map2}]} {
    %mul3A = arith.constant 2 : i32
    %mul3A_0 = arith.muli %arg1, %mul3A : i32
    %add3A = arith.addi %mul3A_0, %arg0 : i32
    %mul3A_1 = arith.constant 10000 : i32
    %mul3A_2 = arith.muli %add3A, %mul3A_1 : i32
    %broadcast_in_dim3A = arith.constant 0.000000e+00 : f32
    %broadcast_in_dim3A_3 = vector.broadcast %broadcast_in_dim3A : f32 to vector<16xf32>
    %scan3A = arith.constant 0 : i32
    %scan3A_4 = arith.constant 0 : i32
    %scan3A_5 = arith.constant 128 : i32
    %scan3A_6 = arith.addi %scan3A_4, %scan3A_5 : i32
    %scan3A_7 = arith.constant 1 : i32
    %scan3A_8 = scf.for %scan3A_80 = %scan3A_4 to %scan3A_6 step %scan3A_7 iter_args(%scan3A_81 = %scan3A) -> (i32)  : i32 {
      %swap3A = arith.index_cast %scan3A_80 : i32 to index
      %swap3A_82 = arith.constant 0 : index
      %swap3A_83 = tpu.vector_load %arg12[%swap3A, %swap3A_82] {strides = array<i32>} : memref<128x128xf32, #tpu.memory_space<vmem>>, vector<1x16xf32>,
      %swap3A_84 = vector.shape_cast %swap3A_83 : vector<1x16xf32> to vector<16xf32>
      %swap3A_85 = vector.shape_cast %broadcast_in_dim3A_3 : vector<16xf32> to vector<1x16xf32>
      tpu.vector_store %arg12[%swap3A, %swap3A_82], %swap3A_85 {strides = array<i32>} : memref<128x128xf32, #tpu.memory_space<vmem>>, vector<1x16xf32>,
      %swap3A_86 = arith.index_cast %scan3A_80 : i32 to index
      %swap3A_87 = arith.constant 16 : index
      %swap3A_88 = tpu.vector_load %arg12[%swap3A_86, %swap3A_87] {strides = array<i32>} : memref<128x128xf32, #tpu.memory_space<vmem>>, vector<1x16xf32>,
      %swap3A_89 = vector.shape_cast %swap3A_88 : vector<1x16xf32> to vector<16xf32>
      %swap3A_90 = vector.shape_cast %broadcast_in_dim3A_3 : vector<16xf32> to vector<1x16xf32>
      tpu.vector_store %arg12[%swap3A_86, %swap3A_87], %swap3A_90 {strides = array<i32>} : memref<128x128xf32, #tpu.memory_space<vmem>>, vector<1x16xf32>,
      %swap3A_91 = arith.index_cast %scan3A_80 : i32 to index
      %swap3A_92 = arith.constant 32 : index
      %swap3A_93 = tpu.vector_load %arg12[%swap3A_91, %swap3A_92] {strides = array<i32>} : memref<128x128xf32, #tpu.memory_space<vmem>>, vector<1x16xf32>,
      %swap3A_94 = vector.shape_cast %swap3A_93 : vector<1x16xf32> to vector<16xf32>
      %swap3A_95 = vector.shape_cast %broadcast_in_dim3A_3 : vector<16xf32> to vector<1x16xf32>
      tpu.vector_store %arg12[%swap3A_91, %swap3A_92], %swap3A_95 {strides = array<i32>} : memref<128x128xf32, #tpu.memory_space<vmem>>, vector<1x16xf32>,
      %swap3A_96 = arith.index_cast %scan3A_80 : i32 to index
      %swap3A_97 = arith.constant 48 : index
      %swap3A_98 = tpu.vector_load %arg12[%swap3A_96, %swap3A_97] {strides = array<i32>} : memref<128x128xf32, #tpu.memory_space<vmem>>, vector<1x16xf32>,
      %swap3A_99 = vector.shape_cast %swap3A_98 : vector<1x16xf32> to vector<16xf32>
      %swap3A_100 = vector.shape_cast %broadcast_in_dim3A_3 : vector<16xf32> to vector<1x16xf32>
      tpu.vector_store %arg12[%swap3A_96, %swap3A_97], %swap3A_100 {strides = array<i32>} : memref<128x128xf32, #tpu.memory_space<vmem>>, vector<1x16xf32>,
      %swap3A_101 = arith.index_cast %scan3A_80 : i32 to index
      %swap3A_102 = arith.constant 64 : index
      %swap3A_103 = tpu.vector_load %arg12[%swap3A_101, %swap3A_102] {strides = array<i32>} : memref<128x128xf32, #tpu.memory_space<vmem>>, vector<1x16xf32>,
      %swap3A_104 = vector.shape_cast %swap3A_103 : vector<1x16xf32> to vector<16xf32>
      %swap3A_105 = vector.shape_cast %broadcast_in_dim3A_3 : vector<16xf32> to vector<1x16xf32>
      tpu.vector_store %arg12[%swap3A_101, %swap3A_102], %swap3A_105 {strides = array<i32>} : memref<128x128xf32, #tpu.memory_space<vmem>>, vector<1x16xf32>,
      %swap3A_106 = arith.index_cast %scan3A_80 : i32 to index
      %swap3A_107 = arith.constant 80 : index
      %swap3A_108 = tpu.vector_load %arg12[%swap3A_106, %swap3A_107] {strides = array<i32>} : memref<128x128xf32, #tpu.memory_space<vmem>>, vector<1x16xf32>,
      %swap3A_109 = vector.shape_cast %swap3A_108 : vector<1x16xf32> to vector<16xf32>
      %swap3A_110 = vector.shape_cast %broadcast_in_dim3A_3 : vector<16xf32> to vector<1x16xf32>
      tpu.vector_store %arg12[%swap3A_106, %swap3A_107], %swap3A_110 {strides = array<i32>} : memref<128x128xf32, #tpu.memory_space<vmem>>, vector<1x16xf32>,
      %swap3A_111 = arith.index_cast %scan3A_80 : i32 to index
      %swap3A_112 = arith.constant 96 : index
      %swap3A_113 = tpu.vector_load %arg12[%swap3A_111, %swap3A_112] {strides = array<i32>} : memref<128x128xf32, #tpu.memory_space<vmem>>, vector<1x16xf32>,
      %swap3A_114 = vector.shape_cast %swap3A_113 : vector<1x16xf32> to vector<16xf32>
      %swap3A_115 = vector.shape_cast %broadcast_in_dim3A_3 : vector<16xf32> to vector<1x16xf32>
      tpu.vector_store %arg12[%swap3A_111, %swap3A_112], %swap3A_115 {strides = array<i32>} : memref<128x128xf32, #tpu.memory_space<vmem>>, vector<1x16xf32>,
      %swap3A_116 = arith.index_cast %scan3A_80 : i32 to index
      %swap3A_117 = arith.constant 112 : index
      %swap3A_118 = tpu.vector_load %arg12[%swap3A_116, %swap3A_117] {strides = array<i32>} : memref<128x128xf32, #tpu.memory_space<vmem>>, vector<1x16xf32>,
      %swap3A_119 = vector.shape_cast %swap3A_118 : vector<1x16xf32> to vector<16xf32>
      %swap3A_120 = vector.shape_cast %broadcast_in_dim3A_3 : vector<16xf32> to vector<1x16xf32>
      tpu.vector_store %arg12[%swap3A_116, %swap3A_117], %swap3A_120 {strides = array<i32>} : memref<128x128xf32, #tpu.memory_space<vmem>>, vector<1x16xf32>,
      %scan3A_121 = arith.constant 0 : i32
      scf.yield %scan3A_121 : i32
    }
    %scan3A_9 = arith.constant 128 : i32
    %mul3A_10 = arith.constant 640 : i32
    %mul3A_11 = arith.muli %arg1, %mul3A_10 : i32
    %add3A_12 = arith.constant 0 : i32
    %add3A_13 = arith.addi %mul3A_11, %add3A_12 : i32
    "tpu.region"() ({
      %run_scoped3A = tpu.sem_alloc : memref<!tpu.dma_semaphore, #tpu.memory_space<semaphore_mem>>
      %dma_start3A_80 = arith.constant 0 : i32
      %dma_start3A_81 = tpu.memref_slice %arg15[%add3A_13, %dma_start3A_80] : memref<10240x128xf32, #tpu.memory_space<vmem_shared>> -> memref<128x128xf32, #tpu.memory_space<vmem_shared>>
      %dma_start3A_82 = arith.constant 0 : i32
      %dma_start3A_83 = tpu.memref_slice %arg15[%add3A_13, %dma_start3A_82] : memref<10240x128xf32, #tpu.memory_space<vmem_shared>> -> memref<128x128xf32, #tpu.memory_space<vmem_shared>>
      tpu.enqueue_dma source(%arg12 : memref<128x128xf32, #tpu.memory_space<vmem>>) target(%dma_start3A_83 : memref<128x128xf32, #tpu.memory_space<vmem_shared>>) target_semaphore(%run_scoped3A : memref<!tpu.dma_semaphore, #tpu.memory_space<semaphore_mem>>)
      %dma_wait3A_84 = arith.constant 0 : i32
      %dma_wait3A_85 = tpu.memref_slice %arg15[%add3A_13, %dma_wait3A_84] : memref<10240x128xf32, #tpu.memory_space<vmem_shared>> -> memref<128x128xf32, #tpu.memory_space<vmem_shared>>
      %dma_wait3A_86 = arith.constant 0 : i32
      %dma_wait3A_87 = tpu.memref_slice %arg15[%add3A_13, %dma_wait3A_86] : memref<10240x128xf32, #tpu.memory_space<vmem_shared>> -> memref<128x128xf32, #tpu.memory_space<vmem_shared>>
      tpu.wait_dma2 semaphore(%run_scoped3A : memref<!tpu.dma_semaphore, #tpu.memory_space<semaphore_mem>>) src(%arg12 : memref<128x128xf32, #tpu.memory_space<vmem>>) dst(%dma_wait3A_87 : memref<128x128xf32, #tpu.memory_space<vmem_shared>>)
      tpu.yield
    }) : () -> ()
    %mul3A_14 = arith.constant 640 : i32
    %mul3A_15 = arith.muli %arg1, %mul3A_14 : i32
    %add3A_16 = arith.constant 128 : i32
    %add3A_17 = arith.addi %mul3A_15, %add3A_16 : i32
    "tpu.region"() ({
      %run_scoped3A = tpu.sem_alloc : memref<!tpu.dma_semaphore, #tpu.memory_space<semaphore_mem>>
      %dma_start3A_80 = arith.constant 0 : i32
      %dma_start3A_81 = tpu.memref_slice %arg15[%add3A_17, %dma_start3A_80] : memref<10240x128xf32, #tpu.memory_space<vmem_shared>> -> memref<128x128xf32, #tpu.memory_space<vmem_shared>>
      %dma_start3A_82 = arith.constant 0 : i32
      %dma_start3A_83 = tpu.memref_slice %arg15[%add3A_17, %dma_start3A_82] : memref<10240x128xf32, #tpu.memory_space<vmem_shared>> -> memref<128x128xf32, #tpu.memory_space<vmem_shared>>
      tpu.enqueue_dma source(%arg12 : memref<128x128xf32, #tpu.memory_space<vmem>>) target(%dma_start3A_83 : memref<128x128xf32, #tpu.memory_space<vmem_shared>>) target_semaphore(%run_scoped3A : memref<!tpu.dma_semaphore, #tpu.memory_space<semaphore_mem>>)
      %dma_wait3A_84 = arith.constant 0 : i32
      %dma_wait3A_85 = tpu.memref_slice %arg15[%add3A_17, %dma_wait3A_84] : memref<10240x128xf32, #tpu.memory_space<vmem_shared>> -> memref<128x128xf32, #tpu.memory_space<vmem_shared>>
      %dma_wait3A_86 = arith.constant 0 : i32
      %dma_wait3A_87 = tpu.memref_slice %arg15[%add3A_17, %dma_wait3A_86] : memref<10240x128xf32, #tpu.memory_space<vmem_shared>> -> memref<128x128xf32, #tpu.memory_space<vmem_shared>>
      tpu.wait_dma2 semaphore(%run_scoped3A : memref<!tpu.dma_semaphore, #tpu.memory_space<semaphore_mem>>) src(%arg12 : memref<128x128xf32, #tpu.memory_space<vmem>>) dst(%dma_wait3A_87 : memref<128x128xf32, #tpu.memory_space<vmem_shared>>)
      tpu.yield
    }) : () -> ()
    %mul3A_18 = arith.constant 640 : i32
    %mul3A_19 = arith.muli %arg1, %mul3A_18 : i32
    %add3A_20 = arith.constant 256 : i32
    %add3A_21 = arith.addi %mul3A_19, %add3A_20 : i32
    "tpu.region"() ({
      %run_scoped3A = tpu.sem_alloc : memref<!tpu.dma_semaphore, #tpu.memory_space<semaphore_mem>>
      %dma_start3A_80 = arith.constant 0 : i32
      %dma_start3A_81 = tpu.memref_slice %arg15[%add3A_21, %dma_start3A_80] : memref<10240x128xf32, #tpu.memory_space<vmem_shared>> -> memref<128x128xf32, #tpu.memory_space<vmem_shared>>
      %dma_start3A_82 = arith.constant 0 : i32
      %dma_start3A_83 = tpu.memref_slice %arg15[%add3A_21, %dma_start3A_82] : memref<10240x128xf32, #tpu.memory_space<vmem_shared>> -> memref<128x128xf32, #tpu.memory_space<vmem_shared>>
      tpu.enqueue_dma source(%arg12 : memref<128x128xf32, #tpu.memory_space<vmem>>) target(%dma_start3A_83 : memref<128x128xf32, #tpu.memory_space<vmem_shared>>) target_semaphore(%run_scoped3A : memref<!tpu.dma_semaphore, #tpu.memory_space<semaphore_mem>>)
      %dma_wait3A_84 = arith.constant 0 : i32
      %dma_wait3A_85 = tpu.memref_slice %arg15[%add3A_21, %dma_wait3A_84] : memref<10240x128xf32, #tpu.memory_space<vmem_shared>> -> memref<128x128xf32, #tpu.memory_space<vmem_shared>>
      %dma_wait3A_86 = arith.constant 0 : i32
      %dma_wait3A_87 = tpu.memref_slice %arg15[%add3A_21, %dma_wait3A_86] : memref<10240x128xf32, #tpu.memory_space<vmem_shared>> -> memref<128x128xf32, #tpu.memory_space<vmem_shared>>
      tpu.wait_dma2 semaphore(%run_scoped3A : memref<!tpu.dma_semaphore, #tpu.memory_space<semaphore_mem>>) src(%arg12 : memref<128x128xf32, #tpu.memory_space<vmem>>) dst(%dma_wait3A_87 : memref<128x128xf32, #tpu.memory_space<vmem_shared>>)
      tpu.yield
    }) : () -> ()
    %mul3A_22 = arith.constant 640 : i32
    %mul3A_23 = arith.muli %arg1, %mul3A_22 : i32
    %add3A_24 = arith.constant 384 : i32
    %add3A_25 = arith.addi %mul3A_23, %add3A_24 : i32
    "tpu.region"() ({
      %run_scoped3A = tpu.sem_alloc : memref<!tpu.dma_semaphore, #tpu.memory_space<semaphore_mem>>
      %dma_start3A_80 = arith.constant 0 : i32
      %dma_start3A_81 = tpu.memref_slice %arg15[%add3A_25, %dma_start3A_80] : memref<10240x128xf32, #tpu.memory_space<vmem_shared>> -> memref<128x128xf32, #tpu.memory_space<vmem_shared>>
      %dma_start3A_82 = arith.constant 0 : i32
      %dma_start3A_83 = tpu.memref_slice %arg15[%add3A_25, %dma_start3A_82] : memref<10240x128xf32, #tpu.memory_space<vmem_shared>> -> memref<128x128xf32, #tpu.memory_space<vmem_shared>>
      tpu.enqueue_dma source(%arg12 : memref<128x128xf32, #tpu.memory_space<vmem>>) target(%dma_start3A_83 : memref<128x128xf32, #tpu.memory_space<vmem_shared>>) target_semaphore(%run_scoped3A : memref<!tpu.dma_semaphore, #tpu.memory_space<semaphore_mem>>)
      %dma_wait3A_84 = arith.constant 0 : i32
      %dma_wait3A_85 = tpu.memref_slice %arg15[%add3A_25, %dma_wait3A_84] : memref<10240x128xf32, #tpu.memory_space<vmem_shared>> -> memref<128x128xf32, #tpu.memory_space<vmem_shared>>
      %dma_wait3A_86 = arith.constant 0 : i32
      %dma_wait3A_87 = tpu.memref_slice %arg15[%add3A_25, %dma_wait3A_86] : memref<10240x128xf32, #tpu.memory_space<vmem_shared>> -> memref<128x128xf32, #tpu.memory_space<vmem_shared>>
      tpu.wait_dma2 semaphore(%run_scoped3A : memref<!tpu.dma_semaphore, #tpu.memory_space<semaphore_mem>>) src(%arg12 : memref<128x128xf32, #tpu.memory_space<vmem>>) dst(%dma_wait3A_87 : memref<128x128xf32, #tpu.memory_space<vmem_shared>>)
      tpu.yield
    }) : () -> ()
    %mul3A_26 = arith.constant 640 : i32
    %mul3A_27 = arith.muli %arg1, %mul3A_26 : i32
    %add3A_28 = arith.constant 512 : i32
    %add3A_29 = arith.addi %mul3A_27, %add3A_28 : i32
    "tpu.region"() ({
      %run_scoped3A = tpu.sem_alloc : memref<!tpu.dma_semaphore, #tpu.memory_space<semaphore_mem>>
      %dma_start3A_80 = arith.constant 0 : i32
      %dma_start3A_81 = tpu.memref_slice %arg15[%add3A_29, %dma_start3A_80] : memref<10240x128xf32, #tpu.memory_space<vmem_shared>> -> memref<128x128xf32, #tpu.memory_space<vmem_shared>>
      %dma_start3A_82 = arith.constant 0 : i32
      %dma_start3A_83 = tpu.memref_slice %arg15[%add3A_29, %dma_start3A_82] : memref<10240x128xf32, #tpu.memory_space<vmem_shared>> -> memref<128x128xf32, #tpu.memory_space<vmem_shared>>
      tpu.enqueue_dma source(%arg12 : memref<128x128xf32, #tpu.memory_space<vmem>>) target(%dma_start3A_83 : memref<128x128xf32, #tpu.memory_space<vmem_shared>>) target_semaphore(%run_scoped3A : memref<!tpu.dma_semaphore, #tpu.memory_space<semaphore_mem>>)
      %dma_wait3A_84 = arith.constant 0 : i32
      %dma_wait3A_85 = tpu.memref_slice %arg15[%add3A_29, %dma_wait3A_84] : memref<10240x128xf32, #tpu.memory_space<vmem_shared>> -> memref<128x128xf32, #tpu.memory_space<vmem_shared>>
      %dma_wait3A_86 = arith.constant 0 : i32
      %dma_wait3A_87 = tpu.memref_slice %arg15[%add3A_29, %dma_wait3A_86] : memref<10240x128xf32, #tpu.memory_space<vmem_shared>> -> memref<128x128xf32, #tpu.memory_space<vmem_shared>>
      tpu.wait_dma2 semaphore(%run_scoped3A : memref<!tpu.dma_semaphore, #tpu.memory_space<semaphore_mem>>) src(%arg12 : memref<128x128xf32, #tpu.memory_space<vmem>>) dst(%dma_wait3A_87 : memref<128x128xf32, #tpu.memory_space<vmem_shared>>)
      tpu.yield
    }) : () -> ()
    %barrier3A = arith.constant 0 : index
    tpu.barrier barrier_id(%barrier3A)
    "tpu.region"() ({
      %run_scoped3A = tpu.sem_alloc : memref<!tpu.dma_semaphore, #tpu.memory_space<semaphore_mem>>
      %dma_start3A_80 = tpu.memref_slice %arg3[%mul3A_2] : memref<320000xi32, #tpu.memory_space<hbm>> -> memref<128xi32, #tpu.memory_space<hbm>>
      %dma_start3A_81 = tpu.memref_slice %arg3[%mul3A_2] : memref<320000xi32, #tpu.memory_space<hbm>> -> memref<128xi32, #tpu.memory_space<hbm>>
      tpu.enqueue_dma source(%dma_start3A_81 : memref<128xi32, #tpu.memory_space<hbm>>) target(%arg6 : memref<128xi32, #tpu.memory_space<vmem>>) target_semaphore(%run_scoped3A : memref<!tpu.dma_semaphore, #tpu.memory_space<semaphore_mem>>)
      %dma_wait3A_82 = tpu.memref_slice %arg3[%mul3A_2] : memref<320000xi32, #tpu.memory_space<hbm>> -> memref<128xi32, #tpu.memory_space<hbm>>
      %dma_wait3A_83 = tpu.memref_slice %arg3[%mul3A_2] : memref<320000xi32, #tpu.memory_space<hbm>> -> memref<128xi32, #tpu.memory_space<hbm>>
      tpu.wait_dma2 semaphore(%run_scoped3A : memref<!tpu.dma_semaphore, #tpu.memory_space<semaphore_mem>>) src(%dma_wait3A_83 : memref<128xi32, #tpu.memory_space<hbm>>) dst(%arg6 : memref<128xi32, #tpu.memory_space<vmem>>)
      tpu.yield
    }) : () -> ()
    %dma_start3A = arith.constant 0 : i32
    %dma_start3A_30 = arith.constant 0 : i32
    %dma_start3A_31 = tpu.memref_slice %arg2[%dma_start3A, %dma_start3A_30] : memref<10000x128xf32, #tpu.memory_space<hbm>> -> memref<10000x128xf32, #tpu.memory_space<hbm>>
    tpu.enqueue_indirect_dma source(%dma_start3A_31 : memref<10000x128xf32, #tpu.memory_space<hbm>>) target(%arg12 : memref<128x128xf32, #tpu.memory_space<vmem>>) offsets(%arg6 : memref<128xi32, #tpu.memory_space<vmem>>) semaphore(%arg16 : memref<!tpu.dma_semaphore, #tpu.memory_space<semaphore_mem>>)
    %scan3A_32 = arith.constant 0 : i32
    %scan3A_33 = arith.constant 0 : i32
    %scan3A_34 = arith.constant 38 : i32
    %scan3A_35 = arith.addi %scan3A_33, %scan3A_34 : i32
    %scan3A_36 = arith.constant 1 : i32
    %scan3A_37 = scf.for %scan3A_80 = %scan3A_33 to %scan3A_35 step %scan3A_36 iter_args(%scan3A_81 = %scan3A_32) -> (i32)  : i32 {
      %mul3A_82 = arith.constant 2 : i32
      %mul3A_83 = arith.muli %mul3A_82, %scan3A_80 : i32
      %mul3A_84 = arith.constant 128 : i32
      %mul3A_85 = arith.muli %mul3A_83, %mul3A_84 : i32
      %add3A_86 = arith.addi %mul3A_2, %mul3A_85 : i32
      %add3A_87 = arith.constant 128 : i32
      %add3A_88 = arith.addi %add3A_86, %add3A_87 : i32
      "tpu.region"() ({
        %run_scoped3A = tpu.sem_alloc : memref<!tpu.dma_semaphore, #tpu.memory_space<semaphore_mem>>
        %dma_start3A_104 = tpu.memref_slice %arg3[%add3A_88] : memref<320000xi32, #tpu.memory_space<hbm>> -> memref<128xi32, #tpu.memory_space<hbm>>
        %dma_start3A_105 = tpu.memref_slice %arg3[%add3A_88] : memref<320000xi32, #tpu.memory_space<hbm>> -> memref<128xi32, #tpu.memory_space<hbm>>
        tpu.enqueue_dma source(%dma_start3A_105 : memref<128xi32, #tpu.memory_space<hbm>>) target(%arg7 : memref<128xi32, #tpu.memory_space<vmem>>) target_semaphore(%run_scoped3A : memref<!tpu.dma_semaphore, #tpu.memory_space<semaphore_mem>>)
        %dma_wait3A_106 = tpu.memref_slice %arg3[%add3A_88] : memref<320000xi32, #tpu.memory_space<hbm>> -> memref<128xi32, #tpu.memory_space<hbm>>
        %dma_wait3A_107 = tpu.memref_slice %arg3[%add3A_88] : memref<320000xi32, #tpu.memory_space<hbm>> -> memref<128xi32, #tpu.memory_space<hbm>>
        tpu.wait_dma2 semaphore(%run_scoped3A : memref<!tpu.dma_semaphore, #tpu.memory_space<semaphore_mem>>) src(%dma_wait3A_107 : memref<128xi32, #tpu.memory_space<hbm>>) dst(%arg7 : memref<128xi32, #tpu.memory_space<vmem>>)
        tpu.yield
      }) : () -> ()
      %dma_start3A_89 = arith.constant 0 : i32
      %dma_start3A_90 = arith.constant 0 : i32
      %dma_start3A_91 = tpu.memref_slice %arg2[%dma_start3A_89, %dma_start3A_90] : memref<10000x128xf32, #tpu.memory_space<hbm>> -> memref<10000x128xf32, #tpu.memory_space<hbm>>
      tpu.enqueue_indirect_dma source(%dma_start3A_91 : memref<10000x128xf32, #tpu.memory_space<hbm>>) target(%arg13 : memref<128x128xf32, #tpu.memory_space<vmem>>) offsets(%arg7 : memref<128xi32, #tpu.memory_space<vmem>>) semaphore(%arg17 : memref<!tpu.dma_semaphore, #tpu.memory_space<semaphore_mem>>)
      "tpu.region"() ({
        %run_scoped3A = tpu.sem_alloc : memref<!tpu.dma_semaphore, #tpu.memory_space<semaphore_mem>>
        %dma_start3A_104 = tpu.memref_slice %arg4[%add3A_86] : memref<320000xi32, #tpu.memory_space<hbm>> -> memref<128xi32, #tpu.memory_space<hbm>>
        %dma_start3A_105 = tpu.memref_slice %arg4[%add3A_86] : memref<320000xi32, #tpu.memory_space<hbm>> -> memref<128xi32, #tpu.memory_space<hbm>>
        tpu.enqueue_dma source(%dma_start3A_105 : memref<128xi32, #tpu.memory_space<hbm>>) target(%arg8 : memref<128xi32, #tpu.memory_space<vmem>>) target_semaphore(%run_scoped3A : memref<!tpu.dma_semaphore, #tpu.memory_space<semaphore_mem>>)
        %dma_wait3A_106 = tpu.memref_slice %arg4[%add3A_86] : memref<320000xi32, #tpu.memory_space<hbm>> -> memref<128xi32, #tpu.memory_space<hbm>>
        %dma_wait3A_107 = tpu.memref_slice %arg4[%add3A_86] : memref<320000xi32, #tpu.memory_space<hbm>> -> memref<128xi32, #tpu.memory_space<hbm>>
        tpu.wait_dma2 semaphore(%run_scoped3A : memref<!tpu.dma_semaphore, #tpu.memory_space<semaphore_mem>>) src(%dma_wait3A_107 : memref<128xi32, #tpu.memory_space<hbm>>) dst(%arg8 : memref<128xi32, #tpu.memory_space<vmem>>)
        tpu.yield
      }) : () -> ()
      %dma_wait3A_92 = arith.constant 0 : i32
      %dma_wait3A_93 = arith.constant 0 : i32
      %dma_wait3A_94 = tpu.memref_slice %arg2[%dma_wait3A_92, %dma_wait3A_93] : memref<10000x128xf32, #tpu.memory_space<hbm>> -> memref<10000x128xf32, #tpu.memory_space<hbm>>
      tpu.wait_indirect_dma semaphore(%arg16 : memref<!tpu.dma_semaphore, #tpu.memory_space<semaphore_mem>>) src(%dma_wait3A_94 : memref<10000x128xf32, #tpu.memory_space<hbm>>) dst(%arg12 : memref<128x128xf32, #tpu.memory_space<vmem>>)
      "tpu.region"() ({
        %run_scoped3A = tpu.sem_alloc : memref<!tpu.dma_semaphore, #tpu.memory_space<semaphore_mem>>
        %dma_start3A_104 = arith.constant 0 : i32
        %dma_start3A_105 = arith.constant 0 : i32
        %dma_start3A_106 = tpu.memref_slice %arg15[%dma_start3A_104, %dma_start3A_105] : memref<10240x128xf32, #tpu.memory_space<vmem_shared>> -> memref<10240x128xf32, #tpu.memory_space<vmem_shared>>
        tpu.enqueue_indirect_dma source(%arg12 : memref<128x128xf32, #tpu.memory_space<vmem>>) target(%dma_start3A_106 : memref<10240x128xf32, #tpu.memory_space<vmem_shared>>) offsets(%arg8 : memref<128xi32, #tpu.memory_space<vmem>>) semaphore(%run_scoped3A : memref<!tpu.dma_semaphore, #tpu.memory_space<semaphore_mem>>) {add = true}
        %dma_wait3A_107 = arith.constant 0 : i32
        %dma_wait3A_108 = arith.constant 0 : i32
        %dma_wait3A_109 = tpu.memref_slice %arg15[%dma_wait3A_107, %dma_wait3A_108] : memref<10240x128xf32, #tpu.memory_space<vmem_shared>> -> memref<10240x128xf32, #tpu.memory_space<vmem_shared>>
        tpu.wait_indirect_dma semaphore(%run_scoped3A : memref<!tpu.dma_semaphore, #tpu.memory_space<semaphore_mem>>) src(%arg12 : memref<128x128xf32, #tpu.memory_space<vmem>>) dst(%dma_wait3A_109 : memref<10240x128xf32, #tpu.memory_space<vmem_shared>>)
        tpu.yield
      }) : () -> ()
      %add3A_95 = arith.constant 256 : i32
      %add3A_96 = arith.addi %add3A_86, %add3A_95 : i32
      "tpu.region"() ({
        %run_scoped3A = tpu.sem_alloc : memref<!tpu.dma_semaphore, #tpu.memory_space<semaphore_mem>>
        %dma_start3A_104 = tpu.memref_slice %arg3[%add3A_96] : memref<320000xi32, #tpu.memory_space<hbm>> -> memref<128xi32, #tpu.memory_space<hbm>>
        %dma_start3A_105 = tpu.memref_slice %arg3[%add3A_96] : memref<320000xi32, #tpu.memory_space<hbm>> -> memref<128xi32, #tpu.memory_space<hbm>>
        tpu.enqueue_dma source(%dma_start3A_105 : memref<128xi32, #tpu.memory_space<hbm>>) target(%arg6 : memref<128xi32, #tpu.memory_space<vmem>>) target_semaphore(%run_scoped3A : memref<!tpu.dma_semaphore, #tpu.memory_space<semaphore_mem>>)
        %dma_wait3A_106 = tpu.memref_slice %arg3[%add3A_96] : memref<320000xi32, #tpu.memory_space<hbm>> -> memref<128xi32, #tpu.memory_space<hbm>>
        %dma_wait3A_107 = tpu.memref_slice %arg3[%add3A_96] : memref<320000xi32, #tpu.memory_space<hbm>> -> memref<128xi32, #tpu.memory_space<hbm>>
        tpu.wait_dma2 semaphore(%run_scoped3A : memref<!tpu.dma_semaphore, #tpu.memory_space<semaphore_mem>>) src(%dma_wait3A_107 : memref<128xi32, #tpu.memory_space<hbm>>) dst(%arg6 : memref<128xi32, #tpu.memory_space<vmem>>)
        tpu.yield
      }) : () -> ()
      %dma_start3A_97 = arith.constant 0 : i32
      %dma_start3A_98 = arith.constant 0 : i32
      %dma_start3A_99 = tpu.memref_slice %arg2[%dma_start3A_97, %dma_start3A_98] : memref<10000x128xf32, #tpu.memory_space<hbm>> -> memref<10000x128xf32, #tpu.memory_space<hbm>>
      tpu.enqueue_indirect_dma source(%dma_start3A_99 : memref<10000x128xf32, #tpu.memory_space<hbm>>) target(%arg12 : memref<128x128xf32, #tpu.memory_space<vmem>>) offsets(%arg6 : memref<128xi32, #tpu.memory_space<vmem>>) semaphore(%arg16 : memref<!tpu.dma_semaphore, #tpu.memory_space<semaphore_mem>>)
      "tpu.region"() ({
        %run_scoped3A = tpu.sem_alloc : memref<!tpu.dma_semaphore, #tpu.memory_space<semaphore_mem>>
        %dma_start3A_104 = tpu.memref_slice %arg4[%add3A_88] : memref<320000xi32, #tpu.memory_space<hbm>> -> memref<128xi32, #tpu.memory_space<hbm>>
        %dma_start3A_105 = tpu.memref_slice %arg4[%add3A_88] : memref<320000xi32, #tpu.memory_space<hbm>> -> memref<128xi32, #tpu.memory_space<hbm>>
        tpu.enqueue_dma source(%dma_start3A_105 : memref<128xi32, #tpu.memory_space<hbm>>) target(%arg9 : memref<128xi32, #tpu.memory_space<vmem>>) target_semaphore(%run_scoped3A : memref<!tpu.dma_semaphore, #tpu.memory_space<semaphore_mem>>)
        %dma_wait3A_106 = tpu.memref_slice %arg4[%add3A_88] : memref<320000xi32, #tpu.memory_space<hbm>> -> memref<128xi32, #tpu.memory_space<hbm>>
        %dma_wait3A_107 = tpu.memref_slice %arg4[%add3A_88] : memref<320000xi32, #tpu.memory_space<hbm>> -> memref<128xi32, #tpu.memory_space<hbm>>
        tpu.wait_dma2 semaphore(%run_scoped3A : memref<!tpu.dma_semaphore, #tpu.memory_space<semaphore_mem>>) src(%dma_wait3A_107 : memref<128xi32, #tpu.memory_space<hbm>>) dst(%arg9 : memref<128xi32, #tpu.memory_space<vmem>>)
        tpu.yield
      }) : () -> ()
      %dma_wait3A_100 = arith.constant 0 : i32
      %dma_wait3A_101 = arith.constant 0 : i32
      %dma_wait3A_102 = tpu.memref_slice %arg2[%dma_wait3A_100, %dma_wait3A_101] : memref<10000x128xf32, #tpu.memory_space<hbm>> -> memref<10000x128xf32, #tpu.memory_space<hbm>>
      tpu.wait_indirect_dma semaphore(%arg17 : memref<!tpu.dma_semaphore, #tpu.memory_space<semaphore_mem>>) src(%dma_wait3A_102 : memref<10000x128xf32, #tpu.memory_space<hbm>>) dst(%arg13 : memref<128x128xf32, #tpu.memory_space<vmem>>)
      "tpu.region"() ({
        %run_scoped3A = tpu.sem_alloc : memref<!tpu.dma_semaphore, #tpu.memory_space<semaphore_mem>>
        %dma_start3A_104 = arith.constant 0 : i32
        %dma_start3A_105 = arith.constant 0 : i32
        %dma_start3A_106 = tpu.memref_slice %arg15[%dma_start3A_104, %dma_start3A_105] : memref<10240x128xf32, #tpu.memory_space<vmem_shared>> -> memref<10240x128xf32, #tpu.memory_space<vmem_shared>>
        tpu.enqueue_indirect_dma source(%arg13 : memref<128x128xf32, #tpu.memory_space<vmem>>) target(%dma_start3A_106 : memref<10240x128xf32, #tpu.memory_space<vmem_shared>>) offsets(%arg9 : memref<128xi32, #tpu.memory_space<vmem>>) semaphore(%run_scoped3A : memref<!tpu.dma_semaphore, #tpu.memory_space<semaphore_mem>>) {add = true}
        %dma_wait3A_107 = arith.constant 0 : i32
        %dma_wait3A_108 = arith.constant 0 : i32
        %dma_wait3A_109 = tpu.memref_slice %arg15[%dma_wait3A_107, %dma_wait3A_108] : memref<10240x128xf32, #tpu.memory_space<vmem_shared>> -> memref<10240x128xf32, #tpu.memory_space<vmem_shared>>
        tpu.wait_indirect_dma semaphore(%run_scoped3A : memref<!tpu.dma_semaphore, #tpu.memory_space<semaphore_mem>>) src(%arg13 : memref<128x128xf32, #tpu.memory_space<vmem>>) dst(%dma_wait3A_109 : memref<10240x128xf32, #tpu.memory_space<vmem_shared>>)
        tpu.yield
      }) : () -> ()
      %scan3A_103 = arith.constant 0 : i32
      scf.yield %scan3A_103 : i32
    }
    %scan3A_38 = arith.constant 38 : i32
    %add3A_39 = arith.constant 9728 : i32
    %add3A_40 = arith.addi %mul3A_2, %add3A_39 : i32
    %add3A_41 = arith.constant 128 : i32
    %add3A_42 = arith.addi %add3A_40, %add3A_41 : i32
    "tpu.region"() ({
      %run_scoped3A = tpu.sem_alloc : memref<!tpu.dma_semaphore, #tpu.memory_space<semaphore_mem>>
      %dma_start3A_80 = tpu.memref_slice %arg3[%add3A_42] : memref<320000xi32, #tpu.memory_space<hbm>> -> memref<128xi32, #tpu.memory_space<hbm>>
      %dma_start3A_81 = tpu.memref_slice %arg3[%add3A_42] : memref<320000xi32, #tpu.memory_space<hbm>> -> memref<128xi32, #tpu.memory_space<hbm>>
      tpu.enqueue_dma source(%dma_start3A_81 : memref<128xi32, #tpu.memory_space<hbm>>) target(%arg7 : memref<128xi32, #tpu.memory_space<vmem>>) target_semaphore(%run_scoped3A : memref<!tpu.dma_semaphore, #tpu.memory_space<semaphore_mem>>)
      %dma_wait3A_82 = tpu.memref_slice %arg3[%add3A_42] : memref<320000xi32, #tpu.memory_space<hbm>> -> memref<128xi32, #tpu.memory_space<hbm>>
      %dma_wait3A_83 = tpu.memref_slice %arg3[%add3A_42] : memref<320000xi32, #tpu.memory_space<hbm>> -> memref<128xi32, #tpu.memory_space<hbm>>
      tpu.wait_dma2 semaphore(%run_scoped3A : memref<!tpu.dma_semaphore, #tpu.memory_space<semaphore_mem>>) src(%dma_wait3A_83 : memref<128xi32, #tpu.memory_space<hbm>>) dst(%arg7 : memref<128xi32, #tpu.memory_space<vmem>>)
      tpu.yield
    }) : () -> ()
    %dma_start3A_43 = arith.constant 0 : i32
    %dma_start3A_44 = arith.constant 0 : i32
    %dma_start3A_45 = tpu.memref_slice %arg2[%dma_start3A_43, %dma_start3A_44] : memref<10000x128xf32, #tpu.memory_space<hbm>> -> memref<10000x128xf32, #tpu.memory_space<hbm>>
    tpu.enqueue_indirect_dma source(%dma_start3A_45 : memref<10000x128xf32, #tpu.memory_space<hbm>>) target(%arg13 : memref<128x128xf32, #tpu.memory_space<vmem>>) offsets(%arg7 : memref<128xi32, #tpu.memory_space<vmem>>) semaphore(%arg17 : memref<!tpu.dma_semaphore, #tpu.memory_space<semaphore_mem>>)
    "tpu.region"() ({
      %run_scoped3A = tpu.sem_alloc : memref<!tpu.dma_semaphore, #tpu.memory_space<semaphore_mem>>
      %dma_start3A_80 = tpu.memref_slice %arg4[%add3A_40] : memref<320000xi32, #tpu.memory_space<hbm>> -> memref<128xi32, #tpu.memory_space<hbm>>
      %dma_start3A_81 = tpu.memref_slice %arg4[%add3A_40] : memref<320000xi32, #tpu.memory_space<hbm>> -> memref<128xi32, #tpu.memory_space<hbm>>
      tpu.enqueue_dma source(%dma_start3A_81 : memref<128xi32, #tpu.memory_space<hbm>>) target(%arg8 : memref<128xi32, #tpu.memory_space<vmem>>) target_semaphore(%run_scoped3A : memref<!tpu.dma_semaphore, #tpu.memory_space<semaphore_mem>>)
      %dma_wait3A_82 = tpu.memref_slice %arg4[%add3A_40] : memref<320000xi32, #tpu.memory_space<hbm>> -> memref<128xi32, #tpu.memory_space<hbm>>
      %dma_wait3A_83 = tpu.memref_slice %arg4[%add3A_40] : memref<320000xi32, #tpu.memory_space<hbm>> -> memref<128xi32, #tpu.memory_space<hbm>>
      tpu.wait_dma2 semaphore(%run_scoped3A : memref<!tpu.dma_semaphore, #tpu.memory_space<semaphore_mem>>) src(%dma_wait3A_83 : memref<128xi32, #tpu.memory_space<hbm>>) dst(%arg8 : memref<128xi32, #tpu.memory_space<vmem>>)
      tpu.yield
    }) : () -> ()
    "tpu.region"() ({
      %run_scoped3A = tpu.sem_alloc : memref<!tpu.dma_semaphore, #tpu.memory_space<semaphore_mem>>
      %dma_start3A_80 = tpu.memref_slice %arg4[%add3A_42] : memref<320000xi32, #tpu.memory_space<hbm>> -> memref<128xi32, #tpu.memory_space<hbm>>
      %dma_start3A_81 = tpu.memref_slice %arg4[%add3A_42] : memref<320000xi32, #tpu.memory_space<hbm>> -> memref<128xi32, #tpu.memory_space<hbm>>
      tpu.enqueue_dma source(%dma_start3A_81 : memref<128xi32, #tpu.memory_space<hbm>>) target(%arg9 : memref<128xi32, #tpu.memory_space<vmem>>) target_semaphore(%run_scoped3A : memref<!tpu.dma_semaphore, #tpu.memory_space<semaphore_mem>>)
      %dma_wait3A_82 = tpu.memref_slice %arg4[%add3A_42] : memref<320000xi32, #tpu.memory_space<hbm>> -> memref<128xi32, #tpu.memory_space<hbm>>
      %dma_wait3A_83 = tpu.memref_slice %arg4[%add3A_42] : memref<320000xi32, #tpu.memory_space<hbm>> -> memref<128xi32, #tpu.memory_space<hbm>>
      tpu.wait_dma2 semaphore(%run_scoped3A : memref<!tpu.dma_semaphore, #tpu.memory_space<semaphore_mem>>) src(%dma_wait3A_83 : memref<128xi32, #tpu.memory_space<hbm>>) dst(%arg9 : memref<128xi32, #tpu.memory_space<vmem>>)
      tpu.yield
    }) : () -> ()
    %dma_wait3A = arith.constant 0 : i32
    %dma_wait3A_46 = arith.constant 0 : i32
    %dma_wait3A_47 = tpu.memref_slice %arg2[%dma_wait3A, %dma_wait3A_46] : memref<10000x128xf32, #tpu.memory_space<hbm>> -> memref<10000x128xf32, #tpu.memory_space<hbm>>
    tpu.wait_indirect_dma semaphore(%arg16 : memref<!tpu.dma_semaphore, #tpu.memory_space<semaphore_mem>>) src(%dma_wait3A_47 : memref<10000x128xf32, #tpu.memory_space<hbm>>) dst(%arg12 : memref<128x128xf32, #tpu.memory_space<vmem>>)
    "tpu.region"() ({
      %run_scoped3A = tpu.sem_alloc : memref<!tpu.dma_semaphore, #tpu.memory_space<semaphore_mem>>
      %dma_start3A_80 = arith.constant 0 : i32
      %dma_start3A_81 = arith.constant 0 : i32
      %dma_start3A_82 = tpu.memref_slice %arg15[%dma_start3A_80, %dma_start3A_81] : memref<10240x128xf32, #tpu.memory_space<vmem_shared>> -> memref<10240x128xf32, #tpu.memory_space<vmem_shared>>
      tpu.enqueue_indirect_dma source(%arg12 : memref<128x128xf32, #tpu.memory_space<vmem>>) target(%dma_start3A_82 : memref<10240x128xf32, #tpu.memory_space<vmem_shared>>) offsets(%arg8 : memref<128xi32, #tpu.memory_space<vmem>>) semaphore(%run_scoped3A : memref<!tpu.dma_semaphore, #tpu.memory_space<semaphore_mem>>) {add = true}
      %dma_wait3A_83 = arith.constant 0 : i32
      %dma_wait3A_84 = arith.constant 0 : i32
      %dma_wait3A_85 = tpu.memref_slice %arg15[%dma_wait3A_83, %dma_wait3A_84] : memref<10240x128xf32, #tpu.memory_space<vmem_shared>> -> memref<10240x128xf32, #tpu.memory_space<vmem_shared>>
      tpu.wait_indirect_dma semaphore(%run_scoped3A : memref<!tpu.dma_semaphore, #tpu.memory_space<semaphore_mem>>) src(%arg12 : memref<128x128xf32, #tpu.memory_space<vmem>>) dst(%dma_wait3A_85 : memref<10240x128xf32, #tpu.memory_space<vmem_shared>>)
      tpu.yield
    }) : () -> ()
    %dma_wait3A_48 = arith.constant 0 : i32
    %dma_wait3A_49 = arith.constant 0 : i32
    %dma_wait3A_50 = tpu.memref_slice %arg2[%dma_wait3A_48, %dma_wait3A_49] : memref<10000x128xf32, #tpu.memory_space<hbm>> -> memref<10000x128xf32, #tpu.memory_space<hbm>>
    tpu.wait_indirect_dma semaphore(%arg17 : memref<!tpu.dma_semaphore, #tpu.memory_space<semaphore_mem>>) src(%dma_wait3A_50 : memref<10000x128xf32, #tpu.memory_space<hbm>>) dst(%arg13 : memref<128x128xf32, #tpu.memory_space<vmem>>)
    "tpu.region"() ({
      %run_scoped3A = tpu.sem_alloc : memref<!tpu.dma_semaphore, #tpu.memory_space<semaphore_mem>>
      %dma_start3A_80 = arith.constant 0 : i32
      %dma_start3A_81 = arith.constant 0 : i32
      %dma_start3A_82 = tpu.memref_slice %arg15[%dma_start3A_80, %dma_start3A_81] : memref<10240x128xf32, #tpu.memory_space<vmem_shared>> -> memref<10240x128xf32, #tpu.memory_space<vmem_shared>>
      tpu.enqueue_indirect_dma source(%arg13 : memref<128x128xf32, #tpu.memory_space<vmem>>) target(%dma_start3A_82 : memref<10240x128xf32, #tpu.memory_space<vmem_shared>>) offsets(%arg9 : memref<128xi32, #tpu.memory_space<vmem>>) semaphore(%run_scoped3A : memref<!tpu.dma_semaphore, #tpu.memory_space<semaphore_mem>>) {add = true}
      %dma_wait3A_83 = arith.constant 0 : i32
      %dma_wait3A_84 = arith.constant 0 : i32
      %dma_wait3A_85 = tpu.memref_slice %arg15[%dma_wait3A_83, %dma_wait3A_84] : memref<10240x128xf32, #tpu.memory_space<vmem_shared>> -> memref<10240x128xf32, #tpu.memory_space<vmem_shared>>
      tpu.wait_indirect_dma semaphore(%run_scoped3A : memref<!tpu.dma_semaphore, #tpu.memory_space<semaphore_mem>>) src(%arg13 : memref<128x128xf32, #tpu.memory_space<vmem>>) dst(%dma_wait3A_85 : memref<10240x128xf32, #tpu.memory_space<vmem_shared>>)
      tpu.yield
    }) : () -> ()
    %add3A_51 = arith.constant 9984 : i32
    %add3A_52 = arith.addi %mul3A_2, %add3A_51 : i32
    "tpu.region"() ({
      %run_scoped3A = tpu.sem_alloc : memref<!tpu.dma_semaphore, #tpu.memory_space<semaphore_mem>>
      %dma_start3A_80 = tpu.memref_slice %arg3[%add3A_52] : memref<320000xi32, #tpu.memory_space<hbm>> -> memref<16xi32, #tpu.memory_space<hbm>>
      %dma_start3A_81 = tpu.memref_slice %arg3[%add3A_52] : memref<320000xi32, #tpu.memory_space<hbm>> -> memref<16xi32, #tpu.memory_space<hbm>>
      tpu.enqueue_dma source(%dma_start3A_81 : memref<16xi32, #tpu.memory_space<hbm>>) target(%arg10 : memref<16xi32, #tpu.memory_space<vmem>>) target_semaphore(%run_scoped3A : memref<!tpu.dma_semaphore, #tpu.memory_space<semaphore_mem>>)
      %dma_wait3A_82 = tpu.memref_slice %arg3[%add3A_52] : memref<320000xi32, #tpu.memory_space<hbm>> -> memref<16xi32, #tpu.memory_space<hbm>>
      %dma_wait3A_83 = tpu.memref_slice %arg3[%add3A_52] : memref<320000xi32, #tpu.memory_space<hbm>> -> memref<16xi32, #tpu.memory_space<hbm>>
      tpu.wait_dma2 semaphore(%run_scoped3A : memref<!tpu.dma_semaphore, #tpu.memory_space<semaphore_mem>>) src(%dma_wait3A_83 : memref<16xi32, #tpu.memory_space<hbm>>) dst(%arg10 : memref<16xi32, #tpu.memory_space<vmem>>)
      tpu.yield
    }) : () -> ()
    "tpu.region"() ({
      %run_scoped3A = tpu.sem_alloc : memref<!tpu.dma_semaphore, #tpu.memory_space<semaphore_mem>>
      %dma_start3A_80 = tpu.memref_slice %arg4[%add3A_52] : memref<320000xi32, #tpu.memory_space<hbm>> -> memref<16xi32, #tpu.memory_space<hbm>>
      %dma_start3A_81 = tpu.memref_slice %arg4[%add3A_52] : memref<320000xi32, #tpu.memory_space<hbm>> -> memref<16xi32, #tpu.memory_space<hbm>>
      tpu.enqueue_dma source(%dma_start3A_81 : memref<16xi32, #tpu.memory_space<hbm>>) target(%arg11 : memref<16xi32, #tpu.memory_space<vmem>>) target_semaphore(%run_scoped3A : memref<!tpu.dma_semaphore, #tpu.memory_space<semaphore_mem>>)
      %dma_wait3A_82 = tpu.memref_slice %arg4[%add3A_52] : memref<320000xi32, #tpu.memory_space<hbm>> -> memref<16xi32, #tpu.memory_space<hbm>>
      %dma_wait3A_83 = tpu.memref_slice %arg4[%add3A_52] : memref<320000xi32, #tpu.memory_space<hbm>> -> memref<16xi32, #tpu.memory_space<hbm>>
      tpu.wait_dma2 semaphore(%run_scoped3A : memref<!tpu.dma_semaphore, #tpu.memory_space<semaphore_mem>>) src(%dma_wait3A_83 : memref<16xi32, #tpu.memory_space<hbm>>) dst(%arg11 : memref<16xi32, #tpu.memory_space<vmem>>)
      tpu.yield
    }) : () -> ()
    %dma_start3A_53 = arith.constant 0 : i32
    %dma_start3A_54 = arith.constant 0 : i32
    %dma_start3A_55 = tpu.memref_slice %arg2[%dma_start3A_53, %dma_start3A_54] : memref<10000x128xf32, #tpu.memory_space<hbm>> -> memref<10000x128xf32, #tpu.memory_space<hbm>>
    tpu.enqueue_indirect_dma source(%dma_start3A_55 : memref<10000x128xf32, #tpu.memory_space<hbm>>) target(%arg14 : memref<16x128xf32, #tpu.memory_space<vmem>>) offsets(%arg10 : memref<16xi32, #tpu.memory_space<vmem>>) semaphore(%arg16 : memref<!tpu.dma_semaphore, #tpu.memory_space<semaphore_mem>>)
    %dma_wait3A_56 = arith.constant 0 : i32
    %dma_wait3A_57 = arith.constant 0 : i32
    %dma_wait3A_58 = tpu.memref_slice %arg2[%dma_wait3A_56, %dma_wait3A_57] : memref<10000x128xf32, #tpu.memory_space<hbm>> -> memref<10000x128xf32, #tpu.memory_space<hbm>>
    tpu.wait_indirect_dma semaphore(%arg16 : memref<!tpu.dma_semaphore, #tpu.memory_space<semaphore_mem>>) src(%dma_wait3A_58 : memref<10000x128xf32, #tpu.memory_space<hbm>>) dst(%arg14 : memref<16x128xf32, #tpu.memory_space<vmem>>)
    "tpu.region"() ({
      %run_scoped3A = tpu.sem_alloc : memref<!tpu.dma_semaphore, #tpu.memory_space<semaphore_mem>>
      %dma_start3A_80 = arith.constant 0 : i32
      %dma_start3A_81 = arith.constant 0 : i32
      %dma_start3A_82 = tpu.memref_slice %arg15[%dma_start3A_80, %dma_start3A_81] : memref<10240x128xf32, #tpu.memory_space<vmem_shared>> -> memref<10240x128xf32, #tpu.memory_space<vmem_shared>>
      tpu.enqueue_indirect_dma source(%arg14 : memref<16x128xf32, #tpu.memory_space<vmem>>) target(%dma_start3A_82 : memref<10240x128xf32, #tpu.memory_space<vmem_shared>>) offsets(%arg11 : memref<16xi32, #tpu.memory_space<vmem>>) semaphore(%run_scoped3A : memref<!tpu.dma_semaphore, #tpu.memory_space<semaphore_mem>>) {add = true}
      %dma_wait3A_83 = arith.constant 0 : i32
      %dma_wait3A_84 = arith.constant 0 : i32
      %dma_wait3A_85 = tpu.memref_slice %arg15[%dma_wait3A_83, %dma_wait3A_84] : memref<10240x128xf32, #tpu.memory_space<vmem_shared>> -> memref<10240x128xf32, #tpu.memory_space<vmem_shared>>
      tpu.wait_indirect_dma semaphore(%run_scoped3A : memref<!tpu.dma_semaphore, #tpu.memory_space<semaphore_mem>>) src(%arg14 : memref<16x128xf32, #tpu.memory_space<vmem>>) dst(%dma_wait3A_85 : memref<10240x128xf32, #tpu.memory_space<vmem_shared>>)
      tpu.yield
    }) : () -> ()
    %barrier3A_59 = arith.constant 0 : index
    tpu.barrier barrier_id(%barrier3A_59)
    %mul3A_60 = arith.constant 640 : i32
    %mul3A_61 = arith.muli %arg1, %mul3A_60 : i32
    %add3A_62 = arith.constant 0 : i32
    %add3A_63 = arith.addi %mul3A_61, %add3A_62 : i32
    "tpu.region"() ({
      %run_scoped3A = tpu.sem_alloc : memref<!tpu.dma_semaphore, #tpu.memory_space<semaphore_mem>>
      %dma_start3A_80 = arith.constant 0 : i32
      %dma_start3A_81 = tpu.memref_slice %arg15[%add3A_63, %dma_start3A_80] : memref<10240x128xf32, #tpu.memory_space<vmem_shared>> -> memref<128x128xf32, #tpu.memory_space<vmem_shared>>
      %dma_start3A_82 = arith.constant 0 : i32
      %dma_start3A_83 = tpu.memref_slice %arg15[%add3A_63, %dma_start3A_82] : memref<10240x128xf32, #tpu.memory_space<vmem_shared>> -> memref<128x128xf32, #tpu.memory_space<vmem_shared>>
      tpu.enqueue_dma source(%dma_start3A_83 : memref<128x128xf32, #tpu.memory_space<vmem_shared>>) target(%arg12 : memref<128x128xf32, #tpu.memory_space<vmem>>) target_semaphore(%run_scoped3A : memref<!tpu.dma_semaphore, #tpu.memory_space<semaphore_mem>>)
      %dma_wait3A_84 = arith.constant 0 : i32
      %dma_wait3A_85 = tpu.memref_slice %arg15[%add3A_63, %dma_wait3A_84] : memref<10240x128xf32, #tpu.memory_space<vmem_shared>> -> memref<128x128xf32, #tpu.memory_space<vmem_shared>>
      %dma_wait3A_86 = arith.constant 0 : i32
      %dma_wait3A_87 = tpu.memref_slice %arg15[%add3A_63, %dma_wait3A_86] : memref<10240x128xf32, #tpu.memory_space<vmem_shared>> -> memref<128x128xf32, #tpu.memory_space<vmem_shared>>
      tpu.wait_dma2 semaphore(%run_scoped3A : memref<!tpu.dma_semaphore, #tpu.memory_space<semaphore_mem>>) src(%dma_wait3A_87 : memref<128x128xf32, #tpu.memory_space<vmem_shared>>) dst(%arg12 : memref<128x128xf32, #tpu.memory_space<vmem>>)
      tpu.yield
    }) : () -> ()
    "tpu.region"() ({
      %run_scoped3A = tpu.sem_alloc : memref<!tpu.dma_semaphore, #tpu.memory_space<semaphore_mem>>
      %dma_start3A_80 = arith.constant 0 : i32
      %dma_start3A_81 = tpu.memref_slice %arg5[%arg0, %add3A_63, %dma_start3A_80] : memref<2x10240x128xf32, #tpu.memory_space<hbm>> -> memref<1x128x128xf32, #tpu.memory_space<hbm>>
      %dma_start3A_82 = tpu.memref_squeeze %dma_start3A_81 : memref<1x128x128xf32, #tpu.memory_space<hbm>> -> memref<128x128xf32, #tpu.memory_space<hbm>>
      %dma_start3A_83 = arith.constant 0 : i32
      %dma_start3A_84 = tpu.memref_slice %arg5[%arg0, %add3A_63, %dma_start3A_83] : memref<2x10240x128xf32, #tpu.memory_space<hbm>> -> memref<1x128x128xf32, #tpu.memory_space<hbm>>
      %dma_start3A_85 = tpu.memref_squeeze %dma_start3A_84 : memref<1x128x128xf32, #tpu.memory_space<hbm>> -> memref<128x128xf32, #tpu.memory_space<hbm>>
      tpu.enqueue_dma source(%arg12 : memref<128x128xf32, #tpu.memory_space<vmem>>) target(%dma_start3A_85 : memref<128x128xf32, #tpu.memory_space<hbm>>) target_semaphore(%run_scoped3A : memref<!tpu.dma_semaphore, #tpu.memory_space<semaphore_mem>>)
      %dma_wait3A_86 = arith.constant 0 : i32
      %dma_wait3A_87 = tpu.memref_slice %arg5[%arg0, %add3A_63, %dma_wait3A_86] : memref<2x10240x128xf32, #tpu.memory_space<hbm>> -> memref<1x128x128xf32, #tpu.memory_space<hbm>>
      %dma_wait3A_88 = tpu.memref_squeeze %dma_wait3A_87 : memref<1x128x128xf32, #tpu.memory_space<hbm>> -> memref<128x128xf32, #tpu.memory_space<hbm>>
      %dma_wait3A_89 = arith.constant 0 : i32
      %dma_wait3A_90 = tpu.memref_slice %arg5[%arg0, %add3A_63, %dma_wait3A_89] : memref<2x10240x128xf32, #tpu.memory_space<hbm>> -> memref<1x128x128xf32, #tpu.memory_space<hbm>>
      %dma_wait3A_91 = tpu.memref_squeeze %dma_wait3A_90 : memref<1x128x128xf32, #tpu.memory_space<hbm>> -> memref<128x128xf32, #tpu.memory_space<hbm>>
      tpu.wait_dma2 semaphore(%run_scoped3A : memref<!tpu.dma_semaphore, #tpu.memory_space<semaphore_mem>>) src(%arg12 : memref<128x128xf32, #tpu.memory_space<vmem>>) dst(%dma_wait3A_91 : memref<128x128xf32, #tpu.memory_space<hbm>>)
      tpu.yield
    }) : () -> ()
    %mul3A_64 = arith.constant 640 : i32
    %mul3A_65 = arith.muli %arg1, %mul3A_64 : i32
    %add3A_66 = arith.constant 128 : i32
    %add3A_67 = arith.addi %mul3A_65, %add3A_66 : i32
    "tpu.region"() ({
      %run_scoped3A = tpu.sem_alloc : memref<!tpu.dma_semaphore, #tpu.memory_space<semaphore_mem>>
      %dma_start3A_80 = arith.constant 0 : i32
      %dma_start3A_81 = tpu.memref_slice %arg15[%add3A_67, %dma_start3A_80] : memref<10240x128xf32, #tpu.memory_space<vmem_shared>> -> memref<128x128xf32, #tpu.memory_space<vmem_shared>>
      %dma_start3A_82 = arith.constant 0 : i32
      %dma_start3A_83 = tpu.memref_slice %arg15[%add3A_67, %dma_start3A_82] : memref<10240x128xf32, #tpu.memory_space<vmem_shared>> -> memref<128x128xf32, #tpu.memory_space<vmem_shared>>
      tpu.enqueue_dma source(%dma_start3A_83 : memref<128x128xf32, #tpu.memory_space<vmem_shared>>) target(%arg12 : memref<128x128xf32, #tpu.memory_space<vmem>>) target_semaphore(%run_scoped3A : memref<!tpu.dma_semaphore, #tpu.memory_space<semaphore_mem>>)
      %dma_wait3A_84 = arith.constant 0 : i32
      %dma_wait3A_85 = tpu.memref_slice %arg15[%add3A_67, %dma_wait3A_84] : memref<10240x128xf32, #tpu.memory_space<vmem_shared>> -> memref<128x128xf32, #tpu.memory_space<vmem_shared>>
      %dma_wait3A_86 = arith.constant 0 : i32
      %dma_wait3A_87 = tpu.memref_slice %arg15[%add3A_67, %dma_wait3A_86] : memref<10240x128xf32, #tpu.memory_space<vmem_shared>> -> memref<128x128xf32, #tpu.memory_space<vmem_shared>>
      tpu.wait_dma2 semaphore(%run_scoped3A : memref<!tpu.dma_semaphore, #tpu.memory_space<semaphore_mem>>) src(%dma_wait3A_87 : memref<128x128xf32, #tpu.memory_space<vmem_shared>>) dst(%arg12 : memref<128x128xf32, #tpu.memory_space<vmem>>)
      tpu.yield
    }) : () -> ()
    "tpu.region"() ({
      %run_scoped3A = tpu.sem_alloc : memref<!tpu.dma_semaphore, #tpu.memory_space<semaphore_mem>>
      %dma_start3A_80 = arith.constant 0 : i32
      %dma_start3A_81 = tpu.memref_slice %arg5[%arg0, %add3A_67, %dma_start3A_80] : memref<2x10240x128xf32, #tpu.memory_space<hbm>> -> memref<1x128x128xf32, #tpu.memory_space<hbm>>
      %dma_start3A_82 = tpu.memref_squeeze %dma_start3A_81 : memref<1x128x128xf32, #tpu.memory_space<hbm>> -> memref<128x128xf32, #tpu.memory_space<hbm>>
      %dma_start3A_83 = arith.constant 0 : i32
      %dma_start3A_84 = tpu.memref_slice %arg5[%arg0, %add3A_67, %dma_start3A_83] : memref<2x10240x128xf32, #tpu.memory_space<hbm>> -> memref<1x128x128xf32, #tpu.memory_space<hbm>>
      %dma_start3A_85 = tpu.memref_squeeze %dma_start3A_84 : memref<1x128x128xf32, #tpu.memory_space<hbm>> -> memref<128x128xf32, #tpu.memory_space<hbm>>
      tpu.enqueue_dma source(%arg12 : memref<128x128xf32, #tpu.memory_space<vmem>>) target(%dma_start3A_85 : memref<128x128xf32, #tpu.memory_space<hbm>>) target_semaphore(%run_scoped3A : memref<!tpu.dma_semaphore, #tpu.memory_space<semaphore_mem>>)
      %dma_wait3A_86 = arith.constant 0 : i32
      %dma_wait3A_87 = tpu.memref_slice %arg5[%arg0, %add3A_67, %dma_wait3A_86] : memref<2x10240x128xf32, #tpu.memory_space<hbm>> -> memref<1x128x128xf32, #tpu.memory_space<hbm>>
      %dma_wait3A_88 = tpu.memref_squeeze %dma_wait3A_87 : memref<1x128x128xf32, #tpu.memory_space<hbm>> -> memref<128x128xf32, #tpu.memory_space<hbm>>
      %dma_wait3A_89 = arith.constant 0 : i32
      %dma_wait3A_90 = tpu.memref_slice %arg5[%arg0, %add3A_67, %dma_wait3A_89] : memref<2x10240x128xf32, #tpu.memory_space<hbm>> -> memref<1x128x128xf32, #tpu.memory_space<hbm>>
      %dma_wait3A_91 = tpu.memref_squeeze %dma_wait3A_90 : memref<1x128x128xf32, #tpu.memory_space<hbm>> -> memref<128x128xf32, #tpu.memory_space<hbm>>
      tpu.wait_dma2 semaphore(%run_scoped3A : memref<!tpu.dma_semaphore, #tpu.memory_space<semaphore_mem>>) src(%arg12 : memref<128x128xf32, #tpu.memory_space<vmem>>) dst(%dma_wait3A_91 : memref<128x128xf32, #tpu.memory_space<hbm>>)
      tpu.yield
    }) : () -> ()
    %mul3A_68 = arith.constant 640 : i32
    %mul3A_69 = arith.muli %arg1, %mul3A_68 : i32
    %add3A_70 = arith.constant 256 : i32
    %add3A_71 = arith.addi %mul3A_69, %add3A_70 : i32
    "tpu.region"() ({
      %run_scoped3A = tpu.sem_alloc : memref<!tpu.dma_semaphore, #tpu.memory_space<semaphore_mem>>
      %dma_start3A_80 = arith.constant 0 : i32
      %dma_start3A_81 = tpu.memref_slice %arg15[%add3A_71, %dma_start3A_80] : memref<10240x128xf32, #tpu.memory_space<vmem_shared>> -> memref<128x128xf32, #tpu.memory_space<vmem_shared>>
      %dma_start3A_82 = arith.constant 0 : i32
      %dma_start3A_83 = tpu.memref_slice %arg15[%add3A_71, %dma_start3A_82] : memref<10240x128xf32, #tpu.memory_space<vmem_shared>> -> memref<128x128xf32, #tpu.memory_space<vmem_shared>>
      tpu.enqueue_dma source(%dma_start3A_83 : memref<128x128xf32, #tpu.memory_space<vmem_shared>>) target(%arg12 : memref<128x128xf32, #tpu.memory_space<vmem>>) target_semaphore(%run_scoped3A : memref<!tpu.dma_semaphore, #tpu.memory_space<semaphore_mem>>)
      %dma_wait3A_84 = arith.constant 0 : i32
      %dma_wait3A_85 = tpu.memref_slice %arg15[%add3A_71, %dma_wait3A_84] : memref<10240x128xf32, #tpu.memory_space<vmem_shared>> -> memref<128x128xf32, #tpu.memory_space<vmem_shared>>
      %dma_wait3A_86 = arith.constant 0 : i32
      %dma_wait3A_87 = tpu.memref_slice %arg15[%add3A_71, %dma_wait3A_86] : memref<10240x128xf32, #tpu.memory_space<vmem_shared>> -> memref<128x128xf32, #tpu.memory_space<vmem_shared>>
      tpu.wait_dma2 semaphore(%run_scoped3A : memref<!tpu.dma_semaphore, #tpu.memory_space<semaphore_mem>>) src(%dma_wait3A_87 : memref<128x128xf32, #tpu.memory_space<vmem_shared>>) dst(%arg12 : memref<128x128xf32, #tpu.memory_space<vmem>>)
      tpu.yield
    }) : () -> ()
    "tpu.region"() ({
      %run_scoped3A = tpu.sem_alloc : memref<!tpu.dma_semaphore, #tpu.memory_space<semaphore_mem>>
      %dma_start3A_80 = arith.constant 0 : i32
      %dma_start3A_81 = tpu.memref_slice %arg5[%arg0, %add3A_71, %dma_start3A_80] : memref<2x10240x128xf32, #tpu.memory_space<hbm>> -> memref<1x128x128xf32, #tpu.memory_space<hbm>>
      %dma_start3A_82 = tpu.memref_squeeze %dma_start3A_81 : memref<1x128x128xf32, #tpu.memory_space<hbm>> -> memref<128x128xf32, #tpu.memory_space<hbm>>
      %dma_start3A_83 = arith.constant 0 : i32
      %dma_start3A_84 = tpu.memref_slice %arg5[%arg0, %add3A_71, %dma_start3A_83] : memref<2x10240x128xf32, #tpu.memory_space<hbm>> -> memref<1x128x128xf32, #tpu.memory_space<hbm>>
      %dma_start3A_85 = tpu.memref_squeeze %dma_start3A_84 : memref<1x128x128xf32, #tpu.memory_space<hbm>> -> memref<128x128xf32, #tpu.memory_space<hbm>>
      tpu.enqueue_dma source(%arg12 : memref<128x128xf32, #tpu.memory_space<vmem>>) target(%dma_start3A_85 : memref<128x128xf32, #tpu.memory_space<hbm>>) target_semaphore(%run_scoped3A : memref<!tpu.dma_semaphore, #tpu.memory_space<semaphore_mem>>)
      %dma_wait3A_86 = arith.constant 0 : i32
      %dma_wait3A_87 = tpu.memref_slice %arg5[%arg0, %add3A_71, %dma_wait3A_86] : memref<2x10240x128xf32, #tpu.memory_space<hbm>> -> memref<1x128x128xf32, #tpu.memory_space<hbm>>
      %dma_wait3A_88 = tpu.memref_squeeze %dma_wait3A_87 : memref<1x128x128xf32, #tpu.memory_space<hbm>> -> memref<128x128xf32, #tpu.memory_space<hbm>>
      %dma_wait3A_89 = arith.constant 0 : i32
      %dma_wait3A_90 = tpu.memref_slice %arg5[%arg0, %add3A_71, %dma_wait3A_89] : memref<2x10240x128xf32, #tpu.memory_space<hbm>> -> memref<1x128x128xf32, #tpu.memory_space<hbm>>
      %dma_wait3A_91 = tpu.memref_squeeze %dma_wait3A_90 : memref<1x128x128xf32, #tpu.memory_space<hbm>> -> memref<128x128xf32, #tpu.memory_space<hbm>>
      tpu.wait_dma2 semaphore(%run_scoped3A : memref<!tpu.dma_semaphore, #tpu.memory_space<semaphore_mem>>) src(%arg12 : memref<128x128xf32, #tpu.memory_space<vmem>>) dst(%dma_wait3A_91 : memref<128x128xf32, #tpu.memory_space<hbm>>)
      tpu.yield
    }) : () -> ()
    %mul3A_72 = arith.constant 640 : i32
    %mul3A_73 = arith.muli %arg1, %mul3A_72 : i32
    %add3A_74 = arith.constant 384 : i32
    %add3A_75 = arith.addi %mul3A_73, %add3A_74 : i32
    "tpu.region"() ({
      %run_scoped3A = tpu.sem_alloc : memref<!tpu.dma_semaphore, #tpu.memory_space<semaphore_mem>>
      %dma_start3A_80 = arith.constant 0 : i32
      %dma_start3A_81 = tpu.memref_slice %arg15[%add3A_75, %dma_start3A_80] : memref<10240x128xf32, #tpu.memory_space<vmem_shared>> -> memref<128x128xf32, #tpu.memory_space<vmem_shared>>
      %dma_start3A_82 = arith.constant 0 : i32
      %dma_start3A_83 = tpu.memref_slice %arg15[%add3A_75, %dma_start3A_82] : memref<10240x128xf32, #tpu.memory_space<vmem_shared>> -> memref<128x128xf32, #tpu.memory_space<vmem_shared>>
      tpu.enqueue_dma source(%dma_start3A_83 : memref<128x128xf32, #tpu.memory_space<vmem_shared>>) target(%arg12 : memref<128x128xf32, #tpu.memory_space<vmem>>) target_semaphore(%run_scoped3A : memref<!tpu.dma_semaphore, #tpu.memory_space<semaphore_mem>>)
      %dma_wait3A_84 = arith.constant 0 : i32
      %dma_wait3A_85 = tpu.memref_slice %arg15[%add3A_75, %dma_wait3A_84] : memref<10240x128xf32, #tpu.memory_space<vmem_shared>> -> memref<128x128xf32, #tpu.memory_space<vmem_shared>>
      %dma_wait3A_86 = arith.constant 0 : i32
      %dma_wait3A_87 = tpu.memref_slice %arg15[%add3A_75, %dma_wait3A_86] : memref<10240x128xf32, #tpu.memory_space<vmem_shared>> -> memref<128x128xf32, #tpu.memory_space<vmem_shared>>
      tpu.wait_dma2 semaphore(%run_scoped3A : memref<!tpu.dma_semaphore, #tpu.memory_space<semaphore_mem>>) src(%dma_wait3A_87 : memref<128x128xf32, #tpu.memory_space<vmem_shared>>) dst(%arg12 : memref<128x128xf32, #tpu.memory_space<vmem>>)
      tpu.yield
    }) : () -> ()
    "tpu.region"() ({
      %run_scoped3A = tpu.sem_alloc : memref<!tpu.dma_semaphore, #tpu.memory_space<semaphore_mem>>
      %dma_start3A_80 = arith.constant 0 : i32
      %dma_start3A_81 = tpu.memref_slice %arg5[%arg0, %add3A_75, %dma_start3A_80] : memref<2x10240x128xf32, #tpu.memory_space<hbm>> -> memref<1x128x128xf32, #tpu.memory_space<hbm>>
      %dma_start3A_82 = tpu.memref_squeeze %dma_start3A_81 : memref<1x128x128xf32, #tpu.memory_space<hbm>> -> memref<128x128xf32, #tpu.memory_space<hbm>>
      %dma_start3A_83 = arith.constant 0 : i32
      %dma_start3A_84 = tpu.memref_slice %arg5[%arg0, %add3A_75, %dma_start3A_83] : memref<2x10240x128xf32, #tpu.memory_space<hbm>> -> memref<1x128x128xf32, #tpu.memory_space<hbm>>
      %dma_start3A_85 = tpu.memref_squeeze %dma_start3A_84 : memref<1x128x128xf32, #tpu.memory_space<hbm>> -> memref<128x128xf32, #tpu.memory_space<hbm>>
      tpu.enqueue_dma source(%arg12 : memref<128x128xf32, #tpu.memory_space<vmem>>) target(%dma_start3A_85 : memref<128x128xf32, #tpu.memory_space<hbm>>) target_semaphore(%run_scoped3A : memref<!tpu.dma_semaphore, #tpu.memory_space<semaphore_mem>>)
      %dma_wait3A_86 = arith.constant 0 : i32
      %dma_wait3A_87 = tpu.memref_slice %arg5[%arg0, %add3A_75, %dma_wait3A_86] : memref<2x10240x128xf32, #tpu.memory_space<hbm>> -> memref<1x128x128xf32, #tpu.memory_space<hbm>>
      %dma_wait3A_88 = tpu.memref_squeeze %dma_wait3A_87 : memref<1x128x128xf32, #tpu.memory_space<hbm>> -> memref<128x128xf32, #tpu.memory_space<hbm>>
      %dma_wait3A_89 = arith.constant 0 : i32
      %dma_wait3A_90 = tpu.memref_slice %arg5[%arg0, %add3A_75, %dma_wait3A_89] : memref<2x10240x128xf32, #tpu.memory_space<hbm>> -> memref<1x128x128xf32, #tpu.memory_space<hbm>>
      %dma_wait3A_91 = tpu.memref_squeeze %dma_wait3A_90 : memref<1x128x128xf32, #tpu.memory_space<hbm>> -> memref<128x128xf32, #tpu.memory_space<hbm>>
      tpu.wait_dma2 semaphore(%run_scoped3A : memref<!tpu.dma_semaphore, #tpu.memory_space<semaphore_mem>>) src(%arg12 : memref<128x128xf32, #tpu.memory_space<vmem>>) dst(%dma_wait3A_91 : memref<128x128xf32, #tpu.memory_space<hbm>>)
      tpu.yield
    }) : () -> ()
    %mul3A_76 = arith.constant 640 : i32
    %mul3A_77 = arith.muli %arg1, %mul3A_76 : i32
    %add3A_78 = arith.constant 512 : i32
    %add3A_79 = arith.addi %mul3A_77, %add3A_78 : i32
    "tpu.region"() ({
      %run_scoped3A = tpu.sem_alloc : memref<!tpu.dma_semaphore, #tpu.memory_space<semaphore_mem>>
      %dma_start3A_80 = arith.constant 0 : i32
      %dma_start3A_81 = tpu.memref_slice %arg15[%add3A_79, %dma_start3A_80] : memref<10240x128xf32, #tpu.memory_space<vmem_shared>> -> memref<128x128xf32, #tpu.memory_space<vmem_shared>>
      %dma_start3A_82 = arith.constant 0 : i32
      %dma_start3A_83 = tpu.memref_slice %arg15[%add3A_79, %dma_start3A_82] : memref<10240x128xf32, #tpu.memory_space<vmem_shared>> -> memref<128x128xf32, #tpu.memory_space<vmem_shared>>
      tpu.enqueue_dma source(%dma_start3A_83 : memref<128x128xf32, #tpu.memory_space<vmem_shared>>) target(%arg12 : memref<128x128xf32, #tpu.memory_space<vmem>>) target_semaphore(%run_scoped3A : memref<!tpu.dma_semaphore, #tpu.memory_space<semaphore_mem>>)
      %dma_wait3A_84 = arith.constant 0 : i32
      %dma_wait3A_85 = tpu.memref_slice %arg15[%add3A_79, %dma_wait3A_84] : memref<10240x128xf32, #tpu.memory_space<vmem_shared>> -> memref<128x128xf32, #tpu.memory_space<vmem_shared>>
      %dma_wait3A_86 = arith.constant 0 : i32
      %dma_wait3A_87 = tpu.memref_slice %arg15[%add3A_79, %dma_wait3A_86] : memref<10240x128xf32, #tpu.memory_space<vmem_shared>> -> memref<128x128xf32, #tpu.memory_space<vmem_shared>>
      tpu.wait_dma2 semaphore(%run_scoped3A : memref<!tpu.dma_semaphore, #tpu.memory_space<semaphore_mem>>) src(%dma_wait3A_87 : memref<128x128xf32, #tpu.memory_space<vmem_shared>>) dst(%arg12 : memref<128x128xf32, #tpu.memory_space<vmem>>)
      tpu.yield
    }) : () -> ()
    "tpu.region"() ({
      %run_scoped3A = tpu.sem_alloc : memref<!tpu.dma_semaphore, #tpu.memory_space<semaphore_mem>>
      %dma_start3A_80 = arith.constant 0 : i32
      %dma_start3A_81 = tpu.memref_slice %arg5[%arg0, %add3A_79, %dma_start3A_80] : memref<2x10240x128xf32, #tpu.memory_space<hbm>> -> memref<1x128x128xf32, #tpu.memory_space<hbm>>
      %dma_start3A_82 = tpu.memref_squeeze %dma_start3A_81 : memref<1x128x128xf32, #tpu.memory_space<hbm>> -> memref<128x128xf32, #tpu.memory_space<hbm>>
      %dma_start3A_83 = arith.constant 0 : i32
      %dma_start3A_84 = tpu.memref_slice %arg5[%arg0, %add3A_79, %dma_start3A_83] : memref<2x10240x128xf32, #tpu.memory_space<hbm>> -> memref<1x128x128xf32, #tpu.memory_space<hbm>>
      %dma_start3A_85 = tpu.memref_squeeze %dma_start3A_84 : memref<1x128x128xf32, #tpu.memory_space<hbm>> -> memref<128x128xf32, #tpu.memory_space<hbm>>
      tpu.enqueue_dma source(%arg12 : memref<128x128xf32, #tpu.memory_space<vmem>>) target(%dma_start3A_85 : memref<128x128xf32, #tpu.memory_space<hbm>>) target_semaphore(%run_scoped3A : memref<!tpu.dma_semaphore, #tpu.memory_space<semaphore_mem>>)
      %dma_wait3A_86 = arith.constant 0 : i32
      %dma_wait3A_87 = tpu.memref_slice %arg5[%arg0, %add3A_79, %dma_wait3A_86] : memref<2x10240x128xf32, #tpu.memory_space<hbm>> -> memref<1x128x128xf32, #tpu.memory_space<hbm>>
      %dma_wait3A_88 = tpu.memref_squeeze %dma_wait3A_87 : memref<1x128x128xf32, #tpu.memory_space<hbm>> -> memref<128x128xf32, #tpu.memory_space<hbm>>
      %dma_wait3A_89 = arith.constant 0 : i32
      %dma_wait3A_90 = tpu.memref_slice %arg5[%arg0, %add3A_79, %dma_wait3A_89] : memref<2x10240x128xf32, #tpu.memory_space<hbm>> -> memref<1x128x128xf32, #tpu.memory_space<hbm>>
      %dma_wait3A_91 = tpu.memref_squeeze %dma_wait3A_90 : memref<1x128x128xf32, #tpu.memory_space<hbm>> -> memref<128x128xf32, #tpu.memory_space<hbm>>
      tpu.wait_dma2 semaphore(%run_scoped3A : memref<!tpu.dma_semaphore, #tpu.memory_space<semaphore_mem>>) src(%arg12 : memref<128x128xf32, #tpu.memory_space<vmem>>) dst(%dma_wait3A_91 : memref<128x128xf32, #tpu.memory_space<hbm>>)
      tpu.yield
    }) : () -> ()
    return
  }
}

#map = affine_map<(d0, d1) -> (0, 0)>
#map1 = affine_map<(d0, d1) -> (0)>
#map2 = affine_map<(d0, d1) -> (0, 0, 0)>
module attributes {stable_mosaic.version = 14 : i64} {
  func.func @agg(%arg0: i32, %arg1: i32, %arg2: memref<10000x128xf32, #tpu.memory_space<hbm>>, %arg3: memref<320000xi32, #tpu.memory_space<hbm>>, %arg4: memref<320000xi32, #tpu.memory_space<hbm>>, %arg5: memref<2x10240x128xf32, #tpu.memory_space<hbm>>, %arg6: memref<128xi32, #tpu.memory_space<vmem>>, %arg7: memref<128xi32, #tpu.memory_space<vmem>>, %arg8: memref<128xi32, #tpu.memory_space<vmem>>, %arg9: memref<128xi32, #tpu.memory_space<vmem>>, %arg10: memref<16xi32, #tpu.memory_space<vmem>>, %arg11: memref<16xi32, #tpu.memory_space<vmem>>, %arg12: memref<128x128xf32, #tpu.memory_space<vmem>>, %arg13: memref<128x128xf32, #tpu.memory_space<vmem>>, %arg14: memref<16x128xf32, #tpu.memory_space<vmem>>, %arg15: memref<10240x128xf32, #tpu.memory_space<vmem_shared>>, %arg16: memref<!tpu.dma_semaphore, #tpu.memory_space<semaphore_mem>>, %arg17: memref<!tpu.dma_semaphore, #tpu.memory_space<semaphore_mem>>) attributes {dimension_semantics = [#tpu.dimension_semantics<core_parallel>, #tpu.dimension_semantics<subcore_parallel>], iteration_bounds = array<i64: 2, 16>, scalar_prefetch = 0 : i64, scratch_operands = 12 : i64, tpu.core_type = #tpu.core_type<sc_vector_subcore>, window_params = [{transform_indices = #map}, {transform_indices = #map1}, {transform_indices = #map1}, {transform_indices = #map2}]} {
    %mul3A = arith.constant 2 : i32
    %mul3A_0 = arith.muli %arg1, %mul3A : i32
    %add3A = arith.addi %mul3A_0, %arg0 : i32
    %mul3A_1 = arith.constant 10000 : i32
    %mul3A_2 = arith.muli %add3A, %mul3A_1 : i32
    %broadcast_in_dim3A = arith.constant 0.000000e+00 : f32
    %broadcast_in_dim3A_3 = vector.broadcast %broadcast_in_dim3A : f32 to vector<16xf32>
    %scan3A = arith.constant 0 : i32
    %scan3A_4 = arith.constant 0 : i32
    %scan3A_5 = arith.constant 128 : i32
    %scan3A_6 = arith.addi %scan3A_4, %scan3A_5 : i32
    %scan3A_7 = arith.constant 1 : i32
    %scan3A_8 = scf.for %scan3A_80 = %scan3A_4 to %scan3A_6 step %scan3A_7 iter_args(%scan3A_81 = %scan3A) -> (i32)  : i32 {
      %swap3A = arith.index_cast %scan3A_80 : i32 to index
      %swap3A_82 = arith.constant 0 : index
      %swap3A_83 = tpu.vector_load %arg12[%swap3A, %swap3A_82] {strides = array<i32>} : memref<128x128xf32, #tpu.memory_space<vmem>>, vector<1x16xf32>,
      %swap3A_84 = vector.shape_cast %swap3A_83 : vector<1x16xf32> to vector<16xf32>
      %swap3A_85 = vector.shape_cast %broadcast_in_dim3A_3 : vector<16xf32> to vector<1x16xf32>
      tpu.vector_store %arg12[%swap3A, %swap3A_82], %swap3A_85 {strides = array<i32>} : memref<128x128xf32, #tpu.memory_space<vmem>>, vector<1x16xf32>,
      %swap3A_86 = arith.index_cast %scan3A_80 : i32 to index
      %swap3A_87 = arith.constant 16 : index
      %swap3A_88 = tpu.vector_load %arg12[%swap3A_86, %swap3A_87] {strides = array<i32>} : memref<128x128xf32, #tpu.memory_space<vmem>>, vector<1x16xf32>,
      %swap3A_89 = vector.shape_cast %swap3A_88 : vector<1x16xf32> to vector<16xf32>
      %swap3A_90 = vector.shape_cast %broadcast_in_dim3A_3 : vector<16xf32> to vector<1x16xf32>
      tpu.vector_store %arg12[%swap3A_86, %swap3A_87], %swap3A_90 {strides = array<i32>} : memref<128x128xf32, #tpu.memory_space<vmem>>, vector<1x16xf32>,
      %swap3A_91 = arith.index_cast %scan3A_80 : i32 to index
      %swap3A_92 = arith.constant 32 : index
      %swap3A_93 = tpu.vector_load %arg12[%swap3A_91, %swap3A_92] {strides = array<i32>} : memref<128x128xf32, #tpu.memory_space<vmem>>, vector<1x16xf32>,
      %swap3A_94 = vector.shape_cast %swap3A_93 : vector<1x16xf32> to vector<16xf32>
      %swap3A_95 = vector.shape_cast %broadcast_in_dim3A_3 : vector<16xf32> to vector<1x16xf32>
      tpu.vector_store %arg12[%swap3A_91, %swap3A_92], %swap3A_95 {strides = array<i32>} : memref<128x128xf32, #tpu.memory_space<vmem>>, vector<1x16xf32>,
      %swap3A_96 = arith.index_cast %scan3A_80 : i32 to index
      %swap3A_97 = arith.constant 48 : index
      %swap3A_98 = tpu.vector_load %arg12[%swap3A_96, %swap3A_97] {strides = array<i32>} : memref<128x128xf32, #tpu.memory_space<vmem>>, vector<1x16xf32>,
      %swap3A_99 = vector.shape_cast %swap3A_98 : vector<1x16xf32> to vector<16xf32>
      %swap3A_100 = vector.shape_cast %broadcast_in_dim3A_3 : vector<16xf32> to vector<1x16xf32>
      tpu.vector_store %arg12[%swap3A_96, %swap3A_97], %swap3A_100 {strides = array<i32>} : memref<128x128xf32, #tpu.memory_space<vmem>>, vector<1x16xf32>,
      %swap3A_101 = arith.index_cast %scan3A_80 : i32 to index
      %swap3A_102 = arith.constant 64 : index
      %swap3A_103 = tpu.vector_load %arg12[%swap3A_101, %swap3A_102] {strides = array<i32>} : memref<128x128xf32, #tpu.memory_space<vmem>>, vector<1x16xf32>,
      %swap3A_104 = vector.shape_cast %swap3A_103 : vector<1x16xf32> to vector<16xf32>
      %swap3A_105 = vector.shape_cast %broadcast_in_dim3A_3 : vector<16xf32> to vector<1x16xf32>
      tpu.vector_store %arg12[%swap3A_101, %swap3A_102], %swap3A_105 {strides = array<i32>} : memref<128x128xf32, #tpu.memory_space<vmem>>, vector<1x16xf32>,
      %swap3A_106 = arith.index_cast %scan3A_80 : i32 to index
      %swap3A_107 = arith.constant 80 : index
      %swap3A_108 = tpu.vector_load %arg12[%swap3A_106, %swap3A_107] {strides = array<i32>} : memref<128x128xf32, #tpu.memory_space<vmem>>, vector<1x16xf32>,
      %swap3A_109 = vector.shape_cast %swap3A_108 : vector<1x16xf32> to vector<16xf32>
      %swap3A_110 = vector.shape_cast %broadcast_in_dim3A_3 : vector<16xf32> to vector<1x16xf32>
      tpu.vector_store %arg12[%swap3A_106, %swap3A_107], %swap3A_110 {strides = array<i32>} : memref<128x128xf32, #tpu.memory_space<vmem>>, vector<1x16xf32>,
      %swap3A_111 = arith.index_cast %scan3A_80 : i32 to index
      %swap3A_112 = arith.constant 96 : index
      %swap3A_113 = tpu.vector_load %arg12[%swap3A_111, %swap3A_112] {strides = array<i32>} : memref<128x128xf32, #tpu.memory_space<vmem>>, vector<1x16xf32>,
      %swap3A_114 = vector.shape_cast %swap3A_113 : vector<1x16xf32> to vector<16xf32>
      %swap3A_115 = vector.shape_cast %broadcast_in_dim3A_3 : vector<16xf32> to vector<1x16xf32>
      tpu.vector_store %arg12[%swap3A_111, %swap3A_112], %swap3A_115 {strides = array<i32>} : memref<128x128xf32, #tpu.memory_space<vmem>>, vector<1x16xf32>,
      %swap3A_116 = arith.index_cast %scan3A_80 : i32 to index
      %swap3A_117 = arith.constant 112 : index
      %swap3A_118 = tpu.vector_load %arg12[%swap3A_116, %swap3A_117] {strides = array<i32>} : memref<128x128xf32, #tpu.memory_space<vmem>>, vector<1x16xf32>,
      %swap3A_119 = vector.shape_cast %swap3A_118 : vector<1x16xf32> to vector<16xf32>
      %swap3A_120 = vector.shape_cast %broadcast_in_dim3A_3 : vector<16xf32> to vector<1x16xf32>
      tpu.vector_store %arg12[%swap3A_116, %swap3A_117], %swap3A_120 {strides = array<i32>} : memref<128x128xf32, #tpu.memory_space<vmem>>, vector<1x16xf32>,
      %scan3A_121 = arith.constant 0 : i32
      scf.yield %scan3A_121 : i32
    }
    %scan3A_9 = arith.constant 128 : i32
    %mul3A_10 = arith.constant 640 : i32
    %mul3A_11 = arith.muli %arg1, %mul3A_10 : i32
    %add3A_12 = arith.constant 0 : i32
    %add3A_13 = arith.addi %mul3A_11, %add3A_12 : i32
    "tpu.region"() ({
      %run_scoped3A = tpu.sem_alloc : memref<!tpu.dma_semaphore, #tpu.memory_space<semaphore_mem>>
      %dma_start3A_80 = arith.constant 0 : i32
      %dma_start3A_81 = tpu.memref_slice %arg15[%add3A_13, %dma_start3A_80] : memref<10240x128xf32, #tpu.memory_space<vmem_shared>> -> memref<128x128xf32, #tpu.memory_space<vmem_shared>>
      %dma_start3A_82 = arith.constant 0 : i32
      %dma_start3A_83 = tpu.memref_slice %arg15[%add3A_13, %dma_start3A_82] : memref<10240x128xf32, #tpu.memory_space<vmem_shared>> -> memref<128x128xf32, #tpu.memory_space<vmem_shared>>
      tpu.enqueue_dma source(%arg12 : memref<128x128xf32, #tpu.memory_space<vmem>>) target(%dma_start3A_83 : memref<128x128xf32, #tpu.memory_space<vmem_shared>>) target_semaphore(%run_scoped3A : memref<!tpu.dma_semaphore, #tpu.memory_space<semaphore_mem>>)
      %dma_wait3A_84 = arith.constant 0 : i32
      %dma_wait3A_85 = tpu.memref_slice %arg15[%add3A_13, %dma_wait3A_84] : memref<10240x128xf32, #tpu.memory_space<vmem_shared>> -> memref<128x128xf32, #tpu.memory_space<vmem_shared>>
      %dma_wait3A_86 = arith.constant 0 : i32
      %dma_wait3A_87 = tpu.memref_slice %arg15[%add3A_13, %dma_wait3A_86] : memref<10240x128xf32, #tpu.memory_space<vmem_shared>> -> memref<128x128xf32, #tpu.memory_space<vmem_shared>>
      tpu.wait_dma2 semaphore(%run_scoped3A : memref<!tpu.dma_semaphore, #tpu.memory_space<semaphore_mem>>) src(%arg12 : memref<128x128xf32, #tpu.memory_space<vmem>>) dst(%dma_wait3A_87 : memref<128x128xf32, #tpu.memory_space<vmem_shared>>)
      tpu.yield
    }) : () -> ()
    %mul3A_14 = arith.constant 640 : i32
    %mul3A_15 = arith.muli %arg1, %mul3A_14 : i32
    %add3A_16 = arith.constant 128 : i32
    %add3A_17 = arith.addi %mul3A_15, %add3A_16 : i32
    "tpu.region"() ({
      %run_scoped3A = tpu.sem_alloc : memref<!tpu.dma_semaphore, #tpu.memory_space<semaphore_mem>>
      %dma_start3A_80 = arith.constant 0 : i32
      %dma_start3A_81 = tpu.memref_slice %arg15[%add3A_17, %dma_start3A_80] : memref<10240x128xf32, #tpu.memory_space<vmem_shared>> -> memref<128x128xf32, #tpu.memory_space<vmem_shared>>
      %dma_start3A_82 = arith.constant 0 : i32
      %dma_start3A_83 = tpu.memref_slice %arg15[%add3A_17, %dma_start3A_82] : memref<10240x128xf32, #tpu.memory_space<vmem_shared>> -> memref<128x128xf32, #tpu.memory_space<vmem_shared>>
      tpu.enqueue_dma source(%arg12 : memref<128x128xf32, #tpu.memory_space<vmem>>) target(%dma_start3A_83 : memref<128x128xf32, #tpu.memory_space<vmem_shared>>) target_semaphore(%run_scoped3A : memref<!tpu.dma_semaphore, #tpu.memory_space<semaphore_mem>>)
      %dma_wait3A_84 = arith.constant 0 : i32
      %dma_wait3A_85 = tpu.memref_slice %arg15[%add3A_17, %dma_wait3A_84] : memref<10240x128xf32, #tpu.memory_space<vmem_shared>> -> memref<128x128xf32, #tpu.memory_space<vmem_shared>>
      %dma_wait3A_86 = arith.constant 0 : i32
      %dma_wait3A_87 = tpu.memref_slice %arg15[%add3A_17, %dma_wait3A_86] : memref<10240x128xf32, #tpu.memory_space<vmem_shared>> -> memref<128x128xf32, #tpu.memory_space<vmem_shared>>
      tpu.wait_dma2 semaphore(%run_scoped3A : memref<!tpu.dma_semaphore, #tpu.memory_space<semaphore_mem>>) src(%arg12 : memref<128x128xf32, #tpu.memory_space<vmem>>) dst(%dma_wait3A_87 : memref<128x128xf32, #tpu.memory_space<vmem_shared>>)
      tpu.yield
    }) : () -> ()
    %mul3A_18 = arith.constant 640 : i32
    %mul3A_19 = arith.muli %arg1, %mul3A_18 : i32
    %add3A_20 = arith.constant 256 : i32
    %add3A_21 = arith.addi %mul3A_19, %add3A_20 : i32
    "tpu.region"() ({
      %run_scoped3A = tpu.sem_alloc : memref<!tpu.dma_semaphore, #tpu.memory_space<semaphore_mem>>
      %dma_start3A_80 = arith.constant 0 : i32
      %dma_start3A_81 = tpu.memref_slice %arg15[%add3A_21, %dma_start3A_80] : memref<10240x128xf32, #tpu.memory_space<vmem_shared>> -> memref<128x128xf32, #tpu.memory_space<vmem_shared>>
      %dma_start3A_82 = arith.constant 0 : i32
      %dma_start3A_83 = tpu.memref_slice %arg15[%add3A_21, %dma_start3A_82] : memref<10240x128xf32, #tpu.memory_space<vmem_shared>> -> memref<128x128xf32, #tpu.memory_space<vmem_shared>>
      tpu.enqueue_dma source(%arg12 : memref<128x128xf32, #tpu.memory_space<vmem>>) target(%dma_start3A_83 : memref<128x128xf32, #tpu.memory_space<vmem_shared>>) target_semaphore(%run_scoped3A : memref<!tpu.dma_semaphore, #tpu.memory_space<semaphore_mem>>)
      %dma_wait3A_84 = arith.constant 0 : i32
      %dma_wait3A_85 = tpu.memref_slice %arg15[%add3A_21, %dma_wait3A_84] : memref<10240x128xf32, #tpu.memory_space<vmem_shared>> -> memref<128x128xf32, #tpu.memory_space<vmem_shared>>
      %dma_wait3A_86 = arith.constant 0 : i32
      %dma_wait3A_87 = tpu.memref_slice %arg15[%add3A_21, %dma_wait3A_86] : memref<10240x128xf32, #tpu.memory_space<vmem_shared>> -> memref<128x128xf32, #tpu.memory_space<vmem_shared>>
      tpu.wait_dma2 semaphore(%run_scoped3A : memref<!tpu.dma_semaphore, #tpu.memory_space<semaphore_mem>>) src(%arg12 : memref<128x128xf32, #tpu.memory_space<vmem>>) dst(%dma_wait3A_87 : memref<128x128xf32, #tpu.memory_space<vmem_shared>>)
      tpu.yield
    }) : () -> ()
    %mul3A_22 = arith.constant 640 : i32
    %mul3A_23 = arith.muli %arg1, %mul3A_22 : i32
    %add3A_24 = arith.constant 384 : i32
    %add3A_25 = arith.addi %mul3A_23, %add3A_24 : i32
    "tpu.region"() ({
      %run_scoped3A = tpu.sem_alloc : memref<!tpu.dma_semaphore, #tpu.memory_space<semaphore_mem>>
      %dma_start3A_80 = arith.constant 0 : i32
      %dma_start3A_81 = tpu.memref_slice %arg15[%add3A_25, %dma_start3A_80] : memref<10240x128xf32, #tpu.memory_space<vmem_shared>> -> memref<128x128xf32, #tpu.memory_space<vmem_shared>>
      %dma_start3A_82 = arith.constant 0 : i32
      %dma_start3A_83 = tpu.memref_slice %arg15[%add3A_25, %dma_start3A_82] : memref<10240x128xf32, #tpu.memory_space<vmem_shared>> -> memref<128x128xf32, #tpu.memory_space<vmem_shared>>
      tpu.enqueue_dma source(%arg12 : memref<128x128xf32, #tpu.memory_space<vmem>>) target(%dma_start3A_83 : memref<128x128xf32, #tpu.memory_space<vmem_shared>>) target_semaphore(%run_scoped3A : memref<!tpu.dma_semaphore, #tpu.memory_space<semaphore_mem>>)
      %dma_wait3A_84 = arith.constant 0 : i32
      %dma_wait3A_85 = tpu.memref_slice %arg15[%add3A_25, %dma_wait3A_84] : memref<10240x128xf32, #tpu.memory_space<vmem_shared>> -> memref<128x128xf32, #tpu.memory_space<vmem_shared>>
      %dma_wait3A_86 = arith.constant 0 : i32
      %dma_wait3A_87 = tpu.memref_slice %arg15[%add3A_25, %dma_wait3A_86] : memref<10240x128xf32, #tpu.memory_space<vmem_shared>> -> memref<128x128xf32, #tpu.memory_space<vmem_shared>>
      tpu.wait_dma2 semaphore(%run_scoped3A : memref<!tpu.dma_semaphore, #tpu.memory_space<semaphore_mem>>) src(%arg12 : memref<128x128xf32, #tpu.memory_space<vmem>>) dst(%dma_wait3A_87 : memref<128x128xf32, #tpu.memory_space<vmem_shared>>)
      tpu.yield
    }) : () -> ()
    %mul3A_26 = arith.constant 640 : i32
    %mul3A_27 = arith.muli %arg1, %mul3A_26 : i32
    %add3A_28 = arith.constant 512 : i32
    %add3A_29 = arith.addi %mul3A_27, %add3A_28 : i32
    "tpu.region"() ({
      %run_scoped3A = tpu.sem_alloc : memref<!tpu.dma_semaphore, #tpu.memory_space<semaphore_mem>>
      %dma_start3A_80 = arith.constant 0 : i32
      %dma_start3A_81 = tpu.memref_slice %arg15[%add3A_29, %dma_start3A_80] : memref<10240x128xf32, #tpu.memory_space<vmem_shared>> -> memref<128x128xf32, #tpu.memory_space<vmem_shared>>
      %dma_start3A_82 = arith.constant 0 : i32
      %dma_start3A_83 = tpu.memref_slice %arg15[%add3A_29, %dma_start3A_82] : memref<10240x128xf32, #tpu.memory_space<vmem_shared>> -> memref<128x128xf32, #tpu.memory_space<vmem_shared>>
      tpu.enqueue_dma source(%arg12 : memref<128x128xf32, #tpu.memory_space<vmem>>) target(%dma_start3A_83 : memref<128x128xf32, #tpu.memory_space<vmem_shared>>) target_semaphore(%run_scoped3A : memref<!tpu.dma_semaphore, #tpu.memory_space<semaphore_mem>>)
      %dma_wait3A_84 = arith.constant 0 : i32
      %dma_wait3A_85 = tpu.memref_slice %arg15[%add3A_29, %dma_wait3A_84] : memref<10240x128xf32, #tpu.memory_space<vmem_shared>> -> memref<128x128xf32, #tpu.memory_space<vmem_shared>>
      %dma_wait3A_86 = arith.constant 0 : i32
      %dma_wait3A_87 = tpu.memref_slice %arg15[%add3A_29, %dma_wait3A_86] : memref<10240x128xf32, #tpu.memory_space<vmem_shared>> -> memref<128x128xf32, #tpu.memory_space<vmem_shared>>
      tpu.wait_dma2 semaphore(%run_scoped3A : memref<!tpu.dma_semaphore, #tpu.memory_space<semaphore_mem>>) src(%arg12 : memref<128x128xf32, #tpu.memory_space<vmem>>) dst(%dma_wait3A_87 : memref<128x128xf32, #tpu.memory_space<vmem_shared>>)
      tpu.yield
    }) : () -> ()
    %barrier3A = arith.constant 0 : index
    tpu.barrier barrier_id(%barrier3A)
    "tpu.region"() ({
      %run_scoped3A = tpu.sem_alloc : memref<!tpu.dma_semaphore, #tpu.memory_space<semaphore_mem>>
      %dma_start3A_80 = tpu.memref_slice %arg3[%mul3A_2] : memref<320000xi32, #tpu.memory_space<hbm>> -> memref<128xi32, #tpu.memory_space<hbm>>
      %dma_start3A_81 = tpu.memref_slice %arg3[%mul3A_2] : memref<320000xi32, #tpu.memory_space<hbm>> -> memref<128xi32, #tpu.memory_space<hbm>>
      tpu.enqueue_dma source(%dma_start3A_81 : memref<128xi32, #tpu.memory_space<hbm>>) target(%arg6 : memref<128xi32, #tpu.memory_space<vmem>>) target_semaphore(%run_scoped3A : memref<!tpu.dma_semaphore, #tpu.memory_space<semaphore_mem>>)
      %dma_wait3A_82 = tpu.memref_slice %arg3[%mul3A_2] : memref<320000xi32, #tpu.memory_space<hbm>> -> memref<128xi32, #tpu.memory_space<hbm>>
      %dma_wait3A_83 = tpu.memref_slice %arg3[%mul3A_2] : memref<320000xi32, #tpu.memory_space<hbm>> -> memref<128xi32, #tpu.memory_space<hbm>>
      tpu.wait_dma2 semaphore(%run_scoped3A : memref<!tpu.dma_semaphore, #tpu.memory_space<semaphore_mem>>) src(%dma_wait3A_83 : memref<128xi32, #tpu.memory_space<hbm>>) dst(%arg6 : memref<128xi32, #tpu.memory_space<vmem>>)
      tpu.yield
    }) : () -> ()
    %dma_start3A = arith.constant 0 : i32
    %dma_start3A_30 = arith.constant 0 : i32
    %dma_start3A_31 = tpu.memref_slice %arg2[%dma_start3A, %dma_start3A_30] : memref<10000x128xf32, #tpu.memory_space<hbm>> -> memref<10000x128xf32, #tpu.memory_space<hbm>>
    tpu.enqueue_indirect_dma source(%dma_start3A_31 : memref<10000x128xf32, #tpu.memory_space<hbm>>) target(%arg12 : memref<128x128xf32, #tpu.memory_space<vmem>>) offsets(%arg6 : memref<128xi32, #tpu.memory_space<vmem>>) semaphore(%arg16 : memref<!tpu.dma_semaphore, #tpu.memory_space<semaphore_mem>>)
    %scan3A_32 = arith.constant 0 : i32
    %scan3A_33 = arith.constant 0 : i32
    %scan3A_34 = arith.constant 38 : i32
    %scan3A_35 = arith.addi %scan3A_33, %scan3A_34 : i32
    %scan3A_36 = arith.constant 1 : i32
    %scan3A_37 = scf.for %scan3A_80 = %scan3A_33 to %scan3A_35 step %scan3A_36 iter_args(%scan3A_81 = %scan3A_32) -> (i32)  : i32 {
      %mul3A_82 = arith.constant 2 : i32
      %mul3A_83 = arith.muli %mul3A_82, %scan3A_80 : i32
      %mul3A_84 = arith.constant 128 : i32
      %mul3A_85 = arith.muli %mul3A_83, %mul3A_84 : i32
      %add3A_86 = arith.addi %mul3A_2, %mul3A_85 : i32
      %add3A_87 = arith.constant 128 : i32
      %add3A_88 = arith.addi %add3A_86, %add3A_87 : i32
      "tpu.region"() ({
        %run_scoped3A = tpu.sem_alloc : memref<!tpu.dma_semaphore, #tpu.memory_space<semaphore_mem>>
        %dma_start3A_104 = tpu.memref_slice %arg3[%add3A_88] : memref<320000xi32, #tpu.memory_space<hbm>> -> memref<128xi32, #tpu.memory_space<hbm>>
        %dma_start3A_105 = tpu.memref_slice %arg3[%add3A_88] : memref<320000xi32, #tpu.memory_space<hbm>> -> memref<128xi32, #tpu.memory_space<hbm>>
        tpu.enqueue_dma source(%dma_start3A_105 : memref<128xi32, #tpu.memory_space<hbm>>) target(%arg7 : memref<128xi32, #tpu.memory_space<vmem>>) target_semaphore(%run_scoped3A : memref<!tpu.dma_semaphore, #tpu.memory_space<semaphore_mem>>)
        %dma_wait3A_106 = tpu.memref_slice %arg3[%add3A_88] : memref<320000xi32, #tpu.memory_space<hbm>> -> memref<128xi32, #tpu.memory_space<hbm>>
        %dma_wait3A_107 = tpu.memref_slice %arg3[%add3A_88] : memref<320000xi32, #tpu.memory_space<hbm>> -> memref<128xi32, #tpu.memory_space<hbm>>
        tpu.wait_dma2 semaphore(%run_scoped3A : memref<!tpu.dma_semaphore, #tpu.memory_space<semaphore_mem>>) src(%dma_wait3A_107 : memref<128xi32, #tpu.memory_space<hbm>>) dst(%arg7 : memref<128xi32, #tpu.memory_space<vmem>>)
        tpu.yield
      }) : () -> ()
      %dma_start3A_89 = arith.constant 0 : i32
      %dma_start3A_90 = arith.constant 0 : i32
      %dma_start3A_91 = tpu.memref_slice %arg2[%dma_start3A_89, %dma_start3A_90] : memref<10000x128xf32, #tpu.memory_space<hbm>> -> memref<10000x128xf32, #tpu.memory_space<hbm>>
      tpu.enqueue_indirect_dma source(%dma_start3A_91 : memref<10000x128xf32, #tpu.memory_space<hbm>>) target(%arg13 : memref<128x128xf32, #tpu.memory_space<vmem>>) offsets(%arg7 : memref<128xi32, #tpu.memory_space<vmem>>) semaphore(%arg17 : memref<!tpu.dma_semaphore, #tpu.memory_space<semaphore_mem>>)
      "tpu.region"() ({
        %run_scoped3A = tpu.sem_alloc : memref<!tpu.dma_semaphore, #tpu.memory_space<semaphore_mem>>
        %dma_start3A_104 = tpu.memref_slice %arg4[%add3A_86] : memref<320000xi32, #tpu.memory_space<hbm>> -> memref<128xi32, #tpu.memory_space<hbm>>
        %dma_start3A_105 = tpu.memref_slice %arg4[%add3A_86] : memref<320000xi32, #tpu.memory_space<hbm>> -> memref<128xi32, #tpu.memory_space<hbm>>
        tpu.enqueue_dma source(%dma_start3A_105 : memref<128xi32, #tpu.memory_space<hbm>>) target(%arg8 : memref<128xi32, #tpu.memory_space<vmem>>) target_semaphore(%run_scoped3A : memref<!tpu.dma_semaphore, #tpu.memory_space<semaphore_mem>>)
        %dma_wait3A_106 = tpu.memref_slice %arg4[%add3A_86] : memref<320000xi32, #tpu.memory_space<hbm>> -> memref<128xi32, #tpu.memory_space<hbm>>
        %dma_wait3A_107 = tpu.memref_slice %arg4[%add3A_86] : memref<320000xi32, #tpu.memory_space<hbm>> -> memref<128xi32, #tpu.memory_space<hbm>>
        tpu.wait_dma2 semaphore(%run_scoped3A : memref<!tpu.dma_semaphore, #tpu.memory_space<semaphore_mem>>) src(%dma_wait3A_107 : memref<128xi32, #tpu.memory_space<hbm>>) dst(%arg8 : memref<128xi32, #tpu.memory_space<vmem>>)
        tpu.yield
      }) : () -> ()
      %dma_wait3A_92 = arith.constant 0 : i32
      %dma_wait3A_93 = arith.constant 0 : i32
      %dma_wait3A_94 = tpu.memref_slice %arg2[%dma_wait3A_92, %dma_wait3A_93] : memref<10000x128xf32, #tpu.memory_space<hbm>> -> memref<10000x128xf32, #tpu.memory_space<hbm>>
      tpu.wait_indirect_dma semaphore(%arg16 : memref<!tpu.dma_semaphore, #tpu.memory_space<semaphore_mem>>) src(%dma_wait3A_94 : memref<10000x128xf32, #tpu.memory_space<hbm>>) dst(%arg12 : memref<128x128xf32, #tpu.memory_space<vmem>>)
      "tpu.region"() ({
        %run_scoped3A = tpu.sem_alloc : memref<!tpu.dma_semaphore, #tpu.memory_space<semaphore_mem>>
        %dma_start3A_104 = arith.constant 0 : i32
        %dma_start3A_105 = arith.constant 0 : i32
        %dma_start3A_106 = tpu.memref_slice %arg15[%dma_start3A_104, %dma_start3A_105] : memref<10240x128xf32, #tpu.memory_space<vmem_shared>> -> memref<10240x128xf32, #tpu.memory_space<vmem_shared>>
        tpu.enqueue_indirect_dma source(%arg12 : memref<128x128xf32, #tpu.memory_space<vmem>>) target(%dma_start3A_106 : memref<10240x128xf32, #tpu.memory_space<vmem_shared>>) offsets(%arg8 : memref<128xi32, #tpu.memory_space<vmem>>) semaphore(%run_scoped3A : memref<!tpu.dma_semaphore, #tpu.memory_space<semaphore_mem>>) {add = true}
        %dma_wait3A_107 = arith.constant 0 : i32
        %dma_wait3A_108 = arith.constant 0 : i32
        %dma_wait3A_109 = tpu.memref_slice %arg15[%dma_wait3A_107, %dma_wait3A_108] : memref<10240x128xf32, #tpu.memory_space<vmem_shared>> -> memref<10240x128xf32, #tpu.memory_space<vmem_shared>>
        tpu.wait_indirect_dma semaphore(%run_scoped3A : memref<!tpu.dma_semaphore, #tpu.memory_space<semaphore_mem>>) src(%arg12 : memref<128x128xf32, #tpu.memory_space<vmem>>) dst(%dma_wait3A_109 : memref<10240x128xf32, #tpu.memory_space<vmem_shared>>)
        tpu.yield
      }) : () -> ()
      %add3A_95 = arith.constant 256 : i32
      %add3A_96 = arith.addi %add3A_86, %add3A_95 : i32
      "tpu.region"() ({
        %run_scoped3A = tpu.sem_alloc : memref<!tpu.dma_semaphore, #tpu.memory_space<semaphore_mem>>
        %dma_start3A_104 = tpu.memref_slice %arg3[%add3A_96] : memref<320000xi32, #tpu.memory_space<hbm>> -> memref<128xi32, #tpu.memory_space<hbm>>
        %dma_start3A_105 = tpu.memref_slice %arg3[%add3A_96] : memref<320000xi32, #tpu.memory_space<hbm>> -> memref<128xi32, #tpu.memory_space<hbm>>
        tpu.enqueue_dma source(%dma_start3A_105 : memref<128xi32, #tpu.memory_space<hbm>>) target(%arg6 : memref<128xi32, #tpu.memory_space<vmem>>) target_semaphore(%run_scoped3A : memref<!tpu.dma_semaphore, #tpu.memory_space<semaphore_mem>>)
        %dma_wait3A_106 = tpu.memref_slice %arg3[%add3A_96] : memref<320000xi32, #tpu.memory_space<hbm>> -> memref<128xi32, #tpu.memory_space<hbm>>
        %dma_wait3A_107 = tpu.memref_slice %arg3[%add3A_96] : memref<320000xi32, #tpu.memory_space<hbm>> -> memref<128xi32, #tpu.memory_space<hbm>>
        tpu.wait_dma2 semaphore(%run_scoped3A : memref<!tpu.dma_semaphore, #tpu.memory_space<semaphore_mem>>) src(%dma_wait3A_107 : memref<128xi32, #tpu.memory_space<hbm>>) dst(%arg6 : memref<128xi32, #tpu.memory_space<vmem>>)
        tpu.yield
      }) : () -> ()
      %dma_start3A_97 = arith.constant 0 : i32
      %dma_start3A_98 = arith.constant 0 : i32
      %dma_start3A_99 = tpu.memref_slice %arg2[%dma_start3A_97, %dma_start3A_98] : memref<10000x128xf32, #tpu.memory_space<hbm>> -> memref<10000x128xf32, #tpu.memory_space<hbm>>
      tpu.enqueue_indirect_dma source(%dma_start3A_99 : memref<10000x128xf32, #tpu.memory_space<hbm>>) target(%arg12 : memref<128x128xf32, #tpu.memory_space<vmem>>) offsets(%arg6 : memref<128xi32, #tpu.memory_space<vmem>>) semaphore(%arg16 : memref<!tpu.dma_semaphore, #tpu.memory_space<semaphore_mem>>)
      "tpu.region"() ({
        %run_scoped3A = tpu.sem_alloc : memref<!tpu.dma_semaphore, #tpu.memory_space<semaphore_mem>>
        %dma_start3A_104 = tpu.memref_slice %arg4[%add3A_88] : memref<320000xi32, #tpu.memory_space<hbm>> -> memref<128xi32, #tpu.memory_space<hbm>>
        %dma_start3A_105 = tpu.memref_slice %arg4[%add3A_88] : memref<320000xi32, #tpu.memory_space<hbm>> -> memref<128xi32, #tpu.memory_space<hbm>>
        tpu.enqueue_dma source(%dma_start3A_105 : memref<128xi32, #tpu.memory_space<hbm>>) target(%arg9 : memref<128xi32, #tpu.memory_space<vmem>>) target_semaphore(%run_scoped3A : memref<!tpu.dma_semaphore, #tpu.memory_space<semaphore_mem>>)
        %dma_wait3A_106 = tpu.memref_slice %arg4[%add3A_88] : memref<320000xi32, #tpu.memory_space<hbm>> -> memref<128xi32, #tpu.memory_space<hbm>>
        %dma_wait3A_107 = tpu.memref_slice %arg4[%add3A_88] : memref<320000xi32, #tpu.memory_space<hbm>> -> memref<128xi32, #tpu.memory_space<hbm>>
        tpu.wait_dma2 semaphore(%run_scoped3A : memref<!tpu.dma_semaphore, #tpu.memory_space<semaphore_mem>>) src(%dma_wait3A_107 : memref<128xi32, #tpu.memory_space<hbm>>) dst(%arg9 : memref<128xi32, #tpu.memory_space<vmem>>)
        tpu.yield
      }) : () -> ()
      %dma_wait3A_100 = arith.constant 0 : i32
      %dma_wait3A_101 = arith.constant 0 : i32
      %dma_wait3A_102 = tpu.memref_slice %arg2[%dma_wait3A_100, %dma_wait3A_101] : memref<10000x128xf32, #tpu.memory_space<hbm>> -> memref<10000x128xf32, #tpu.memory_space<hbm>>
      tpu.wait_indirect_dma semaphore(%arg17 : memref<!tpu.dma_semaphore, #tpu.memory_space<semaphore_mem>>) src(%dma_wait3A_102 : memref<10000x128xf32, #tpu.memory_space<hbm>>) dst(%arg13 : memref<128x128xf32, #tpu.memory_space<vmem>>)
      "tpu.region"() ({
        %run_scoped3A = tpu.sem_alloc : memref<!tpu.dma_semaphore, #tpu.memory_space<semaphore_mem>>
        %dma_start3A_104 = arith.constant 0 : i32
        %dma_start3A_105 = arith.constant 0 : i32
        %dma_start3A_106 = tpu.memref_slice %arg15[%dma_start3A_104, %dma_start3A_105] : memref<10240x128xf32, #tpu.memory_space<vmem_shared>> -> memref<10240x128xf32, #tpu.memory_space<vmem_shared>>
        tpu.enqueue_indirect_dma source(%arg13 : memref<128x128xf32, #tpu.memory_space<vmem>>) target(%dma_start3A_106 : memref<10240x128xf32, #tpu.memory_space<vmem_shared>>) offsets(%arg9 : memref<128xi32, #tpu.memory_space<vmem>>) semaphore(%run_scoped3A : memref<!tpu.dma_semaphore, #tpu.memory_space<semaphore_mem>>) {add = true}
        %dma_wait3A_107 = arith.constant 0 : i32
        %dma_wait3A_108 = arith.constant 0 : i32
        %dma_wait3A_109 = tpu.memref_slice %arg15[%dma_wait3A_107, %dma_wait3A_108] : memref<10240x128xf32, #tpu.memory_space<vmem_shared>> -> memref<10240x128xf32, #tpu.memory_space<vmem_shared>>
        tpu.wait_indirect_dma semaphore(%run_scoped3A : memref<!tpu.dma_semaphore, #tpu.memory_space<semaphore_mem>>) src(%arg13 : memref<128x128xf32, #tpu.memory_space<vmem>>) dst(%dma_wait3A_109 : memref<10240x128xf32, #tpu.memory_space<vmem_shared>>)
        tpu.yield
      }) : () -> ()
      %scan3A_103 = arith.constant 0 : i32
      scf.yield %scan3A_103 : i32
    }
    %scan3A_38 = arith.constant 38 : i32
    %add3A_39 = arith.constant 9728 : i32
    %add3A_40 = arith.addi %mul3A_2, %add3A_39 : i32
    %add3A_41 = arith.constant 128 : i32
    %add3A_42 = arith.addi %add3A_40, %add3A_41 : i32
    "tpu.region"() ({
      %run_scoped3A = tpu.sem_alloc : memref<!tpu.dma_semaphore, #tpu.memory_space<semaphore_mem>>
      %dma_start3A_80 = tpu.memref_slice %arg3[%add3A_42] : memref<320000xi32, #tpu.memory_space<hbm>> -> memref<128xi32, #tpu.memory_space<hbm>>
      %dma_start3A_81 = tpu.memref_slice %arg3[%add3A_42] : memref<320000xi32, #tpu.memory_space<hbm>> -> memref<128xi32, #tpu.memory_space<hbm>>
      tpu.enqueue_dma source(%dma_start3A_81 : memref<128xi32, #tpu.memory_space<hbm>>) target(%arg7 : memref<128xi32, #tpu.memory_space<vmem>>) target_semaphore(%run_scoped3A : memref<!tpu.dma_semaphore, #tpu.memory_space<semaphore_mem>>)
      %dma_wait3A_82 = tpu.memref_slice %arg3[%add3A_42] : memref<320000xi32, #tpu.memory_space<hbm>> -> memref<128xi32, #tpu.memory_space<hbm>>
      %dma_wait3A_83 = tpu.memref_slice %arg3[%add3A_42] : memref<320000xi32, #tpu.memory_space<hbm>> -> memref<128xi32, #tpu.memory_space<hbm>>
      tpu.wait_dma2 semaphore(%run_scoped3A : memref<!tpu.dma_semaphore, #tpu.memory_space<semaphore_mem>>) src(%dma_wait3A_83 : memref<128xi32, #tpu.memory_space<hbm>>) dst(%arg7 : memref<128xi32, #tpu.memory_space<vmem>>)
      tpu.yield
    }) : () -> ()
    %dma_start3A_43 = arith.constant 0 : i32
    %dma_start3A_44 = arith.constant 0 : i32
    %dma_start3A_45 = tpu.memref_slice %arg2[%dma_start3A_43, %dma_start3A_44] : memref<10000x128xf32, #tpu.memory_space<hbm>> -> memref<10000x128xf32, #tpu.memory_space<hbm>>
    tpu.enqueue_indirect_dma source(%dma_start3A_45 : memref<10000x128xf32, #tpu.memory_space<hbm>>) target(%arg13 : memref<128x128xf32, #tpu.memory_space<vmem>>) offsets(%arg7 : memref<128xi32, #tpu.memory_space<vmem>>) semaphore(%arg17 : memref<!tpu.dma_semaphore, #tpu.memory_space<semaphore_mem>>)
    "tpu.region"() ({
      %run_scoped3A = tpu.sem_alloc : memref<!tpu.dma_semaphore, #tpu.memory_space<semaphore_mem>>
      %dma_start3A_80 = tpu.memref_slice %arg4[%add3A_40] : memref<320000xi32, #tpu.memory_space<hbm>> -> memref<128xi32, #tpu.memory_space<hbm>>
      %dma_start3A_81 = tpu.memref_slice %arg4[%add3A_40] : memref<320000xi32, #tpu.memory_space<hbm>> -> memref<128xi32, #tpu.memory_space<hbm>>
      tpu.enqueue_dma source(%dma_start3A_81 : memref<128xi32, #tpu.memory_space<hbm>>) target(%arg8 : memref<128xi32, #tpu.memory_space<vmem>>) target_semaphore(%run_scoped3A : memref<!tpu.dma_semaphore, #tpu.memory_space<semaphore_mem>>)
      %dma_wait3A_82 = tpu.memref_slice %arg4[%add3A_40] : memref<320000xi32, #tpu.memory_space<hbm>> -> memref<128xi32, #tpu.memory_space<hbm>>
      %dma_wait3A_83 = tpu.memref_slice %arg4[%add3A_40] : memref<320000xi32, #tpu.memory_space<hbm>> -> memref<128xi32, #tpu.memory_space<hbm>>
      tpu.wait_dma2 semaphore(%run_scoped3A : memref<!tpu.dma_semaphore, #tpu.memory_space<semaphore_mem>>) src(%dma_wait3A_83 : memref<128xi32, #tpu.memory_space<hbm>>) dst(%arg8 : memref<128xi32, #tpu.memory_space<vmem>>)
      tpu.yield
    }) : () -> ()
    "tpu.region"() ({
      %run_scoped3A = tpu.sem_alloc : memref<!tpu.dma_semaphore, #tpu.memory_space<semaphore_mem>>
      %dma_start3A_80 = tpu.memref_slice %arg4[%add3A_42] : memref<320000xi32, #tpu.memory_space<hbm>> -> memref<128xi32, #tpu.memory_space<hbm>>
      %dma_start3A_81 = tpu.memref_slice %arg4[%add3A_42] : memref<320000xi32, #tpu.memory_space<hbm>> -> memref<128xi32, #tpu.memory_space<hbm>>
      tpu.enqueue_dma source(%dma_start3A_81 : memref<128xi32, #tpu.memory_space<hbm>>) target(%arg9 : memref<128xi32, #tpu.memory_space<vmem>>) target_semaphore(%run_scoped3A : memref<!tpu.dma_semaphore, #tpu.memory_space<semaphore_mem>>)
      %dma_wait3A_82 = tpu.memref_slice %arg4[%add3A_42] : memref<320000xi32, #tpu.memory_space<hbm>> -> memref<128xi32, #tpu.memory_space<hbm>>
      %dma_wait3A_83 = tpu.memref_slice %arg4[%add3A_42] : memref<320000xi32, #tpu.memory_space<hbm>> -> memref<128xi32, #tpu.memory_space<hbm>>
      tpu.wait_dma2 semaphore(%run_scoped3A : memref<!tpu.dma_semaphore, #tpu.memory_space<semaphore_mem>>) src(%dma_wait3A_83 : memref<128xi32, #tpu.memory_space<hbm>>) dst(%arg9 : memref<128xi32, #tpu.memory_space<vmem>>)
      tpu.yield
    }) : () -> ()
    %dma_wait3A = arith.constant 0 : i32
    %dma_wait3A_46 = arith.constant 0 : i32
    %dma_wait3A_47 = tpu.memref_slice %arg2[%dma_wait3A, %dma_wait3A_46] : memref<10000x128xf32, #tpu.memory_space<hbm>> -> memref<10000x128xf32, #tpu.memory_space<hbm>>
    tpu.wait_indirect_dma semaphore(%arg16 : memref<!tpu.dma_semaphore, #tpu.memory_space<semaphore_mem>>) src(%dma_wait3A_47 : memref<10000x128xf32, #tpu.memory_space<hbm>>) dst(%arg12 : memref<128x128xf32, #tpu.memory_space<vmem>>)
    "tpu.region"() ({
      %run_scoped3A = tpu.sem_alloc : memref<!tpu.dma_semaphore, #tpu.memory_space<semaphore_mem>>
      %dma_start3A_80 = arith.constant 0 : i32
      %dma_start3A_81 = arith.constant 0 : i32
      %dma_start3A_82 = tpu.memref_slice %arg15[%dma_start3A_80, %dma_start3A_81] : memref<10240x128xf32, #tpu.memory_space<vmem_shared>> -> memref<10240x128xf32, #tpu.memory_space<vmem_shared>>
      tpu.enqueue_indirect_dma source(%arg12 : memref<128x128xf32, #tpu.memory_space<vmem>>) target(%dma_start3A_82 : memref<10240x128xf32, #tpu.memory_space<vmem_shared>>) offsets(%arg8 : memref<128xi32, #tpu.memory_space<vmem>>) semaphore(%run_scoped3A : memref<!tpu.dma_semaphore, #tpu.memory_space<semaphore_mem>>) {add = true}
      %dma_wait3A_83 = arith.constant 0 : i32
      %dma_wait3A_84 = arith.constant 0 : i32
      %dma_wait3A_85 = tpu.memref_slice %arg15[%dma_wait3A_83, %dma_wait3A_84] : memref<10240x128xf32, #tpu.memory_space<vmem_shared>> -> memref<10240x128xf32, #tpu.memory_space<vmem_shared>>
      tpu.wait_indirect_dma semaphore(%run_scoped3A : memref<!tpu.dma_semaphore, #tpu.memory_space<semaphore_mem>>) src(%arg12 : memref<128x128xf32, #tpu.memory_space<vmem>>) dst(%dma_wait3A_85 : memref<10240x128xf32, #tpu.memory_space<vmem_shared>>)
      tpu.yield
    }) : () -> ()
    %dma_wait3A_48 = arith.constant 0 : i32
    %dma_wait3A_49 = arith.constant 0 : i32
    %dma_wait3A_50 = tpu.memref_slice %arg2[%dma_wait3A_48, %dma_wait3A_49] : memref<10000x128xf32, #tpu.memory_space<hbm>> -> memref<10000x128xf32, #tpu.memory_space<hbm>>
    tpu.wait_indirect_dma semaphore(%arg17 : memref<!tpu.dma_semaphore, #tpu.memory_space<semaphore_mem>>) src(%dma_wait3A_50 : memref<10000x128xf32, #tpu.memory_space<hbm>>) dst(%arg13 : memref<128x128xf32, #tpu.memory_space<vmem>>)
    "tpu.region"() ({
      %run_scoped3A = tpu.sem_alloc : memref<!tpu.dma_semaphore, #tpu.memory_space<semaphore_mem>>
      %dma_start3A_80 = arith.constant 0 : i32
      %dma_start3A_81 = arith.constant 0 : i32
      %dma_start3A_82 = tpu.memref_slice %arg15[%dma_start3A_80, %dma_start3A_81] : memref<10240x128xf32, #tpu.memory_space<vmem_shared>> -> memref<10240x128xf32, #tpu.memory_space<vmem_shared>>
      tpu.enqueue_indirect_dma source(%arg13 : memref<128x128xf32, #tpu.memory_space<vmem>>) target(%dma_start3A_82 : memref<10240x128xf32, #tpu.memory_space<vmem_shared>>) offsets(%arg9 : memref<128xi32, #tpu.memory_space<vmem>>) semaphore(%run_scoped3A : memref<!tpu.dma_semaphore, #tpu.memory_space<semaphore_mem>>) {add = true}
      %dma_wait3A_83 = arith.constant 0 : i32
      %dma_wait3A_84 = arith.constant 0 : i32
      %dma_wait3A_85 = tpu.memref_slice %arg15[%dma_wait3A_83, %dma_wait3A_84] : memref<10240x128xf32, #tpu.memory_space<vmem_shared>> -> memref<10240x128xf32, #tpu.memory_space<vmem_shared>>
      tpu.wait_indirect_dma semaphore(%run_scoped3A : memref<!tpu.dma_semaphore, #tpu.memory_space<semaphore_mem>>) src(%arg13 : memref<128x128xf32, #tpu.memory_space<vmem>>) dst(%dma_wait3A_85 : memref<10240x128xf32, #tpu.memory_space<vmem_shared>>)
      tpu.yield
    }) : () -> ()
    %add3A_51 = arith.constant 9984 : i32
    %add3A_52 = arith.addi %mul3A_2, %add3A_51 : i32
    "tpu.region"() ({
      %run_scoped3A = tpu.sem_alloc : memref<!tpu.dma_semaphore, #tpu.memory_space<semaphore_mem>>
      %dma_start3A_80 = tpu.memref_slice %arg3[%add3A_52] : memref<320000xi32, #tpu.memory_space<hbm>> -> memref<16xi32, #tpu.memory_space<hbm>>
      %dma_start3A_81 = tpu.memref_slice %arg3[%add3A_52] : memref<320000xi32, #tpu.memory_space<hbm>> -> memref<16xi32, #tpu.memory_space<hbm>>
      tpu.enqueue_dma source(%dma_start3A_81 : memref<16xi32, #tpu.memory_space<hbm>>) target(%arg10 : memref<16xi32, #tpu.memory_space<vmem>>) target_semaphore(%run_scoped3A : memref<!tpu.dma_semaphore, #tpu.memory_space<semaphore_mem>>)
      %dma_wait3A_82 = tpu.memref_slice %arg3[%add3A_52] : memref<320000xi32, #tpu.memory_space<hbm>> -> memref<16xi32, #tpu.memory_space<hbm>>
      %dma_wait3A_83 = tpu.memref_slice %arg3[%add3A_52] : memref<320000xi32, #tpu.memory_space<hbm>> -> memref<16xi32, #tpu.memory_space<hbm>>
      tpu.wait_dma2 semaphore(%run_scoped3A : memref<!tpu.dma_semaphore, #tpu.memory_space<semaphore_mem>>) src(%dma_wait3A_83 : memref<16xi32, #tpu.memory_space<hbm>>) dst(%arg10 : memref<16xi32, #tpu.memory_space<vmem>>)
      tpu.yield
    }) : () -> ()
    "tpu.region"() ({
      %run_scoped3A = tpu.sem_alloc : memref<!tpu.dma_semaphore, #tpu.memory_space<semaphore_mem>>
      %dma_start3A_80 = tpu.memref_slice %arg4[%add3A_52] : memref<320000xi32, #tpu.memory_space<hbm>> -> memref<16xi32, #tpu.memory_space<hbm>>
      %dma_start3A_81 = tpu.memref_slice %arg4[%add3A_52] : memref<320000xi32, #tpu.memory_space<hbm>> -> memref<16xi32, #tpu.memory_space<hbm>>
      tpu.enqueue_dma source(%dma_start3A_81 : memref<16xi32, #tpu.memory_space<hbm>>) target(%arg11 : memref<16xi32, #tpu.memory_space<vmem>>) target_semaphore(%run_scoped3A : memref<!tpu.dma_semaphore, #tpu.memory_space<semaphore_mem>>)
      %dma_wait3A_82 = tpu.memref_slice %arg4[%add3A_52] : memref<320000xi32, #tpu.memory_space<hbm>> -> memref<16xi32, #tpu.memory_space<hbm>>
      %dma_wait3A_83 = tpu.memref_slice %arg4[%add3A_52] : memref<320000xi32, #tpu.memory_space<hbm>> -> memref<16xi32, #tpu.memory_space<hbm>>
      tpu.wait_dma2 semaphore(%run_scoped3A : memref<!tpu.dma_semaphore, #tpu.memory_space<semaphore_mem>>) src(%dma_wait3A_83 : memref<16xi32, #tpu.memory_space<hbm>>) dst(%arg11 : memref<16xi32, #tpu.memory_space<vmem>>)
      tpu.yield
    }) : () -> ()
    %dma_start3A_53 = arith.constant 0 : i32
    %dma_start3A_54 = arith.constant 0 : i32
    %dma_start3A_55 = tpu.memref_slice %arg2[%dma_start3A_53, %dma_start3A_54] : memref<10000x128xf32, #tpu.memory_space<hbm>> -> memref<10000x128xf32, #tpu.memory_space<hbm>>
    tpu.enqueue_indirect_dma source(%dma_start3A_55 : memref<10000x128xf32, #tpu.memory_space<hbm>>) target(%arg14 : memref<16x128xf32, #tpu.memory_space<vmem>>) offsets(%arg10 : memref<16xi32, #tpu.memory_space<vmem>>) semaphore(%arg16 : memref<!tpu.dma_semaphore, #tpu.memory_space<semaphore_mem>>)
    %dma_wait3A_56 = arith.constant 0 : i32
    %dma_wait3A_57 = arith.constant 0 : i32
    %dma_wait3A_58 = tpu.memref_slice %arg2[%dma_wait3A_56, %dma_wait3A_57] : memref<10000x128xf32, #tpu.memory_space<hbm>> -> memref<10000x128xf32, #tpu.memory_space<hbm>>
    tpu.wait_indirect_dma semaphore(%arg16 : memref<!tpu.dma_semaphore, #tpu.memory_space<semaphore_mem>>) src(%dma_wait3A_58 : memref<10000x128xf32, #tpu.memory_space<hbm>>) dst(%arg14 : memref<16x128xf32, #tpu.memory_space<vmem>>)
    "tpu.region"() ({
      %run_scoped3A = tpu.sem_alloc : memref<!tpu.dma_semaphore, #tpu.memory_space<semaphore_mem>>
      %dma_start3A_80 = arith.constant 0 : i32
      %dma_start3A_81 = arith.constant 0 : i32
      %dma_start3A_82 = tpu.memref_slice %arg15[%dma_start3A_80, %dma_start3A_81] : memref<10240x128xf32, #tpu.memory_space<vmem_shared>> -> memref<10240x128xf32, #tpu.memory_space<vmem_shared>>
      tpu.enqueue_indirect_dma source(%arg14 : memref<16x128xf32, #tpu.memory_space<vmem>>) target(%dma_start3A_82 : memref<10240x128xf32, #tpu.memory_space<vmem_shared>>) offsets(%arg11 : memref<16xi32, #tpu.memory_space<vmem>>) semaphore(%run_scoped3A : memref<!tpu.dma_semaphore, #tpu.memory_space<semaphore_mem>>) {add = true}
      %dma_wait3A_83 = arith.constant 0 : i32
      %dma_wait3A_84 = arith.constant 0 : i32
      %dma_wait3A_85 = tpu.memref_slice %arg15[%dma_wait3A_83, %dma_wait3A_84] : memref<10240x128xf32, #tpu.memory_space<vmem_shared>> -> memref<10240x128xf32, #tpu.memory_space<vmem_shared>>
      tpu.wait_indirect_dma semaphore(%run_scoped3A : memref<!tpu.dma_semaphore, #tpu.memory_space<semaphore_mem>>) src(%arg14 : memref<16x128xf32, #tpu.memory_space<vmem>>) dst(%dma_wait3A_85 : memref<10240x128xf32, #tpu.memory_space<vmem_shared>>)
      tpu.yield
    }) : () -> ()
    %barrier3A_59 = arith.constant 0 : index
    tpu.barrier barrier_id(%barrier3A_59)
    %mul3A_60 = arith.constant 640 : i32
    %mul3A_61 = arith.muli %arg1, %mul3A_60 : i32
    %add3A_62 = arith.constant 0 : i32
    %add3A_63 = arith.addi %mul3A_61, %add3A_62 : i32
    "tpu.region"() ({
      %run_scoped3A = tpu.sem_alloc : memref<!tpu.dma_semaphore, #tpu.memory_space<semaphore_mem>>
      %dma_start3A_80 = arith.constant 0 : i32
      %dma_start3A_81 = tpu.memref_slice %arg15[%add3A_63, %dma_start3A_80] : memref<10240x128xf32, #tpu.memory_space<vmem_shared>> -> memref<128x128xf32, #tpu.memory_space<vmem_shared>>
      %dma_start3A_82 = arith.constant 0 : i32
      %dma_start3A_83 = tpu.memref_slice %arg15[%add3A_63, %dma_start3A_82] : memref<10240x128xf32, #tpu.memory_space<vmem_shared>> -> memref<128x128xf32, #tpu.memory_space<vmem_shared>>
      tpu.enqueue_dma source(%dma_start3A_83 : memref<128x128xf32, #tpu.memory_space<vmem_shared>>) target(%arg12 : memref<128x128xf32, #tpu.memory_space<vmem>>) target_semaphore(%run_scoped3A : memref<!tpu.dma_semaphore, #tpu.memory_space<semaphore_mem>>)
      %dma_wait3A_84 = arith.constant 0 : i32
      %dma_wait3A_85 = tpu.memref_slice %arg15[%add3A_63, %dma_wait3A_84] : memref<10240x128xf32, #tpu.memory_space<vmem_shared>> -> memref<128x128xf32, #tpu.memory_space<vmem_shared>>
      %dma_wait3A_86 = arith.constant 0 : i32
      %dma_wait3A_87 = tpu.memref_slice %arg15[%add3A_63, %dma_wait3A_86] : memref<10240x128xf32, #tpu.memory_space<vmem_shared>> -> memref<128x128xf32, #tpu.memory_space<vmem_shared>>
      tpu.wait_dma2 semaphore(%run_scoped3A : memref<!tpu.dma_semaphore, #tpu.memory_space<semaphore_mem>>) src(%dma_wait3A_87 : memref<128x128xf32, #tpu.memory_space<vmem_shared>>) dst(%arg12 : memref<128x128xf32, #tpu.memory_space<vmem>>)
      tpu.yield
    }) : () -> ()
    "tpu.region"() ({
      %run_scoped3A = tpu.sem_alloc : memref<!tpu.dma_semaphore, #tpu.memory_space<semaphore_mem>>
      %dma_start3A_80 = arith.constant 0 : i32
      %dma_start3A_81 = tpu.memref_slice %arg5[%arg0, %add3A_63, %dma_start3A_80] : memref<2x10240x128xf32, #tpu.memory_space<hbm>> -> memref<1x128x128xf32, #tpu.memory_space<hbm>>
      %dma_start3A_82 = tpu.memref_squeeze %dma_start3A_81 : memref<1x128x128xf32, #tpu.memory_space<hbm>> -> memref<128x128xf32, #tpu.memory_space<hbm>>
      %dma_start3A_83 = arith.constant 0 : i32
      %dma_start3A_84 = tpu.memref_slice %arg5[%arg0, %add3A_63, %dma_start3A_83] : memref<2x10240x128xf32, #tpu.memory_space<hbm>> -> memref<1x128x128xf32, #tpu.memory_space<hbm>>
      %dma_start3A_85 = tpu.memref_squeeze %dma_start3A_84 : memref<1x128x128xf32, #tpu.memory_space<hbm>> -> memref<128x128xf32, #tpu.memory_space<hbm>>
      tpu.enqueue_dma source(%arg12 : memref<128x128xf32, #tpu.memory_space<vmem>>) target(%dma_start3A_85 : memref<128x128xf32, #tpu.memory_space<hbm>>) target_semaphore(%run_scoped3A : memref<!tpu.dma_semaphore, #tpu.memory_space<semaphore_mem>>)
      %dma_wait3A_86 = arith.constant 0 : i32
      %dma_wait3A_87 = tpu.memref_slice %arg5[%arg0, %add3A_63, %dma_wait3A_86] : memref<2x10240x128xf32, #tpu.memory_space<hbm>> -> memref<1x128x128xf32, #tpu.memory_space<hbm>>
      %dma_wait3A_88 = tpu.memref_squeeze %dma_wait3A_87 : memref<1x128x128xf32, #tpu.memory_space<hbm>> -> memref<128x128xf32, #tpu.memory_space<hbm>>
      %dma_wait3A_89 = arith.constant 0 : i32
      %dma_wait3A_90 = tpu.memref_slice %arg5[%arg0, %add3A_63, %dma_wait3A_89] : memref<2x10240x128xf32, #tpu.memory_space<hbm>> -> memref<1x128x128xf32, #tpu.memory_space<hbm>>
      %dma_wait3A_91 = tpu.memref_squeeze %dma_wait3A_90 : memref<1x128x128xf32, #tpu.memory_space<hbm>> -> memref<128x128xf32, #tpu.memory_space<hbm>>
      tpu.wait_dma2 semaphore(%run_scoped3A : memref<!tpu.dma_semaphore, #tpu.memory_space<semaphore_mem>>) src(%arg12 : memref<128x128xf32, #tpu.memory_space<vmem>>) dst(%dma_wait3A_91 : memref<128x128xf32, #tpu.memory_space<hbm>>)
      tpu.yield
    }) : () -> ()
    %mul3A_64 = arith.constant 640 : i32
    %mul3A_65 = arith.muli %arg1, %mul3A_64 : i32
    %add3A_66 = arith.constant 128 : i32
    %add3A_67 = arith.addi %mul3A_65, %add3A_66 : i32
    "tpu.region"() ({
      %run_scoped3A = tpu.sem_alloc : memref<!tpu.dma_semaphore, #tpu.memory_space<semaphore_mem>>
      %dma_start3A_80 = arith.constant 0 : i32
      %dma_start3A_81 = tpu.memref_slice %arg15[%add3A_67, %dma_start3A_80] : memref<10240x128xf32, #tpu.memory_space<vmem_shared>> -> memref<128x128xf32, #tpu.memory_space<vmem_shared>>
      %dma_start3A_82 = arith.constant 0 : i32
      %dma_start3A_83 = tpu.memref_slice %arg15[%add3A_67, %dma_start3A_82] : memref<10240x128xf32, #tpu.memory_space<vmem_shared>> -> memref<128x128xf32, #tpu.memory_space<vmem_shared>>
      tpu.enqueue_dma source(%dma_start3A_83 : memref<128x128xf32, #tpu.memory_space<vmem_shared>>) target(%arg12 : memref<128x128xf32, #tpu.memory_space<vmem>>) target_semaphore(%run_scoped3A : memref<!tpu.dma_semaphore, #tpu.memory_space<semaphore_mem>>)
      %dma_wait3A_84 = arith.constant 0 : i32
      %dma_wait3A_85 = tpu.memref_slice %arg15[%add3A_67, %dma_wait3A_84] : memref<10240x128xf32, #tpu.memory_space<vmem_shared>> -> memref<128x128xf32, #tpu.memory_space<vmem_shared>>
      %dma_wait3A_86 = arith.constant 0 : i32
      %dma_wait3A_87 = tpu.memref_slice %arg15[%add3A_67, %dma_wait3A_86] : memref<10240x128xf32, #tpu.memory_space<vmem_shared>> -> memref<128x128xf32, #tpu.memory_space<vmem_shared>>
      tpu.wait_dma2 semaphore(%run_scoped3A : memref<!tpu.dma_semaphore, #tpu.memory_space<semaphore_mem>>) src(%dma_wait3A_87 : memref<128x128xf32, #tpu.memory_space<vmem_shared>>) dst(%arg12 : memref<128x128xf32, #tpu.memory_space<vmem>>)
      tpu.yield
    }) : () -> ()
    "tpu.region"() ({
      %run_scoped3A = tpu.sem_alloc : memref<!tpu.dma_semaphore, #tpu.memory_space<semaphore_mem>>
      %dma_start3A_80 = arith.constant 0 : i32
      %dma_start3A_81 = tpu.memref_slice %arg5[%arg0, %add3A_67, %dma_start3A_80] : memref<2x10240x128xf32, #tpu.memory_space<hbm>> -> memref<1x128x128xf32, #tpu.memory_space<hbm>>
      %dma_start3A_82 = tpu.memref_squeeze %dma_start3A_81 : memref<1x128x128xf32, #tpu.memory_space<hbm>> -> memref<128x128xf32, #tpu.memory_space<hbm>>
      %dma_start3A_83 = arith.constant 0 : i32
      %dma_start3A_84 = tpu.memref_slice %arg5[%arg0, %add3A_67, %dma_start3A_83] : memref<2x10240x128xf32, #tpu.memory_space<hbm>> -> memref<1x128x128xf32, #tpu.memory_space<hbm>>
      %dma_start3A_85 = tpu.memref_squeeze %dma_start3A_84 : memref<1x128x128xf32, #tpu.memory_space<hbm>> -> memref<128x128xf32, #tpu.memory_space<hbm>>
      tpu.enqueue_dma source(%arg12 : memref<128x128xf32, #tpu.memory_space<vmem>>) target(%dma_start3A_85 : memref<128x128xf32, #tpu.memory_space<hbm>>) target_semaphore(%run_scoped3A : memref<!tpu.dma_semaphore, #tpu.memory_space<semaphore_mem>>)
      %dma_wait3A_86 = arith.constant 0 : i32
      %dma_wait3A_87 = tpu.memref_slice %arg5[%arg0, %add3A_67, %dma_wait3A_86] : memref<2x10240x128xf32, #tpu.memory_space<hbm>> -> memref<1x128x128xf32, #tpu.memory_space<hbm>>
      %dma_wait3A_88 = tpu.memref_squeeze %dma_wait3A_87 : memref<1x128x128xf32, #tpu.memory_space<hbm>> -> memref<128x128xf32, #tpu.memory_space<hbm>>
      %dma_wait3A_89 = arith.constant 0 : i32
      %dma_wait3A_90 = tpu.memref_slice %arg5[%arg0, %add3A_67, %dma_wait3A_89] : memref<2x10240x128xf32, #tpu.memory_space<hbm>> -> memref<1x128x128xf32, #tpu.memory_space<hbm>>
      %dma_wait3A_91 = tpu.memref_squeeze %dma_wait3A_90 : memref<1x128x128xf32, #tpu.memory_space<hbm>> -> memref<128x128xf32, #tpu.memory_space<hbm>>
      tpu.wait_dma2 semaphore(%run_scoped3A : memref<!tpu.dma_semaphore, #tpu.memory_space<semaphore_mem>>) src(%arg12 : memref<128x128xf32, #tpu.memory_space<vmem>>) dst(%dma_wait3A_91 : memref<128x128xf32, #tpu.memory_space<hbm>>)
      tpu.yield
    }) : () -> ()
    %mul3A_68 = arith.constant 640 : i32
    %mul3A_69 = arith.muli %arg1, %mul3A_68 : i32
    %add3A_70 = arith.constant 256 : i32
    %add3A_71 = arith.addi %mul3A_69, %add3A_70 : i32
    "tpu.region"() ({
      %run_scoped3A = tpu.sem_alloc : memref<!tpu.dma_semaphore, #tpu.memory_space<semaphore_mem>>
      %dma_start3A_80 = arith.constant 0 : i32
      %dma_start3A_81 = tpu.memref_slice %arg15[%add3A_71, %dma_start3A_80] : memref<10240x128xf32, #tpu.memory_space<vmem_shared>> -> memref<128x128xf32, #tpu.memory_space<vmem_shared>>
      %dma_start3A_82 = arith.constant 0 : i32
      %dma_start3A_83 = tpu.memref_slice %arg15[%add3A_71, %dma_start3A_82] : memref<10240x128xf32, #tpu.memory_space<vmem_shared>> -> memref<128x128xf32, #tpu.memory_space<vmem_shared>>
      tpu.enqueue_dma source(%dma_start3A_83 : memref<128x128xf32, #tpu.memory_space<vmem_shared>>) target(%arg12 : memref<128x128xf32, #tpu.memory_space<vmem>>) target_semaphore(%run_scoped3A : memref<!tpu.dma_semaphore, #tpu.memory_space<semaphore_mem>>)
      %dma_wait3A_84 = arith.constant 0 : i32
      %dma_wait3A_85 = tpu.memref_slice %arg15[%add3A_71, %dma_wait3A_84] : memref<10240x128xf32, #tpu.memory_space<vmem_shared>> -> memref<128x128xf32, #tpu.memory_space<vmem_shared>>
      %dma_wait3A_86 = arith.constant 0 : i32
      %dma_wait3A_87 = tpu.memref_slice %arg15[%add3A_71, %dma_wait3A_86] : memref<10240x128xf32, #tpu.memory_space<vmem_shared>> -> memref<128x128xf32, #tpu.memory_space<vmem_shared>>
      tpu.wait_dma2 semaphore(%run_scoped3A : memref<!tpu.dma_semaphore, #tpu.memory_space<semaphore_mem>>) src(%dma_wait3A_87 : memref<128x128xf32, #tpu.memory_space<vmem_shared>>) dst(%arg12 : memref<128x128xf32, #tpu.memory_space<vmem>>)
      tpu.yield
    }) : () -> ()
    "tpu.region"() ({
      %run_scoped3A = tpu.sem_alloc : memref<!tpu.dma_semaphore, #tpu.memory_space<semaphore_mem>>
      %dma_start3A_80 = arith.constant 0 : i32
      %dma_start3A_81 = tpu.memref_slice %arg5[%arg0, %add3A_71, %dma_start3A_80] : memref<2x10240x128xf32, #tpu.memory_space<hbm>> -> memref<1x128x128xf32, #tpu.memory_space<hbm>>
      %dma_start3A_82 = tpu.memref_squeeze %dma_start3A_81 : memref<1x128x128xf32, #tpu.memory_space<hbm>> -> memref<128x128xf32, #tpu.memory_space<hbm>>
      %dma_start3A_83 = arith.constant 0 : i32
      %dma_start3A_84 = tpu.memref_slice %arg5[%arg0, %add3A_71, %dma_start3A_83] : memref<2x10240x128xf32, #tpu.memory_space<hbm>> -> memref<1x128x128xf32, #tpu.memory_space<hbm>>
      %dma_start3A_85 = tpu.memref_squeeze %dma_start3A_84 : memref<1x128x128xf32, #tpu.memory_space<hbm>> -> memref<128x128xf32, #tpu.memory_space<hbm>>
      tpu.enqueue_dma source(%arg12 : memref<128x128xf32, #tpu.memory_space<vmem>>) target(%dma_start3A_85 : memref<128x128xf32, #tpu.memory_space<hbm>>) target_semaphore(%run_scoped3A : memref<!tpu.dma_semaphore, #tpu.memory_space<semaphore_mem>>)
      %dma_wait3A_86 = arith.constant 0 : i32
      %dma_wait3A_87 = tpu.memref_slice %arg5[%arg0, %add3A_71, %dma_wait3A_86] : memref<2x10240x128xf32, #tpu.memory_space<hbm>> -> memref<1x128x128xf32, #tpu.memory_space<hbm>>
      %dma_wait3A_88 = tpu.memref_squeeze %dma_wait3A_87 : memref<1x128x128xf32, #tpu.memory_space<hbm>> -> memref<128x128xf32, #tpu.memory_space<hbm>>
      %dma_wait3A_89 = arith.constant 0 : i32
      %dma_wait3A_90 = tpu.memref_slice %arg5[%arg0, %add3A_71, %dma_wait3A_89] : memref<2x10240x128xf32, #tpu.memory_space<hbm>> -> memref<1x128x128xf32, #tpu.memory_space<hbm>>
      %dma_wait3A_91 = tpu.memref_squeeze %dma_wait3A_90 : memref<1x128x128xf32, #tpu.memory_space<hbm>> -> memref<128x128xf32, #tpu.memory_space<hbm>>
      tpu.wait_dma2 semaphore(%run_scoped3A : memref<!tpu.dma_semaphore, #tpu.memory_space<semaphore_mem>>) src(%arg12 : memref<128x128xf32, #tpu.memory_space<vmem>>) dst(%dma_wait3A_91 : memref<128x128xf32, #tpu.memory_space<hbm>>)
      tpu.yield
    }) : () -> ()
    %mul3A_72 = arith.constant 640 : i32
    %mul3A_73 = arith.muli %arg1, %mul3A_72 : i32
    %add3A_74 = arith.constant 384 : i32
    %add3A_75 = arith.addi %mul3A_73, %add3A_74 : i32
    "tpu.region"() ({
      %run_scoped3A = tpu.sem_alloc : memref<!tpu.dma_semaphore, #tpu.memory_space<semaphore_mem>>
      %dma_start3A_80 = arith.constant 0 : i32
      %dma_start3A_81 = tpu.memref_slice %arg15[%add3A_75, %dma_start3A_80] : memref<10240x128xf32, #tpu.memory_space<vmem_shared>> -> memref<128x128xf32, #tpu.memory_space<vmem_shared>>
      %dma_start3A_82 = arith.constant 0 : i32
      %dma_start3A_83 = tpu.memref_slice %arg15[%add3A_75, %dma_start3A_82] : memref<10240x128xf32, #tpu.memory_space<vmem_shared>> -> memref<128x128xf32, #tpu.memory_space<vmem_shared>>
      tpu.enqueue_dma source(%dma_start3A_83 : memref<128x128xf32, #tpu.memory_space<vmem_shared>>) target(%arg12 : memref<128x128xf32, #tpu.memory_space<vmem>>) target_semaphore(%run_scoped3A : memref<!tpu.dma_semaphore, #tpu.memory_space<semaphore_mem>>)
      %dma_wait3A_84 = arith.constant 0 : i32
      %dma_wait3A_85 = tpu.memref_slice %arg15[%add3A_75, %dma_wait3A_84] : memref<10240x128xf32, #tpu.memory_space<vmem_shared>> -> memref<128x128xf32, #tpu.memory_space<vmem_shared>>
      %dma_wait3A_86 = arith.constant 0 : i32
      %dma_wait3A_87 = tpu.memref_slice %arg15[%add3A_75, %dma_wait3A_86] : memref<10240x128xf32, #tpu.memory_space<vmem_shared>> -> memref<128x128xf32, #tpu.memory_space<vmem_shared>>
      tpu.wait_dma2 semaphore(%run_scoped3A : memref<!tpu.dma_semaphore, #tpu.memory_space<semaphore_mem>>) src(%dma_wait3A_87 : memref<128x128xf32, #tpu.memory_space<vmem_shared>>) dst(%arg12 : memref<128x128xf32, #tpu.memory_space<vmem>>)
      tpu.yield
    }) : () -> ()
    "tpu.region"() ({
      %run_scoped3A = tpu.sem_alloc : memref<!tpu.dma_semaphore, #tpu.memory_space<semaphore_mem>>
      %dma_start3A_80 = arith.constant 0 : i32
      %dma_start3A_81 = tpu.memref_slice %arg5[%arg0, %add3A_75, %dma_start3A_80] : memref<2x10240x128xf32, #tpu.memory_space<hbm>> -> memref<1x128x128xf32, #tpu.memory_space<hbm>>
      %dma_start3A_82 = tpu.memref_squeeze %dma_start3A_81 : memref<1x128x128xf32, #tpu.memory_space<hbm>> -> memref<128x128xf32, #tpu.memory_space<hbm>>
      %dma_start3A_83 = arith.constant 0 : i32
      %dma_start3A_84 = tpu.memref_slice %arg5[%arg0, %add3A_75, %dma_start3A_83] : memref<2x10240x128xf32, #tpu.memory_space<hbm>> -> memref<1x128x128xf32, #tpu.memory_space<hbm>>
      %dma_start3A_85 = tpu.memref_squeeze %dma_start3A_84 : memref<1x128x128xf32, #tpu.memory_space<hbm>> -> memref<128x128xf32, #tpu.memory_space<hbm>>
      tpu.enqueue_dma source(%arg12 : memref<128x128xf32, #tpu.memory_space<vmem>>) target(%dma_start3A_85 : memref<128x128xf32, #tpu.memory_space<hbm>>) target_semaphore(%run_scoped3A : memref<!tpu.dma_semaphore, #tpu.memory_space<semaphore_mem>>)
      %dma_wait3A_86 = arith.constant 0 : i32
      %dma_wait3A_87 = tpu.memref_slice %arg5[%arg0, %add3A_75, %dma_wait3A_86] : memref<2x10240x128xf32, #tpu.memory_space<hbm>> -> memref<1x128x128xf32, #tpu.memory_space<hbm>>
      %dma_wait3A_88 = tpu.memref_squeeze %dma_wait3A_87 : memref<1x128x128xf32, #tpu.memory_space<hbm>> -> memref<128x128xf32, #tpu.memory_space<hbm>>
      %dma_wait3A_89 = arith.constant 0 : i32
      %dma_wait3A_90 = tpu.memref_slice %arg5[%arg0, %add3A_75, %dma_wait3A_89] : memref<2x10240x128xf32, #tpu.memory_space<hbm>> -> memref<1x128x128xf32, #tpu.memory_space<hbm>>
      %dma_wait3A_91 = tpu.memref_squeeze %dma_wait3A_90 : memref<1x128x128xf32, #tpu.memory_space<hbm>> -> memref<128x128xf32, #tpu.memory_space<hbm>>
      tpu.wait_dma2 semaphore(%run_scoped3A : memref<!tpu.dma_semaphore, #tpu.memory_space<semaphore_mem>>) src(%arg12 : memref<128x128xf32, #tpu.memory_space<vmem>>) dst(%dma_wait3A_91 : memref<128x128xf32, #tpu.memory_space<hbm>>)
      tpu.yield
    }) : () -> ()
    %mul3A_76 = arith.constant 640 : i32
    %mul3A_77 = arith.muli %arg1, %mul3A_76 : i32
    %add3A_78 = arith.constant 512 : i32
    %add3A_79 = arith.addi %mul3A_77, %add3A_78 : i32
    "tpu.region"() ({
      %run_scoped3A = tpu.sem_alloc : memref<!tpu.dma_semaphore, #tpu.memory_space<semaphore_mem>>
      %dma_start3A_80 = arith.constant 0 : i32
      %dma_start3A_81 = tpu.memref_slice %arg15[%add3A_79, %dma_start3A_80] : memref<10240x128xf32, #tpu.memory_space<vmem_shared>> -> memref<128x128xf32, #tpu.memory_space<vmem_shared>>
      %dma_start3A_82 = arith.constant 0 : i32
      %dma_start3A_83 = tpu.memref_slice %arg15[%add3A_79, %dma_start3A_82] : memref<10240x128xf32, #tpu.memory_space<vmem_shared>> -> memref<128x128xf32, #tpu.memory_space<vmem_shared>>
      tpu.enqueue_dma source(%dma_start3A_83 : memref<128x128xf32, #tpu.memory_space<vmem_shared>>) target(%arg12 : memref<128x128xf32, #tpu.memory_space<vmem>>) target_semaphore(%run_scoped3A : memref<!tpu.dma_semaphore, #tpu.memory_space<semaphore_mem>>)
      %dma_wait3A_84 = arith.constant 0 : i32
      %dma_wait3A_85 = tpu.memref_slice %arg15[%add3A_79, %dma_wait3A_84] : memref<10240x128xf32, #tpu.memory_space<vmem_shared>> -> memref<128x128xf32, #tpu.memory_space<vmem_shared>>
      %dma_wait3A_86 = arith.constant 0 : i32
      %dma_wait3A_87 = tpu.memref_slice %arg15[%add3A_79, %dma_wait3A_86] : memref<10240x128xf32, #tpu.memory_space<vmem_shared>> -> memref<128x128xf32, #tpu.memory_space<vmem_shared>>
      tpu.wait_dma2 semaphore(%run_scoped3A : memref<!tpu.dma_semaphore, #tpu.memory_space<semaphore_mem>>) src(%dma_wait3A_87 : memref<128x128xf32, #tpu.memory_space<vmem_shared>>) dst(%arg12 : memref<128x128xf32, #tpu.memory_space<vmem>>)
      tpu.yield
    }) : () -> ()
    "tpu.region"() ({
      %run_scoped3A = tpu.sem_alloc : memref<!tpu.dma_semaphore, #tpu.memory_space<semaphore_mem>>
      %dma_start3A_80 = arith.constant 0 : i32
      %dma_start3A_81 = tpu.memref_slice %arg5[%arg0, %add3A_79, %dma_start3A_80] : memref<2x10240x128xf32, #tpu.memory_space<hbm>> -> memref<1x128x128xf32, #tpu.memory_space<hbm>>
      %dma_start3A_82 = tpu.memref_squeeze %dma_start3A_81 : memref<1x128x128xf32, #tpu.memory_space<hbm>> -> memref<128x128xf32, #tpu.memory_space<hbm>>
      %dma_start3A_83 = arith.constant 0 : i32
      %dma_start3A_84 = tpu.memref_slice %arg5[%arg0, %add3A_79, %dma_start3A_83] : memref<2x10240x128xf32, #tpu.memory_space<hbm>> -> memref<1x128x128xf32, #tpu.memory_space<hbm>>
      %dma_start3A_85 = tpu.memref_squeeze %dma_start3A_84 : memref<1x128x128xf32, #tpu.memory_space<hbm>> -> memref<128x128xf32, #tpu.memory_space<hbm>>
      tpu.enqueue_dma source(%arg12 : memref<128x128xf32, #tpu.memory_space<vmem>>) target(%dma_start3A_85 : memref<128x128xf32, #tpu.memory_space<hbm>>) target_semaphore(%run_scoped3A : memref<!tpu.dma_semaphore, #tpu.memory_space<semaphore_mem>>)
      %dma_wait3A_86 = arith.constant 0 : i32
      %dma_wait3A_87 = tpu.memref_slice %arg5[%arg0, %add3A_79, %dma_wait3A_86] : memref<2x10240x128xf32, #tpu.memory_space<hbm>> -> memref<1x128x128xf32, #tpu.memory_space<hbm>>
      %dma_wait3A_88 = tpu.memref_squeeze %dma_wait3A_87 : memref<1x128x128xf32, #tpu.memory_space<hbm>> -> memref<128x128xf32, #tpu.memory_space<hbm>>
      %dma_wait3A_89 = arith.constant 0 : i32
      %dma_wait3A_90 = tpu.memref_slice %arg5[%arg0, %add3A_79, %dma_wait3A_89] : memref<2x10240x128xf32, #tpu.memory_space<hbm>> -> memref<1x128x128xf32, #tpu.memory_space<hbm>>
      %dma_wait3A_91 = tpu.memref_squeeze %dma_wait3A_90 : memref<1x128x128xf32, #tpu.memory_space<hbm>> -> memref<128x128xf32, #tpu.memory_space<hbm>>
      tpu.wait_dma2 semaphore(%run_scoped3A : memref<!tpu.dma_semaphore, #tpu.memory_space<semaphore_mem>>) src(%arg12 : memref<128x128xf32, #tpu.memory_space<vmem>>) dst(%dma_wait3A_91 : memref<128x128xf32, #tpu.memory_space<hbm>>)
      tpu.yield
    }) : () -> ()
    return
  }
}

module attributes {stable_mosaic.version = 14 : i64} {
  func.func @body(%arg0: i32, %arg1: memref<2x1000x128xf32, #tpu.memory_space<vmem>>, %arg2: memref<2x1000x128xf32, #tpu.memory_space<vmem>>, %arg3: memref<2x1000x128xf32, #tpu.memory_space<vmem>>, %arg4: memref<1x128xf32, #tpu.memory_space<vmem>>, %arg5: memref<128x128xf32, #tpu.memory_space<vmem>>, %arg6: memref<1000x128xf32, #tpu.memory_space<vmem>>, %arg7: memref<1000x128xf32, #tpu.memory_space<vmem>>) attributes {dimension_semantics = [#tpu.dimension_semantics<arbitrary>], iteration_bounds = array<i64: 10>, scalar_prefetch = 0 : i64, scratch_operands = 0 : i64, tpu.core_type = #tpu.core_type<tc>, window_params = [{transform_indices = @transform_0, window_bounds = array<i64: 2, 1000, 128>}, {transform_indices = @transform_1, window_bounds = array<i64: 2, 1000, 128>}, {transform_indices = @transform_2, window_bounds = array<i64: 2, 1000, 128>}, {pipeline_mode = #tpu.pipeline_mode<synchronous>, transform_indices = @transform_3, window_bounds = array<i64: 1, 128>}, {pipeline_mode = #tpu.pipeline_mode<synchronous>, transform_indices = @transform_4, window_bounds = array<i64: 128, 128>}, {transform_indices = @transform_5, window_bounds = array<i64: 1000, 128>}, {transform_indices = @transform_6, window_bounds = array<i64: 1000, 128>}]} {
    %get3A = arith.constant 0 : index
    %get3A_0 = arith.constant 0 : index
    %get3A_1 = arith.constant 0 : index
    %get3A_2 = vector.load %arg2[%get3A, %get3A_0, %get3A_1] : memref<2x1000x128xf32, #tpu.memory_space<vmem>>, vector<1x1000x1xf32>
    %get3A_3 = vector.shape_cast %get3A_2 : vector<1x1000x1xf32> to vector<1000x1xf32>
    %get3A_4 = arith.constant 1 : index
    %get3A_5 = arith.constant 0 : index
    %get3A_6 = arith.constant 0 : index
    %get3A_7 = vector.load %arg2[%get3A_4, %get3A_5, %get3A_6] : memref<2x1000x128xf32, #tpu.memory_space<vmem>>, vector<1x1000x1xf32>
    %get3A_8 = vector.shape_cast %get3A_7 : vector<1x1000x1xf32> to vector<1000x1xf32>
    %add3A = arith.addf %get3A_3, %get3A_8 : vector<1000x1xf32>
    %max3A = arith.constant 1.000000e+00 : f32
    %max3A_9 = vector.broadcast %max3A : f32 to vector<1000x1xf32>
    %max3A_10 = arith.maximumf %add3A, %max3A_9 : vector<1000x1xf32>
    %rsqrt3A = math.rsqrt %max3A_10 : vector<1000x1xf32>
    %get3A_11 = arith.constant 0 : index
    %get3A_12 = arith.constant 0 : index
    %get3A_13 = arith.constant 0 : index
    %get3A_14 = vector.load %arg1[%get3A_11, %get3A_12, %get3A_13] : memref<2x1000x128xf32, #tpu.memory_space<vmem>>, vector<1x1000x128xf32>
    %get3A_15 = vector.shape_cast %get3A_14 : vector<1x1000x128xf32> to vector<1000x128xf32>
    %get3A_16 = arith.constant 1 : index
    %get3A_17 = arith.constant 0 : index
    %get3A_18 = arith.constant 0 : index
    %get3A_19 = vector.load %arg1[%get3A_16, %get3A_17, %get3A_18] : memref<2x1000x128xf32, #tpu.memory_space<vmem>>, vector<1x1000x128xf32>
    %get3A_20 = vector.shape_cast %get3A_19 : vector<1x1000x128xf32> to vector<1000x128xf32>
    %add3A_21 = arith.addf %get3A_15, %get3A_20 : vector<1000x128xf32>
    %mul3A = vector.broadcast %rsqrt3A : vector<1000x1xf32> to vector<1000x128xf32>
    %mul3A_22 = arith.mulf %add3A_21, %mul3A : vector<1000x128xf32>
    %get3A_23 = arith.constant 0 : index
    %get3A_24 = arith.constant 0 : index
    %get3A_25 = vector.load %arg4[%get3A_23, %get3A_24] : memref<1x128xf32, #tpu.memory_space<vmem>>, vector<1x128xf32>
    %add3A_26 = vector.broadcast %get3A_25 : vector<1x128xf32> to vector<1000x128xf32>
    %add3A_27 = arith.addf %mul3A_22, %add3A_26 : vector<1000x128xf32>
    %swap3A = arith.constant 0 : index
    %swap3A_28 = arith.constant 0 : index
    %swap3A_29 = vector.load %arg6[%swap3A, %swap3A_28] : memref<1000x128xf32, #tpu.memory_space<vmem>>, vector<1000x128xf32>
    tpu.vector_store %arg6[%swap3A, %swap3A_28], %add3A_27 {strides = array<i32>} : memref<1000x128xf32, #tpu.memory_space<vmem>>, vector<1000x128xf32>,
    %get3A_30 = arith.constant 0 : index
    %get3A_31 = arith.constant 0 : index
    %get3A_32 = arith.constant 0 : index
    %get3A_33 = vector.load %arg3[%get3A_30, %get3A_31, %get3A_32] : memref<2x1000x128xf32, #tpu.memory_space<vmem>>, vector<1x1000x1xf32>
    %get3A_34 = vector.shape_cast %get3A_33 : vector<1x1000x1xf32> to vector<1000x1xf32>
    %get3A_35 = arith.constant 1 : index
    %get3A_36 = arith.constant 0 : index
    %get3A_37 = arith.constant 0 : index
    %get3A_38 = vector.load %arg3[%get3A_35, %get3A_36, %get3A_37] : memref<2x1000x128xf32, #tpu.memory_space<vmem>>, vector<1x1000x1xf32>
    %get3A_39 = vector.shape_cast %get3A_38 : vector<1x1000x1xf32> to vector<1000x1xf32>
    %add3A_40 = arith.addf %get3A_34, %get3A_39 : vector<1000x1xf32>
    %max3A_41 = arith.constant 1.000000e+00 : f32
    %max3A_42 = vector.broadcast %max3A_41 : f32 to vector<1000x1xf32>
    %max3A_43 = arith.maximumf %add3A_40, %max3A_42 : vector<1000x1xf32>
    %rsqrt3A_44 = math.rsqrt %max3A_43 : vector<1000x1xf32>
    %max3A_45 = arith.constant 0.000000e+00 : f32
    %max3A_46 = vector.broadcast %max3A_45 : f32 to vector<1000x128xf32>
    %max3A_47 = arith.maximumf %add3A_27, %max3A_46 : vector<1000x128xf32>
    %mul3A_48 = vector.broadcast %rsqrt3A_44 : vector<1000x1xf32> to vector<1000x128xf32>
    %mul3A_49 = arith.mulf %max3A_47, %mul3A_48 : vector<1000x128xf32>
    %get3A_50 = arith.constant 0 : index
    %get3A_51 = arith.constant 0 : index
    %get3A_52 = vector.load %arg5[%get3A_50, %get3A_51] : memref<128x128xf32, #tpu.memory_space<vmem>>, vector<128x128xf32>
    %dot_general3A = arith.constant dense<0.000000e+00> : vector<1000x128xf32>
    %dot_general3A_53 = tpu.matmul %mul3A_49, %get3A_52, %dot_general3A {dimension_numbers = #tpu.dot_dimension_numbers<[1], [0], [0], [1], [0, 0, 1, 1], [], []>, transpose_lhs_hint = false} : vector<1000x128xf32>, vector<128x128xf32>, vector<1000x128xf32> -> vector<1000x128xf32>
    %swap3A_54 = arith.constant 0 : index
    %swap3A_55 = arith.constant 0 : index
    %swap3A_56 = vector.load %arg7[%swap3A_54, %swap3A_55] : memref<1000x128xf32, #tpu.memory_space<vmem>>, vector<1000x128xf32>
    tpu.vector_store %arg7[%swap3A_54, %swap3A_55], %dot_general3A_53 {strides = array<i32>} : memref<1000x128xf32, #tpu.memory_space<vmem>>, vector<1000x128xf32>,
    return
  }
  func.func @transform_0(%arg0: i32) -> (i32, i32, i32) {
    %c0_i32 = arith.constant 0 : i32
    %c0_i32_0 = arith.constant 0 : i32
    %c0_i32_1 = arith.constant 0 : i32
    return %c0_i32, %arg0, %c0_i32_0 : i32, i32, i32
  }
  func.func @transform_1(%arg0: i32) -> (i32, i32, i32) {
    %c0_i32 = arith.constant 0 : i32
    %c0_i32_0 = arith.constant 0 : i32
    %c0_i32_1 = arith.constant 0 : i32
    return %c0_i32, %arg0, %c0_i32_0 : i32, i32, i32
  }
  func.func @transform_2(%arg0: i32) -> (i32, i32, i32) {
    %c0_i32 = arith.constant 0 : i32
    %c0_i32_0 = arith.constant 0 : i32
    %c0_i32_1 = arith.constant 0 : i32
    return %c0_i32, %arg0, %c0_i32_0 : i32, i32, i32
  }
  func.func @transform_3(%arg0: i32) -> (i32, i32) {
    %c0_i32 = arith.constant 0 : i32
    %c0_i32_0 = arith.constant 0 : i32
    %c0_i32_1 = arith.constant 0 : i32
    return %c0_i32, %c0_i32_0 : i32, i32
  }
  func.func @transform_4(%arg0: i32) -> (i32, i32) {
    %c0_i32 = arith.constant 0 : i32
    %c0_i32_0 = arith.constant 0 : i32
    %c0_i32_1 = arith.constant 0 : i32
    return %c0_i32, %c0_i32_0 : i32, i32
  }
  func.func @transform_5(%arg0: i32) -> (i32, i32) {
    %c0_i32 = arith.constant 0 : i32
    %c0_i32_0 = arith.constant 0 : i32
    return %arg0, %c0_i32 : i32, i32
  }
  func.func @transform_6(%arg0: i32) -> (i32, i32) {
    %c0_i32 = arith.constant 0 : i32
    %c0_i32_0 = arith.constant 0 : i32
    return %arg0, %c0_i32 : i32, i32
  }
}

module attributes {stable_mosaic.version = 14 : i64} {
  func.func @body(%arg0: i32, %arg1: memref<1000x128xf32, #tpu.memory_space<vmem>>, %arg2: memref<2x1000x128xf32, #tpu.memory_space<vmem>>, %arg3: memref<128x128xf32, #tpu.memory_space<vmem>>, %arg4: memref<1000x128xf32, #tpu.memory_space<vmem>>) attributes {dimension_semantics = [#tpu.dimension_semantics<arbitrary>], iteration_bounds = array<i64: 10>, scalar_prefetch = 0 : i64, scratch_operands = 0 : i64, tpu.core_type = #tpu.core_type<tc>, window_params = [{transform_indices = @transform_0, window_bounds = array<i64: 1000, 128>}, {transform_indices = @transform_1, window_bounds = array<i64: 2, 1000, 128>}, {pipeline_mode = #tpu.pipeline_mode<synchronous>, transform_indices = @transform_2, window_bounds = array<i64: 128, 128>}, {transform_indices = @transform_3, window_bounds = array<i64: 1000, 128>}]} {
    %get3A = arith.constant 0 : index
    %get3A_0 = arith.constant 0 : index
    %get3A_1 = arith.constant 0 : index
    %get3A_2 = vector.load %arg2[%get3A, %get3A_0, %get3A_1] : memref<2x1000x128xf32, #tpu.memory_space<vmem>>, vector<1x1000x1xf32>
    %get3A_3 = vector.shape_cast %get3A_2 : vector<1x1000x1xf32> to vector<1000x1xf32>
    %get3A_4 = arith.constant 1 : index
    %get3A_5 = arith.constant 0 : index
    %get3A_6 = arith.constant 0 : index
    %get3A_7 = vector.load %arg2[%get3A_4, %get3A_5, %get3A_6] : memref<2x1000x128xf32, #tpu.memory_space<vmem>>, vector<1x1000x1xf32>
    %get3A_8 = vector.shape_cast %get3A_7 : vector<1x1000x1xf32> to vector<1000x1xf32>
    %add3A = arith.addf %get3A_3, %get3A_8 : vector<1000x1xf32>
    %max3A = arith.constant 1.000000e+00 : f32
    %max3A_9 = vector.broadcast %max3A : f32 to vector<1000x1xf32>
    %max3A_10 = arith.maximumf %add3A, %max3A_9 : vector<1000x1xf32>
    %rsqrt3A = math.rsqrt %max3A_10 : vector<1000x1xf32>
    %get3A_11 = arith.constant 0 : index
    %get3A_12 = arith.constant 0 : index
    %get3A_13 = vector.load %arg1[%get3A_11, %get3A_12] : memref<1000x128xf32, #tpu.memory_space<vmem>>, vector<1000x128xf32>
    %mul3A = vector.broadcast %rsqrt3A : vector<1000x1xf32> to vector<1000x128xf32>
    %mul3A_14 = arith.mulf %get3A_13, %mul3A : vector<1000x128xf32>
    %get3A_15 = arith.constant 0 : index
    %get3A_16 = arith.constant 0 : index
    %get3A_17 = vector.load %arg3[%get3A_15, %get3A_16] : memref<128x128xf32, #tpu.memory_space<vmem>>, vector<128x128xf32>
    %dot_general3A = arith.constant dense<0.000000e+00> : vector<1000x128xf32>
    %dot_general3A_18 = tpu.matmul %mul3A_14, %get3A_17, %dot_general3A {dimension_numbers = #tpu.dot_dimension_numbers<[1], [0], [0], [1], [0, 0, 1, 1], [], []>, transpose_lhs_hint = false} : vector<1000x128xf32>, vector<128x128xf32>, vector<1000x128xf32> -> vector<1000x128xf32>
    %swap3A = arith.constant 0 : index
    %swap3A_19 = arith.constant 0 : index
    %swap3A_20 = vector.load %arg4[%swap3A, %swap3A_19] : memref<1000x128xf32, #tpu.memory_space<vmem>>, vector<1000x128xf32>
    tpu.vector_store %arg4[%swap3A, %swap3A_19], %dot_general3A_18 {strides = array<i32>} : memref<1000x128xf32, #tpu.memory_space<vmem>>, vector<1000x128xf32>,
    return
  }
  func.func @transform_0(%arg0: i32) -> (i32, i32) {
    %c0_i32 = arith.constant 0 : i32
    %c0_i32_0 = arith.constant 0 : i32
    return %arg0, %c0_i32 : i32, i32
  }
  func.func @transform_1(%arg0: i32) -> (i32, i32, i32) {
    %c0_i32 = arith.constant 0 : i32
    %c0_i32_0 = arith.constant 0 : i32
    %c0_i32_1 = arith.constant 0 : i32
    return %c0_i32, %arg0, %c0_i32_0 : i32, i32, i32
  }
  func.func @transform_2(%arg0: i32) -> (i32, i32) {
    %c0_i32 = arith.constant 0 : i32
    %c0_i32_0 = arith.constant 0 : i32
    %c0_i32_1 = arith.constant 0 : i32
    return %c0_i32, %c0_i32_0 : i32, i32
  }
  func.func @transform_3(%arg0: i32) -> (i32, i32) {
    %c0_i32 = arith.constant 0 : i32
    %c0_i32_0 = arith.constant 0 : i32
    return %arg0, %c0_i32 : i32, i32
  }
}

module attributes {stable_mosaic.version = 14 : i64} {
  func.func @body(%arg0: i32, %arg1: memref<2x1000x128xf32, #tpu.memory_space<vmem>>, %arg2: memref<2x1000x128xf32, #tpu.memory_space<vmem>>, %arg3: memref<2x1000x128xf32, #tpu.memory_space<vmem>>, %arg4: memref<1x128xf32, #tpu.memory_space<vmem>>, %arg5: memref<128x128xf32, #tpu.memory_space<vmem>>, %arg6: memref<1000x128xf32, #tpu.memory_space<vmem>>, %arg7: memref<1000x128xf32, #tpu.memory_space<vmem>>) attributes {dimension_semantics = [#tpu.dimension_semantics<arbitrary>], iteration_bounds = array<i64: 10>, scalar_prefetch = 0 : i64, scratch_operands = 0 : i64, tpu.core_type = #tpu.core_type<tc>, window_params = [{transform_indices = @transform_0, window_bounds = array<i64: 2, 1000, 128>}, {transform_indices = @transform_1, window_bounds = array<i64: 2, 1000, 128>}, {transform_indices = @transform_2, window_bounds = array<i64: 2, 1000, 128>}, {pipeline_mode = #tpu.pipeline_mode<synchronous>, transform_indices = @transform_3, window_bounds = array<i64: 1, 128>}, {pipeline_mode = #tpu.pipeline_mode<synchronous>, transform_indices = @transform_4, window_bounds = array<i64: 128, 128>}, {transform_indices = @transform_5, window_bounds = array<i64: 1000, 128>}, {transform_indices = @transform_6, window_bounds = array<i64: 1000, 128>}]} {
    %get3A = arith.constant 0 : index
    %get3A_0 = arith.constant 0 : index
    %get3A_1 = arith.constant 0 : index
    %get3A_2 = vector.load %arg2[%get3A, %get3A_0, %get3A_1] : memref<2x1000x128xf32, #tpu.memory_space<vmem>>, vector<1x1000x1xf32>
    %get3A_3 = vector.shape_cast %get3A_2 : vector<1x1000x1xf32> to vector<1000x1xf32>
    %get3A_4 = arith.constant 1 : index
    %get3A_5 = arith.constant 0 : index
    %get3A_6 = arith.constant 0 : index
    %get3A_7 = vector.load %arg2[%get3A_4, %get3A_5, %get3A_6] : memref<2x1000x128xf32, #tpu.memory_space<vmem>>, vector<1x1000x1xf32>
    %get3A_8 = vector.shape_cast %get3A_7 : vector<1x1000x1xf32> to vector<1000x1xf32>
    %add3A = arith.addf %get3A_3, %get3A_8 : vector<1000x1xf32>
    %max3A = arith.constant 1.000000e+00 : f32
    %max3A_9 = vector.broadcast %max3A : f32 to vector<1000x1xf32>
    %max3A_10 = arith.maximumf %add3A, %max3A_9 : vector<1000x1xf32>
    %rsqrt3A = math.rsqrt %max3A_10 : vector<1000x1xf32>
    %get3A_11 = arith.constant 0 : index
    %get3A_12 = arith.constant 0 : index
    %get3A_13 = arith.constant 0 : index
    %get3A_14 = vector.load %arg1[%get3A_11, %get3A_12, %get3A_13] : memref<2x1000x128xf32, #tpu.memory_space<vmem>>, vector<1x1000x128xf32>
    %get3A_15 = vector.shape_cast %get3A_14 : vector<1x1000x128xf32> to vector<1000x128xf32>
    %get3A_16 = arith.constant 1 : index
    %get3A_17 = arith.constant 0 : index
    %get3A_18 = arith.constant 0 : index
    %get3A_19 = vector.load %arg1[%get3A_16, %get3A_17, %get3A_18] : memref<2x1000x128xf32, #tpu.memory_space<vmem>>, vector<1x1000x128xf32>
    %get3A_20 = vector.shape_cast %get3A_19 : vector<1x1000x128xf32> to vector<1000x128xf32>
    %add3A_21 = arith.addf %get3A_15, %get3A_20 : vector<1000x128xf32>
    %mul3A = vector.broadcast %rsqrt3A : vector<1000x1xf32> to vector<1000x128xf32>
    %mul3A_22 = arith.mulf %add3A_21, %mul3A : vector<1000x128xf32>
    %get3A_23 = arith.constant 0 : index
    %get3A_24 = arith.constant 0 : index
    %get3A_25 = vector.load %arg4[%get3A_23, %get3A_24] : memref<1x128xf32, #tpu.memory_space<vmem>>, vector<1x128xf32>
    %add3A_26 = vector.broadcast %get3A_25 : vector<1x128xf32> to vector<1000x128xf32>
    %add3A_27 = arith.addf %mul3A_22, %add3A_26 : vector<1000x128xf32>
    %swap3A = arith.constant 0 : index
    %swap3A_28 = arith.constant 0 : index
    %swap3A_29 = vector.load %arg6[%swap3A, %swap3A_28] : memref<1000x128xf32, #tpu.memory_space<vmem>>, vector<1000x128xf32>
    tpu.vector_store %arg6[%swap3A, %swap3A_28], %add3A_27 {strides = array<i32>} : memref<1000x128xf32, #tpu.memory_space<vmem>>, vector<1000x128xf32>,
    %get3A_30 = arith.constant 0 : index
    %get3A_31 = arith.constant 0 : index
    %get3A_32 = arith.constant 0 : index
    %get3A_33 = vector.load %arg3[%get3A_30, %get3A_31, %get3A_32] : memref<2x1000x128xf32, #tpu.memory_space<vmem>>, vector<1x1000x1xf32>
    %get3A_34 = vector.shape_cast %get3A_33 : vector<1x1000x1xf32> to vector<1000x1xf32>
    %get3A_35 = arith.constant 1 : index
    %get3A_36 = arith.constant 0 : index
    %get3A_37 = arith.constant 0 : index
    %get3A_38 = vector.load %arg3[%get3A_35, %get3A_36, %get3A_37] : memref<2x1000x128xf32, #tpu.memory_space<vmem>>, vector<1x1000x1xf32>
    %get3A_39 = vector.shape_cast %get3A_38 : vector<1x1000x1xf32> to vector<1000x1xf32>
    %add3A_40 = arith.addf %get3A_34, %get3A_39 : vector<1000x1xf32>
    %max3A_41 = arith.constant 1.000000e+00 : f32
    %max3A_42 = vector.broadcast %max3A_41 : f32 to vector<1000x1xf32>
    %max3A_43 = arith.maximumf %add3A_40, %max3A_42 : vector<1000x1xf32>
    %rsqrt3A_44 = math.rsqrt %max3A_43 : vector<1000x1xf32>
    %max3A_45 = arith.constant 0.000000e+00 : f32
    %max3A_46 = vector.broadcast %max3A_45 : f32 to vector<1000x128xf32>
    %max3A_47 = arith.maximumf %add3A_27, %max3A_46 : vector<1000x128xf32>
    %mul3A_48 = vector.broadcast %rsqrt3A_44 : vector<1000x1xf32> to vector<1000x128xf32>
    %mul3A_49 = arith.mulf %max3A_47, %mul3A_48 : vector<1000x128xf32>
    %get3A_50 = arith.constant 0 : index
    %get3A_51 = arith.constant 0 : index
    %get3A_52 = vector.load %arg5[%get3A_50, %get3A_51] : memref<128x128xf32, #tpu.memory_space<vmem>>, vector<128x128xf32>
    %dot_general3A = arith.constant dense<0.000000e+00> : vector<1000x128xf32>
    %dot_general3A_53 = tpu.matmul %mul3A_49, %get3A_52, %dot_general3A {dimension_numbers = #tpu.dot_dimension_numbers<[1], [0], [0], [1], [0, 0, 1, 1], [], []>, transpose_lhs_hint = false} : vector<1000x128xf32>, vector<128x128xf32>, vector<1000x128xf32> -> vector<1000x128xf32>
    %swap3A_54 = arith.constant 0 : index
    %swap3A_55 = arith.constant 0 : index
    %swap3A_56 = vector.load %arg7[%swap3A_54, %swap3A_55] : memref<1000x128xf32, #tpu.memory_space<vmem>>, vector<1000x128xf32>
    tpu.vector_store %arg7[%swap3A_54, %swap3A_55], %dot_general3A_53 {strides = array<i32>} : memref<1000x128xf32, #tpu.memory_space<vmem>>, vector<1000x128xf32>,
    return
  }
  func.func @transform_0(%arg0: i32) -> (i32, i32, i32) {
    %c0_i32 = arith.constant 0 : i32
    %c0_i32_0 = arith.constant 0 : i32
    %c0_i32_1 = arith.constant 0 : i32
    return %c0_i32, %arg0, %c0_i32_0 : i32, i32, i32
  }
  func.func @transform_1(%arg0: i32) -> (i32, i32, i32) {
    %c0_i32 = arith.constant 0 : i32
    %c0_i32_0 = arith.constant 0 : i32
    %c0_i32_1 = arith.constant 0 : i32
    return %c0_i32, %arg0, %c0_i32_0 : i32, i32, i32
  }
  func.func @transform_2(%arg0: i32) -> (i32, i32, i32) {
    %c0_i32 = arith.constant 0 : i32
    %c0_i32_0 = arith.constant 0 : i32
    %c0_i32_1 = arith.constant 0 : i32
    return %c0_i32, %arg0, %c0_i32_0 : i32, i32, i32
  }
  func.func @transform_3(%arg0: i32) -> (i32, i32) {
    %c0_i32 = arith.constant 0 : i32
    %c0_i32_0 = arith.constant 0 : i32
    %c0_i32_1 = arith.constant 0 : i32
    return %c0_i32, %c0_i32_0 : i32, i32
  }
  func.func @transform_4(%arg0: i32) -> (i32, i32) {
    %c0_i32 = arith.constant 0 : i32
    %c0_i32_0 = arith.constant 0 : i32
    %c0_i32_1 = arith.constant 0 : i32
    return %c0_i32, %c0_i32_0 : i32, i32
  }
  func.func @transform_5(%arg0: i32) -> (i32, i32) {
    %c0_i32 = arith.constant 0 : i32
    %c0_i32_0 = arith.constant 0 : i32
    return %arg0, %c0_i32 : i32, i32
  }
  func.func @transform_6(%arg0: i32) -> (i32, i32) {
    %c0_i32 = arith.constant 0 : i32
    %c0_i32_0 = arith.constant 0 : i32
    return %arg0, %c0_i32 : i32, i32
  }
}

module attributes {stable_mosaic.version = 14 : i64} {
  func.func @body(%arg0: i32, %arg1: memref<2x1000x128xf32, #tpu.memory_space<vmem>>, %arg2: memref<2x1000x128xf32, #tpu.memory_space<vmem>>, %arg3: memref<1x64xf32, #tpu.memory_space<vmem>>, %arg4: memref<1000x64xf32, #tpu.memory_space<vmem>>) attributes {dimension_semantics = [#tpu.dimension_semantics<arbitrary>], iteration_bounds = array<i64: 10>, scalar_prefetch = 0 : i64, scratch_operands = 0 : i64, tpu.core_type = #tpu.core_type<tc>, window_params = [{transform_indices = @transform_0, window_bounds = array<i64: 2, 1000, 128>}, {transform_indices = @transform_1, window_bounds = array<i64: 2, 1000, 128>}, {pipeline_mode = #tpu.pipeline_mode<synchronous>, transform_indices = @transform_2, window_bounds = array<i64: 1, 64>}, {transform_indices = @transform_3, window_bounds = array<i64: 1000, 64>}]} {
    %get3A = arith.constant 0 : index
    %get3A_0 = arith.constant 0 : index
    %get3A_1 = arith.constant 0 : index
    %get3A_2 = vector.load %arg2[%get3A, %get3A_0, %get3A_1] : memref<2x1000x128xf32, #tpu.memory_space<vmem>>, vector<1x1000x1xf32>
    %get3A_3 = vector.shape_cast %get3A_2 : vector<1x1000x1xf32> to vector<1000x1xf32>
    %get3A_4 = arith.constant 1 : index
    %get3A_5 = arith.constant 0 : index
    %get3A_6 = arith.constant 0 : index
    %get3A_7 = vector.load %arg2[%get3A_4, %get3A_5, %get3A_6] : memref<2x1000x128xf32, #tpu.memory_space<vmem>>, vector<1x1000x1xf32>
    %get3A_8 = vector.shape_cast %get3A_7 : vector<1x1000x1xf32> to vector<1000x1xf32>
    %add3A = arith.addf %get3A_3, %get3A_8 : vector<1000x1xf32>
    %max3A = arith.constant 1.000000e+00 : f32
    %max3A_9 = vector.broadcast %max3A : f32 to vector<1000x1xf32>
    %max3A_10 = arith.maximumf %add3A, %max3A_9 : vector<1000x1xf32>
    %rsqrt3A = math.rsqrt %max3A_10 : vector<1000x1xf32>
    %get3A_11 = arith.constant 0 : index
    %get3A_12 = arith.constant 0 : index
    %get3A_13 = arith.constant 0 : index
    %get3A_14 = vector.load %arg1[%get3A_11, %get3A_12, %get3A_13] : memref<2x1000x128xf32, #tpu.memory_space<vmem>>, vector<1x1000x64xf32>
    %get3A_15 = vector.shape_cast %get3A_14 : vector<1x1000x64xf32> to vector<1000x64xf32>
    %get3A_16 = arith.constant 1 : index
    %get3A_17 = arith.constant 0 : index
    %get3A_18 = arith.constant 0 : index
    %get3A_19 = vector.load %arg1[%get3A_16, %get3A_17, %get3A_18] : memref<2x1000x128xf32, #tpu.memory_space<vmem>>, vector<1x1000x64xf32>
    %get3A_20 = vector.shape_cast %get3A_19 : vector<1x1000x64xf32> to vector<1000x64xf32>
    %add3A_21 = arith.addf %get3A_15, %get3A_20 : vector<1000x64xf32>
    %mul3A = vector.broadcast %rsqrt3A : vector<1000x1xf32> to vector<1000x64xf32>
    %mul3A_22 = arith.mulf %add3A_21, %mul3A : vector<1000x64xf32>
    %get3A_23 = arith.constant 0 : index
    %get3A_24 = arith.constant 0 : index
    %get3A_25 = vector.load %arg3[%get3A_23, %get3A_24] : memref<1x64xf32, #tpu.memory_space<vmem>>, vector<1x64xf32>
    %add3A_26 = vector.broadcast %get3A_25 : vector<1x64xf32> to vector<1000x64xf32>
    %add3A_27 = arith.addf %mul3A_22, %add3A_26 : vector<1000x64xf32>
    %swap3A = arith.constant 0 : index
    %swap3A_28 = arith.constant 0 : index
    %swap3A_29 = vector.load %arg4[%swap3A, %swap3A_28] : memref<1000x64xf32, #tpu.memory_space<vmem>>, vector<1000x64xf32>
    tpu.vector_store %arg4[%swap3A, %swap3A_28], %add3A_27 {strides = array<i32>} : memref<1000x64xf32, #tpu.memory_space<vmem>>, vector<1000x64xf32>,
    return
  }
  func.func @transform_0(%arg0: i32) -> (i32, i32, i32) {
    %c0_i32 = arith.constant 0 : i32
    %c0_i32_0 = arith.constant 0 : i32
    %c0_i32_1 = arith.constant 0 : i32
    return %c0_i32, %arg0, %c0_i32_0 : i32, i32, i32
  }
  func.func @transform_1(%arg0: i32) -> (i32, i32, i32) {
    %c0_i32 = arith.constant 0 : i32
    %c0_i32_0 = arith.constant 0 : i32
    %c0_i32_1 = arith.constant 0 : i32
    return %c0_i32, %arg0, %c0_i32_0 : i32, i32, i32
  }
  func.func @transform_2(%arg0: i32) -> (i32, i32) {
    %c0_i32 = arith.constant 0 : i32
    %c0_i32_0 = arith.constant 0 : i32
    %c0_i32_1 = arith.constant 0 : i32
    return %c0_i32, %c0_i32_0 : i32, i32
  }
  func.func @transform_3(%arg0: i32) -> (i32, i32) {
    %c0_i32 = arith.constant 0 : i32
    %c0_i32_0 = arith.constant 0 : i32
    return %arg0, %c0_i32 : i32, i32
  }
}

</mosaic_0001>

<sc_bundles>
// kernel: kernel.10.cloned.1.call-start
scs
__scs_entry_jumppad:
0x0: {  	(pc) =	sbr.rel $0x88, $3  }
0x1: {  	(tag) =	ssettag $0x0;
	lr =	simm.s32 $0x1  }
0x2: {  	[smem:$0x3F99] =	sst lr;
	_ =	strace $0xD0000000  }
0x3: {  	_ = 	snop  }
0x4: {  	_ = 	snop  }
0x5: {  	_ = 	snop  }
0x6: {  	_ = 	snop  }
0x7: {  	_ = 	snop  }
__scs_overlays_trampoline_lowered:
0x8: {  	[smem:$0x3FA8] =	sst s0  }
0x9: {  	[smem:$0x3FA9] =	sst s1  }
0xa: {  	[smem:$0x3FAA] =	sst s2  }
0xb: {  	[smem:$0x3FAB] =	sst s3  }
0xc: {  	[smem:$0x3FAC] =	sst s4  }
0xd: {  	[smem:$0x3FAD] =	sst s5  }
0xe: {  	[smem:$0x3FAE] =	sst s6  }
0xf: {  	[smem:$0x3FAF] =	sst s7  }
0x10: {  	[smem:$0x3FB0] =	sst s8  }
0x11: {  	[smem:$0x3FB1] =	sst s9;
	s0 =	simm.s32 @!p0 $0x0  }
0x12: {  	s1 =	sld [smem:$0x3F97];
	s0 =	simm.s32 @p0 $0x1  }
0x13: {  	[smem:$0x3FB2] =	sst s0;
	s0 =	simm.s32 @!p1 $0x0  }
0x14: {  	s2 =	sld [smem:$0x3F96];
	s0 =	simm.s32 @p1 $0x1  }
0x15: {  	[smem:$0x3FB3] =	sst s0;
	s0 =	simm.s32 @!p2 $0x0  }
0x16: {  	s3 =	sld [smem:$0x3FDB];
	s0 =	simm.s32 @p2 $0x1  }
0x17: {  	s4 =	simm.s32 $0x1BF5;
	[smem:$0x3FB5] =	sst s0  }
0x18: {  	s0 =	sld [smem:$0x3F98];
	_ =	swait.ge [sflag:s4], $0x0  }
0x19: {  	s7 =	sld [smem:$0x3F99]  }
0x1a: {  	s8 =	sadd.s32 $0xFFFFE003, lr  }
0x1b: {  	s9 =	sadd.s32 $0xFFFFFEF7, lr;
	s5 =	simm.s32 $0xFFFFFFFF;
	p2 =	slt.u32 s8, $0xFFFFF086  }
0x1c: {  	p1 =	slt.u32 s9, $0xF7A;
	s5 =	simm.s32 @!p2 $0x0  }
0x1d: {  	s5 =	simm.s32 @p1 $0x1;
	p0 =	seq.s32 s7, s2  }
0x1e: {  	s7 =	smul.u32 @!p0 $0xF7A, s2;
	p2 =	seq.s32 @!p0 s5, $0x0  }
0x1f: {  	s9 =	smul.u32 $0xF7A, s1;
	s8 =	simm.s32 @!p0 $0x1BF5;
	p2 =	por !p2, p0  }
0x20: {  	[sflag:s8] =	ssyncset.s32 @!p0 $0xFFFFF086;
	s6 =	sadd.s32 @!p0 s3, s7;
	s7 =	simm.s32 @!p0 $0x108  }
0x21: {  	s3 =	sadd.s32 s3, s9;
	s6 =	sadd.s32 @!p0 $0x88, s6;
	s7 =	simm.s32 @p2 $0x1082  }
0x22: {  	[simem:s7], [sflag:s8] =	dma.local @!p0 [hbm:s6], $0xF7A  }
0x23: {  	s9 =	sor.u32 $0xD0000000, s2;
	s6 =	simm.s32 $0x108;
	_ =	swait.ge @!p0 [sflag:s8], $0x0  }
0x24: {  	s3 =	sadd.s32 $0x88, s3;
	s6 =	simm.s32 @!p1 $0x1082;
	[sflag:s4] =	ssyncset.s32 $0xFFFFF086  }
0x25: {  	[simem:s6], [sflag:s4] =	dma.local [hbm:s3], $0xF7A  }
0x26: {  	[smem:$0x3F99] =	sst s1;
	(tag) =	ssettag s2;
	_ =	strace s9  }
0x27: {  	s1 =	sld [smem:$0x3FA9]  }
0x28: {  	s2 =	sld [smem:$0x3FAA]  }
0x29: {  	s4 =	sld [smem:$0x3FAC]  }
0x2a: {  	p0 =	seq.s32 s5, $0x0;
	s5 =	sld [smem:$0x3FAD]  }
0x2b: {  	s6 =	sld [smem:$0x3FAE]  }
0x2c: {  	s7 =	sld [smem:$0x3FAF]  }
0x2d: {  	s3 =	simm.s32 $0x108;
	s8 =	sld [smem:$0x3FB0]  }
0x2e: {  	s3 =	simm.s32 @!p0 $0x1082;
	s9 =	sld [smem:$0x3FB1]  }
0x2f: {  	lr =	sadd.s32 s0, s3;
	s0 =	sld [smem:$0x3FA8]  }
0x30: {  	s3 =	sld [smem:$0x3FAB]  }
0x31: {  	[smem:$0x3FB4] =	sst s10  }
0x32: {  	s10 =	sld [smem:$0x3FB2];
	_ =	sdelay $0x3  }
0x33: {  	p0 =	seq.s32 s10, $0x1;
	s10 =	sld [smem:$0x3FB4];
	_ =	sdelay $0x3  }
0x34: {  	[smem:$0x3FB4] =	sst s10  }
0x35: {  	s10 =	sld [smem:$0x3FB3];
	_ =	sdelay $0x3  }
0x36: {  	p1 =	seq.s32 s10, $0x1;
	s10 =	sld [smem:$0x3FB4];
	_ =	sdelay $0x3  }
0x37: {  	[smem:$0x3FB4] =	sst s10  }
0x38: {  	s10 =	sld [smem:$0x3FB5]  }
0x39: {  	_ = 	snop;
	(pc) =	sbr.ind lr, $3  }
0x3a: {  	_ = 	snop  }
0x3b: {  	_ = 	snop  }
0x3c: {  	p2 =	seq.s32 s10, $0x1;
	s10 =	sld [smem:$0x3FB4]  }
0x3d: {  	_ =	shalt  }
0x3e: {  	_ =	shalt  }
0x3f: {  	_ =	shalt  }
0x40: {  	_ =	shalt  }
0x41: {  	_ =	shalt  }
0x42: {  	_ =	shalt  }
0x43: {  	_ =	shalt  }
0x44: {  	_ =	shalt  }
0x45: {  	_ =	shalt  }
0x46: {  	_ =	shalt  }
0x47: {  	_ =	shalt  }
0x48: {  	_ =	shalt  }
0x49: {  	_ =	shalt  }
0x4a: {  	_ =	shalt  }
0x4b: {  	_ =	shalt  }
0x4c: {  	_ =	shalt  }
0x4d: {  	_ =	shalt  }
0x4e: {  	_ =	shalt  }
0x4f: {  	_ =	shalt  }
0x50: {  	_ =	shalt  }
0x51: {  	_ =	shalt  }
0x52: {  	_ =	shalt  }
0x53: {  	_ =	shalt  }
0x54: {  	_ =	shalt  }
0x55: {  	_ =	shalt  }
0x56: {  	_ =	shalt  }
0x57: {  	_ =	shalt  }
0x58: {  	_ =	shalt  }
0x59: {  	_ =	shalt  }
0x5a: {  	_ =	shalt  }
0x5b: {  	_ =	shalt  }
0x5c: {  	_ =	shalt  }
0x5d: {  	_ =	shalt  }
0x5e: {  	_ =	shalt  }
0x5f: {  	_ =	shalt  }
0x60: {  	_ =	shalt  }
0x61: {  	_ =	shalt  }
0x62: {  	_ =	shalt  }
0x63: {  	_ =	shalt  }
0x64: {  	_ =	shalt  }
0x65: {  	_ =	shalt  }
0x66: {  	_ =	shalt  }
0x67: {  	_ =	shalt  }
0x68: {  	_ =	shalt  }
0x69: {  	_ =	shalt  }
0x6a: {  	_ =	shalt  }
0x6b: {  	_ =	shalt  }
0x6c: {  	_ =	shalt  }
0x6d: {  	_ =	shalt  }
0x6e: {  	_ =	shalt  }
0x6f: {  	_ =	shalt  }
0x70: {  	_ =	shalt  }
0x71: {  	_ =	shalt  }
0x72: {  	_ =	shalt  }
0x73: {  	_ =	shalt  }
0x74: {  	_ =	shalt  }
0x75: {  	_ =	shalt  }
0x76: {  	_ =	shalt  }
0x77: {  	_ =	shalt  }
0x78: {  	_ =	shalt  }
0x79: {  	_ =	shalt  }
0x7a: {  	_ =	shalt  }
0x7b: {  	_ =	shalt  }
0x7c: {  	_ =	shalt  }
0x7d: {  	_ =	shalt  }
0x7e: {  	_ =	shalt  }
0x7f: {  	_ =	shalt  }
0x80: {  	_ =	shalt  }
0x81: {  	_ =	shalt  }
0x82: {  	_ =	shalt  }
0x83: {  	_ =	shalt  }
0x84: {  	_ =	shalt  }
0x85: {  	_ =	shalt  }
0x86: {  	_ =	shalt  }
0x87: {  	_ =	shalt  }
.Lfunc_end0:
.L_simem_size_0:
called_computation_lowered:
.L_overlay_start_0:
0x88: {  	s2 =	sld [smem:$0x3FD9]  }
0x89: {  	s3 =	sld [smem:$0x3FFE];
	_ =	sdelay $0x1  }
0x8a: {  	s1 =	srdreg.scid  }
0x8b: {  	s0 =	sand.u32 $0x1, s1  }
0x8c: {  	s14 =	sshll.u32 s0, $0xA;
	s2 =	sadd.s32 s3, s2  }
0x8d: {  	s2 =	sadd.s32 s2, s14  }
0x8e: {  	[smem:$0x3FC0] =	sst s2  }
0x8f: {  	_ = 	snop  }
0x90: {  	s2 =	sld [smem:$0x3FD0];
	_ =	sdelay $0x2  }
0x91: {  	s15 =	simm.s32 $0xA;
	s4 =	simm.s32 $0x10  }
0x92: {  	[smem:s4], [sflag:s15] =	dma.local [hbm:s2], $0x1  }
0x93: {  	_ =	swait.eq [sflag:s15], $0x1  }
0x94: {  	[sflag:s15] =	ssyncset.done $0x0  }
0x95: {  	[sflag:s15] =	ssyncadd.s32 $0xFFFFFFFF  }
0x96: {  	s16 =	sld [smem:$0x11];
	(tm) =	ssettm $0x1  }
0x97: {  	s17 =	sld [smem:$0x3FFB];
	_ =	sdelay $0x3  }
0x98: {  	_ =	strace s17  }
0x99: {  	s3 =	sld [smem:$0x3FFC];
	_ =	sdelay $0x3  }
0x9a: {  	_ =	strace s3  }
0x9b: {  	s3 =	sld [smem:$0x3FFD];
	_ =	sdelay $0x3  }
0x9c: {  	_ =	strace s3  }
0x9d: {  	_ =	strace $0x8FFFFFFF  }
0x9e: {  	s18 =	sld [smem:$0x3FDB];
	_ =	sdelay $0x1  }
0x9f: {  	s19 =	simm.s32 $_scs_section_size  }
0xa0: {  	s5 =	simm.s32 $_size__tile_overlayer_lowered;
	s6 =	simm.s32 $_tile_overlayer_lowered  }
0xa1: {  	s22 =	simm.s32 $0x1BFF;
	s21 =	sshll.u32 s6, $0x1;
	s3 =	sadd.s32 s19, s18  }
0xa2: {  	s7 =	simm.s32 $0x0;
	s20 =	sshll.u32 s5, $0x1;
	s5 =	sadd.s32 s21, s3  }
0xa3: {  	[timem:s7], [sflag:s22] =	dma.local [hbm:s5], s20  }
0xa4: {  	_ =	swait.ge [sflag:s22], s20  }
0xa5: {  	s4 =	ssub.s32 $0x0, s20;
	[sflag:s22] =	ssyncset.done $0x0  }
0xa6: {  	[sflag:s22] =	ssyncadd.s32 s4;
	_ =	sdelay $0x1  }
0xa7: {  	s23 =	simm.s32 $0x1B8B  }
0xa8: {  	_ =	swait.ge [sflag:s23], $0x1  }
0xa9: {  	[sflag:s23] =	ssyncset.done $0x0  }
0xaa: {  	s25 =	simm.s32 $0x1B8E;
	s24 =	sld [smem:$0x3FFE];
	[sflag:s23] =	ssyncadd.s32 $0xFFFFFFFF  }
0xab: {  	s26 =	simm.s32 $execute0_lowered;
	[smem:$0x3FD2] =	sst s25  }
0xac: {  	s5 =	sshll.u32 s26, $0x1;
	_ =	strace $0x80000046;
	[dreg:$0x1] =	wrdreg $0xFFFFFFFF  }
0xad: {  	s28 =	simm.s32 $_size_execute0_lowered;
	s3 =	sadd.s32 s3, s5;
	[dreg:$0x0] =	wrdreg $0x0  }
0xae: {  	s5 =	sshll.u32 s28, $0x1;
	[dreg:$0x2] =	wrdreg s3  }
0xaf: {  	[dreg:$0x3] =	wrdreg s5  }
0xb0: {  	[dreg:$0x4] =	wrdreg $0xC0  }
0xb1: {  	_ =	task [dreg:s7], $0x5FFFF  }
0xb2: {  	[dreg:$0x1] =	wrdreg $0xFFFFFFFF  }
0xb3: {  	[dreg:$0x0] =	wrdreg $0x60  }
0xb4: {  	[dreg:$0x2] =	wrdreg s24  }
0xb5: {  	[dreg:$0x3] =	wrdreg s16  }
0xb6: {  	[dreg:$0x4] =	wrdreg $0x89800  }
0xb7: {  	[dreg:$0x5] =	wrdreg $0x9  }
0xb8: {  	_ =	task.clear_ibuf [dreg:s7], $0x6FFFF;
	_ =	strace $0x90000046  }
0xb9: {  	s29 =	simm.s32 $0x9;
	_ =	strace $0x80000048  }
0xba: {  	_ =	swait.ge [sflag:s29], $0x1  }
0xbb: {  	[sflag:s29] =	ssyncadd.s32 $0xFFFFFFFF  }
0xbc: {  	_ =	strace $0x90000048  }
0xbd: {  	_ =	sfence  }
0xbe: {  	s30 =	sld [smem:$0x0];
	_ =	sdelay $0x2  }
0xbf: {  	s31 =	sshll.u32 s1, $0xD;
	s1 =	sshrl.u32 s1, $0x2  }
0xc0: {  	s3 =	sand.u32 $0x4000, s31;
	s1 =	sadd.s32 s1, s30  }
0xc1: {  	s0 =	sor.u32 s3, s0;
	s1 =	sshll.u32 s1, $0x11  }
0xc2: {  	s0 =	sor.u32 s1, s0  }
0xc3: {  	s0 =	sadd.s32 $0x8F2B, s0  }
0xc4: {  	[sflag:s0] =	ssyncadd.remote.s32 $0x1  }
0xc5: {  	_ =	sfence.sel $0xFFFF  }
0xc6: {  	[dreg:$0x0] =	wrdreg $0xFFFFFFFF;
	(pc) =	sbr.abs _section_cstart, $3  }
0xc7: {  	[dreg:$0x1] =	wrdreg $0xFFFFFFFF  }
0xc8: {  	_ =	task.clear_ibuf [dreg:s7], $0x2FFFF;
	_ =	strace $0x9FFFFFFF  }
0xc9: {  	(tm) =	ssettm $0x7FFFFFFF  }
tec
execute0_lowered:
.L_overlay_start_1:
0x0: {  	(tag) =	ssettag $0x1  }
0x1: {  	s0 =	rddreg [dreg:$0x0]  }
0x2: {  	s1 =	rddreg [dreg:$0x1]  }
0x3: {  	s2 =	rddreg [dreg:$0x2]  }
0x4: {  	s3 =	simm.s32 $0x0;
	s4 =	srdreg.scid;
	s20 =	stileid.u32  }
0x5: {  	[smem:$0x7FF] =	sst s3;
	s5 =	sadd.s32 $0x3200, s0;
	s7 =	smul.u32 $0x50000, s20  }
0x6: {  	s4 =	sand.u32 $0x1, s4;
	s11 =	sadd.s32 $0xD000, s0;
	s10 =	smul.u32 $0x14000, s20  }
0x7: {  	s0 =	sadd.s32 $0x5D000, s0;
	s9 =	sshll.u32 s20, $0x1;
	s26 =	smul.u32 $0x4E20, s20  }
0x8: {  	_ =	strace $0x80000047;
	s6 =	ssub.s32 $0x2, s4;
	s9 =	sor.u32 s4, s9  }
0x9: {  	s16 =	smul.u32 $0x140000, s4;
	s8 =	sshrl.u32 s6, $0x1;
	s7 =	sshrl.u32 s7, $0x2  }
0xa: {  	s13 =	smul.u32 $0x2710, s9;
	s14 =	sadd.s32 $0x4000, s10;
	s15 =	sadd.s32 $0x8000, s10  }
0xb: {  	s17 =	sadd.s32 $0xC000, s10;
	s18 =	sadd.s32 $0x10000, s10;
	s12 =	ssub.s32 s6, s8  }
0xc: {  	s6 =	sadd.s32 s7, s2;
	s7 =	sadd.s32 s14, s2;
	s8 =	sadd.s32 s15, s2  }
0xd: {  	s9 =	sadd.s32 s17, s2;
	s19 =	sadd.s32 s10, s16;
	s14 =	sadd.s32 s16, s14  }
0xe: {  	s15 =	sadd.s32 s16, s15;
	s17 =	sadd.s32 s16, s17;
	s19 =	sshrl.u32 s19, $0x3  }
0xf: {  	s16 =	sadd.s32 s16, s18;
	s14 =	sshrl.u32 s14, $0x3;
	s21 =	sadd.s32 s11, s19  }
0x10: {  	s15 =	sshrl.u32 s15, $0x3;
	s22 =	sadd.s32 s11, s14;
	[dreg:$0x4] =	wrdreg s21  }
0x11: {  	s17 =	sshrl.u32 s17, $0x3;
	s23 =	sadd.s32 s11, s15;
	[dreg:$0x5] =	wrdreg s22  }
0x12: {  	s16 =	sshrl.u32 s16, $0x3;
	s24 =	sadd.s32 s11, s17;
	[dreg:$0x6] =	wrdreg s23  }
0x13: {  	s4 =	smul.u32 $0x2710, s4;
	s11 =	sadd.s32 s11, s16;
	[dreg:$0x7] =	wrdreg s24  }
0x14: {  	s10 =	sadd.s32 s18, s2;
	s25 =	sadd.s32 s0, s19;
	[dreg:$0x8] =	wrdreg s11  }
0x15: {  	s13 =	sshrl.u32 s13, $0x3;
	s14 =	sadd.s32 s0, s14;
	[dreg:$0x9] =	wrdreg s25  }
0x16: {  	s28 =	smax.u32 s12, $0x1;
	s15 =	sadd.s32 s0, s15;
	[dreg:$0xa] =	wrdreg s14  }
0x17: {  	s12 =	simm.s32 $0x180;
	s17 =	sadd.s32 s0, s17;
	[dreg:$0xb] =	wrdreg s15  }
0x18: {  	s0 =	sadd.s32 s0, s16;
	s18 =	sadd.s32 s5, s13;
	[dreg:$0xc] =	wrdreg s17  }
0x19: {  	s19 =	sadd.s32 s4, s26;
	s20 =	sadd.s32 $0x4D0, s13;
	[dreg:$0xd] =	wrdreg s0  }
0x1a: {  	s16 =	simm.s32 $0x10;
	[dreg:$0xe] =	wrdreg s18;
	s21 =	sadd.s32 $0x4E0, s13  }
0x1b: {  	s13 =	sadd.s32 s1, s13;
	s22 =	sadd.s32 s5, s20;
	s4 =	sadd.s32 s1, s20  }
0x1c: {  	s23 =	sadd.s32 $0x80, s19;
	s29 =	sadd.s32 $0x100, s19;
	s0 =	simm.s32 $0x4980  }
0x1d: {  	s11 =	simm.s32 $0x80;
	s14 =	simm.s32 $0x2;
	[dreg:$0xf] =	wrdreg s13  }
0x1e: {  	s15 =	simm.s32 $0x100;
	s17 =	simm.s32 $0x4180;
	[dreg:$0x10] =	wrdreg s22  }
0x1f: {  	s18 =	simm.s32 $0x0;
	[dreg:$0x11] =	wrdreg s4;
	s25 =	sadd.s32 s5, s21  }
0x20: {  	s26 =	sadd.s32 s1, s21;
	s24 =	sshrl.u32 s23, $0x3;
	s4 =	simm.s32 $0x3  }
0x21: {  	v0 =	vimm.f32 $1.000000000e+00;
	v1 =	vimm.f32 $0.0e+00;
	s13 =	simm.s32 $0x1;
	s30 =	sadd.s32 s24, s5;
	s31 =	sadd.s32 s24, s1  }
.LBB2_1:
0x22: {  	s19 =	simm.s32 $0x0;
	s20 =	simm.s32 $0x200  }
.LBB2_2:
0x23: {  	p0 =	sne.s32 s20, $0xFE00;
	[tilespmem:s19+$0x1F0] =	vst v0  }
0x24: {  	[tilespmem:s19+$0x180] =	vst v0  }
0x25: {  	[tilespmem:s19+$0x190] =	vst v0  }
.Ltmp0:
0x26: {  	[tilespmem:s19+$0x1A0] =	vst v0;
	(pc) =	sbr.rel @p0 .LBB2_2-.Ltmp0, $4  }
0x27: {  	[tilespmem:s19+$0x1B0] =	vst v0  }
0x28: {  	[tilespmem:s19+$0x1C0] =	vst v0  }
0x29: {  	[tilespmem:s19+$0x1D0] =	vst v0  }
0x2a: {  	[tilespmem:s19+$0x1E0] =	vst v0;
	s19 =	sshra.s32 s20, $0x2;
	s20 =	sadd.s32 $0x200, s20  }
0x2b: {  	[tilespmem:s19+$0x1F0] =	vst v0  }
0x2c: {  	[tilespmem:s19+$0x180] =	vst v0  }
0x2d: {  	[tilespmem:s19+$0x190] =	vst v0  }
0x2e: {  	[tilespmem:s19+$0x1A0] =	vst v0  }
0x2f: {  	[tilespmem:s19+$0x1B0] =	vst v0  }
0x30: {  	[tilespmem:s19+$0x1C0] =	vst v0  }
0x31: {  	[tilespmem:s19+$0x1D0] =	vst v0  }
0x32: {  	[tilespmem:s19+$0x1E0] =	vst v0;
	s19 =	simm.s32 $0x0;
	s20 =	simm.s32 $0x200  }
.LBB2_4:
0x33: {  	p0 =	sne.s32 s20, $0x1E00;
	[tilespmem:s19+$0x41F0] =	vst v0  }
0x34: {  	[tilespmem:s19+$0x4180] =	vst v0  }
0x35: {  	[tilespmem:s19+$0x4190] =	vst v0  }
.Ltmp1:
0x36: {  	[tilespmem:s19+$0x41A0] =	vst v0;
	(pc) =	sbr.rel @p0 .LBB2_4-.Ltmp1, $4  }
0x37: {  	[tilespmem:s19+$0x41B0] =	vst v0  }
0x38: {  	[tilespmem:s19+$0x41C0] =	vst v0  }
0x39: {  	[tilespmem:s19+$0x41D0] =	vst v0  }
0x3a: {  	[tilespmem:s19+$0x41E0] =	vst v0;
	s19 =	sshra.s32 s20, $0x2;
	s20 =	sadd.s32 $0x200, s20  }
0x3b: {  	[tilespmem:s19+$0x41F0] =	vst v0  }
0x3c: {  	[tilespmem:s19+$0x4180] =	vst v0  }
0x3d: {  	[tilespmem:s19+$0x4190] =	vst v0  }
0x3e: {  	[tilespmem:s19+$0x41A0] =	vst v0  }
0x3f: {  	[tilespmem:s19+$0x41B0] =	vst v0  }
0x40: {  	[tilespmem:s19+$0x41C0] =	vst v0  }
0x41: {  	[tilespmem:s19+$0x41D0] =	vst v0  }
0x42: {  	[tilespmem:s19+$0x41E0] =	vst v0;
	s19 =	simm.s32 $0x0;
	s20 =	simm.s32 $0x200  }
.LBB2_6:
0x43: {  	p0 =	sne.s32 s20, $0xFE00;
	[tilespmem:s19+$0x49F0] =	vst v1  }
0x44: {  	[tilespmem:s19+$0x4980] =	vst v1  }
0x45: {  	[tilespmem:s19+$0x4990] =	vst v1  }
.Ltmp2:
0x46: {  	[tilespmem:s19+$0x49A0] =	vst v1;
	(pc) =	sbr.rel @p0 .LBB2_6-.Ltmp2, $4  }
0x47: {  	[tilespmem:s19+$0x49B0] =	vst v1  }
0x48: {  	[tilespmem:s19+$0x49C0] =	vst v1  }
0x49: {  	[tilespmem:s19+$0x49D0] =	vst v1  }
0x4a: {  	[tilespmem:s19+$0x49E0] =	vst v1;
	s19 =	sshra.s32 s20, $0x2;
	s20 =	sadd.s32 $0x200, s20  }
0x4b: {  	[tilespmem:s19+$0x49F0] =	vst v1  }
0x4c: {  	[tilespmem:s19+$0x4980] =	vst v1  }
0x4d: {  	[tilespmem:s19+$0x4990] =	vst v1  }
0x4e: {  	[tilespmem:s19+$0x49A0] =	vst v1  }
0x4f: {  	[tilespmem:s19+$0x49B0] =	vst v1  }
0x50: {  	[tilespmem:s19+$0x49C0] =	vst v1  }
0x51: {  	[tilespmem:s19+$0x49D0] =	vst v1  }
0x52: {  	[tilespmem:s19+$0x49E0] =	vst v1  }
0x53: {  	[spmem:s6] =	stream.linear.scatter [tilespmem:s0], [sflag:$0x3], $0x4000, $0x38;
	[tilespmem:$0x1C980] =	vst v63  }
0x54: {  	_ =	swait.ge [sflag:s4], $0x4000  }
0x55: {  	[sflag:s4] =	ssyncset.done $0x0  }
0x56: {  	[sflag:s4] =	ssyncadd.s32 $0xFFFFC000  }
0x57: {  	[spmem:s7] =	stream.linear.scatter [tilespmem:s0], [sflag:$0x3], $0x4000, $0x38;
	[tilespmem:$0x1C980] =	vst v63  }
0x58: {  	_ =	swait.ge [sflag:s4], $0x4000  }
0x59: {  	[sflag:s4] =	ssyncset.done $0x0  }
0x5a: {  	[sflag:s4] =	ssyncadd.s32 $0xFFFFC000  }
0x5b: {  	[spmem:s8] =	stream.linear.scatter [tilespmem:s0], [sflag:$0x3], $0x4000, $0x38;
	[tilespmem:$0x1C980] =	vst v63  }
0x5c: {  	_ =	swait.ge [sflag:s4], $0x4000  }
0x5d: {  	[sflag:s4] =	ssyncset.done $0x0  }
0x5e: {  	[sflag:s4] =	ssyncadd.s32 $0xFFFFC000  }
0x5f: {  	[spmem:s9] =	stream.linear.scatter [tilespmem:s0], [sflag:$0x3], $0x4000, $0x38;
	[tilespmem:$0x1C980] =	vst v63  }
0x60: {  	_ =	swait.ge [sflag:s4], $0x4000  }
0x61: {  	[sflag:s4] =	ssyncset.done $0x0  }
0x62: {  	[sflag:s4] =	ssyncadd.s32 $0xFFFFC000  }
0x63: {  	[spmem:s10] =	stream.linear.scatter [tilespmem:s0], [sflag:$0x3], $0x4000, $0x38;
	[tilespmem:$0x1C980] =	vst v63  }
0x64: {  	_ =	swait.ge [sflag:s4], $0x4000  }
0x65: {  	[sflag:s4] =	ssyncset.done $0x0  }
0x66: {  	[sflag:s4] =	ssyncadd.s32 $0xFFFFC000  }
0x67: {  	[bflag:$0x0] =	sbarrier.arrive $0xFFFF  }
0x68: {  	s22 =	simm.s32 $0x0;
	s20 =	rddreg [dreg:$0xe]  }
0x69: {  	[tilespmem:s22], [sflag:$0x3] =	stream.linear.gather [hbm4b:s20+s22], $0x80, $0x38;
	[tilespmem:$0x1C980] =	vst v63  }
0x6a: {  	_ =	swait.ge [sflag:s4], $0x80  }
0x6b: {  	[sflag:s4] =	ssyncset.done $0x0  }
0x6c: {  	[sflag:s4] =	ssyncadd.s32 $0xFFFFFF80  }
0x6d: {  	[spmem:s2] =	stream.indirect.scatter.add.f32 [tilespmem:s12], [sflag:$0x1], $0x80, s22, s11, $0xb8;
	[tilespmem:$0x1C980] =	vst v63  }
0x6e: {  	s23 =	sadd.s32 $0x0, s30  }
0x6f: {  	[tilespmem:s11], [sflag:$0x3] =	stream.linear.gather [hbm4b:s23+s3], $0x80, $0x38;
	[tilespmem:$0x1C980] =	vst v63  }
0x70: {  	_ =	swait.ge [sflag:s4], $0x80  }
0x71: {  	[sflag:s4] =	ssyncset.done $0x0  }
0x72: {  	[sflag:s4] =	ssyncadd.s32 $0xFFFFFF80  }
0x73: {  	[spmem:s2] =	stream.indirect.scatter.add.f32 [tilespmem:s12], [sflag:$0x2], $0x80, s11, s11, $0xb8;
	[tilespmem:$0x1C980] =	vst v63  }
0x74: {  	_ =	swait.ge [sflag:s13], $0x4000  }
0x75: {  	s19 =	sshrl.u32 s29, $0x3;
	[sflag:s13] =	ssyncset.done $0x0  }
0x76: {  	s24 =	sadd.s32 s5, s19;
	[sflag:s13] =	ssyncadd.s32 $0xFFFFC000  }
0x77: {  	[tilespmem:s3], [sflag:$0x3] =	stream.linear.gather [hbm4b:s24+s3], $0x80, $0x38;
	[tilespmem:$0x1C980] =	vst v63  }
0x78: {  	_ =	swait.ge [sflag:s4], $0x80  }
0x79: {  	[sflag:s4] =	ssyncset.done $0x0  }
0x7a: {  	[sflag:s4] =	ssyncadd.s32 $0xFFFFFF80  }
0x7b: {  	[spmem:s2] =	stream.indirect.scatter.add.f32 [tilespmem:s12], [sflag:$0x1], $0x80, s3, s11, $0xb8;
	[tilespmem:$0x1C980] =	vst v63  }
0x7c: {  	s21 =	simm.s32 $0x20;
	_ =	swait.ge [sflag:s14], $0x4000  }
0x7d: {  	s20 =	sadd.s32 $0x100, s29;
	s22 =	simm.s32 $0x40;
	[sflag:s14] =	ssyncset.done $0x0  }
.LBB2_8:
0x7e: {  	s23 =	sadd.s32 s21, s30  }
0x7f: {  	[sflag:s14] =	ssyncadd.s32 $0xFFFFC000;
	s21 =	smov.u32 s22;
	s24 =	sadd.s32 $0x20, s22  }
0x80: {  	[tilespmem:s11], [sflag:$0x3] =	stream.linear.gather [hbm4b:s23+s3], $0x80, $0x38;
	[tilespmem:$0x1C980] =	vst v63  }
0x81: {  	p0 =	sne.s32 s22, $0x4A0;
	_ =	swait.ge [sflag:s4], $0x80  }
0x82: {  	[sflag:s4] =	ssyncset.done $0x0  }
0x83: {  	[sflag:s4] =	ssyncadd.s32 $0xFFFFFF80  }
0x84: {  	[spmem:s2] =	stream.indirect.scatter.add.f32 [tilespmem:s12], [sflag:$0x2], $0x80, s11, s11, $0xb8;
	[tilespmem:$0x1C980] =	vst v63  }
0x85: {  	_ =	swait.ge [sflag:s13], $0x4000  }
0x86: {  	s22 =	sshrl.u32 s20, $0x3;
	[sflag:s13] =	ssyncset.done $0x0  }
0x87: {  	s22 =	sadd.s32 s5, s22;
	[sflag:s13] =	ssyncadd.s32 $0xFFFFC000  }
0x88: {  	[tilespmem:s3], [sflag:$0x3] =	stream.linear.gather [hbm4b:s22+s3], $0x80, $0x38;
	[tilespmem:$0x1C980] =	vst v63  }
0x89: {  	_ =	swait.ge [sflag:s4], $0x80  }
.Ltmp3:
0x8a: {  	[sflag:s4] =	ssyncset.done $0x0;
	(pc) =	sbr.rel @p0 .LBB2_8-.Ltmp3, $4  }
0x8b: {  	[sflag:s4] =	ssyncadd.s32 $0xFFFFFF80  }
0x8c: {  	[spmem:s2] =	stream.indirect.scatter.add.f32 [tilespmem:s12], [sflag:$0x1], $0x80, s3, s11, $0xb8;
	[tilespmem:$0x1C980] =	vst v63  }
0x8d: {  	_ =	swait.ge [sflag:s14], $0x4000  }
0x8e: {  	s20 =	sadd.s32 $0x100, s20;
	s22 =	smov.u32 s24;
	[sflag:s14] =	ssyncset.done $0x0  }
0x8f: {  	s21 =	sadd.s32 s21, s30;
	[sflag:s14] =	ssyncadd.s32 $0xFFFFC000  }
0x90: {  	[tilespmem:s11], [sflag:$0x3] =	stream.linear.gather [hbm4b:s21+s3], $0x80, $0x38;
	[tilespmem:$0x1C980] =	vst v63  }
0x91: {  	_ =	swait.ge [sflag:s4], $0x80  }
0x92: {  	[sflag:s4] =	ssyncset.done $0x0  }
0x93: {  	[sflag:s4] =	ssyncadd.s32 $0xFFFFFF80  }
0x94: {  	[spmem:s2] =	stream.indirect.scatter.add.f32 [tilespmem:s12], [sflag:$0x2], $0x80, s11, s11, $0xb8;
	[tilespmem:$0x1C980] =	vst v63  }
0x95: {  	_ =	swait.ge [sflag:s13], $0x4000  }
0x96: {  	s20 =	sshrl.u32 s20, $0x3;
	[sflag:s13] =	ssyncset.done $0x0  }
0x97: {  	s20 =	sadd.s32 s5, s20;
	[sflag:s13] =	ssyncadd.s32 $0xFFFFC000  }
0x98: {  	[tilespmem:s3], [sflag:$0x3] =	stream.linear.gather [hbm4b:s20+s3], $0x80, $0x38;
	[tilespmem:$0x1C980] =	vst v63  }
0x99: {  	_ =	swait.ge [sflag:s4], $0x80  }
0x9a: {  	[sflag:s4] =	ssyncset.done $0x0  }
0x9b: {  	[sflag:s4] =	ssyncadd.s32 $0xFFFFFF80  }
0x9c: {  	[spmem:s2] =	stream.indirect.scatter.add.f32 [tilespmem:s12], [sflag:$0x1], $0x80, s3, s11, $0xb8;
	[tilespmem:$0x1C980] =	vst v63  }
0x9d: {  	_ =	swait.ge [sflag:s14], $0x4000  }
0x9e: {  	[sflag:s14] =	ssyncset.done $0x0  }
0x9f: {  	s20 =	simm.s32 $0x0;
	s22 =	rddreg [dreg:$0x10];
	[sflag:s14] =	ssyncadd.s32 $0xFFFFC000  }
0xa0: {  	[tilespmem:s11], [sflag:$0x3] =	stream.linear.gather [hbm4b:s22+s20], $0x80, $0x38;
	[tilespmem:$0x1C980] =	vst v63  }
0xa1: {  	_ =	swait.ge [sflag:s4], $0x80  }
0xa2: {  	[sflag:s4] =	ssyncset.done $0x0  }
0xa3: {  	[sflag:s4] =	ssyncadd.s32 $0xFFFFFF80  }
0xa4: {  	[spmem:s2] =	stream.indirect.scatter.add.f32 [tilespmem:s12], [sflag:$0x2], $0x80, s11, s11, $0xb8;
	[tilespmem:$0x1C980] =	vst v63  }
0xa5: {  	_ =	swait.ge [sflag:s13], $0x4000  }
0xa6: {  	[sflag:s13] =	ssyncset.done $0x0  }
0xa7: {  	[sflag:s13] =	ssyncadd.s32 $0xFFFFC000  }
0xa8: {  	_ =	swait.ge [sflag:s14], $0x4000  }
0xa9: {  	[sflag:s14] =	ssyncset.done $0x0  }
0xaa: {  	[sflag:s14] =	ssyncadd.s32 $0xFFFFC000  }
0xab: {  	[tilespmem:s15], [sflag:$0x3] =	stream.linear.gather [hbm4b:s25+s20], $0x10, $0x38;
	[tilespmem:$0x1C980] =	vst v63  }
0xac: {  	_ =	swait.ge [sflag:s4], $0x10  }
0xad: {  	[sflag:s4] =	ssyncset.done $0x0  }
0xae: {  	[sflag:s4] =	ssyncadd.s32 $0xFFFFFFF0  }
0xaf: {  	[spmem:s2] =	stream.indirect.scatter.add.f32 [tilespmem:s17], [sflag:$0x3], $0x80, s15, s16, $0xb8;
	[tilespmem:$0x1C980] =	vst v63  }
0xb0: {  	_ =	swait.ge [sflag:s4], $0x800  }
0xb1: {  	[sflag:s4] =	ssyncset.done $0x0  }
0xb2: {  	[sflag:s4] =	ssyncadd.s32 $0xFFFFF800  }
0xb3: {  	[bflag:$0x0] =	sbarrier.arrive $0xFFFF  }
0xb4: {  	[tilespmem:s0], [sflag:$0x3] =	stream.linear.gather [spmem:s6], $0x4000, $0x38;
	[tilespmem:$0x1C980] =	vst v63  }
0xb5: {  	_ =	swait.ge [sflag:s4], $0x4000  }
0xb6: {  	[sflag:s4] =	ssyncset.done $0x0  }
0xb7: {  	s23 =	rddreg [dreg:$0x4];
	[sflag:s4] =	ssyncadd.s32 $0xFFFFC000  }
0xb8: {  	[hbm4b:s23+s20] =	stream.linear.scatter [tilespmem:s0], [sflag:$0x3], $0x4000, $0x38;
	[tilespmem:$0x1C980] =	vst v63  }
0xb9: {  	_ =	swait.ge [sflag:s4], $0x4000  }
0xba: {  	[sflag:s4] =	ssyncset.done $0x0  }
0xbb: {  	[sflag:s4] =	ssyncadd.s32 $0xFFFFC000  }
0xbc: {  	[tilespmem:s0], [sflag:$0x3] =	stream.linear.gather [spmem:s7], $0x4000, $0x38;
	[tilespmem:$0x1C980] =	vst v63  }
0xbd: {  	_ =	swait.ge [sflag:s4], $0x4000  }
0xbe: {  	[sflag:s4] =	ssyncset.done $0x0  }
0xbf: {  	s24 =	rddreg [dreg:$0x5];
	[sflag:s4] =	ssyncadd.s32 $0xFFFFC000  }
0xc0: {  	[hbm4b:s24+s20] =	stream.linear.scatter [tilespmem:s0], [sflag:$0x3], $0x4000, $0x38;
	[tilespmem:$0x1C980] =	vst v63  }
0xc1: {  	_ =	swait.ge [sflag:s4], $0x4000  }
0xc2: {  	[sflag:s4] =	ssyncset.done $0x0  }
0xc3: {  	[sflag:s4] =	ssyncadd.s32 $0xFFFFC000  }
0xc4: {  	[tilespmem:s0], [sflag:$0x3] =	stream.linear.gather [spmem:s8], $0x4000, $0x38;
	[tilespmem:$0x1C980] =	vst v63  }
0xc5: {  	_ =	swait.ge [sflag:s4], $0x4000  }
0xc6: {  	[sflag:s4] =	ssyncset.done $0x0  }
0xc7: {  	s22 =	rddreg [dreg:$0x6];
	[sflag:s4] =	ssyncadd.s32 $0xFFFFC000  }
0xc8: {  	[hbm4b:s22+s20] =	stream.linear.scatter [tilespmem:s0], [sflag:$0x3], $0x4000, $0x38;
	[tilespmem:$0x1C980] =	vst v63  }
0xc9: {  	_ =	swait.ge [sflag:s4], $0x4000  }
0xca: {  	[sflag:s4] =	ssyncset.done $0x0  }
0xcb: {  	[sflag:s4] =	ssyncadd.s32 $0xFFFFC000  }
0xcc: {  	[tilespmem:s0], [sflag:$0x3] =	stream.linear.gather [spmem:s9], $0x4000, $0x38;
	[tilespmem:$0x1C980] =	vst v63  }
0xcd: {  	_ =	swait.ge [sflag:s4], $0x4000  }
0xce: {  	[sflag:s4] =	ssyncset.done $0x0  }
0xcf: {  	s23 =	rddreg [dreg:$0x7];
	[sflag:s4] =	ssyncadd.s32 $0xFFFFC000  }
0xd0: {  	[hbm4b:s23+s20] =	stream.linear.scatter [tilespmem:s0], [sflag:$0x3], $0x4000, $0x38;
	[tilespmem:$0x1C980] =	vst v63  }
0xd1: {  	_ =	swait.ge [sflag:s4], $0x4000  }
0xd2: {  	[sflag:s4] =	ssyncset.done $0x0  }
0xd3: {  	[sflag:s4] =	ssyncadd.s32 $0xFFFFC000  }
0xd4: {  	[tilespmem:s0], [sflag:$0x3] =	stream.linear.gather [spmem:s10], $0x4000, $0x38;
	[tilespmem:$0x1C980] =	vst v63  }
0xd5: {  	_ =	swait.ge [sflag:s4], $0x4000  }
0xd6: {  	[sflag:s4] =	ssyncset.done $0x0  }
0xd7: {  	s24 =	rddreg [dreg:$0x8];
	[sflag:s4] =	ssyncadd.s32 $0xFFFFC000  }
0xd8: {  	[hbm4b:s24+s20] =	stream.linear.scatter [tilespmem:s0], [sflag:$0x3], $0x4000, $0x38;
	[tilespmem:$0x1C980] =	vst v63  }
0xd9: {  	_ =	swait.ge [sflag:s4], $0x4000  }
0xda: {  	[sflag:s4] =	ssyncset.done $0x0  }
0xdb: {  	[sflag:s4] =	ssyncadd.s32 $0xFFFFC000  }
0xdc: {  	s21 =	simm.s32 $0x200;
	s20 =	simm.s32 $0x0;
	[bflag:$0x0] =	sbarrier.arrive $0xFFFF  }
.LBB2_10:
0xdd: {  	p0 =	sne.s32 s21, $0xFE00;
	[tilespmem:s20+$0x49F0] =	vst v1  }
0xde: {  	[tilespmem:s20+$0x4980] =	vst v1  }
0xdf: {  	[tilespmem:s20+$0x4990] =	vst v1  }
.Ltmp4:
0xe0: {  	[tilespmem:s20+$0x49A0] =	vst v1;
	(pc) =	sbr.rel @p0 .LBB2_10-.Ltmp4, $4  }
0xe1: {  	[tilespmem:s20+$0x49B0] =	vst v1  }
0xe2: {  	[tilespmem:s20+$0x49C0] =	vst v1  }
0xe3: {  	[tilespmem:s20+$0x49D0] =	vst v1  }
0xe4: {  	[tilespmem:s20+$0x49E0] =	vst v1;
	s20 =	sshra.s32 s21, $0x2;
	s21 =	sadd.s32 $0x200, s21  }
0xe5: {  	[tilespmem:s20+$0x49F0] =	vst v1  }
0xe6: {  	[tilespmem:s20+$0x4980] =	vst v1  }
0xe7: {  	[tilespmem:s20+$0x4990] =	vst v1  }
0xe8: {  	[tilespmem:s20+$0x49A0] =	vst v1  }
0xe9: {  	[tilespmem:s20+$0x49B0] =	vst v1  }
0xea: {  	[tilespmem:s20+$0x49C0] =	vst v1  }
0xeb: {  	[tilespmem:s20+$0x49D0] =	vst v1  }
0xec: {  	[tilespmem:s20+$0x49E0] =	vst v1  }
0xed: {  	[spmem:s6] =	stream.linear.scatter [tilespmem:s0], [sflag:$0x3], $0x4000, $0x38;
	[tilespmem:$0x1C980] =	vst v63  }
0xee: {  	_ =	swait.ge [sflag:s4], $0x4000  }
0xef: {  	[sflag:s4] =	ssyncset.done $0x0  }
0xf0: {  	[sflag:s4] =	ssyncadd.s32 $0xFFFFC000  }
0xf1: {  	[spmem:s7] =	stream.linear.scatter [tilespmem:s0], [sflag:$0x3], $0x4000, $0x38;
	[tilespmem:$0x1C980] =	vst v63  }
0xf2: {  	_ =	swait.ge [sflag:s4], $0x4000  }
0xf3: {  	[sflag:s4] =	ssyncset.done $0x0  }
0xf4: {  	[sflag:s4] =	ssyncadd.s32 $0xFFFFC000  }
0xf5: {  	[spmem:s8] =	stream.linear.scatter [tilespmem:s0], [sflag:$0x3], $0x4000, $0x38;
	[tilespmem:$0x1C980] =	vst v63  }
0xf6: {  	_ =	swait.ge [sflag:s4], $0x4000  }
0xf7: {  	[sflag:s4] =	ssyncset.done $0x0  }
0xf8: {  	[sflag:s4] =	ssyncadd.s32 $0xFFFFC000  }
0xf9: {  	[spmem:s9] =	stream.linear.scatter [tilespmem:s0], [sflag:$0x3], $0x4000, $0x38;
	[tilespmem:$0x1C980] =	vst v63  }
0xfa: {  	_ =	swait.ge [sflag:s4], $0x4000  }
0xfb: {  	[sflag:s4] =	ssyncset.done $0x0  }
0xfc: {  	[sflag:s4] =	ssyncadd.s32 $0xFFFFC000  }
0xfd: {  	[spmem:s10] =	stream.linear.scatter [tilespmem:s0], [sflag:$0x3], $0x4000, $0x38;
	[tilespmem:$0x1C980] =	vst v63  }
0xfe: {  	_ =	swait.ge [sflag:s4], $0x4000  }
0xff: {  	[sflag:s4] =	ssyncset.done $0x0  }
0x100: {  	[sflag:s4] =	ssyncadd.s32 $0xFFFFC000  }
0x101: {  	[bflag:$0x0] =	sbarrier.arrive $0xFFFF  }
0x102: {  	s23 =	simm.s32 $0x0;
	s21 =	rddreg [dreg:$0xf]  }
0x103: {  	[tilespmem:s23], [sflag:$0x3] =	stream.linear.gather [hbm4b:s21+s23], $0x80, $0x38;
	[tilespmem:$0x1C980] =	vst v63  }
0x104: {  	_ =	swait.ge [sflag:s4], $0x80  }
0x105: {  	[sflag:s4] =	ssyncset.done $0x0  }
0x106: {  	[sflag:s4] =	ssyncadd.s32 $0xFFFFFF80  }
0x107: {  	[spmem:s2] =	stream.indirect.scatter.add.f32 [tilespmem:s12], [sflag:$0x1], $0x80, s23, s11, $0xb8;
	[tilespmem:$0x1C980] =	vst v63  }
0x108: {  	s24 =	sadd.s32 $0x0, s31  }
0x109: {  	[tilespmem:s11], [sflag:$0x3] =	stream.linear.gather [hbm4b:s24+s3], $0x80, $0x38;
	[tilespmem:$0x1C980] =	vst v63  }
0x10a: {  	_ =	swait.ge [sflag:s4], $0x80  }
0x10b: {  	[sflag:s4] =	ssyncset.done $0x0  }
0x10c: {  	[sflag:s4] =	ssyncadd.s32 $0xFFFFFF80  }
0x10d: {  	[spmem:s2] =	stream.indirect.scatter.add.f32 [tilespmem:s12], [sflag:$0x2], $0x80, s11, s11, $0xb8;
	[tilespmem:$0x1C980] =	vst v63  }
0x10e: {  	_ =	swait.ge [sflag:s13], $0x4000  }
0x10f: {  	[sflag:s13] =	ssyncset.done $0x0  }
0x110: {  	s19 =	sadd.s32 s1, s19;
	[sflag:s13] =	ssyncadd.s32 $0xFFFFC000  }
0x111: {  	[tilespmem:s3], [sflag:$0x3] =	stream.linear.gather [hbm4b:s19+s3], $0x80, $0x38;
	[tilespmem:$0x1C980] =	vst v63  }
0x112: {  	_ =	swait.ge [sflag:s4], $0x80  }
0x113: {  	[sflag:s4] =	ssyncset.done $0x0  }
0x114: {  	[sflag:s4] =	ssyncadd.s32 $0xFFFFFF80  }
0x115: {  	[spmem:s2] =	stream.indirect.scatter.add.f32 [tilespmem:s12], [sflag:$0x1], $0x80, s3, s11, $0xb8;
	[tilespmem:$0x1C980] =	vst v63  }
0x116: {  	s20 =	simm.s32 $0x20;
	_ =	swait.ge [sflag:s14], $0x4000  }
0x117: {  	s21 =	simm.s32 $0x40;
	s19 =	sadd.s32 $0x100, s29;
	[sflag:s14] =	ssyncset.done $0x0  }
.LBB2_12:
0x118: {  	s22 =	sadd.s32 s20, s31  }
0x119: {  	[sflag:s14] =	ssyncadd.s32 $0xFFFFC000;
	s20 =	smov.u32 s21;
	s23 =	sadd.s32 $0x20, s21  }
0x11a: {  	[tilespmem:s11], [sflag:$0x3] =	stream.linear.gather [hbm4b:s22+s3], $0x80, $0x38;
	[tilespmem:$0x1C980] =	vst v63  }
0x11b: {  	p0 =	sne.s32 s21, $0x4A0;
	_ =	swait.ge [sflag:s4], $0x80  }
0x11c: {  	[sflag:s4] =	ssyncset.done $0x0  }
0x11d: {  	[sflag:s4] =	ssyncadd.s32 $0xFFFFFF80  }
0x11e: {  	[spmem:s2] =	stream.indirect.scatter.add.f32 [tilespmem:s12], [sflag:$0x2], $0x80, s11, s11, $0xb8;
	[tilespmem:$0x1C980] =	vst v63  }
0x11f: {  	_ =	swait.ge [sflag:s13], $0x4000  }
0x120: {  	s21 =	sshrl.u32 s19, $0x3;
	[sflag:s13] =	ssyncset.done $0x0  }
0x121: {  	s21 =	sadd.s32 s1, s21;
	[sflag:s13] =	ssyncadd.s32 $0xFFFFC000  }
0x122: {  	[tilespmem:s3], [sflag:$0x3] =	stream.linear.gather [hbm4b:s21+s3], $0x80, $0x38;
	[tilespmem:$0x1C980] =	vst v63  }
0x123: {  	_ =	swait.ge [sflag:s4], $0x80  }
.Ltmp5:
0x124: {  	[sflag:s4] =	ssyncset.done $0x0;
	(pc) =	sbr.rel @p0 .LBB2_12-.Ltmp5, $4  }
0x125: {  	[sflag:s4] =	ssyncadd.s32 $0xFFFFFF80  }
0x126: {  	[spmem:s2] =	stream.indirect.scatter.add.f32 [tilespmem:s12], [sflag:$0x1], $0x80, s3, s11, $0xb8;
	[tilespmem:$0x1C980] =	vst v63  }
0x127: {  	_ =	swait.ge [sflag:s14], $0x4000  }
0x128: {  	s19 =	sadd.s32 $0x100, s19;
	s21 =	smov.u32 s23;
	[sflag:s14] =	ssyncset.done $0x0  }
0x129: {  	s20 =	sadd.s32 s20, s31;
	[sflag:s14] =	ssyncadd.s32 $0xFFFFC000  }
0x12a: {  	[tilespmem:s11], [sflag:$0x3] =	stream.linear.gather [hbm4b:s20+s3], $0x80, $0x38;
	[tilespmem:$0x1C980] =	vst v63  }
0x12b: {  	_ =	swait.ge [sflag:s4], $0x80  }
0x12c: {  	[sflag:s4] =	ssyncset.done $0x0  }
0x12d: {  	[sflag:s4] =	ssyncadd.s32 $0xFFFFFF80  }
0x12e: {  	[spmem:s2] =	stream.indirect.scatter.add.f32 [tilespmem:s12], [sflag:$0x2], $0x80, s11, s11, $0xb8;
	[tilespmem:$0x1C980] =	vst v63  }
0x12f: {  	_ =	swait.ge [sflag:s13], $0x4000  }
0x130: {  	s19 =	sshrl.u32 s19, $0x3;
	[sflag:s13] =	ssyncset.done $0x0  }
0x131: {  	s19 =	sadd.s32 s1, s19;
	[sflag:s13] =	ssyncadd.s32 $0xFFFFC000  }
0x132: {  	[tilespmem:s3], [sflag:$0x3] =	stream.linear.gather [hbm4b:s19+s3], $0x80, $0x38;
	[tilespmem:$0x1C980] =	vst v63  }
0x133: {  	_ =	swait.ge [sflag:s4], $0x80  }
0x134: {  	[sflag:s4] =	ssyncset.done $0x0  }
0x135: {  	[sflag:s4] =	ssyncadd.s32 $0xFFFFFF80  }
0x136: {  	[spmem:s2] =	stream.indirect.scatter.add.f32 [tilespmem:s12], [sflag:$0x1], $0x80, s3, s11, $0xb8;
	[tilespmem:$0x1C980] =	vst v63  }
0x137: {  	_ =	swait.ge [sflag:s14], $0x4000  }
0x138: {  	[sflag:s14] =	ssyncset.done $0x0  }
0x139: {  	s24 =	rddreg [dreg:$0x11];
	[sflag:s14] =	ssyncadd.s32 $0xFFFFC000  }
0x13a: {  	[tilespmem:s11], [sflag:$0x3] =	stream.linear.gather [hbm4b:s24+s3], $0x80, $0x38;
	[tilespmem:$0x1C980] =	vst v63  }
0x13b: {  	_ =	swait.ge [sflag:s4], $0x80  }
0x13c: {  	[sflag:s4] =	ssyncset.done $0x0  }
0x13d: {  	[sflag:s4] =	ssyncadd.s32 $0xFFFFFF80  }
0x13e: {  	[spmem:s2] =	stream.indirect.scatter.add.f32 [tilespmem:s12], [sflag:$0x2], $0x80, s11, s11, $0xb8;
	[tilespmem:$0x1C980] =	vst v63  }
0x13f: {  	_ =	swait.ge [sflag:s13], $0x4000  }
0x140: {  	[sflag:s13] =	ssyncset.done $0x0  }
0x141: {  	[sflag:s13] =	ssyncadd.s32 $0xFFFFC000  }
0x142: {  	_ =	swait.ge [sflag:s14], $0x4000  }
0x143: {  	[sflag:s14] =	ssyncset.done $0x0  }
0x144: {  	[sflag:s14] =	ssyncadd.s32 $0xFFFFC000  }
0x145: {  	[tilespmem:s15], [sflag:$0x3] =	stream.linear.gather [hbm4b:s26+s3], $0x10, $0x38;
	[tilespmem:$0x1C980] =	vst v63  }
0x146: {  	_ =	swait.ge [sflag:s4], $0x10  }
0x147: {  	[sflag:s4] =	ssyncset.done $0x0  }
0x148: {  	[sflag:s4] =	ssyncadd.s32 $0xFFFFFFF0  }
0x149: {  	[spmem:s2] =	stream.indirect.scatter.add.f32 [tilespmem:s17], [sflag:$0x3], $0x80, s15, s16, $0xb8;
	[tilespmem:$0x1C980] =	vst v63  }
0x14a: {  	_ =	swait.ge [sflag:s4], $0x800  }
0x14b: {  	[sflag:s4] =	ssyncset.done $0x0  }
0x14c: {  	[sflag:s4] =	ssyncadd.s32 $0xFFFFF800  }
0x14d: {  	[bflag:$0x0] =	sbarrier.arrive $0xFFFF  }
0x14e: {  	[tilespmem:s0], [sflag:$0x3] =	stream.linear.gather [spmem:s6], $0x4000, $0x38;
	[tilespmem:$0x1C980] =	vst v63  }
0x14f: {  	_ =	swait.ge [sflag:s4], $0x4000  }
0x150: {  	[sflag:s4] =	ssyncset.done $0x0  }
0x151: {  	s20 =	rddreg [dreg:$0x9];
	[sflag:s4] =	ssyncadd.s32 $0xFFFFC000  }
0x152: {  	[hbm4b:s20+s3] =	stream.linear.scatter [tilespmem:s0], [sflag:$0x3], $0x4000, $0x38;
	[tilespmem:$0x1C980] =	vst v63  }
0x153: {  	_ =	swait.ge [sflag:s4], $0x4000  }
0x154: {  	[sflag:s4] =	ssyncset.done $0x0  }
0x155: {  	[sflag:s4] =	ssyncadd.s32 $0xFFFFC000  }
0x156: {  	[tilespmem:s0], [sflag:$0x3] =	stream.linear.gather [spmem:s7], $0x4000, $0x38;
	[tilespmem:$0x1C980] =	vst v63  }
0x157: {  	_ =	swait.ge [sflag:s4], $0x4000  }
0x158: {  	[sflag:s4] =	ssyncset.done $0x0  }
0x159: {  	s21 =	rddreg [dreg:$0xa];
	[sflag:s4] =	ssyncadd.s32 $0xFFFFC000  }
0x15a: {  	[hbm4b:s21+s3] =	stream.linear.scatter [tilespmem:s0], [sflag:$0x3], $0x4000, $0x38;
	[tilespmem:$0x1C980] =	vst v63  }
0x15b: {  	_ =	swait.ge [sflag:s4], $0x4000  }
0x15c: {  	[sflag:s4] =	ssyncset.done $0x0  }
0x15d: {  	[sflag:s4] =	ssyncadd.s32 $0xFFFFC000  }
0x15e: {  	[tilespmem:s0], [sflag:$0x3] =	stream.linear.gather [spmem:s8], $0x4000, $0x38;
	[tilespmem:$0x1C980] =	vst v63  }
0x15f: {  	_ =	swait.ge [sflag:s4], $0x4000  }
0x160: {  	[sflag:s4] =	ssyncset.done $0x0  }
0x161: {  	s22 =	rddreg [dreg:$0xb];
	[sflag:s4] =	ssyncadd.s32 $0xFFFFC000  }
0x162: {  	[hbm4b:s22+s3] =	stream.linear.scatter [tilespmem:s0], [sflag:$0x3], $0x4000, $0x38;
	[tilespmem:$0x1C980] =	vst v63  }
0x163: {  	_ =	swait.ge [sflag:s4], $0x4000  }
0x164: {  	[sflag:s4] =	ssyncset.done $0x0  }
0x165: {  	[sflag:s4] =	ssyncadd.s32 $0xFFFFC000  }
0x166: {  	[tilespmem:s0], [sflag:$0x3] =	stream.linear.gather [spmem:s9], $0x4000, $0x38;
	[tilespmem:$0x1C980] =	vst v63  }
0x167: {  	_ =	swait.ge [sflag:s4], $0x4000  }
0x168: {  	[sflag:s4] =	ssyncset.done $0x0  }
0x169: {  	s23 =	rddreg [dreg:$0xc];
	[sflag:s4] =	ssyncadd.s32 $0xFFFFC000  }
0x16a: {  	[hbm4b:s23+s3] =	stream.linear.scatter [tilespmem:s0], [sflag:$0x3], $0x4000, $0x38;
	[tilespmem:$0x1C980] =	vst v63  }
0x16b: {  	_ =	swait.ge [sflag:s4], $0x4000  }
0x16c: {  	[sflag:s4] =	ssyncset.done $0x0  }
0x16d: {  	[sflag:s4] =	ssyncadd.s32 $0xFFFFC000  }
0x16e: {  	[tilespmem:s0], [sflag:$0x3] =	stream.linear.gather [spmem:s10], $0x4000, $0x38;
	[tilespmem:$0x1C980] =	vst v63  }
0x16f: {  	_ =	swait.ge [sflag:s4], $0x4000  }
0x170: {  	s18 =	sadd.s32 $0x1, s18;
	[sflag:s4] =	ssyncset.done $0x0  }
0x171: {  	p0 =	sne.s32 s18, s28;
	s24 =	rddreg [dreg:$0xd];
	[sflag:s4] =	ssyncadd.s32 $0xFFFFC000  }
0x172: {  	[hbm4b:s24+s3] =	stream.linear.scatter [tilespmem:s0], [sflag:$0x3], $0x4000, $0x38;
	[tilespmem:$0x1C980] =	vst v63  }
.Ltmp6:
0x173: {  	_ =	swait.ge [sflag:s4], $0x4000;
	(pc) =	sbr.rel @p0 .LBB2_1-.Ltmp6, $3  }
0x174: {  	[sflag:s4] =	ssyncset.done $0x0  }
0x175: {  	[sflag:s4] =	ssyncadd.s32 $0xFFFFC000  }
0x176: {  	[bflag:$0x0] =	sbarrier.arrive $0xFFFF;
	_ =	sdelay $0x1  }
0x177: {  	_ =	sfence.sel $0x180000  }
0x178: {  	[bflag:$0x0] =	sbarrier.arrive $0xFFFF  }
0x179: {  	_ =	strace $0x90000047  }
0x17a: {  	s0 =	stileid.u32;
	[bflag:$0x2] =	sbarrier.arrive $0xFFFF  }
0x17b: {  	p0 =	sne.s32 s0, $0x0;
	s0 =	rddreg [dreg:$0x3]  }
0x17c: {  	s0 =	sadd.s32 @!p0 $0x100000, s0  }
0x17d: {  	[sflag:s0] =	ssyncadd.tile.s32 @!p0 $0x1;
	_ =	shalt  }
.Lfunc_end2:
_tile_overlayer_lowered:
.L_overlay_start_2:
0x17e: {  	(tag) =	ssettag $0x2  }
0x17f: {  	s0 =	rddreg [dreg:$0x0];
	s2 =	stileid.u32  }
0x180: {  	s1 =	rddreg [dreg:$0x1];
	p0 =	sne.s32 s2, $0x0  }
0x181: {  	s3 =	rddreg [dreg:$0x2];
	[bflag:$0x3] =	sbarrier.arrive $0xFFFF;
	s2 =	simm.s32 @!p0 $0x1C03  }
0x182: {  	[timem:s3], [sflag:s2] =	dma.local @!p0 [hbm:s0], s1  }
0x183: {  	s0 =	simm.s32 @!p0 $0x3  }
0x184: {  	_ =	swait.ge @!p0 [sflag:s0], s1  }
0x185: {  	s1 =	ssub.s32 @!p0 $0x0, s1;
	[sflag:s0] =	ssyncset.done @!p0 $0x0  }
0x186: {  	[sflag:s0] =	ssyncadd.s32 @!p0 s1  }
0x187: {  	[bflag:$0x3] =	sbarrier.arrive $0xFFFF  }
0x188: {  	_ =	shalt  }

// kernel: kernel.13.cloned.1.call-start
scs
__scs_entry_jumppad:
0x0: {  	(pc) =	sbr.rel $0x88, $3  }
0x1: {  	(tag) =	ssettag $0x0;
	lr =	simm.s32 $0x1  }
0x2: {  	[smem:$0x3F99] =	sst lr;
	_ =	strace $0xD0000000  }
0x3: {  	_ = 	snop  }
0x4: {  	_ = 	snop  }
0x5: {  	_ = 	snop  }
0x6: {  	_ = 	snop  }
0x7: {  	_ = 	snop  }
__scs_overlays_trampoline_lowered:
0x8: {  	[smem:$0x3FA8] =	sst s0  }
0x9: {  	[smem:$0x3FA9] =	sst s1  }
0xa: {  	[smem:$0x3FAA] =	sst s2  }
0xb: {  	[smem:$0x3FAB] =	sst s3  }
0xc: {  	[smem:$0x3FAC] =	sst s4  }
0xd: {  	[smem:$0x3FAD] =	sst s5  }
0xe: {  	[smem:$0x3FAE] =	sst s6  }
0xf: {  	[smem:$0x3FAF] =	sst s7  }
0x10: {  	[smem:$0x3FB0] =	sst s8  }
0x11: {  	[smem:$0x3FB1] =	sst s9;
	s0 =	simm.s32 @!p0 $0x0  }
0x12: {  	s1 =	sld [smem:$0x3F97];
	s0 =	simm.s32 @p0 $0x1  }
0x13: {  	[smem:$0x3FB2] =	sst s0;
	s0 =	simm.s32 @!p1 $0x0  }
0x14: {  	s2 =	sld [smem:$0x3F96];
	s0 =	simm.s32 @p1 $0x1  }
0x15: {  	[smem:$0x3FB3] =	sst s0;
	s0 =	simm.s32 @!p2 $0x0  }
0x16: {  	s3 =	sld [smem:$0x3FDB];
	s0 =	simm.s32 @p2 $0x1  }
0x17: {  	s4 =	simm.s32 $0x1BF5;
	[smem:$0x3FB5] =	sst s0  }
0x18: {  	s0 =	sld [smem:$0x3F98];
	_ =	swait.ge [sflag:s4], $0x0  }
0x19: {  	s7 =	sld [smem:$0x3F99]  }
0x1a: {  	s8 =	sadd.s32 $0xFFFFE003, lr  }
0x1b: {  	s9 =	sadd.s32 $0xFFFFFEF7, lr;
	s5 =	simm.s32 $0xFFFFFFFF;
	p2 =	slt.u32 s8, $0xFFFFF086  }
0x1c: {  	p1 =	slt.u32 s9, $0xF7A;
	s5 =	simm.s32 @!p2 $0x0  }
0x1d: {  	s5 =	simm.s32 @p1 $0x1;
	p0 =	seq.s32 s7, s2  }
0x1e: {  	s7 =	smul.u32 @!p0 $0xF7A, s2;
	p2 =	seq.s32 @!p0 s5, $0x0  }
0x1f: {  	s9 =	smul.u32 $0xF7A, s1;
	s8 =	simm.s32 @!p0 $0x1BF5;
	p2 =	por !p2, p0  }
0x20: {  	[sflag:s8] =	ssyncset.s32 @!p0 $0xFFFFF086;
	s6 =	sadd.s32 @!p0 s3, s7;
	s7 =	simm.s32 @!p0 $0x108  }
0x21: {  	s3 =	sadd.s32 s3, s9;
	s6 =	sadd.s32 @!p0 $0x88, s6;
	s7 =	simm.s32 @p2 $0x1082  }
0x22: {  	[simem:s7], [sflag:s8] =	dma.local @!p0 [hbm:s6], $0xF7A  }
0x23: {  	s9 =	sor.u32 $0xD0000000, s2;
	s6 =	simm.s32 $0x108;
	_ =	swait.ge @!p0 [sflag:s8], $0x0  }
0x24: {  	s3 =	sadd.s32 $0x88, s3;
	s6 =	simm.s32 @!p1 $0x1082;
	[sflag:s4] =	ssyncset.s32 $0xFFFFF086  }
0x25: {  	[simem:s6], [sflag:s4] =	dma.local [hbm:s3], $0xF7A  }
0x26: {  	[smem:$0x3F99] =	sst s1;
	(tag) =	ssettag s2;
	_ =	strace s9  }
0x27: {  	s1 =	sld [smem:$0x3FA9]  }
0x28: {  	s2 =	sld [smem:$0x3FAA]  }
0x29: {  	s4 =	sld [smem:$0x3FAC]  }
0x2a: {  	p0 =	seq.s32 s5, $0x0;
	s5 =	sld [smem:$0x3FAD]  }
0x2b: {  	s6 =	sld [smem:$0x3FAE]  }
0x2c: {  	s7 =	sld [smem:$0x3FAF]  }
0x2d: {  	s3 =	simm.s32 $0x108;
	s8 =	sld [smem:$0x3FB0]  }
0x2e: {  	s3 =	simm.s32 @!p0 $0x1082;
	s9 =	sld [smem:$0x3FB1]  }
0x2f: {  	lr =	sadd.s32 s0, s3;
	s0 =	sld [smem:$0x3FA8]  }
0x30: {  	s3 =	sld [smem:$0x3FAB]  }
0x31: {  	[smem:$0x3FB4] =	sst s10  }
0x32: {  	s10 =	sld [smem:$0x3FB2];
	_ =	sdelay $0x3  }
0x33: {  	p0 =	seq.s32 s10, $0x1;
	s10 =	sld [smem:$0x3FB4];
	_ =	sdelay $0x3  }
0x34: {  	[smem:$0x3FB4] =	sst s10  }
0x35: {  	s10 =	sld [smem:$0x3FB3];
	_ =	sdelay $0x3  }
0x36: {  	p1 =	seq.s32 s10, $0x1;
	s10 =	sld [smem:$0x3FB4];
	_ =	sdelay $0x3  }
0x37: {  	[smem:$0x3FB4] =	sst s10  }
0x38: {  	s10 =	sld [smem:$0x3FB5]  }
0x39: {  	_ = 	snop;
	(pc) =	sbr.ind lr, $3  }
0x3a: {  	_ = 	snop  }
0x3b: {  	_ = 	snop  }
0x3c: {  	p2 =	seq.s32 s10, $0x1;
	s10 =	sld [smem:$0x3FB4]  }
0x3d: {  	_ =	shalt  }
0x3e: {  	_ =	shalt  }
0x3f: {  	_ =	shalt  }
0x40: {  	_ =	shalt  }
0x41: {  	_ =	shalt  }
0x42: {  	_ =	shalt  }
0x43: {  	_ =	shalt  }
0x44: {  	_ =	shalt  }
0x45: {  	_ =	shalt  }
0x46: {  	_ =	shalt  }
0x47: {  	_ =	shalt  }
0x48: {  	_ =	shalt  }
0x49: {  	_ =	shalt  }
0x4a: {  	_ =	shalt  }
0x4b: {  	_ =	shalt  }
0x4c: {  	_ =	shalt  }
0x4d: {  	_ =	shalt  }
0x4e: {  	_ =	shalt  }
0x4f: {  	_ =	shalt  }
0x50: {  	_ =	shalt  }
0x51: {  	_ =	shalt  }
0x52: {  	_ =	shalt  }
0x53: {  	_ =	shalt  }
0x54: {  	_ =	shalt  }
0x55: {  	_ =	shalt  }
0x56: {  	_ =	shalt  }
0x57: {  	_ =	shalt  }
0x58: {  	_ =	shalt  }
0x59: {  	_ =	shalt  }
0x5a: {  	_ =	shalt  }
0x5b: {  	_ =	shalt  }
0x5c: {  	_ =	shalt  }
0x5d: {  	_ =	shalt  }
0x5e: {  	_ =	shalt  }
0x5f: {  	_ =	shalt  }
0x60: {  	_ =	shalt  }
0x61: {  	_ =	shalt  }
0x62: {  	_ =	shalt  }
0x63: {  	_ =	shalt  }
0x64: {  	_ =	shalt  }
0x65: {  	_ =	shalt  }
0x66: {  	_ =	shalt  }
0x67: {  	_ =	shalt  }
0x68: {  	_ =	shalt  }
0x69: {  	_ =	shalt  }
0x6a: {  	_ =	shalt  }
0x6b: {  	_ =	shalt  }
0x6c: {  	_ =	shalt  }
0x6d: {  	_ =	shalt  }
0x6e: {  	_ =	shalt  }
0x6f: {  	_ =	shalt  }
0x70: {  	_ =	shalt  }
0x71: {  	_ =	shalt  }
0x72: {  	_ =	shalt  }
0x73: {  	_ =	shalt  }
0x74: {  	_ =	shalt  }
0x75: {  	_ =	shalt  }
0x76: {  	_ =	shalt  }
0x77: {  	_ =	shalt  }
0x78: {  	_ =	shalt  }
0x79: {  	_ =	shalt  }
0x7a: {  	_ =	shalt  }
0x7b: {  	_ =	shalt  }
0x7c: {  	_ =	shalt  }
0x7d: {  	_ =	shalt  }
0x7e: {  	_ =	shalt  }
0x7f: {  	_ =	shalt  }
0x80: {  	_ =	shalt  }
0x81: {  	_ =	shalt  }
0x82: {  	_ =	shalt  }
0x83: {  	_ =	shalt  }
0x84: {  	_ =	shalt  }
0x85: {  	_ =	shalt  }
0x86: {  	_ =	shalt  }
0x87: {  	_ =	shalt  }
.Lfunc_end0:
.L_simem_size_0:
called_computation.1_lowered:
.L_overlay_start_0:
0x88: {  	s2 =	sld [smem:$0x3FD9]  }
0x89: {  	s3 =	sld [smem:$0x3FFE];
	_ =	sdelay $0x1  }
0x8a: {  	s1 =	srdreg.scid  }
0x8b: {  	s0 =	sand.u32 $0x1, s1  }
0x8c: {  	s14 =	sshll.u32 s0, $0xA;
	s2 =	sadd.s32 s3, s2  }
0x8d: {  	s2 =	sadd.s32 s2, s14  }
0x8e: {  	[smem:$0x3FC0] =	sst s2  }
0x8f: {  	_ = 	snop  }
0x90: {  	s2 =	sld [smem:$0x3FD0];
	_ =	sdelay $0x2  }
0x91: {  	s15 =	simm.s32 $0xA;
	s4 =	simm.s32 $0x10  }
0x92: {  	[smem:s4], [sflag:s15] =	dma.local [hbm:s2], $0x1  }
0x93: {  	_ =	swait.eq [sflag:s15], $0x1  }
0x94: {  	[sflag:s15] =	ssyncset.done $0x0  }
0x95: {  	s16 =	sld [smem:$0x10];
	[sflag:s15] =	ssyncadd.s32 $0xFFFFFFFF  }
0x96: {  	s17 =	sld [smem:$0x11];
	(tm) =	ssettm $0x1  }
0x97: {  	s18 =	sld [smem:$0x3FFB];
	_ =	sdelay $0x3  }
0x98: {  	_ =	strace s18  }
0x99: {  	s4 =	sld [smem:$0x3FFC];
	_ =	sdelay $0x3  }
0x9a: {  	_ =	strace s4  }
0x9b: {  	s4 =	sld [smem:$0x3FFD];
	_ =	sdelay $0x3  }
0x9c: {  	_ =	strace s4  }
0x9d: {  	_ =	strace $0x8FFFFFFF  }
0x9e: {  	s19 =	sld [smem:$0x3FDB];
	_ =	sdelay $0x1  }
0x9f: {  	s5 =	simm.s32 $_scs_section_size  }
0xa0: {  	s6 =	simm.s32 $_size__tile_overlayer_lowered;
	s7 =	simm.s32 $_tile_overlayer_lowered  }
0xa1: {  	s22 =	simm.s32 $0x1BFF;
	s21 =	sshll.u32 s7, $0x1;
	s4 =	sadd.s32 s5, s19  }
0xa2: {  	s8 =	simm.s32 $0x0;
	s20 =	sshll.u32 s6, $0x1;
	s6 =	sadd.s32 s21, s4  }
0xa3: {  	[timem:s8], [sflag:s22] =	dma.local [hbm:s6], s20  }
0xa4: {  	_ =	swait.ge [sflag:s22], s20  }
0xa5: {  	s5 =	ssub.s32 $0x0, s20;
	[sflag:s22] =	ssyncset.done $0x0  }
0xa6: {  	[sflag:s22] =	ssyncadd.s32 s5;
	_ =	sdelay $0x1  }
0xa7: {  	s23 =	simm.s32 $0x1B8B  }
0xa8: {  	_ =	swait.ge [sflag:s23], $0x1  }
0xa9: {  	[sflag:s23] =	ssyncset.done $0x0  }
0xaa: {  	s25 =	simm.s32 $0x1B8E;
	s24 =	sld [smem:$0x3FFE];
	[sflag:s23] =	ssyncadd.s32 $0xFFFFFFFF  }
0xab: {  	s26 =	simm.s32 $execute0_lowered;
	[smem:$0x3FD2] =	sst s25  }
0xac: {  	s6 =	sshll.u32 s26, $0x1;
	_ =	strace $0x80000049;
	[dreg:$0x1] =	wrdreg $0xFFFFFFFF  }
0xad: {  	s28 =	simm.s32 $_size_execute0_lowered;
	s4 =	sadd.s32 s4, s6;
	[dreg:$0x0] =	wrdreg $0x0  }
0xae: {  	s6 =	sshll.u32 s28, $0x1;
	[dreg:$0x2] =	wrdreg s4  }
0xaf: {  	[dreg:$0x3] =	wrdreg s6  }
0xb0: {  	[dreg:$0x4] =	wrdreg $0xC0  }
0xb1: {  	_ =	task [dreg:s8], $0x5FFFF  }
0xb2: {  	[dreg:$0x1] =	wrdreg $0xFFFFFFFF  }
0xb3: {  	[dreg:$0x0] =	wrdreg $0x60  }
0xb4: {  	[dreg:$0x2] =	wrdreg s16  }
0xb5: {  	[dreg:$0x3] =	wrdreg s24  }
0xb6: {  	[dreg:$0x4] =	wrdreg s17  }
0xb7: {  	[dreg:$0x5] =	wrdreg $0x8B000  }
0xb8: {  	[dreg:$0x6] =	wrdreg $0x9  }
0xb9: {  	_ =	task.clear_ibuf [dreg:s8], $0x7FFFF;
	_ =	strace $0x90000049  }
0xba: {  	s29 =	simm.s32 $0x9;
	_ =	strace $0x8000004B  }
0xbb: {  	_ =	swait.ge [sflag:s29], $0x1  }
0xbc: {  	[sflag:s29] =	ssyncadd.s32 $0xFFFFFFFF  }
0xbd: {  	_ =	strace $0x9000004B  }
0xbe: {  	_ =	sfence  }
0xbf: {  	s30 =	sld [smem:$0x0];
	_ =	sdelay $0x2  }
0xc0: {  	s31 =	sshll.u32 s1, $0xD;
	s1 =	sshrl.u32 s1, $0x2  }
0xc1: {  	s3 =	sand.u32 $0x4000, s31;
	s1 =	sadd.s32 s1, s30  }
0xc2: {  	s0 =	sor.u32 s3, s0;
	s1 =	sshll.u32 s1, $0x11  }
0xc3: {  	s0 =	sor.u32 s1, s0  }
0xc4: {  	s0 =	sadd.s32 $0x8F2B, s0  }
0xc5: {  	[sflag:s0] =	ssyncadd.remote.s32 $0x1  }
0xc6: {  	_ =	sfence.sel $0xFFFF  }
0xc7: {  	[dreg:$0x0] =	wrdreg $0xFFFFFFFF;
	(pc) =	sbr.abs _section_cstart, $3  }
0xc8: {  	[dreg:$0x1] =	wrdreg $0xFFFFFFFF  }
0xc9: {  	_ =	task.clear_ibuf [dreg:s8], $0x2FFFF;
	_ =	strace $0x9FFFFFFF  }
0xca: {  	(tm) =	ssettm $0x7FFFFFFF  }
0xcb: {  	_ =	shalt  }
tec
execute0_lowered:
.L_overlay_start_1:
0x0: {  	(tag) =	ssettag $0x1  }
0x1: {  	s1 =	rddreg [dreg:$0x0]  }
0x2: {  	s4 =	rddreg [dreg:$0x1]  }
0x3: {  	s0 =	rddreg [dreg:$0x2]  }
0x4: {  	s2 =	rddreg [dreg:$0x3]  }
0x5: {  	s3 =	simm.s32 $0x0;
	s6 =	srdreg.scid;
	s22 =	stileid.u32  }
0x6: {  	s28 =	simm.s32 $0x300;
	s29 =	simm.s32 $0x3;
	s30 =	simm.s32 $0x80  }
0x7: {  	s31 =	simm.s32 $0x4300;
	[smem:$0x7FF] =	sst s3;
	s5 =	sadd.s32 $0x3200, s4  }
0x8: {  	s11 =	sand.u32 $0x1, s6;
	s7 =	sshll.u32 s22, $0x1;
	s8 =	smul.u32 $0x50000, s22  }
0x9: {  	s12 =	smul.u32 $0x14000, s22;
	s4 =	sadd.s32 $0xAD000, s4;
	s6 =	ssub.s32 $0x2, s11  }
0xa: {  	_ =	strace $0x8000004A;
	s7 =	sor.u32 s11, s7;
	s9 =	sshrl.u32 s6, $0x1  }
0xb: {  	s21 =	smul.u32 $0x2710, s7;
	s23 =	sshrl.u32 s8, $0x2;
	s14 =	sadd.s32 $0x4000, s12  }
0xc: {  	s15 =	sadd.s32 $0x8000, s12;
	s16 =	sadd.s32 $0xC000, s12;
	s17 =	sadd.s32 $0x10000, s12  }
0xd: {  	s13 =	ssub.s32 s6, s9;
	s6 =	sadd.s32 s23, s2;
	s7 =	sadd.s32 s14, s2  }
0xe: {  	s8 =	sadd.s32 s15, s2;
	s18 =	sshrl.u32 s21, $0x3;
	s21 =	smul.u32 $0x140000, s11  }
0xf: {  	s9 =	sadd.s32 s16, s2;
	s10 =	sadd.s32 s17, s2;
	s11 =	smul.u32 $0x2710, s11  }
0x10: {  	s19 =	sadd.s32 s5, s18;
	s24 =	sadd.s32 $0x4D0, s18;
	s20 =	sadd.s32 s0, s18  }
0x11: {  	s18 =	sadd.s32 $0x4E0, s18;
	[dreg:$0x5] =	wrdreg s19;
	s23 =	sadd.s32 s5, s24  }
0x12: {  	s20 =	sadd.s32 $0x4C0, s20;
	s19 =	sadd.s32 s0, s24;
	[dreg:$0x6] =	wrdreg s23  }
0x13: {  	s12 =	sadd.s32 s12, s21;
	s14 =	sadd.s32 s21, s14;
	[dreg:$0x7] =	wrdreg s20  }
0x14: {  	s15 =	sadd.s32 s21, s15;
	[dreg:$0x8] =	wrdreg s19;
	s12 =	sshrl.u32 s12, $0x3  }
0x15: {  	s26 =	sshrl.u32 s15, $0x3;
	s15 =	sadd.s32 s21, s16;
	s20 =	sadd.s32 s5, s18  }
0x16: {  	s16 =	sadd.s32 s21, s17;
	s21 =	sadd.s32 s0, s18;
	[dreg:$0xe] =	wrdreg s20  }
0x17: {  	s14 =	sshrl.u32 s14, $0x3;
	s23 =	smax.u32 s13, $0x1;
	[dreg:$0xf] =	wrdreg s21  }
0x18: {  	s17 =	smul.u32 $0x4E20, s22;
	s12 =	sadd.s32 s4, s12;
	[dreg:$0x10] =	wrdreg s23  }
0x19: {  	s25 =	sadd.s32 s4, s14;
	s14 =	sshrl.u32 s15, $0x3;
	[dreg:$0x9] =	wrdreg s12  }
0x1a: {  	s15 =	sshrl.u32 s16, $0x3;
	s16 =	simm.s32 $0x8300;
	[dreg:$0xa] =	wrdreg s25  }
0x1b: {  	s12 =	sadd.s32 s4, s26;
	s19 =	sadd.s32 s4, s14;
	s4 =	sadd.s32 s4, s15  }
0x1c: {  	s22 =	sadd.s32 s11, s17;
	s11 =	simm.s32 $0x180;
	[dreg:$0xb] =	wrdreg s12  }
0x1d: {  	s14 =	simm.s32 $0x280;
	s15 =	simm.s32 $0x10;
	[dreg:$0xc] =	wrdreg s19  }
0x1e: {  	s17 =	simm.s32 $0x0;
	[dreg:$0xd] =	wrdreg s4;
	s24 =	sshrl.u32 s22, $0x3  }
0x1f: {  	s25 =	sadd.s32 $0x80, s22;
	s4 =	simm.s32 $0x1;
	s12 =	simm.s32 $0x2  }
0x20: {  	s23 =	sadd.s32 s24, s0;
	s24 =	sadd.s32 $0x100, s22;
	s26 =	sshrl.u32 s25, $0x3  }
0x21: {  	v0 =	vimm.f32 $0.0e+00;
	s25 =	sadd.s32 s26, s0;
	s26 =	sadd.s32 s26, s5;
	s0 =	simm.s32 $0x100  }
.LBB2_1:
0x22: {  	s18 =	simm.s32 $0x0;
	s19 =	simm.s32 $0x200  }
.LBB2_2:
0x23: {  	p0 =	sne.s32 s19, $0xFE00;
	[tilespmem:s18+$0x370] =	vst v0  }
0x24: {  	[tilespmem:s18+$0x300] =	vst v0  }
0x25: {  	[tilespmem:s18+$0x310] =	vst v0  }
.Ltmp0:
0x26: {  	[tilespmem:s18+$0x320] =	vst v0;
	(pc) =	sbr.rel @p0 .LBB2_2-.Ltmp0, $4  }
0x27: {  	[tilespmem:s18+$0x330] =	vst v0  }
0x28: {  	[tilespmem:s18+$0x340] =	vst v0  }
0x29: {  	[tilespmem:s18+$0x350] =	vst v0  }
0x2a: {  	[tilespmem:s18+$0x360] =	vst v0;
	s18 =	sshra.s32 s19, $0x2;
	s19 =	sadd.s32 $0x200, s19  }
0x2b: {  	[tilespmem:s18+$0x370] =	vst v0  }
0x2c: {  	[tilespmem:s18+$0x300] =	vst v0  }
0x2d: {  	[tilespmem:s18+$0x310] =	vst v0  }
0x2e: {  	[tilespmem:s18+$0x320] =	vst v0  }
0x2f: {  	[tilespmem:s18+$0x330] =	vst v0  }
0x30: {  	[tilespmem:s18+$0x340] =	vst v0  }
0x31: {  	[tilespmem:s18+$0x350] =	vst v0  }
0x32: {  	[tilespmem:s18+$0x360] =	vst v0  }
0x33: {  	[spmem:s6] =	stream.linear.scatter [tilespmem:s28], [sflag:$0x3], $0x4000, $0x38;
	[tilespmem:$0x1CB00] =	vst v63  }
0x34: {  	_ =	swait.ge [sflag:s29], $0x4000  }
0x35: {  	[sflag:s29] =	ssyncset.done $0x0  }
0x36: {  	[sflag:s29] =	ssyncadd.s32 $0xFFFFC000  }
0x37: {  	[spmem:s7] =	stream.linear.scatter [tilespmem:s28], [sflag:$0x3], $0x4000, $0x38;
	[tilespmem:$0x1CB00] =	vst v63  }
0x38: {  	_ =	swait.ge [sflag:s29], $0x4000  }
0x39: {  	[sflag:s29] =	ssyncset.done $0x0  }
0x3a: {  	[sflag:s29] =	ssyncadd.s32 $0xFFFFC000  }
0x3b: {  	[spmem:s8] =	stream.linear.scatter [tilespmem:s28], [sflag:$0x3], $0x4000, $0x38;
	[tilespmem:$0x1CB00] =	vst v63  }
0x3c: {  	_ =	swait.ge [sflag:s29], $0x4000  }
0x3d: {  	[sflag:s29] =	ssyncset.done $0x0  }
0x3e: {  	[sflag:s29] =	ssyncadd.s32 $0xFFFFC000  }
0x3f: {  	[spmem:s9] =	stream.linear.scatter [tilespmem:s28], [sflag:$0x3], $0x4000, $0x38;
	[tilespmem:$0x1CB00] =	vst v63  }
0x40: {  	_ =	swait.ge [sflag:s29], $0x4000  }
0x41: {  	[sflag:s29] =	ssyncset.done $0x0  }
0x42: {  	[sflag:s29] =	ssyncadd.s32 $0xFFFFC000  }
0x43: {  	[spmem:s10] =	stream.linear.scatter [tilespmem:s28], [sflag:$0x3], $0x4000, $0x38;
	[tilespmem:$0x1CB00] =	vst v63  }
0x44: {  	_ =	swait.ge [sflag:s29], $0x4000  }
0x45: {  	[sflag:s29] =	ssyncset.done $0x0  }
0x46: {  	[sflag:s29] =	ssyncadd.s32 $0xFFFFC000  }
0x47: {  	[bflag:$0x0] =	sbarrier.arrive $0xFFFF  }
0x48: {  	s22 =	simm.s32 $0x0;
	s13 =	rddreg [dreg:$0x5]  }
0x49: {  	[tilespmem:s22], [sflag:$0x3] =	stream.linear.gather [hbm4b:s13+s22], $0x80, $0x38;
	[tilespmem:$0x1CB00] =	vst v63  }
0x4a: {  	_ =	swait.ge [sflag:s29], $0x80  }
0x4b: {  	[sflag:s29] =	ssyncset.done $0x0  }
0x4c: {  	[sflag:s29] =	ssyncadd.s32 $0xFFFFFF80  }
0x4d: {  	[tilespmem:s28], [sflag:$0x1] =	stream.indirect.gather [hbm4b:s1+s30], $0x80, s22, s30, $0xb8;
	[tilespmem:$0x1CB00] =	vst v63  }
0x4e: {  	s19 =	sadd.s32 $0x0, s26  }
0x4f: {  	[tilespmem:s30], [sflag:$0x3] =	stream.linear.gather [hbm4b:s19+s3], $0x80, $0x38;
	[tilespmem:$0x1CB00] =	vst v63  }
0x50: {  	_ =	swait.ge [sflag:s29], $0x80  }
0x51: {  	[sflag:s29] =	ssyncset.done $0x0  }
0x52: {  	[sflag:s29] =	ssyncadd.s32 $0xFFFFFF80  }
0x53: {  	[tilespmem:s31], [sflag:$0x2] =	stream.indirect.gather [hbm4b:s1+s30], $0x80, s30, s30, $0xb8;
	[tilespmem:$0x1CB00] =	vst v63  }
0x54: {  	s20 =	sadd.s32 $0x0, s23  }
0x55: {  	[tilespmem:s0], [sflag:$0x3] =	stream.linear.gather [hbm4b:s20+s3], $0x80, $0x38;
	[tilespmem:$0x1CB00] =	vst v63  }
0x56: {  	_ =	swait.ge [sflag:s29], $0x80  }
0x57: {  	[sflag:s29] =	ssyncset.done $0x0  }
0x58: {  	[sflag:s29] =	ssyncadd.s32 $0xFFFFFF80  }
0x59: {  	_ =	swait.ge [sflag:s4], $0x4000  }
0x5a: {  	[sflag:s4] =	ssyncset.done $0x0  }
0x5b: {  	[sflag:s4] =	ssyncadd.s32 $0xFFFFC000  }
0x5c: {  	[spmem:s2] =	stream.indirect.scatter.add.f32 [tilespmem:s28], [sflag:$0x3], $0x80, s0, s30, $0xb8;
	[tilespmem:$0x1CB00] =	vst v63  }
0x5d: {  	_ =	swait.ge [sflag:s29], $0x4000  }
0x5e: {  	s21 =	sshrl.u32 s24, $0x3;
	[sflag:s29] =	ssyncset.done $0x0  }
0x5f: {  	s18 =	sadd.s32 s5, s21;
	[sflag:s29] =	ssyncadd.s32 $0xFFFFC000  }
0x60: {  	[tilespmem:s3], [sflag:$0x3] =	stream.linear.gather [hbm4b:s18+s3], $0x80, $0x38;
	[tilespmem:$0x1CB00] =	vst v63  }
0x61: {  	_ =	swait.ge [sflag:s29], $0x80  }
0x62: {  	[sflag:s29] =	ssyncset.done $0x0  }
0x63: {  	[sflag:s29] =	ssyncadd.s32 $0xFFFFFF80  }
0x64: {  	[tilespmem:s28], [sflag:$0x1] =	stream.indirect.gather [hbm4b:s1+s30], $0x80, s3, s30, $0xb8;
	[tilespmem:$0x1CB00] =	vst v63  }
0x65: {  	s22 =	sadd.s32 $0x0, s25  }
0x66: {  	[tilespmem:s11], [sflag:$0x3] =	stream.linear.gather [hbm4b:s22+s3], $0x80, $0x38;
	[tilespmem:$0x1CB00] =	vst v63  }
0x67: {  	_ =	swait.ge [sflag:s29], $0x80  }
0x68: {  	[sflag:s29] =	ssyncset.done $0x0  }
0x69: {  	[sflag:s29] =	ssyncadd.s32 $0xFFFFFF80  }
0x6a: {  	_ =	swait.ge [sflag:s12], $0x4000  }
0x6b: {  	[sflag:s12] =	ssyncset.done $0x0  }
0x6c: {  	[sflag:s12] =	ssyncadd.s32 $0xFFFFC000  }
0x6d: {  	[spmem:s2] =	stream.indirect.scatter.add.f32 [tilespmem:s31], [sflag:$0x3], $0x80, s11, s30, $0xb8;
	[tilespmem:$0x1CB00] =	vst v63  }
0x6e: {  	s19 =	sadd.s32 $0x100, s24;
	_ =	swait.ge [sflag:s29], $0x4000  }
0x6f: {  	s20 =	simm.s32 $0x40;
	s18 =	simm.s32 $0x20;
	[sflag:s29] =	ssyncset.done $0x0  }
.LBB2_4:
0x70: {  	s22 =	sadd.s32 s18, s26  }
0x71: {  	[sflag:s29] =	ssyncadd.s32 $0xFFFFC000;
	s13 =	smov.u32 s20;
	s21 =	sadd.s32 $0x20, s20  }
0x72: {  	[tilespmem:s30], [sflag:$0x3] =	stream.linear.gather [hbm4b:s22+s3], $0x80, $0x38;
	[tilespmem:$0x1CB00] =	vst v63  }
0x73: {  	p0 =	sne.s32 s20, $0x4A0;
	_ =	swait.ge [sflag:s29], $0x80  }
0x74: {  	[sflag:s29] =	ssyncset.done $0x0  }
0x75: {  	[sflag:s29] =	ssyncadd.s32 $0xFFFFFF80  }
0x76: {  	[tilespmem:s31], [sflag:$0x2] =	stream.indirect.gather [hbm4b:s1+s30], $0x80, s30, s30, $0xb8;
	[tilespmem:$0x1CB00] =	vst v63  }
0x77: {  	s20 =	sadd.s32 s18, s23  }
0x78: {  	[tilespmem:s0], [sflag:$0x3] =	stream.linear.gather [hbm4b:s20+s3], $0x80, $0x38;
	[tilespmem:$0x1CB00] =	vst v63  }
0x79: {  	_ =	swait.ge [sflag:s29], $0x80  }
0x7a: {  	[sflag:s29] =	ssyncset.done $0x0  }
0x7b: {  	[sflag:s29] =	ssyncadd.s32 $0xFFFFFF80  }
0x7c: {  	_ =	swait.ge [sflag:s4], $0x4000  }
0x7d: {  	[sflag:s4] =	ssyncset.done $0x0  }
0x7e: {  	[sflag:s4] =	ssyncadd.s32 $0xFFFFC000  }
0x7f: {  	[spmem:s2] =	stream.indirect.scatter.add.f32 [tilespmem:s28], [sflag:$0x3], $0x80, s0, s30, $0xb8;
	[tilespmem:$0x1CB00] =	vst v63  }
0x80: {  	_ =	swait.ge [sflag:s29], $0x4000  }
0x81: {  	s20 =	sshrl.u32 s19, $0x3;
	[sflag:s29] =	ssyncset.done $0x0  }
0x82: {  	s20 =	sadd.s32 s5, s20;
	[sflag:s29] =	ssyncadd.s32 $0xFFFFC000  }
0x83: {  	[tilespmem:s3], [sflag:$0x3] =	stream.linear.gather [hbm4b:s20+s3], $0x80, $0x38;
	[tilespmem:$0x1CB00] =	vst v63  }
0x84: {  	_ =	swait.ge [sflag:s29], $0x80  }
0x85: {  	[sflag:s29] =	ssyncset.done $0x0  }
0x86: {  	[sflag:s29] =	ssyncadd.s32 $0xFFFFFF80  }
0x87: {  	[tilespmem:s28], [sflag:$0x1] =	stream.indirect.gather [hbm4b:s1+s30], $0x80, s3, s30, $0xb8;
	[tilespmem:$0x1CB00] =	vst v63  }
0x88: {  	s20 =	sadd.s32 s18, s25;
	s18 =	smov.u32 s13  }
0x89: {  	[tilespmem:s11], [sflag:$0x3] =	stream.linear.gather [hbm4b:s20+s3], $0x80, $0x38;
	[tilespmem:$0x1CB00] =	vst v63  }
0x8a: {  	_ =	swait.ge [sflag:s29], $0x80  }
0x8b: {  	[sflag:s29] =	ssyncset.done $0x0  }
0x8c: {  	[sflag:s29] =	ssyncadd.s32 $0xFFFFFF80  }
0x8d: {  	_ =	swait.ge [sflag:s12], $0x4000  }
.Ltmp1:
0x8e: {  	[sflag:s12] =	ssyncset.done $0x0;
	(pc) =	sbr.rel @p0 .LBB2_4-.Ltmp1, $4  }
0x8f: {  	[sflag:s12] =	ssyncadd.s32 $0xFFFFC000  }
0x90: {  	[spmem:s2] =	stream.indirect.scatter.add.f32 [tilespmem:s31], [sflag:$0x3], $0x80, s11, s30, $0xb8;
	[tilespmem:$0x1CB00] =	vst v63  }
0x91: {  	_ =	swait.ge [sflag:s29], $0x4000  }
0x92: {  	s19 =	sadd.s32 $0x100, s19;
	s20 =	smov.u32 s21;
	[sflag:s29] =	ssyncset.done $0x0  }
0x93: {  	s13 =	sadd.s32 s18, s26;
	[sflag:s29] =	ssyncadd.s32 $0xFFFFC000  }
0x94: {  	[tilespmem:s30], [sflag:$0x3] =	stream.linear.gather [hbm4b:s13+s3], $0x80, $0x38;
	[tilespmem:$0x1CB00] =	vst v63  }
0x95: {  	_ =	swait.ge [sflag:s29], $0x80  }
0x96: {  	[sflag:s29] =	ssyncset.done $0x0  }
0x97: {  	[sflag:s29] =	ssyncadd.s32 $0xFFFFFF80  }
0x98: {  	[tilespmem:s31], [sflag:$0x2] =	stream.indirect.gather [hbm4b:s1+s30], $0x80, s30, s30, $0xb8;
	[tilespmem:$0x1CB00] =	vst v63  }
0x99: {  	s22 =	sadd.s32 s18, s23  }
0x9a: {  	[tilespmem:s0], [sflag:$0x3] =	stream.linear.gather [hbm4b:s22+s3], $0x80, $0x38;
	[tilespmem:$0x1CB00] =	vst v63  }
0x9b: {  	_ =	swait.ge [sflag:s29], $0x80  }
0x9c: {  	[sflag:s29] =	ssyncset.done $0x0  }
0x9d: {  	[sflag:s29] =	ssyncadd.s32 $0xFFFFFF80  }
0x9e: {  	_ =	swait.ge [sflag:s4], $0x4000  }
0x9f: {  	[sflag:s4] =	ssyncset.done $0x0  }
0xa0: {  	[sflag:s4] =	ssyncadd.s32 $0xFFFFC000  }
0xa1: {  	[spmem:s2] =	stream.indirect.scatter.add.f32 [tilespmem:s28], [sflag:$0x3], $0x80, s0, s30, $0xb8;
	[tilespmem:$0x1CB00] =	vst v63  }
0xa2: {  	_ =	swait.ge [sflag:s29], $0x4000  }
0xa3: {  	s19 =	sshrl.u32 s19, $0x3;
	[sflag:s29] =	ssyncset.done $0x0  }
0xa4: {  	s13 =	sadd.s32 s5, s19;
	[sflag:s29] =	ssyncadd.s32 $0xFFFFC000  }
0xa5: {  	[tilespmem:s3], [sflag:$0x3] =	stream.linear.gather [hbm4b:s13+s3], $0x80, $0x38;
	[tilespmem:$0x1CB00] =	vst v63  }
0xa6: {  	_ =	swait.ge [sflag:s29], $0x80  }
0xa7: {  	[sflag:s29] =	ssyncset.done $0x0  }
0xa8: {  	[sflag:s29] =	ssyncadd.s32 $0xFFFFFF80  }
0xa9: {  	[tilespmem:s28], [sflag:$0x1] =	stream.indirect.gather [hbm4b:s1+s30], $0x80, s3, s30, $0xb8;
	[tilespmem:$0x1CB00] =	vst v63  }
0xaa: {  	s20 =	sadd.s32 s18, s25  }
0xab: {  	[tilespmem:s11], [sflag:$0x3] =	stream.linear.gather [hbm4b:s20+s3], $0x80, $0x38;
	[tilespmem:$0x1CB00] =	vst v63  }
0xac: {  	_ =	swait.ge [sflag:s29], $0x80  }
0xad: {  	[sflag:s29] =	ssyncset.done $0x0  }
0xae: {  	[sflag:s29] =	ssyncadd.s32 $0xFFFFFF80  }
0xaf: {  	_ =	swait.ge [sflag:s12], $0x4000  }
0xb0: {  	[sflag:s12] =	ssyncset.done $0x0  }
0xb1: {  	[sflag:s12] =	ssyncadd.s32 $0xFFFFC000  }
0xb2: {  	[spmem:s2] =	stream.indirect.scatter.add.f32 [tilespmem:s31], [sflag:$0x3], $0x80, s11, s30, $0xb8;
	[tilespmem:$0x1CB00] =	vst v63  }
0xb3: {  	_ =	swait.ge [sflag:s29], $0x4000  }
0xb4: {  	[sflag:s29] =	ssyncset.done $0x0  }
0xb5: {  	s21 =	rddreg [dreg:$0x6];
	[sflag:s29] =	ssyncadd.s32 $0xFFFFC000  }
0xb6: {  	[tilespmem:s30], [sflag:$0x3] =	stream.linear.gather [hbm4b:s21+s3], $0x80, $0x38;
	[tilespmem:$0x1CB00] =	vst v63  }
0xb7: {  	_ =	swait.ge [sflag:s29], $0x80  }
0xb8: {  	[sflag:s29] =	ssyncset.done $0x0  }
0xb9: {  	[sflag:s29] =	ssyncadd.s32 $0xFFFFFF80  }
0xba: {  	[tilespmem:s31], [sflag:$0x2] =	stream.indirect.gather [hbm4b:s1+s30], $0x80, s30, s30, $0xb8;
	[tilespmem:$0x1CB00] =	vst v63  }
0xbb: {  	s22 =	rddreg [dreg:$0x7]  }
0xbc: {  	[tilespmem:s0], [sflag:$0x3] =	stream.linear.gather [hbm4b:s22+s3], $0x80, $0x38;
	[tilespmem:$0x1CB00] =	vst v63  }
0xbd: {  	_ =	swait.ge [sflag:s29], $0x80  }
0xbe: {  	[sflag:s29] =	ssyncset.done $0x0  }
0xbf: {  	s18 =	rddreg [dreg:$0x8];
	[sflag:s29] =	ssyncadd.s32 $0xFFFFFF80  }
0xc0: {  	[tilespmem:s11], [sflag:$0x3] =	stream.linear.gather [hbm4b:s18+s3], $0x80, $0x38;
	[tilespmem:$0x1CB00] =	vst v63  }
0xc1: {  	_ =	swait.ge [sflag:s29], $0x80  }
0xc2: {  	[sflag:s29] =	ssyncset.done $0x0  }
0xc3: {  	[sflag:s29] =	ssyncadd.s32 $0xFFFFFF80  }
0xc4: {  	_ =	swait.ge [sflag:s4], $0x4000  }
0xc5: {  	[sflag:s4] =	ssyncset.done $0x0  }
0xc6: {  	[sflag:s4] =	ssyncadd.s32 $0xFFFFC000  }
0xc7: {  	[spmem:s2] =	stream.indirect.scatter.add.f32 [tilespmem:s28], [sflag:$0x3], $0x80, s0, s30, $0xb8;
	[tilespmem:$0x1CB00] =	vst v63  }
0xc8: {  	_ =	swait.ge [sflag:s29], $0x4000  }
0xc9: {  	[sflag:s29] =	ssyncset.done $0x0  }
0xca: {  	[sflag:s29] =	ssyncadd.s32 $0xFFFFC000  }
0xcb: {  	_ =	swait.ge [sflag:s12], $0x4000  }
0xcc: {  	[sflag:s12] =	ssyncset.done $0x0  }
0xcd: {  	[sflag:s12] =	ssyncadd.s32 $0xFFFFC000  }
0xce: {  	[spmem:s2] =	stream.indirect.scatter.add.f32 [tilespmem:s31], [sflag:$0x3], $0x80, s11, s30, $0xb8;
	[tilespmem:$0x1CB00] =	vst v63  }
0xcf: {  	_ =	swait.ge [sflag:s29], $0x4000  }
0xd0: {  	[sflag:s29] =	ssyncset.done $0x0  }
0xd1: {  	s20 =	simm.s32 $0x200;
	s19 =	rddreg [dreg:$0xe];
	[sflag:s29] =	ssyncadd.s32 $0xFFFFC000  }
0xd2: {  	[tilespmem:s20], [sflag:$0x3] =	stream.linear.gather [hbm4b:s19+s3], $0x10, $0x38;
	[tilespmem:$0x1CB00] =	vst v63  }
0xd3: {  	_ =	swait.ge [sflag:s29], $0x10  }
0xd4: {  	[sflag:s29] =	ssyncset.done $0x0  }
0xd5: {  	s21 =	rddreg [dreg:$0xf];
	[sflag:s29] =	ssyncadd.s32 $0xFFFFFFF0  }
0xd6: {  	[tilespmem:s14], [sflag:$0x3] =	stream.linear.gather [hbm4b:s21+s3], $0x10, $0x38;
	[tilespmem:$0x1CB00] =	vst v63  }
0xd7: {  	_ =	swait.ge [sflag:s29], $0x10  }
0xd8: {  	[sflag:s29] =	ssyncset.done $0x0  }
0xd9: {  	[sflag:s29] =	ssyncadd.s32 $0xFFFFFFF0  }
0xda: {  	[tilespmem:s16], [sflag:$0x1] =	stream.indirect.gather [hbm4b:s1+s15], $0x80, s20, s15, $0xb8;
	[tilespmem:$0x1CB00] =	vst v63  }
0xdb: {  	_ =	swait.ge [sflag:s4], $0x800  }
0xdc: {  	[sflag:s4] =	ssyncset.done $0x0  }
0xdd: {  	[sflag:s4] =	ssyncadd.s32 $0xFFFFF800  }
0xde: {  	[spmem:s2] =	stream.indirect.scatter.add.f32 [tilespmem:s16], [sflag:$0x3], $0x80, s14, s15, $0xb8;
	[tilespmem:$0x1CB00] =	vst v63  }
0xdf: {  	_ =	swait.ge [sflag:s29], $0x800  }
0xe0: {  	[sflag:s29] =	ssyncset.done $0x0  }
0xe1: {  	[sflag:s29] =	ssyncadd.s32 $0xFFFFF800  }
0xe2: {  	[bflag:$0x0] =	sbarrier.arrive $0xFFFF  }
0xe3: {  	[tilespmem:s28], [sflag:$0x3] =	stream.linear.gather [spmem:s6], $0x4000, $0x38;
	[tilespmem:$0x1CB00] =	vst v63  }
0xe4: {  	_ =	swait.ge [sflag:s29], $0x4000  }
0xe5: {  	[sflag:s29] =	ssyncset.done $0x0  }
0xe6: {  	s22 =	rddreg [dreg:$0x9];
	[sflag:s29] =	ssyncadd.s32 $0xFFFFC000  }
0xe7: {  	[hbm4b:s22+s3] =	stream.linear.scatter [tilespmem:s28], [sflag:$0x3], $0x4000, $0x38;
	[tilespmem:$0x1CB00] =	vst v63  }
0xe8: {  	_ =	swait.ge [sflag:s29], $0x4000  }
0xe9: {  	[sflag:s29] =	ssyncset.done $0x0  }
0xea: {  	[sflag:s29] =	ssyncadd.s32 $0xFFFFC000  }
0xeb: {  	[tilespmem:s28], [sflag:$0x3] =	stream.linear.gather [spmem:s7], $0x4000, $0x38;
	[tilespmem:$0x1CB00] =	vst v63  }
0xec: {  	_ =	swait.ge [sflag:s29], $0x4000  }
0xed: {  	[sflag:s29] =	ssyncset.done $0x0  }
0xee: {  	s18 =	rddreg [dreg:$0xa];
	[sflag:s29] =	ssyncadd.s32 $0xFFFFC000  }
0xef: {  	[hbm4b:s18+s3] =	stream.linear.scatter [tilespmem:s28], [sflag:$0x3], $0x4000, $0x38;
	[tilespmem:$0x1CB00] =	vst v63  }
0xf0: {  	_ =	swait.ge [sflag:s29], $0x4000  }
0xf1: {  	[sflag:s29] =	ssyncset.done $0x0  }
0xf2: {  	[sflag:s29] =	ssyncadd.s32 $0xFFFFC000  }
0xf3: {  	[tilespmem:s28], [sflag:$0x3] =	stream.linear.gather [spmem:s8], $0x4000, $0x38;
	[tilespmem:$0x1CB00] =	vst v63  }
0xf4: {  	_ =	swait.ge [sflag:s29], $0x4000  }
0xf5: {  	[sflag:s29] =	ssyncset.done $0x0  }
0xf6: {  	s19 =	rddreg [dreg:$0xb];
	[sflag:s29] =	ssyncadd.s32 $0xFFFFC000  }
0xf7: {  	[hbm4b:s19+s3] =	stream.linear.scatter [tilespmem:s28], [sflag:$0x3], $0x4000, $0x38;
	[tilespmem:$0x1CB00] =	vst v63  }
0xf8: {  	_ =	swait.ge [sflag:s29], $0x4000  }
0xf9: {  	[sflag:s29] =	ssyncset.done $0x0  }
0xfa: {  	[sflag:s29] =	ssyncadd.s32 $0xFFFFC000  }
0xfb: {  	[tilespmem:s28], [sflag:$0x3] =	stream.linear.gather [spmem:s9], $0x4000, $0x38;
	[tilespmem:$0x1CB00] =	vst v63  }
0xfc: {  	_ =	swait.ge [sflag:s29], $0x4000  }
0xfd: {  	[sflag:s29] =	ssyncset.done $0x0  }
0xfe: {  	s20 =	rddreg [dreg:$0xc];
	[sflag:s29] =	ssyncadd.s32 $0xFFFFC000  }
0xff: {  	[hbm4b:s20+s3] =	stream.linear.scatter [tilespmem:s28], [sflag:$0x3], $0x4000, $0x38;
	[tilespmem:$0x1CB00] =	vst v63  }
0x100: {  	_ =	swait.ge [sflag:s29], $0x4000  }
0x101: {  	[sflag:s29] =	ssyncset.done $0x0  }
0x102: {  	[sflag:s29] =	ssyncadd.s32 $0xFFFFC000  }
0x103: {  	[tilespmem:s28], [sflag:$0x3] =	stream.linear.gather [spmem:s10], $0x4000, $0x38;
	[tilespmem:$0x1CB00] =	vst v63  }
0x104: {  	_ =	swait.ge [sflag:s29], $0x4000  }
0x105: {  	[sflag:s29] =	ssyncset.done $0x0  }
0x106: {  	s21 =	rddreg [dreg:$0xd];
	[sflag:s29] =	ssyncadd.s32 $0xFFFFC000  }
0x107: {  	[hbm4b:s21+s3] =	stream.linear.scatter [tilespmem:s28], [sflag:$0x3], $0x4000, $0x38;
	[tilespmem:$0x1CB00] =	vst v63  }
0x108: {  	_ =	swait.ge [sflag:s29], $0x4000  }
0x109: {  	s17 =	sadd.s32 $0x1, s17;
	s22 =	rddreg [dreg:$0x10]  }
0x10a: {  	p0 =	sne.s32 s17, s22  }
.Ltmp2:
0x10b: {  	_ = 	snop;
	(pc) =	sbr.rel @p0 .LBB2_1-.Ltmp2, $3  }
0x10c: {  	_ =	sdelay $0x1  }
0x10d: {  	[sflag:s29] =	ssyncset.done $0x0  }
0x10e: {  	[sflag:s29] =	ssyncadd.s32 $0xFFFFC000  }
0x10f: {  	_ =	sfence.sel $0x180000  }
0x110: {  	[bflag:$0x0] =	sbarrier.arrive $0xFFFF  }
0x111: {  	_ =	strace $0x9000004A  }
0x112: {  	s0 =	stileid.u32;
	[bflag:$0x2] =	sbarrier.arrive $0xFFFF  }
0x113: {  	p0 =	sne.s32 s0, $0x0;
	s0 =	rddreg [dreg:$0x4]  }
0x114: {  	s0 =	sadd.s32 @!p0 $0x100000, s0  }
0x115: {  	[sflag:s0] =	ssyncadd.tile.s32 @!p0 $0x1;
	_ =	shalt  }
.Lfunc_end2:
_tile_overlayer_lowered:
.L_overlay_start_2:
0x116: {  	(tag) =	ssettag $0x2  }
0x117: {  	s0 =	rddreg [dreg:$0x0];
	s2 =	stileid.u32  }
0x118: {  	s1 =	rddreg [dreg:$0x1];
	p0 =	sne.s32 s2, $0x0  }
0x119: {  	s3 =	rddreg [dreg:$0x2];
	[bflag:$0x3] =	sbarrier.arrive $0xFFFF;
	s2 =	simm.s32 @!p0 $0x1C03  }
0x11a: {  	[timem:s3], [sflag:s2] =	dma.local @!p0 [hbm:s0], s1  }
0x11b: {  	s0 =	simm.s32 @!p0 $0x3  }
0x11c: {  	_ =	swait.ge @!p0 [sflag:s0], s1  }
0x11d: {  	s1 =	ssub.s32 @!p0 $0x0, s1;
	[sflag:s0] =	ssyncset.done @!p0 $0x0  }
0x11e: {  	[sflag:s0] =	ssyncadd.s32 @!p0 s1  }
0x11f: {  	[bflag:$0x3] =	sbarrier.arrive $0xFFFF  }
0x120: {  	_ =	shalt  }

// kernel: kernel.16.cloned.1.call-start
scs
__scs_entry_jumppad:
0x0: {  	(pc) =	sbr.rel $0x88, $3  }
0x1: {  	(tag) =	ssettag $0x0;
	lr =	simm.s32 $0x1  }
0x2: {  	[smem:$0x3F99] =	sst lr;
	_ =	strace $0xD0000000  }
0x3: {  	_ = 	snop  }
0x4: {  	_ = 	snop  }
0x5: {  	_ = 	snop  }
0x6: {  	_ = 	snop  }
0x7: {  	_ = 	snop  }
__scs_overlays_trampoline_lowered:
0x8: {  	[smem:$0x3FA8] =	sst s0  }
0x9: {  	[smem:$0x3FA9] =	sst s1  }
0xa: {  	[smem:$0x3FAA] =	sst s2  }
0xb: {  	[smem:$0x3FAB] =	sst s3  }
0xc: {  	[smem:$0x3FAC] =	sst s4  }
0xd: {  	[smem:$0x3FAD] =	sst s5  }
0xe: {  	[smem:$0x3FAE] =	sst s6  }
0xf: {  	[smem:$0x3FAF] =	sst s7  }
0x10: {  	[smem:$0x3FB0] =	sst s8  }
0x11: {  	[smem:$0x3FB1] =	sst s9;
	s0 =	simm.s32 @!p0 $0x0  }
0x12: {  	s1 =	sld [smem:$0x3F97];
	s0 =	simm.s32 @p0 $0x1  }
0x13: {  	[smem:$0x3FB2] =	sst s0;
	s0 =	simm.s32 @!p1 $0x0  }
0x14: {  	s2 =	sld [smem:$0x3F96];
	s0 =	simm.s32 @p1 $0x1  }
0x15: {  	[smem:$0x3FB3] =	sst s0;
	s0 =	simm.s32 @!p2 $0x0  }
0x16: {  	s3 =	sld [smem:$0x3FDB];
	s0 =	simm.s32 @p2 $0x1  }
0x17: {  	s4 =	simm.s32 $0x1BF5;
	[smem:$0x3FB5] =	sst s0  }
0x18: {  	s0 =	sld [smem:$0x3F98];
	_ =	swait.ge [sflag:s4], $0x0  }
0x19: {  	s7 =	sld [smem:$0x3F99]  }
0x1a: {  	s8 =	sadd.s32 $0xFFFFE003, lr  }
0x1b: {  	s9 =	sadd.s32 $0xFFFFFEF7, lr;
	s5 =	simm.s32 $0xFFFFFFFF;
	p2 =	slt.u32 s8, $0xFFFFF086  }
0x1c: {  	p1 =	slt.u32 s9, $0xF7A;
	s5 =	simm.s32 @!p2 $0x0  }
0x1d: {  	s5 =	simm.s32 @p1 $0x1;
	p0 =	seq.s32 s7, s2  }
0x1e: {  	s7 =	smul.u32 @!p0 $0xF7A, s2;
	p2 =	seq.s32 @!p0 s5, $0x0  }
0x1f: {  	s9 =	smul.u32 $0xF7A, s1;
	s8 =	simm.s32 @!p0 $0x1BF5;
	p2 =	por !p2, p0  }
0x20: {  	[sflag:s8] =	ssyncset.s32 @!p0 $0xFFFFF086;
	s6 =	sadd.s32 @!p0 s3, s7;
	s7 =	simm.s32 @!p0 $0x108  }
0x21: {  	s3 =	sadd.s32 s3, s9;
	s6 =	sadd.s32 @!p0 $0x88, s6;
	s7 =	simm.s32 @p2 $0x1082  }
0x22: {  	[simem:s7], [sflag:s8] =	dma.local @!p0 [hbm:s6], $0xF7A  }
0x23: {  	s9 =	sor.u32 $0xD0000000, s2;
	s6 =	simm.s32 $0x108;
	_ =	swait.ge @!p0 [sflag:s8], $0x0  }
0x24: {  	s3 =	sadd.s32 $0x88, s3;
	s6 =	simm.s32 @!p1 $0x1082;
	[sflag:s4] =	ssyncset.s32 $0xFFFFF086  }
0x25: {  	[simem:s6], [sflag:s4] =	dma.local [hbm:s3], $0xF7A  }
0x26: {  	[smem:$0x3F99] =	sst s1;
	(tag) =	ssettag s2;
	_ =	strace s9  }
0x27: {  	s1 =	sld [smem:$0x3FA9]  }
0x28: {  	s2 =	sld [smem:$0x3FAA]  }
0x29: {  	s4 =	sld [smem:$0x3FAC]  }
0x2a: {  	p0 =	seq.s32 s5, $0x0;
	s5 =	sld [smem:$0x3FAD]  }
0x2b: {  	s6 =	sld [smem:$0x3FAE]  }
0x2c: {  	s7 =	sld [smem:$0x3FAF]  }
0x2d: {  	s3 =	simm.s32 $0x108;
	s8 =	sld [smem:$0x3FB0]  }
0x2e: {  	s3 =	simm.s32 @!p0 $0x1082;
	s9 =	sld [smem:$0x3FB1]  }
0x2f: {  	lr =	sadd.s32 s0, s3;
	s0 =	sld [smem:$0x3FA8]  }
0x30: {  	s3 =	sld [smem:$0x3FAB]  }
0x31: {  	[smem:$0x3FB4] =	sst s10  }
0x32: {  	s10 =	sld [smem:$0x3FB2];
	_ =	sdelay $0x3  }
0x33: {  	p0 =	seq.s32 s10, $0x1;
	s10 =	sld [smem:$0x3FB4];
	_ =	sdelay $0x3  }
0x34: {  	[smem:$0x3FB4] =	sst s10  }
0x35: {  	s10 =	sld [smem:$0x3FB3];
	_ =	sdelay $0x3  }
0x36: {  	p1 =	seq.s32 s10, $0x1;
	s10 =	sld [smem:$0x3FB4];
	_ =	sdelay $0x3  }
0x37: {  	[smem:$0x3FB4] =	sst s10  }
0x38: {  	s10 =	sld [smem:$0x3FB5]  }
0x39: {  	_ = 	snop;
	(pc) =	sbr.ind lr, $3  }
0x3a: {  	_ = 	snop  }
0x3b: {  	_ = 	snop  }
0x3c: {  	p2 =	seq.s32 s10, $0x1;
	s10 =	sld [smem:$0x3FB4]  }
0x3d: {  	_ =	shalt  }
0x3e: {  	_ =	shalt  }
0x3f: {  	_ =	shalt  }
0x40: {  	_ =	shalt  }
0x41: {  	_ =	shalt  }
0x42: {  	_ =	shalt  }
0x43: {  	_ =	shalt  }
0x44: {  	_ =	shalt  }
0x45: {  	_ =	shalt  }
0x46: {  	_ =	shalt  }
0x47: {  	_ =	shalt  }
0x48: {  	_ =	shalt  }
0x49: {  	_ =	shalt  }
0x4a: {  	_ =	shalt  }
0x4b: {  	_ =	shalt  }
0x4c: {  	_ =	shalt  }
0x4d: {  	_ =	shalt  }
0x4e: {  	_ =	shalt  }
0x4f: {  	_ =	shalt  }
0x50: {  	_ =	shalt  }
0x51: {  	_ =	shalt  }
0x52: {  	_ =	shalt  }
0x53: {  	_ =	shalt  }
0x54: {  	_ =	shalt  }
0x55: {  	_ =	shalt  }
0x56: {  	_ =	shalt  }
0x57: {  	_ =	shalt  }
0x58: {  	_ =	shalt  }
0x59: {  	_ =	shalt  }
0x5a: {  	_ =	shalt  }
0x5b: {  	_ =	shalt  }
0x5c: {  	_ =	shalt  }
0x5d: {  	_ =	shalt  }
0x5e: {  	_ =	shalt  }
0x5f: {  	_ =	shalt  }
0x60: {  	_ =	shalt  }
0x61: {  	_ =	shalt  }
0x62: {  	_ =	shalt  }
0x63: {  	_ =	shalt  }
0x64: {  	_ =	shalt  }
0x65: {  	_ =	shalt  }
0x66: {  	_ =	shalt  }
0x67: {  	_ =	shalt  }
0x68: {  	_ =	shalt  }
0x69: {  	_ =	shalt  }
0x6a: {  	_ =	shalt  }
0x6b: {  	_ =	shalt  }
0x6c: {  	_ =	shalt  }
0x6d: {  	_ =	shalt  }
0x6e: {  	_ =	shalt  }
0x6f: {  	_ =	shalt  }
0x70: {  	_ =	shalt  }
0x71: {  	_ =	shalt  }
0x72: {  	_ =	shalt  }
0x73: {  	_ =	shalt  }
0x74: {  	_ =	shalt  }
0x75: {  	_ =	shalt  }
0x76: {  	_ =	shalt  }
0x77: {  	_ =	shalt  }
0x78: {  	_ =	shalt  }
0x79: {  	_ =	shalt  }
0x7a: {  	_ =	shalt  }
0x7b: {  	_ =	shalt  }
0x7c: {  	_ =	shalt  }
0x7d: {  	_ =	shalt  }
0x7e: {  	_ =	shalt  }
0x7f: {  	_ =	shalt  }
0x80: {  	_ =	shalt  }
0x81: {  	_ =	shalt  }
0x82: {  	_ =	shalt  }
0x83: {  	_ =	shalt  }
0x84: {  	_ =	shalt  }
0x85: {  	_ =	shalt  }
0x86: {  	_ =	shalt  }
0x87: {  	_ =	shalt  }
.Lfunc_end0:
.L_simem_size_0:
called_computation.2_lowered:
.L_overlay_start_0:
0x88: {  	s2 =	sld [smem:$0x3FD9]  }
0x89: {  	s3 =	sld [smem:$0x3FFE];
	_ =	sdelay $0x1  }
0x8a: {  	s1 =	srdreg.scid  }
0x8b: {  	s0 =	sand.u32 $0x1, s1  }
0x8c: {  	s14 =	sshll.u32 s0, $0xA;
	s2 =	sadd.s32 s3, s2  }
0x8d: {  	s2 =	sadd.s32 s2, s14  }
0x8e: {  	[smem:$0x3FC0] =	sst s2  }
0x8f: {  	_ = 	snop  }
0x90: {  	s2 =	sld [smem:$0x3FD0];
	_ =	sdelay $0x2  }
0x91: {  	s15 =	simm.s32 $0xA;
	s4 =	simm.s32 $0x10  }
0x92: {  	[smem:s4], [sflag:s15] =	dma.local [hbm:s2], $0x1  }
0x93: {  	_ =	swait.eq [sflag:s15], $0x1  }
0x94: {  	[sflag:s15] =	ssyncset.done $0x0  }
0x95: {  	s16 =	sld [smem:$0x10];
	[sflag:s15] =	ssyncadd.s32 $0xFFFFFFFF  }
0x96: {  	s17 =	sld [smem:$0x11];
	(tm) =	ssettm $0x1  }
0x97: {  	s18 =	sld [smem:$0x3FFB];
	_ =	sdelay $0x3  }
0x98: {  	_ =	strace s18  }
0x99: {  	s4 =	sld [smem:$0x3FFC];
	_ =	sdelay $0x3  }
0x9a: {  	_ =	strace s4  }
0x9b: {  	s4 =	sld [smem:$0x3FFD];
	_ =	sdelay $0x3  }
0x9c: {  	_ =	strace s4  }
0x9d: {  	_ =	strace $0x8FFFFFFF  }
0x9e: {  	s19 =	sld [smem:$0x3FDB];
	_ =	sdelay $0x1  }
0x9f: {  	s5 =	simm.s32 $_scs_section_size  }
0xa0: {  	s6 =	simm.s32 $_size__tile_overlayer_lowered;
	s7 =	simm.s32 $_tile_overlayer_lowered  }
0xa1: {  	s22 =	simm.s32 $0x1BFF;
	s21 =	sshll.u32 s7, $0x1;
	s4 =	sadd.s32 s5, s19  }
0xa2: {  	s8 =	simm.s32 $0x0;
	s20 =	sshll.u32 s6, $0x1;
	s6 =	sadd.s32 s21, s4  }
0xa3: {  	[timem:s8], [sflag:s22] =	dma.local [hbm:s6], s20  }
0xa4: {  	_ =	swait.ge [sflag:s22], s20  }
0xa5: {  	s5 =	ssub.s32 $0x0, s20;
	[sflag:s22] =	ssyncset.done $0x0  }
0xa6: {  	[sflag:s22] =	ssyncadd.s32 s5;
	_ =	sdelay $0x1  }
0xa7: {  	s23 =	simm.s32 $0x1B8B  }
0xa8: {  	_ =	swait.ge [sflag:s23], $0x1  }
0xa9: {  	[sflag:s23] =	ssyncset.done $0x0  }
0xaa: {  	s25 =	simm.s32 $0x1B8E;
	s24 =	sld [smem:$0x3FFE];
	[sflag:s23] =	ssyncadd.s32 $0xFFFFFFFF  }
0xab: {  	s26 =	simm.s32 $execute0_lowered;
	[smem:$0x3FD2] =	sst s25  }
0xac: {  	s6 =	sshll.u32 s26, $0x1;
	_ =	strace $0x8000004C;
	[dreg:$0x1] =	wrdreg $0xFFFFFFFF  }
0xad: {  	s28 =	simm.s32 $_size_execute0_lowered;
	s4 =	sadd.s32 s4, s6;
	[dreg:$0x0] =	wrdreg $0x0  }
0xae: {  	s6 =	sshll.u32 s28, $0x1;
	[dreg:$0x2] =	wrdreg s4  }
0xaf: {  	[dreg:$0x3] =	wrdreg s6  }
0xb0: {  	[dreg:$0x4] =	wrdreg $0xC0  }
0xb1: {  	_ =	task [dreg:s8], $0x5FFFF  }
0xb2: {  	[dreg:$0x1] =	wrdreg $0xFFFFFFFF  }
0xb3: {  	[dreg:$0x0] =	wrdreg $0x60  }
0xb4: {  	[dreg:$0x2] =	wrdreg s16  }
0xb5: {  	[dreg:$0x3] =	wrdreg s24  }
0xb6: {  	[dreg:$0x4] =	wrdreg s17  }
0xb7: {  	[dreg:$0x5] =	wrdreg $0x8B000  }
0xb8: {  	[dreg:$0x6] =	wrdreg $0x9  }
0xb9: {  	_ =	task.clear_ibuf [dreg:s8], $0x7FFFF;
	_ =	strace $0x9000004C  }
0xba: {  	s29 =	simm.s32 $0x9;
	_ =	strace $0x8000004E  }
0xbb: {  	_ =	swait.ge [sflag:s29], $0x1  }
0xbc: {  	[sflag:s29] =	ssyncadd.s32 $0xFFFFFFFF  }
0xbd: {  	_ =	strace $0x9000004E  }
0xbe: {  	_ =	sfence  }
0xbf: {  	s30 =	sld [smem:$0x0];
	_ =	sdelay $0x2  }
0xc0: {  	s31 =	sshll.u32 s1, $0xD;
	s1 =	sshrl.u32 s1, $0x2  }
0xc1: {  	s3 =	sand.u32 $0x4000, s31;
	s1 =	sadd.s32 s1, s30  }
0xc2: {  	s0 =	sor.u32 s3, s0;
	s1 =	sshll.u32 s1, $0x11  }
0xc3: {  	s0 =	sor.u32 s1, s0  }
0xc4: {  	s0 =	sadd.s32 $0x8F2B, s0  }
0xc5: {  	[sflag:s0] =	ssyncadd.remote.s32 $0x1  }
0xc6: {  	_ =	sfence.sel $0xFFFF  }
0xc7: {  	[dreg:$0x0] =	wrdreg $0xFFFFFFFF;
	(pc) =	sbr.abs _section_cstart, $3  }
0xc8: {  	[dreg:$0x1] =	wrdreg $0xFFFFFFFF  }
0xc9: {  	_ =	task.clear_ibuf [dreg:s8], $0x2FFFF;
	_ =	strace $0x9FFFFFFF  }
0xca: {  	(tm) =	ssettm $0x7FFFFFFF  }
0xcb: {  	_ =	shalt  }
tec
execute0_lowered:
.L_overlay_start_1:
0x0: {  	(tag) =	ssettag $0x1  }
0x1: {  	s1 =	rddreg [dreg:$0x0]  }
0x2: {  	s4 =	rddreg [dreg:$0x1]  }
0x3: {  	s0 =	rddreg [dreg:$0x2]  }
0x4: {  	s2 =	rddreg [dreg:$0x3]  }
0x5: {  	s3 =	simm.s32 $0x0;
	s6 =	srdreg.scid;
	s22 =	stileid.u32  }
0x6: {  	s28 =	simm.s32 $0x300;
	s29 =	simm.s32 $0x3;
	s30 =	simm.s32 $0x80  }
0x7: {  	s31 =	simm.s32 $0x4300;
	[smem:$0x7FF] =	sst s3;
	s5 =	sadd.s32 $0x3200, s4  }
0x8: {  	s11 =	sand.u32 $0x1, s6;
	s7 =	sshll.u32 s22, $0x1;
	s8 =	smul.u32 $0x50000, s22  }
0x9: {  	s12 =	smul.u32 $0x14000, s22;
	s4 =	sadd.s32 $0xAD000, s4;
	s6 =	ssub.s32 $0x2, s11  }
0xa: {  	_ =	strace $0x8000004D;
	s7 =	sor.u32 s11, s7;
	s9 =	sshrl.u32 s6, $0x1  }
0xb: {  	s21 =	smul.u32 $0x2710, s7;
	s23 =	sshrl.u32 s8, $0x2;
	s14 =	sadd.s32 $0x4000, s12  }
0xc: {  	s15 =	sadd.s32 $0x8000, s12;
	s16 =	sadd.s32 $0xC000, s12;
	s17 =	sadd.s32 $0x10000, s12  }
0xd: {  	s13 =	ssub.s32 s6, s9;
	s6 =	sadd.s32 s23, s2;
	s7 =	sadd.s32 s14, s2  }
0xe: {  	s8 =	sadd.s32 s15, s2;
	s18 =	sshrl.u32 s21, $0x3;
	s21 =	smul.u32 $0x140000, s11  }
0xf: {  	s9 =	sadd.s32 s16, s2;
	s10 =	sadd.s32 s17, s2;
	s11 =	smul.u32 $0x2710, s11  }
0x10: {  	s19 =	sadd.s32 s5, s18;
	s24 =	sadd.s32 $0x4D0, s18;
	s20 =	sadd.s32 s0, s18  }
0x11: {  	s18 =	sadd.s32 $0x4E0, s18;
	[dreg:$0x5] =	wrdreg s19;
	s23 =	sadd.s32 s5, s24  }
0x12: {  	s20 =	sadd.s32 $0x4C0, s20;
	s19 =	sadd.s32 s0, s24;
	[dreg:$0x6] =	wrdreg s23  }
0x13: {  	s12 =	sadd.s32 s12, s21;
	s14 =	sadd.s32 s21, s14;
	[dreg:$0x7] =	wrdreg s20  }
0x14: {  	s15 =	sadd.s32 s21, s15;
	[dreg:$0x8] =	wrdreg s19;
	s12 =	sshrl.u32 s12, $0x3  }
0x15: {  	s26 =	sshrl.u32 s15, $0x3;
	s15 =	sadd.s32 s21, s16;
	s20 =	sadd.s32 s5, s18  }
0x16: {  	s16 =	sadd.s32 s21, s17;
	s21 =	sadd.s32 s0, s18;
	[dreg:$0xe] =	wrdreg s20  }
0x17: {  	s14 =	sshrl.u32 s14, $0x3;
	s23 =	smax.u32 s13, $0x1;
	[dreg:$0xf] =	wrdreg s21  }
0x18: {  	s17 =	smul.u32 $0x4E20, s22;
	s12 =	sadd.s32 s4, s12;
	[dreg:$0x10] =	wrdreg s23  }
0x19: {  	s25 =	sadd.s32 s4, s14;
	s14 =	sshrl.u32 s15, $0x3;
	[dreg:$0x9] =	wrdreg s12  }
0x1a: {  	s15 =	sshrl.u32 s16, $0x3;
	s16 =	simm.s32 $0x8300;
	[dreg:$0xa] =	wrdreg s25  }
0x1b: {  	s12 =	sadd.s32 s4, s26;
	s19 =	sadd.s32 s4, s14;
	s4 =	sadd.s32 s4, s15  }
0x1c: {  	s22 =	sadd.s32 s11, s17;
	s11 =	simm.s32 $0x180;
	[dreg:$0xb] =	wrdreg s12  }
0x1d: {  	s14 =	simm.s32 $0x280;
	s15 =	simm.s32 $0x10;
	[dreg:$0xc] =	wrdreg s19  }
0x1e: {  	s17 =	simm.s32 $0x0;
	[dreg:$0xd] =	wrdreg s4;
	s24 =	sshrl.u32 s22, $0x3  }
0x1f: {  	s25 =	sadd.s32 $0x80, s22;
	s4 =	simm.s32 $0x1;
	s12 =	simm.s32 $0x2  }
0x20: {  	s23 =	sadd.s32 s24, s0;
	s24 =	sadd.s32 $0x100, s22;
	s26 =	sshrl.u32 s25, $0x3  }
0x21: {  	v0 =	vimm.f32 $0.0e+00;
	s25 =	sadd.s32 s26, s0;
	s26 =	sadd.s32 s26, s5;
	s0 =	simm.s32 $0x100  }
.LBB2_1:
0x22: {  	s18 =	simm.s32 $0x0;
	s19 =	simm.s32 $0x200  }
.LBB2_2:
0x23: {  	p0 =	sne.s32 s19, $0xFE00;
	[tilespmem:s18+$0x370] =	vst v0  }
0x24: {  	[tilespmem:s18+$0x300] =	vst v0  }
0x25: {  	[tilespmem:s18+$0x310] =	vst v0  }
.Ltmp0:
0x26: {  	[tilespmem:s18+$0x320] =	vst v0;
	(pc) =	sbr.rel @p0 .LBB2_2-.Ltmp0, $4  }
0x27: {  	[tilespmem:s18+$0x330] =	vst v0  }
0x28: {  	[tilespmem:s18+$0x340] =	vst v0  }
0x29: {  	[tilespmem:s18+$0x350] =	vst v0  }
0x2a: {  	[tilespmem:s18+$0x360] =	vst v0;
	s18 =	sshra.s32 s19, $0x2;
	s19 =	sadd.s32 $0x200, s19  }
0x2b: {  	[tilespmem:s18+$0x370] =	vst v0  }
0x2c: {  	[tilespmem:s18+$0x300] =	vst v0  }
0x2d: {  	[tilespmem:s18+$0x310] =	vst v0  }
0x2e: {  	[tilespmem:s18+$0x320] =	vst v0  }
0x2f: {  	[tilespmem:s18+$0x330] =	vst v0  }
0x30: {  	[tilespmem:s18+$0x340] =	vst v0  }
0x31: {  	[tilespmem:s18+$0x350] =	vst v0  }
0x32: {  	[tilespmem:s18+$0x360] =	vst v0  }
0x33: {  	[spmem:s6] =	stream.linear.scatter [tilespmem:s28], [sflag:$0x3], $0x4000, $0x38;
	[tilespmem:$0x1CB00] =	vst v63  }
0x34: {  	_ =	swait.ge [sflag:s29], $0x4000  }
0x35: {  	[sflag:s29] =	ssyncset.done $0x0  }
0x36: {  	[sflag:s29] =	ssyncadd.s32 $0xFFFFC000  }
0x37: {  	[spmem:s7] =	stream.linear.scatter [tilespmem:s28], [sflag:$0x3], $0x4000, $0x38;
	[tilespmem:$0x1CB00] =	vst v63  }
0x38: {  	_ =	swait.ge [sflag:s29], $0x4000  }
0x39: {  	[sflag:s29] =	ssyncset.done $0x0  }
0x3a: {  	[sflag:s29] =	ssyncadd.s32 $0xFFFFC000  }
0x3b: {  	[spmem:s8] =	stream.linear.scatter [tilespmem:s28], [sflag:$0x3], $0x4000, $0x38;
	[tilespmem:$0x1CB00] =	vst v63  }
0x3c: {  	_ =	swait.ge [sflag:s29], $0x4000  }
0x3d: {  	[sflag:s29] =	ssyncset.done $0x0  }
0x3e: {  	[sflag:s29] =	ssyncadd.s32 $0xFFFFC000  }
0x3f: {  	[spmem:s9] =	stream.linear.scatter [tilespmem:s28], [sflag:$0x3], $0x4000, $0x38;
	[tilespmem:$0x1CB00] =	vst v63  }
0x40: {  	_ =	swait.ge [sflag:s29], $0x4000  }
0x41: {  	[sflag:s29] =	ssyncset.done $0x0  }
0x42: {  	[sflag:s29] =	ssyncadd.s32 $0xFFFFC000  }
0x43: {  	[spmem:s10] =	stream.linear.scatter [tilespmem:s28], [sflag:$0x3], $0x4000, $0x38;
	[tilespmem:$0x1CB00] =	vst v63  }
0x44: {  	_ =	swait.ge [sflag:s29], $0x4000  }
0x45: {  	[sflag:s29] =	ssyncset.done $0x0  }
0x46: {  	[sflag:s29] =	ssyncadd.s32 $0xFFFFC000  }
0x47: {  	[bflag:$0x0] =	sbarrier.arrive $0xFFFF  }
0x48: {  	s22 =	simm.s32 $0x0;
	s13 =	rddreg [dreg:$0x5]  }
0x49: {  	[tilespmem:s22], [sflag:$0x3] =	stream.linear.gather [hbm4b:s13+s22], $0x80, $0x38;
	[tilespmem:$0x1CB00] =	vst v63  }
0x4a: {  	_ =	swait.ge [sflag:s29], $0x80  }
0x4b: {  	[sflag:s29] =	ssyncset.done $0x0  }
0x4c: {  	[sflag:s29] =	ssyncadd.s32 $0xFFFFFF80  }
0x4d: {  	[tilespmem:s28], [sflag:$0x1] =	stream.indirect.gather [hbm4b:s1+s30], $0x80, s22, s30, $0xb8;
	[tilespmem:$0x1CB00] =	vst v63  }
0x4e: {  	s19 =	sadd.s32 $0x0, s26  }
0x4f: {  	[tilespmem:s30], [sflag:$0x3] =	stream.linear.gather [hbm4b:s19+s3], $0x80, $0x38;
	[tilespmem:$0x1CB00] =	vst v63  }
0x50: {  	_ =	swait.ge [sflag:s29], $0x80  }
0x51: {  	[sflag:s29] =	ssyncset.done $0x0  }
0x52: {  	[sflag:s29] =	ssyncadd.s32 $0xFFFFFF80  }
0x53: {  	[tilespmem:s31], [sflag:$0x2] =	stream.indirect.gather [hbm4b:s1+s30], $0x80, s30, s30, $0xb8;
	[tilespmem:$0x1CB00] =	vst v63  }
0x54: {  	s20 =	sadd.s32 $0x0, s23  }
0x55: {  	[tilespmem:s0], [sflag:$0x3] =	stream.linear.gather [hbm4b:s20+s3], $0x80, $0x38;
	[tilespmem:$0x1CB00] =	vst v63  }
0x56: {  	_ =	swait.ge [sflag:s29], $0x80  }
0x57: {  	[sflag:s29] =	ssyncset.done $0x0  }
0x58: {  	[sflag:s29] =	ssyncadd.s32 $0xFFFFFF80  }
0x59: {  	_ =	swait.ge [sflag:s4], $0x4000  }
0x5a: {  	[sflag:s4] =	ssyncset.done $0x0  }
0x5b: {  	[sflag:s4] =	ssyncadd.s32 $0xFFFFC000  }
0x5c: {  	[spmem:s2] =	stream.indirect.scatter.add.f32 [tilespmem:s28], [sflag:$0x3], $0x80, s0, s30, $0xb8;
	[tilespmem:$0x1CB00] =	vst v63  }
0x5d: {  	_ =	swait.ge [sflag:s29], $0x4000  }
0x5e: {  	s21 =	sshrl.u32 s24, $0x3;
	[sflag:s29] =	ssyncset.done $0x0  }
0x5f: {  	s18 =	sadd.s32 s5, s21;
	[sflag:s29] =	ssyncadd.s32 $0xFFFFC000  }
0x60: {  	[tilespmem:s3], [sflag:$0x3] =	stream.linear.gather [hbm4b:s18+s3], $0x80, $0x38;
	[tilespmem:$0x1CB00] =	vst v63  }
0x61: {  	_ =	swait.ge [sflag:s29], $0x80  }
0x62: {  	[sflag:s29] =	ssyncset.done $0x0  }
0x63: {  	[sflag:s29] =	ssyncadd.s32 $0xFFFFFF80  }
0x64: {  	[tilespmem:s28], [sflag:$0x1] =	stream.indirect.gather [hbm4b:s1+s30], $0x80, s3, s30, $0xb8;
	[tilespmem:$0x1CB00] =	vst v63  }
0x65: {  	s22 =	sadd.s32 $0x0, s25  }
0x66: {  	[tilespmem:s11], [sflag:$0x3] =	stream.linear.gather [hbm4b:s22+s3], $0x80, $0x38;
	[tilespmem:$0x1CB00] =	vst v63  }
0x67: {  	_ =	swait.ge [sflag:s29], $0x80  }
0x68: {  	[sflag:s29] =	ssyncset.done $0x0  }
0x69: {  	[sflag:s29] =	ssyncadd.s32 $0xFFFFFF80  }
0x6a: {  	_ =	swait.ge [sflag:s12], $0x4000  }
0x6b: {  	[sflag:s12] =	ssyncset.done $0x0  }
0x6c: {  	[sflag:s12] =	ssyncadd.s32 $0xFFFFC000  }
0x6d: {  	[spmem:s2] =	stream.indirect.scatter.add.f32 [tilespmem:s31], [sflag:$0x3], $0x80, s11, s30, $0xb8;
	[tilespmem:$0x1CB00] =	vst v63  }
0x6e: {  	s19 =	sadd.s32 $0x100, s24;
	_ =	swait.ge [sflag:s29], $0x4000  }
0x6f: {  	s20 =	simm.s32 $0x40;
	s18 =	simm.s32 $0x20;
	[sflag:s29] =	ssyncset.done $0x0  }
.LBB2_4:
0x70: {  	s22 =	sadd.s32 s18, s26  }
0x71: {  	[sflag:s29] =	ssyncadd.s32 $0xFFFFC000;
	s13 =	smov.u32 s20;
	s21 =	sadd.s32 $0x20, s20  }
0x72: {  	[tilespmem:s30], [sflag:$0x3] =	stream.linear.gather [hbm4b:s22+s3], $0x80, $0x38;
	[tilespmem:$0x1CB00] =	vst v63  }
0x73: {  	p0 =	sne.s32 s20, $0x4A0;
	_ =	swait.ge [sflag:s29], $0x80  }
0x74: {  	[sflag:s29] =	ssyncset.done $0x0  }
0x75: {  	[sflag:s29] =	ssyncadd.s32 $0xFFFFFF80  }
0x76: {  	[tilespmem:s31], [sflag:$0x2] =	stream.indirect.gather [hbm4b:s1+s30], $0x80, s30, s30, $0xb8;
	[tilespmem:$0x1CB00] =	vst v63  }
0x77: {  	s20 =	sadd.s32 s18, s23  }
0x78: {  	[tilespmem:s0], [sflag:$0x3] =	stream.linear.gather [hbm4b:s20+s3], $0x80, $0x38;
	[tilespmem:$0x1CB00] =	vst v63  }
0x79: {  	_ =	swait.ge [sflag:s29], $0x80  }
0x7a: {  	[sflag:s29] =	ssyncset.done $0x0  }
0x7b: {  	[sflag:s29] =	ssyncadd.s32 $0xFFFFFF80  }
0x7c: {  	_ =	swait.ge [sflag:s4], $0x4000  }
0x7d: {  	[sflag:s4] =	ssyncset.done $0x0  }
0x7e: {  	[sflag:s4] =	ssyncadd.s32 $0xFFFFC000  }
0x7f: {  	[spmem:s2] =	stream.indirect.scatter.add.f32 [tilespmem:s28], [sflag:$0x3], $0x80, s0, s30, $0xb8;
	[tilespmem:$0x1CB00] =	vst v63  }
0x80: {  	_ =	swait.ge [sflag:s29], $0x4000  }
0x81: {  	s20 =	sshrl.u32 s19, $0x3;
	[sflag:s29] =	ssyncset.done $0x0  }
0x82: {  	s20 =	sadd.s32 s5, s20;
	[sflag:s29] =	ssyncadd.s32 $0xFFFFC000  }
0x83: {  	[tilespmem:s3], [sflag:$0x3] =	stream.linear.gather [hbm4b:s20+s3], $0x80, $0x38;
	[tilespmem:$0x1CB00] =	vst v63  }
0x84: {  	_ =	swait.ge [sflag:s29], $0x80  }
0x85: {  	[sflag:s29] =	ssyncset.done $0x0  }
0x86: {  	[sflag:s29] =	ssyncadd.s32 $0xFFFFFF80  }
0x87: {  	[tilespmem:s28], [sflag:$0x1] =	stream.indirect.gather [hbm4b:s1+s30], $0x80, s3, s30, $0xb8;
	[tilespmem:$0x1CB00] =	vst v63  }
0x88: {  	s20 =	sadd.s32 s18, s25;
	s18 =	smov.u32 s13  }
0x89: {  	[tilespmem:s11], [sflag:$0x3] =	stream.linear.gather [hbm4b:s20+s3], $0x80, $0x38;
	[tilespmem:$0x1CB00] =	vst v63  }
0x8a: {  	_ =	swait.ge [sflag:s29], $0x80  }
0x8b: {  	[sflag:s29] =	ssyncset.done $0x0  }
0x8c: {  	[sflag:s29] =	ssyncadd.s32 $0xFFFFFF80  }
0x8d: {  	_ =	swait.ge [sflag:s12], $0x4000  }
.Ltmp1:
0x8e: {  	[sflag:s12] =	ssyncset.done $0x0;
	(pc) =	sbr.rel @p0 .LBB2_4-.Ltmp1, $4  }
0x8f: {  	[sflag:s12] =	ssyncadd.s32 $0xFFFFC000  }
0x90: {  	[spmem:s2] =	stream.indirect.scatter.add.f32 [tilespmem:s31], [sflag:$0x3], $0x80, s11, s30, $0xb8;
	[tilespmem:$0x1CB00] =	vst v63  }
0x91: {  	_ =	swait.ge [sflag:s29], $0x4000  }
0x92: {  	s19 =	sadd.s32 $0x100, s19;
	s20 =	smov.u32 s21;
	[sflag:s29] =	ssyncset.done $0x0  }
0x93: {  	s13 =	sadd.s32 s18, s26;
	[sflag:s29] =	ssyncadd.s32 $0xFFFFC000  }
0x94: {  	[tilespmem:s30], [sflag:$0x3] =	stream.linear.gather [hbm4b:s13+s3], $0x80, $0x38;
	[tilespmem:$0x1CB00] =	vst v63  }
0x95: {  	_ =	swait.ge [sflag:s29], $0x80  }
0x96: {  	[sflag:s29] =	ssyncset.done $0x0  }
0x97: {  	[sflag:s29] =	ssyncadd.s32 $0xFFFFFF80  }
0x98: {  	[tilespmem:s31], [sflag:$0x2] =	stream.indirect.gather [hbm4b:s1+s30], $0x80, s30, s30, $0xb8;
	[tilespmem:$0x1CB00] =	vst v63  }
0x99: {  	s22 =	sadd.s32 s18, s23  }
0x9a: {  	[tilespmem:s0], [sflag:$0x3] =	stream.linear.gather [hbm4b:s22+s3], $0x80, $0x38;
	[tilespmem:$0x1CB00] =	vst v63  }
0x9b: {  	_ =	swait.ge [sflag:s29], $0x80  }
0x9c: {  	[sflag:s29] =	ssyncset.done $0x0  }
0x9d: {  	[sflag:s29] =	ssyncadd.s32 $0xFFFFFF80  }
0x9e: {  	_ =	swait.ge [sflag:s4], $0x4000  }
0x9f: {  	[sflag:s4] =	ssyncset.done $0x0  }
0xa0: {  	[sflag:s4] =	ssyncadd.s32 $0xFFFFC000  }
0xa1: {  	[spmem:s2] =	stream.indirect.scatter.add.f32 [tilespmem:s28], [sflag:$0x3], $0x80, s0, s30, $0xb8;
	[tilespmem:$0x1CB00] =	vst v63  }
0xa2: {  	_ =	swait.ge [sflag:s29], $0x4000  }
0xa3: {  	s19 =	sshrl.u32 s19, $0x3;
	[sflag:s29] =	ssyncset.done $0x0  }
0xa4: {  	s13 =	sadd.s32 s5, s19;
	[sflag:s29] =	ssyncadd.s32 $0xFFFFC000  }
0xa5: {  	[tilespmem:s3], [sflag:$0x3] =	stream.linear.gather [hbm4b:s13+s3], $0x80, $0x38;
	[tilespmem:$0x1CB00] =	vst v63  }
0xa6: {  	_ =	swait.ge [sflag:s29], $0x80  }
0xa7: {  	[sflag:s29] =	ssyncset.done $0x0  }
0xa8: {  	[sflag:s29] =	ssyncadd.s32 $0xFFFFFF80  }
0xa9: {  	[tilespmem:s28], [sflag:$0x1] =	stream.indirect.gather [hbm4b:s1+s30], $0x80, s3, s30, $0xb8;
	[tilespmem:$0x1CB00] =	vst v63  }
0xaa: {  	s20 =	sadd.s32 s18, s25  }
0xab: {  	[tilespmem:s11], [sflag:$0x3] =	stream.linear.gather [hbm4b:s20+s3], $0x80, $0x38;
	[tilespmem:$0x1CB00] =	vst v63  }
0xac: {  	_ =	swait.ge [sflag:s29], $0x80  }
0xad: {  	[sflag:s29] =	ssyncset.done $0x0  }
0xae: {  	[sflag:s29] =	ssyncadd.s32 $0xFFFFFF80  }
0xaf: {  	_ =	swait.ge [sflag:s12], $0x4000  }
0xb0: {  	[sflag:s12] =	ssyncset.done $0x0  }
0xb1: {  	[sflag:s12] =	ssyncadd.s32 $0xFFFFC000  }
0xb2: {  	[spmem:s2] =	stream.indirect.scatter.add.f32 [tilespmem:s31], [sflag:$0x3], $0x80, s11, s30, $0xb8;
	[tilespmem:$0x1CB00] =	vst v63  }
0xb3: {  	_ =	swait.ge [sflag:s29], $0x4000  }
0xb4: {  	[sflag:s29] =	ssyncset.done $0x0  }
0xb5: {  	s21 =	rddreg [dreg:$0x6];
	[sflag:s29] =	ssyncadd.s32 $0xFFFFC000  }
0xb6: {  	[tilespmem:s30], [sflag:$0x3] =	stream.linear.gather [hbm4b:s21+s3], $0x80, $0x38;
	[tilespmem:$0x1CB00] =	vst v63  }
0xb7: {  	_ =	swait.ge [sflag:s29], $0x80  }
0xb8: {  	[sflag:s29] =	ssyncset.done $0x0  }
0xb9: {  	[sflag:s29] =	ssyncadd.s32 $0xFFFFFF80  }
0xba: {  	[tilespmem:s31], [sflag:$0x2] =	stream.indirect.gather [hbm4b:s1+s30], $0x80, s30, s30, $0xb8;
	[tilespmem:$0x1CB00] =	vst v63  }
0xbb: {  	s22 =	rddreg [dreg:$0x7]  }
0xbc: {  	[tilespmem:s0], [sflag:$0x3] =	stream.linear.gather [hbm4b:s22+s3], $0x80, $0x38;
	[tilespmem:$0x1CB00] =	vst v63  }
0xbd: {  	_ =	swait.ge [sflag:s29], $0x80  }
0xbe: {  	[sflag:s29] =	ssyncset.done $0x0  }
0xbf: {  	s18 =	rddreg [dreg:$0x8];
	[sflag:s29] =	ssyncadd.s32 $0xFFFFFF80  }
0xc0: {  	[tilespmem:s11], [sflag:$0x3] =	stream.linear.gather [hbm4b:s18+s3], $0x80, $0x38;
	[tilespmem:$0x1CB00] =	vst v63  }
0xc1: {  	_ =	swait.ge [sflag:s29], $0x80  }
0xc2: {  	[sflag:s29] =	ssyncset.done $0x0  }
0xc3: {  	[sflag:s29] =	ssyncadd.s32 $0xFFFFFF80  }
0xc4: {  	_ =	swait.ge [sflag:s4], $0x4000  }
0xc5: {  	[sflag:s4] =	ssyncset.done $0x0  }
0xc6: {  	[sflag:s4] =	ssyncadd.s32 $0xFFFFC000  }
0xc7: {  	[spmem:s2] =	stream.indirect.scatter.add.f32 [tilespmem:s28], [sflag:$0x3], $0x80, s0, s30, $0xb8;
	[tilespmem:$0x1CB00] =	vst v63  }
0xc8: {  	_ =	swait.ge [sflag:s29], $0x4000  }
0xc9: {  	[sflag:s29] =	ssyncset.done $0x0  }
0xca: {  	[sflag:s29] =	ssyncadd.s32 $0xFFFFC000  }
0xcb: {  	_ =	swait.ge [sflag:s12], $0x4000  }
0xcc: {  	[sflag:s12] =	ssyncset.done $0x0  }
0xcd: {  	[sflag:s12] =	ssyncadd.s32 $0xFFFFC000  }
0xce: {  	[spmem:s2] =	stream.indirect.scatter.add.f32 [tilespmem:s31], [sflag:$0x3], $0x80, s11, s30, $0xb8;
	[tilespmem:$0x1CB00] =	vst v63  }
0xcf: {  	_ =	swait.ge [sflag:s29], $0x4000  }
0xd0: {  	[sflag:s29] =	ssyncset.done $0x0  }
0xd1: {  	s20 =	simm.s32 $0x200;
	s19 =	rddreg [dreg:$0xe];
	[sflag:s29] =	ssyncadd.s32 $0xFFFFC000  }
0xd2: {  	[tilespmem:s20], [sflag:$0x3] =	stream.linear.gather [hbm4b:s19+s3], $0x10, $0x38;
	[tilespmem:$0x1CB00] =	vst v63  }
0xd3: {  	_ =	swait.ge [sflag:s29], $0x10  }
0xd4: {  	[sflag:s29] =	ssyncset.done $0x0  }
0xd5: {  	s21 =	rddreg [dreg:$0xf];
	[sflag:s29] =	ssyncadd.s32 $0xFFFFFFF0  }
0xd6: {  	[tilespmem:s14], [sflag:$0x3] =	stream.linear.gather [hbm4b:s21+s3], $0x10, $0x38;
	[tilespmem:$0x1CB00] =	vst v63  }
0xd7: {  	_ =	swait.ge [sflag:s29], $0x10  }
0xd8: {  	[sflag:s29] =	ssyncset.done $0x0  }
0xd9: {  	[sflag:s29] =	ssyncadd.s32 $0xFFFFFFF0  }
0xda: {  	[tilespmem:s16], [sflag:$0x1] =	stream.indirect.gather [hbm4b:s1+s15], $0x80, s20, s15, $0xb8;
	[tilespmem:$0x1CB00] =	vst v63  }
0xdb: {  	_ =	swait.ge [sflag:s4], $0x800  }
0xdc: {  	[sflag:s4] =	ssyncset.done $0x0  }
0xdd: {  	[sflag:s4] =	ssyncadd.s32 $0xFFFFF800  }
0xde: {  	[spmem:s2] =	stream.indirect.scatter.add.f32 [tilespmem:s16], [sflag:$0x3], $0x80, s14, s15, $0xb8;
	[tilespmem:$0x1CB00] =	vst v63  }
0xdf: {  	_ =	swait.ge [sflag:s29], $0x800  }
0xe0: {  	[sflag:s29] =	ssyncset.done $0x0  }
0xe1: {  	[sflag:s29] =	ssyncadd.s32 $0xFFFFF800  }
0xe2: {  	[bflag:$0x0] =	sbarrier.arrive $0xFFFF  }
0xe3: {  	[tilespmem:s28], [sflag:$0x3] =	stream.linear.gather [spmem:s6], $0x4000, $0x38;
	[tilespmem:$0x1CB00] =	vst v63  }
0xe4: {  	_ =	swait.ge [sflag:s29], $0x4000  }
0xe5: {  	[sflag:s29] =	ssyncset.done $0x0  }
0xe6: {  	s22 =	rddreg [dreg:$0x9];
	[sflag:s29] =	ssyncadd.s32 $0xFFFFC000  }
0xe7: {  	[hbm4b:s22+s3] =	stream.linear.scatter [tilespmem:s28], [sflag:$0x3], $0x4000, $0x38;
	[tilespmem:$0x1CB00] =	vst v63  }
0xe8: {  	_ =	swait.ge [sflag:s29], $0x4000  }
0xe9: {  	[sflag:s29] =	ssyncset.done $0x0  }
0xea: {  	[sflag:s29] =	ssyncadd.s32 $0xFFFFC000  }
0xeb: {  	[tilespmem:s28], [sflag:$0x3] =	stream.linear.gather [spmem:s7], $0x4000, $0x38;
	[tilespmem:$0x1CB00] =	vst v63  }
0xec: {  	_ =	swait.ge [sflag:s29], $0x4000  }
0xed: {  	[sflag:s29] =	ssyncset.done $0x0  }
0xee: {  	s18 =	rddreg [dreg:$0xa];
	[sflag:s29] =	ssyncadd.s32 $0xFFFFC000  }
0xef: {  	[hbm4b:s18+s3] =	stream.linear.scatter [tilespmem:s28], [sflag:$0x3], $0x4000, $0x38;
	[tilespmem:$0x1CB00] =	vst v63  }
0xf0: {  	_ =	swait.ge [sflag:s29], $0x4000  }
0xf1: {  	[sflag:s29] =	ssyncset.done $0x0  }
0xf2: {  	[sflag:s29] =	ssyncadd.s32 $0xFFFFC000  }
0xf3: {  	[tilespmem:s28], [sflag:$0x3] =	stream.linear.gather [spmem:s8], $0x4000, $0x38;
	[tilespmem:$0x1CB00] =	vst v63  }
0xf4: {  	_ =	swait.ge [sflag:s29], $0x4000  }
0xf5: {  	[sflag:s29] =	ssyncset.done $0x0  }
0xf6: {  	s19 =	rddreg [dreg:$0xb];
	[sflag:s29] =	ssyncadd.s32 $0xFFFFC000  }
0xf7: {  	[hbm4b:s19+s3] =	stream.linear.scatter [tilespmem:s28], [sflag:$0x3], $0x4000, $0x38;
	[tilespmem:$0x1CB00] =	vst v63  }
0xf8: {  	_ =	swait.ge [sflag:s29], $0x4000  }
0xf9: {  	[sflag:s29] =	ssyncset.done $0x0  }
0xfa: {  	[sflag:s29] =	ssyncadd.s32 $0xFFFFC000  }
0xfb: {  	[tilespmem:s28], [sflag:$0x3] =	stream.linear.gather [spmem:s9], $0x4000, $0x38;
	[tilespmem:$0x1CB00] =	vst v63  }
0xfc: {  	_ =	swait.ge [sflag:s29], $0x4000  }
0xfd: {  	[sflag:s29] =	ssyncset.done $0x0  }
0xfe: {  	s20 =	rddreg [dreg:$0xc];
	[sflag:s29] =	ssyncadd.s32 $0xFFFFC000  }
0xff: {  	[hbm4b:s20+s3] =	stream.linear.scatter [tilespmem:s28], [sflag:$0x3], $0x4000, $0x38;
	[tilespmem:$0x1CB00] =	vst v63  }
0x100: {  	_ =	swait.ge [sflag:s29], $0x4000  }
0x101: {  	[sflag:s29] =	ssyncset.done $0x0  }
0x102: {  	[sflag:s29] =	ssyncadd.s32 $0xFFFFC000  }
0x103: {  	[tilespmem:s28], [sflag:$0x3] =	stream.linear.gather [spmem:s10], $0x4000, $0x38;
	[tilespmem:$0x1CB00] =	vst v63  }
0x104: {  	_ =	swait.ge [sflag:s29], $0x4000  }
0x105: {  	[sflag:s29] =	ssyncset.done $0x0  }
0x106: {  	s21 =	rddreg [dreg:$0xd];
	[sflag:s29] =	ssyncadd.s32 $0xFFFFC000  }
0x107: {  	[hbm4b:s21+s3] =	stream.linear.scatter [tilespmem:s28], [sflag:$0x3], $0x4000, $0x38;
	[tilespmem:$0x1CB00] =	vst v63  }
0x108: {  	_ =	swait.ge [sflag:s29], $0x4000  }
0x109: {  	s17 =	sadd.s32 $0x1, s17;
	s22 =	rddreg [dreg:$0x10]  }
0x10a: {  	p0 =	sne.s32 s17, s22  }
.Ltmp2:
0x10b: {  	_ = 	snop;
	(pc) =	sbr.rel @p0 .LBB2_1-.Ltmp2, $3  }
0x10c: {  	_ =	sdelay $0x1  }
0x10d: {  	[sflag:s29] =	ssyncset.done $0x0  }
0x10e: {  	[sflag:s29] =	ssyncadd.s32 $0xFFFFC000  }
0x10f: {  	_ =	sfence.sel $0x180000  }
0x110: {  	[bflag:$0x0] =	sbarrier.arrive $0xFFFF  }
0x111: {  	_ =	strace $0x9000004D  }
0x112: {  	s0 =	stileid.u32;
	[bflag:$0x2] =	sbarrier.arrive $0xFFFF  }
0x113: {  	p0 =	sne.s32 s0, $0x0;
	s0 =	rddreg [dreg:$0x4]  }
0x114: {  	s0 =	sadd.s32 @!p0 $0x100000, s0  }
0x115: {  	[sflag:s0] =	ssyncadd.tile.s32 @!p0 $0x1;
	_ =	shalt  }
.Lfunc_end2:
_tile_overlayer_lowered:
.L_overlay_start_2:
0x116: {  	(tag) =	ssettag $0x2  }
0x117: {  	s0 =	rddreg [dreg:$0x0];
	s2 =	stileid.u32  }
0x118: {  	s1 =	rddreg [dreg:$0x1];
	p0 =	sne.s32 s2, $0x0  }
0x119: {  	s3 =	rddreg [dreg:$0x2];
	[bflag:$0x3] =	sbarrier.arrive $0xFFFF;
	s2 =	simm.s32 @!p0 $0x1C03  }
0x11a: {  	[timem:s3], [sflag:s2] =	dma.local @!p0 [hbm:s0], s1  }
0x11b: {  	s0 =	simm.s32 @!p0 $0x3  }
0x11c: {  	_ =	swait.ge @!p0 [sflag:s0], s1  }
0x11d: {  	s1 =	ssub.s32 @!p0 $0x0, s1;
	[sflag:s0] =	ssyncset.done @!p0 $0x0  }
0x11e: {  	[sflag:s0] =	ssyncadd.s32 @!p0 s1  }
0x11f: {  	[bflag:$0x3] =	sbarrier.arrive $0xFFFF  }
0x120: {  	_ =	shalt  }

// kernel: kernel.19.cloned.1.call-start
scs
__scs_entry_jumppad:
0x0: {  	(pc) =	sbr.rel $0x88, $3  }
0x1: {  	(tag) =	ssettag $0x0;
	lr =	simm.s32 $0x1  }
0x2: {  	[smem:$0x3F99] =	sst lr;
	_ =	strace $0xD0000000  }
0x3: {  	_ = 	snop  }
0x4: {  	_ = 	snop  }
0x5: {  	_ = 	snop  }
0x6: {  	_ = 	snop  }
0x7: {  	_ = 	snop  }
__scs_overlays_trampoline_lowered:
0x8: {  	[smem:$0x3FA8] =	sst s0  }
0x9: {  	[smem:$0x3FA9] =	sst s1  }
0xa: {  	[smem:$0x3FAA] =	sst s2  }
0xb: {  	[smem:$0x3FAB] =	sst s3  }
0xc: {  	[smem:$0x3FAC] =	sst s4  }
0xd: {  	[smem:$0x3FAD] =	sst s5  }
0xe: {  	[smem:$0x3FAE] =	sst s6  }
0xf: {  	[smem:$0x3FAF] =	sst s7  }
0x10: {  	[smem:$0x3FB0] =	sst s8  }
0x11: {  	[smem:$0x3FB1] =	sst s9;
	s0 =	simm.s32 @!p0 $0x0  }
0x12: {  	s1 =	sld [smem:$0x3F97];
	s0 =	simm.s32 @p0 $0x1  }
0x13: {  	[smem:$0x3FB2] =	sst s0;
	s0 =	simm.s32 @!p1 $0x0  }
0x14: {  	s2 =	sld [smem:$0x3F96];
	s0 =	simm.s32 @p1 $0x1  }
0x15: {  	[smem:$0x3FB3] =	sst s0;
	s0 =	simm.s32 @!p2 $0x0  }
0x16: {  	s3 =	sld [smem:$0x3FDB];
	s0 =	simm.s32 @p2 $0x1  }
0x17: {  	s4 =	simm.s32 $0x1BF5;
	[smem:$0x3FB5] =	sst s0  }
0x18: {  	s0 =	sld [smem:$0x3F98];
	_ =	swait.ge [sflag:s4], $0x0  }
0x19: {  	s7 =	sld [smem:$0x3F99]  }
0x1a: {  	s8 =	sadd.s32 $0xFFFFE003, lr  }
0x1b: {  	s9 =	sadd.s32 $0xFFFFFEF7, lr;
	s5 =	simm.s32 $0xFFFFFFFF;
	p2 =	slt.u32 s8, $0xFFFFF086  }
0x1c: {  	p1 =	slt.u32 s9, $0xF7A;
	s5 =	simm.s32 @!p2 $0x0  }
0x1d: {  	s5 =	simm.s32 @p1 $0x1;
	p0 =	seq.s32 s7, s2  }
0x1e: {  	s7 =	smul.u32 @!p0 $0xF7A, s2;
	p2 =	seq.s32 @!p0 s5, $0x0  }
0x1f: {  	s9 =	smul.u32 $0xF7A, s1;
	s8 =	simm.s32 @!p0 $0x1BF5;
	p2 =	por !p2, p0  }
0x20: {  	[sflag:s8] =	ssyncset.s32 @!p0 $0xFFFFF086;
	s6 =	sadd.s32 @!p0 s3, s7;
	s7 =	simm.s32 @!p0 $0x108  }
0x21: {  	s3 =	sadd.s32 s3, s9;
	s6 =	sadd.s32 @!p0 $0x88, s6;
	s7 =	simm.s32 @p2 $0x1082  }
0x22: {  	[simem:s7], [sflag:s8] =	dma.local @!p0 [hbm:s6], $0xF7A  }
0x23: {  	s9 =	sor.u32 $0xD0000000, s2;
	s6 =	simm.s32 $0x108;
	_ =	swait.ge @!p0 [sflag:s8], $0x0  }
0x24: {  	s3 =	sadd.s32 $0x88, s3;
	s6 =	simm.s32 @!p1 $0x1082;
	[sflag:s4] =	ssyncset.s32 $0xFFFFF086  }
0x25: {  	[simem:s6], [sflag:s4] =	dma.local [hbm:s3], $0xF7A  }
0x26: {  	[smem:$0x3F99] =	sst s1;
	(tag) =	ssettag s2;
	_ =	strace s9  }
0x27: {  	s1 =	sld [smem:$0x3FA9]  }
0x28: {  	s2 =	sld [smem:$0x3FAA]  }
0x29: {  	s4 =	sld [smem:$0x3FAC]  }
0x2a: {  	p0 =	seq.s32 s5, $0x0;
	s5 =	sld [smem:$0x3FAD]  }
0x2b: {  	s6 =	sld [smem:$0x3FAE]  }
0x2c: {  	s7 =	sld [smem:$0x3FAF]  }
0x2d: {  	s3 =	simm.s32 $0x108;
	s8 =	sld [smem:$0x3FB0]  }
0x2e: {  	s3 =	simm.s32 @!p0 $0x1082;
	s9 =	sld [smem:$0x3FB1]  }
0x2f: {  	lr =	sadd.s32 s0, s3;
	s0 =	sld [smem:$0x3FA8]  }
0x30: {  	s3 =	sld [smem:$0x3FAB]  }
0x31: {  	[smem:$0x3FB4] =	sst s10  }
0x32: {  	s10 =	sld [smem:$0x3FB2];
	_ =	sdelay $0x3  }
0x33: {  	p0 =	seq.s32 s10, $0x1;
	s10 =	sld [smem:$0x3FB4];
	_ =	sdelay $0x3  }
0x34: {  	[smem:$0x3FB4] =	sst s10  }
0x35: {  	s10 =	sld [smem:$0x3FB3];
	_ =	sdelay $0x3  }
0x36: {  	p1 =	seq.s32 s10, $0x1;
	s10 =	sld [smem:$0x3FB4];
	_ =	sdelay $0x3  }
0x37: {  	[smem:$0x3FB4] =	sst s10  }
0x38: {  	s10 =	sld [smem:$0x3FB5]  }
0x39: {  	_ = 	snop;
	(pc) =	sbr.ind lr, $3  }
0x3a: {  	_ = 	snop  }
0x3b: {  	_ = 	snop  }
0x3c: {  	p2 =	seq.s32 s10, $0x1;
	s10 =	sld [smem:$0x3FB4]  }
0x3d: {  	_ =	shalt  }
0x3e: {  	_ =	shalt  }
0x3f: {  	_ =	shalt  }
0x40: {  	_ =	shalt  }
0x41: {  	_ =	shalt  }
0x42: {  	_ =	shalt  }
0x43: {  	_ =	shalt  }
0x44: {  	_ =	shalt  }
0x45: {  	_ =	shalt  }
0x46: {  	_ =	shalt  }
0x47: {  	_ =	shalt  }
0x48: {  	_ =	shalt  }
0x49: {  	_ =	shalt  }
0x4a: {  	_ =	shalt  }
0x4b: {  	_ =	shalt  }
0x4c: {  	_ =	shalt  }
0x4d: {  	_ =	shalt  }
0x4e: {  	_ =	shalt  }
0x4f: {  	_ =	shalt  }
0x50: {  	_ =	shalt  }
0x51: {  	_ =	shalt  }
0x52: {  	_ =	shalt  }
0x53: {  	_ =	shalt  }
0x54: {  	_ =	shalt  }
0x55: {  	_ =	shalt  }
0x56: {  	_ =	shalt  }
0x57: {  	_ =	shalt  }
0x58: {  	_ =	shalt  }
0x59: {  	_ =	shalt  }
0x5a: {  	_ =	shalt  }
0x5b: {  	_ =	shalt  }
0x5c: {  	_ =	shalt  }
0x5d: {  	_ =	shalt  }
0x5e: {  	_ =	shalt  }
0x5f: {  	_ =	shalt  }
0x60: {  	_ =	shalt  }
0x61: {  	_ =	shalt  }
0x62: {  	_ =	shalt  }
0x63: {  	_ =	shalt  }
0x64: {  	_ =	shalt  }
0x65: {  	_ =	shalt  }
0x66: {  	_ =	shalt  }
0x67: {  	_ =	shalt  }
0x68: {  	_ =	shalt  }
0x69: {  	_ =	shalt  }
0x6a: {  	_ =	shalt  }
0x6b: {  	_ =	shalt  }
0x6c: {  	_ =	shalt  }
0x6d: {  	_ =	shalt  }
0x6e: {  	_ =	shalt  }
0x6f: {  	_ =	shalt  }
0x70: {  	_ =	shalt  }
0x71: {  	_ =	shalt  }
0x72: {  	_ =	shalt  }
0x73: {  	_ =	shalt  }
0x74: {  	_ =	shalt  }
0x75: {  	_ =	shalt  }
0x76: {  	_ =	shalt  }
0x77: {  	_ =	shalt  }
0x78: {  	_ =	shalt  }
0x79: {  	_ =	shalt  }
0x7a: {  	_ =	shalt  }
0x7b: {  	_ =	shalt  }
0x7c: {  	_ =	shalt  }
0x7d: {  	_ =	shalt  }
0x7e: {  	_ =	shalt  }
0x7f: {  	_ =	shalt  }
0x80: {  	_ =	shalt  }
0x81: {  	_ =	shalt  }
0x82: {  	_ =	shalt  }
0x83: {  	_ =	shalt  }
0x84: {  	_ =	shalt  }
0x85: {  	_ =	shalt  }
0x86: {  	_ =	shalt  }
0x87: {  	_ =	shalt  }
.Lfunc_end0:
.L_simem_size_0:
called_computation.3_lowered:
.L_overlay_start_0:
0x88: {  	s2 =	sld [smem:$0x3FD9]  }
0x89: {  	s3 =	sld [smem:$0x3FFE];
	_ =	sdelay $0x1  }
0x8a: {  	s1 =	srdreg.scid  }
0x8b: {  	s0 =	sand.u32 $0x1, s1  }
0x8c: {  	s14 =	sshll.u32 s0, $0xA;
	s2 =	sadd.s32 s3, s2  }
0x8d: {  	s2 =	sadd.s32 s2, s14  }
0x8e: {  	[smem:$0x3FC0] =	sst s2  }
0x8f: {  	_ = 	snop  }
0x90: {  	s2 =	sld [smem:$0x3FD0];
	_ =	sdelay $0x2  }
0x91: {  	s15 =	simm.s32 $0xA;
	s4 =	simm.s32 $0x10  }
0x92: {  	[smem:s4], [sflag:s15] =	dma.local [hbm:s2], $0x1  }
0x93: {  	_ =	swait.eq [sflag:s15], $0x1  }
0x94: {  	[sflag:s15] =	ssyncset.done $0x0  }
0x95: {  	[sflag:s15] =	ssyncadd.s32 $0xFFFFFFFF  }
0x96: {  	s16 =	sld [smem:$0x11];
	(tm) =	ssettm $0x1  }
0x97: {  	s17 =	sld [smem:$0x3FFB];
	_ =	sdelay $0x3  }
0x98: {  	_ =	strace s17  }
0x99: {  	s3 =	sld [smem:$0x3FFC];
	_ =	sdelay $0x3  }
0x9a: {  	_ =	strace s3  }
0x9b: {  	s3 =	sld [smem:$0x3FFD];
	_ =	sdelay $0x3  }
0x9c: {  	_ =	strace s3  }
0x9d: {  	_ =	strace $0x8FFFFFFF  }
0x9e: {  	s18 =	sld [smem:$0x3FDB];
	_ =	sdelay $0x1  }
0x9f: {  	s19 =	simm.s32 $_scs_section_size  }
0xa0: {  	s5 =	simm.s32 $_size__tile_overlayer_lowered;
	s6 =	simm.s32 $_tile_overlayer_lowered  }
0xa1: {  	s22 =	simm.s32 $0x1BFF;
	s21 =	sshll.u32 s6, $0x1;
	s3 =	sadd.s32 s19, s18  }
0xa2: {  	s7 =	simm.s32 $0x0;
	s20 =	sshll.u32 s5, $0x1;
	s5 =	sadd.s32 s21, s3  }
0xa3: {  	[timem:s7], [sflag:s22] =	dma.local [hbm:s5], s20  }
0xa4: {  	_ =	swait.ge [sflag:s22], s20  }
0xa5: {  	s4 =	ssub.s32 $0x0, s20;
	[sflag:s22] =	ssyncset.done $0x0  }
0xa6: {  	[sflag:s22] =	ssyncadd.s32 s4;
	_ =	sdelay $0x1  }
0xa7: {  	s23 =	simm.s32 $0x1B8B  }
0xa8: {  	_ =	swait.ge [sflag:s23], $0x1  }
0xa9: {  	[sflag:s23] =	ssyncset.done $0x0  }
0xaa: {  	s25 =	simm.s32 $0x1B8E;
	s24 =	sld [smem:$0x3FFE];
	[sflag:s23] =	ssyncadd.s32 $0xFFFFFFFF  }
0xab: {  	s26 =	simm.s32 $execute0_lowered;
	[smem:$0x3FD2] =	sst s25  }
0xac: {  	s5 =	sshll.u32 s26, $0x1;
	_ =	strace $0x8000004F;
	[dreg:$0x1] =	wrdreg $0xFFFFFFFF  }
0xad: {  	s28 =	simm.s32 $_size_execute0_lowered;
	s3 =	sadd.s32 s3, s5;
	[dreg:$0x0] =	wrdreg $0x0  }
0xae: {  	s5 =	sshll.u32 s28, $0x1;
	[dreg:$0x2] =	wrdreg s3  }
0xaf: {  	[dreg:$0x3] =	wrdreg s5  }
0xb0: {  	[dreg:$0x4] =	wrdreg $0xC0  }
0xb1: {  	_ =	task [dreg:s7], $0x5FFFF  }
0xb2: {  	[dreg:$0x1] =	wrdreg $0xFFFFFFFF  }
0xb3: {  	[dreg:$0x0] =	wrdreg $0x60  }
0xb4: {  	[dreg:$0x2] =	wrdreg s24  }
0xb5: {  	[dreg:$0x3] =	wrdreg s16  }
0xb6: {  	[dreg:$0x4] =	wrdreg $0x8B000  }
0xb7: {  	[dreg:$0x5] =	wrdreg $0x9  }
0xb8: {  	_ =	task.clear_ibuf [dreg:s7], $0x6FFFF;
	_ =	strace $0x9000004F  }
0xb9: {  	s29 =	simm.s32 $0x9;
	_ =	strace $0x80000051  }
0xba: {  	_ =	swait.ge [sflag:s29], $0x1  }
0xbb: {  	[sflag:s29] =	ssyncadd.s32 $0xFFFFFFFF  }
0xbc: {  	_ =	strace $0x90000051  }
0xbd: {  	_ =	sfence  }
0xbe: {  	s30 =	sld [smem:$0x0];
	_ =	sdelay $0x2  }
0xbf: {  	s31 =	sshll.u32 s1, $0xD;
	s1 =	sshrl.u32 s1, $0x2  }
0xc0: {  	s3 =	sand.u32 $0x4000, s31;
	s1 =	sadd.s32 s1, s30  }
0xc1: {  	s0 =	sor.u32 s3, s0;
	s1 =	sshll.u32 s1, $0x11  }
0xc2: {  	s0 =	sor.u32 s1, s0  }
0xc3: {  	s0 =	sadd.s32 $0x8F2B, s0  }
0xc4: {  	[sflag:s0] =	ssyncadd.remote.s32 $0x1  }
0xc5: {  	_ =	sfence.sel $0xFFFF  }
0xc6: {  	[dreg:$0x0] =	wrdreg $0xFFFFFFFF;
	(pc) =	sbr.abs _section_cstart, $3  }
0xc7: {  	[dreg:$0x1] =	wrdreg $0xFFFFFFFF  }
0xc8: {  	_ =	task.clear_ibuf [dreg:s7], $0x2FFFF;
	_ =	strace $0x9FFFFFFF  }
0xc9: {  	(tm) =	ssettm $0x7FFFFFFF  }
tec
execute0_lowered:
.L_overlay_start_1:
0x0: {  	(tag) =	ssettag $0x1  }
0x1: {  	s3 =	rddreg [dreg:$0x0]  }
0x2: {  	s0 =	rddreg [dreg:$0x1]  }
0x3: {  	s1 =	rddreg [dreg:$0x2];
	s2 =	simm.s32 $0x0  }
0x4: {  	s6 =	srdreg.scid;
	s22 =	stileid.u32;
	s28 =	simm.s32 $0x300  }
0x5: {  	s29 =	simm.s32 $0x3;
	s30 =	simm.s32 $0x80;
	s31 =	simm.s32 $0x4300  }
0x6: {  	[smem:$0x7FF] =	sst s2;
	s4 =	sadd.s32 $0xD000, s3;
	s5 =	sadd.s32 $0x3200, s3  }
0x7: {  	s11 =	sand.u32 $0x1, s6;
	s7 =	sshll.u32 s22, $0x1;
	s8 =	smul.u32 $0x50000, s22  }
0x8: {  	s12 =	smul.u32 $0x14000, s22;
	s3 =	sadd.s32 $0xAD000, s3;
	s6 =	ssub.s32 $0x2, s11  }
0x9: {  	_ =	strace $0x80000050;
	s7 =	sor.u32 s11, s7;
	s9 =	sshrl.u32 s6, $0x1  }
0xa: {  	s21 =	smul.u32 $0x2710, s7;
	s23 =	sshrl.u32 s8, $0x2;
	s14 =	sadd.s32 $0x4000, s12  }
0xb: {  	s15 =	sadd.s32 $0x8000, s12;
	s16 =	sadd.s32 $0xC000, s12;
	s17 =	sadd.s32 $0x10000, s12  }
0xc: {  	s13 =	ssub.s32 s6, s9;
	s6 =	sadd.s32 s23, s1;
	s7 =	sadd.s32 s14, s1  }
0xd: {  	s8 =	sadd.s32 s15, s1;
	s18 =	sshrl.u32 s21, $0x3;
	s21 =	smul.u32 $0x140000, s11  }
0xe: {  	s9 =	sadd.s32 s16, s1;
	s10 =	sadd.s32 s17, s1;
	s11 =	smul.u32 $0x2710, s11  }
0xf: {  	s19 =	sadd.s32 s5, s18;
	s24 =	sadd.s32 $0x4D0, s18;
	s20 =	sadd.s32 s0, s18  }
0x10: {  	s18 =	sadd.s32 $0x4E0, s18;
	[dreg:$0x4] =	wrdreg s19;
	s23 =	sadd.s32 s5, s24  }
0x11: {  	s20 =	sadd.s32 $0x4C0, s20;
	s19 =	sadd.s32 s0, s24;
	[dreg:$0x5] =	wrdreg s23  }
0x12: {  	s12 =	sadd.s32 s12, s21;
	s14 =	sadd.s32 s21, s14;
	[dreg:$0x6] =	wrdreg s20  }
0x13: {  	s15 =	sadd.s32 s21, s15;
	[dreg:$0x7] =	wrdreg s19;
	s12 =	sshrl.u32 s12, $0x3  }
0x14: {  	s26 =	sshrl.u32 s15, $0x3;
	s15 =	sadd.s32 s21, s16;
	s20 =	sadd.s32 s5, s18  }
0x15: {  	s16 =	sadd.s32 s21, s17;
	s21 =	sadd.s32 s0, s18;
	[dreg:$0xd] =	wrdreg s20  }
0x16: {  	s14 =	sshrl.u32 s14, $0x3;
	s23 =	smax.u32 s13, $0x1;
	[dreg:$0xe] =	wrdreg s21  }
0x17: {  	s17 =	smul.u32 $0x4E20, s22;
	s12 =	sadd.s32 s3, s12;
	[dreg:$0xf] =	wrdreg s23  }
0x18: {  	s25 =	sadd.s32 s3, s14;
	s14 =	sshrl.u32 s15, $0x3;
	[dreg:$0x8] =	wrdreg s12  }
0x19: {  	s15 =	sshrl.u32 s16, $0x3;
	s16 =	simm.s32 $0x8300;
	[dreg:$0x9] =	wrdreg s25  }
0x1a: {  	s12 =	sadd.s32 s3, s26;
	s19 =	sadd.s32 s3, s14;
	s3 =	sadd.s32 s3, s15  }
0x1b: {  	s22 =	sadd.s32 s11, s17;
	s11 =	simm.s32 $0x180;
	[dreg:$0xa] =	wrdreg s12  }
0x1c: {  	s14 =	simm.s32 $0x280;
	s15 =	simm.s32 $0x10;
	[dreg:$0xb] =	wrdreg s19  }
0x1d: {  	s17 =	simm.s32 $0x0;
	[dreg:$0xc] =	wrdreg s3;
	s24 =	sshrl.u32 s22, $0x3  }
0x1e: {  	s25 =	sadd.s32 $0x80, s22;
	s3 =	simm.s32 $0x1;
	s12 =	simm.s32 $0x2  }
0x1f: {  	s23 =	sadd.s32 s24, s0;
	s24 =	sadd.s32 $0x100, s22;
	s26 =	sshrl.u32 s25, $0x3  }
0x20: {  	v0 =	vimm.f32 $0.0e+00;
	s25 =	sadd.s32 s26, s0;
	s26 =	sadd.s32 s26, s5;
	s0 =	simm.s32 $0x100  }
.LBB2_1:
0x21: {  	s18 =	simm.s32 $0x0;
	s19 =	simm.s32 $0x200  }
.LBB2_2:
0x22: {  	p0 =	sne.s32 s19, $0xFE00;
	[tilespmem:s18+$0x370] =	vst v0  }
0x23: {  	[tilespmem:s18+$0x300] =	vst v0  }
0x24: {  	[tilespmem:s18+$0x310] =	vst v0  }
.Ltmp0:
0x25: {  	[tilespmem:s18+$0x320] =	vst v0;
	(pc) =	sbr.rel @p0 .LBB2_2-.Ltmp0, $4  }
0x26: {  	[tilespmem:s18+$0x330] =	vst v0  }
0x27: {  	[tilespmem:s18+$0x340] =	vst v0  }
0x28: {  	[tilespmem:s18+$0x350] =	vst v0  }
0x29: {  	[tilespmem:s18+$0x360] =	vst v0;
	s18 =	sshra.s32 s19, $0x2;
	s19 =	sadd.s32 $0x200, s19  }
0x2a: {  	[tilespmem:s18+$0x370] =	vst v0  }
0x2b: {  	[tilespmem:s18+$0x300] =	vst v0  }
0x2c: {  	[tilespmem:s18+$0x310] =	vst v0  }
0x2d: {  	[tilespmem:s18+$0x320] =	vst v0  }
0x2e: {  	[tilespmem:s18+$0x330] =	vst v0  }
0x2f: {  	[tilespmem:s18+$0x340] =	vst v0  }
0x30: {  	[tilespmem:s18+$0x350] =	vst v0  }
0x31: {  	[tilespmem:s18+$0x360] =	vst v0  }
0x32: {  	[spmem:s6] =	stream.linear.scatter [tilespmem:s28], [sflag:$0x3], $0x4000, $0x38;
	[tilespmem:$0x1CB00] =	vst v63  }
0x33: {  	_ =	swait.ge [sflag:s29], $0x4000  }
0x34: {  	[sflag:s29] =	ssyncset.done $0x0  }
0x35: {  	[sflag:s29] =	ssyncadd.s32 $0xFFFFC000  }
0x36: {  	[spmem:s7] =	stream.linear.scatter [tilespmem:s28], [sflag:$0x3], $0x4000, $0x38;
	[tilespmem:$0x1CB00] =	vst v63  }
0x37: {  	_ =	swait.ge [sflag:s29], $0x4000  }
0x38: {  	[sflag:s29] =	ssyncset.done $0x0  }
0x39: {  	[sflag:s29] =	ssyncadd.s32 $0xFFFFC000  }
0x3a: {  	[spmem:s8] =	stream.linear.scatter [tilespmem:s28], [sflag:$0x3], $0x4000, $0x38;
	[tilespmem:$0x1CB00] =	vst v63  }
0x3b: {  	_ =	swait.ge [sflag:s29], $0x4000  }
0x3c: {  	[sflag:s29] =	ssyncset.done $0x0  }
0x3d: {  	[sflag:s29] =	ssyncadd.s32 $0xFFFFC000  }
0x3e: {  	[spmem:s9] =	stream.linear.scatter [tilespmem:s28], [sflag:$0x3], $0x4000, $0x38;
	[tilespmem:$0x1CB00] =	vst v63  }
0x3f: {  	_ =	swait.ge [sflag:s29], $0x4000  }
0x40: {  	[sflag:s29] =	ssyncset.done $0x0  }
0x41: {  	[sflag:s29] =	ssyncadd.s32 $0xFFFFC000  }
0x42: {  	[spmem:s10] =	stream.linear.scatter [tilespmem:s28], [sflag:$0x3], $0x4000, $0x38;
	[tilespmem:$0x1CB00] =	vst v63  }
0x43: {  	_ =	swait.ge [sflag:s29], $0x4000  }
0x44: {  	[sflag:s29] =	ssyncset.done $0x0  }
0x45: {  	[sflag:s29] =	ssyncadd.s32 $0xFFFFC000  }
0x46: {  	[bflag:$0x0] =	sbarrier.arrive $0xFFFF  }
0x47: {  	s22 =	simm.s32 $0x0;
	s13 =	rddreg [dreg:$0x4]  }
0x48: {  	[tilespmem:s22], [sflag:$0x3] =	stream.linear.gather [hbm4b:s13+s22], $0x80, $0x38;
	[tilespmem:$0x1CB00] =	vst v63  }
0x49: {  	_ =	swait.ge [sflag:s29], $0x80  }
0x4a: {  	[sflag:s29] =	ssyncset.done $0x0  }
0x4b: {  	[sflag:s29] =	ssyncadd.s32 $0xFFFFFF80  }
0x4c: {  	[tilespmem:s28], [sflag:$0x1] =	stream.indirect.gather [hbm4b:s4+s30], $0x80, s22, s30, $0xb8;
	[tilespmem:$0x1CB00] =	vst v63  }
0x4d: {  	s19 =	sadd.s32 $0x0, s26  }
0x4e: {  	[tilespmem:s30], [sflag:$0x3] =	stream.linear.gather [hbm4b:s19+s2], $0x80, $0x38;
	[tilespmem:$0x1CB00] =	vst v63  }
0x4f: {  	_ =	swait.ge [sflag:s29], $0x80  }
0x50: {  	[sflag:s29] =	ssyncset.done $0x0  }
0x51: {  	[sflag:s29] =	ssyncadd.s32 $0xFFFFFF80  }
0x52: {  	[tilespmem:s31], [sflag:$0x2] =	stream.indirect.gather [hbm4b:s4+s30], $0x80, s30, s30, $0xb8;
	[tilespmem:$0x1CB00] =	vst v63  }
0x53: {  	s20 =	sadd.s32 $0x0, s23  }
0x54: {  	[tilespmem:s0], [sflag:$0x3] =	stream.linear.gather [hbm4b:s20+s2], $0x80, $0x38;
	[tilespmem:$0x1CB00] =	vst v63  }
0x55: {  	_ =	swait.ge [sflag:s29], $0x80  }
0x56: {  	[sflag:s29] =	ssyncset.done $0x0  }
0x57: {  	[sflag:s29] =	ssyncadd.s32 $0xFFFFFF80  }
0x58: {  	_ =	swait.ge [sflag:s3], $0x4000  }
0x59: {  	[sflag:s3] =	ssyncset.done $0x0  }
0x5a: {  	[sflag:s3] =	ssyncadd.s32 $0xFFFFC000  }
0x5b: {  	[spmem:s1] =	stream.indirect.scatter.add.f32 [tilespmem:s28], [sflag:$0x3], $0x80, s0, s30, $0xb8;
	[tilespmem:$0x1CB00] =	vst v63  }
0x5c: {  	_ =	swait.ge [sflag:s29], $0x4000  }
0x5d: {  	s21 =	sshrl.u32 s24, $0x3;
	[sflag:s29] =	ssyncset.done $0x0  }
0x5e: {  	s18 =	sadd.s32 s5, s21;
	[sflag:s29] =	ssyncadd.s32 $0xFFFFC000  }
0x5f: {  	[tilespmem:s2], [sflag:$0x3] =	stream.linear.gather [hbm4b:s18+s2], $0x80, $0x38;
	[tilespmem:$0x1CB00] =	vst v63  }
0x60: {  	_ =	swait.ge [sflag:s29], $0x80  }
0x61: {  	[sflag:s29] =	ssyncset.done $0x0  }
0x62: {  	[sflag:s29] =	ssyncadd.s32 $0xFFFFFF80  }
0x63: {  	[tilespmem:s28], [sflag:$0x1] =	stream.indirect.gather [hbm4b:s4+s30], $0x80, s2, s30, $0xb8;
	[tilespmem:$0x1CB00] =	vst v63  }
0x64: {  	s22 =	sadd.s32 $0x0, s25  }
0x65: {  	[tilespmem:s11], [sflag:$0x3] =	stream.linear.gather [hbm4b:s22+s2], $0x80, $0x38;
	[tilespmem:$0x1CB00] =	vst v63  }
0x66: {  	_ =	swait.ge [sflag:s29], $0x80  }
0x67: {  	[sflag:s29] =	ssyncset.done $0x0  }
0x68: {  	[sflag:s29] =	ssyncadd.s32 $0xFFFFFF80  }
0x69: {  	_ =	swait.ge [sflag:s12], $0x4000  }
0x6a: {  	[sflag:s12] =	ssyncset.done $0x0  }
0x6b: {  	[sflag:s12] =	ssyncadd.s32 $0xFFFFC000  }
0x6c: {  	[spmem:s1] =	stream.indirect.scatter.add.f32 [tilespmem:s31], [sflag:$0x3], $0x80, s11, s30, $0xb8;
	[tilespmem:$0x1CB00] =	vst v63  }
0x6d: {  	s19 =	sadd.s32 $0x100, s24;
	_ =	swait.ge [sflag:s29], $0x4000  }
0x6e: {  	s20 =	simm.s32 $0x40;
	s18 =	simm.s32 $0x20;
	[sflag:s29] =	ssyncset.done $0x0  }
.LBB2_4:
0x6f: {  	s22 =	sadd.s32 s18, s26  }
0x70: {  	[sflag:s29] =	ssyncadd.s32 $0xFFFFC000;
	s13 =	smov.u32 s20;
	s21 =	sadd.s32 $0x20, s20  }
0x71: {  	[tilespmem:s30], [sflag:$0x3] =	stream.linear.gather [hbm4b:s22+s2], $0x80, $0x38;
	[tilespmem:$0x1CB00] =	vst v63  }
0x72: {  	p0 =	sne.s32 s20, $0x4A0;
	_ =	swait.ge [sflag:s29], $0x80  }
0x73: {  	[sflag:s29] =	ssyncset.done $0x0  }
0x74: {  	[sflag:s29] =	ssyncadd.s32 $0xFFFFFF80  }
0x75: {  	[tilespmem:s31], [sflag:$0x2] =	stream.indirect.gather [hbm4b:s4+s30], $0x80, s30, s30, $0xb8;
	[tilespmem:$0x1CB00] =	vst v63  }
0x76: {  	s20 =	sadd.s32 s18, s23  }
0x77: {  	[tilespmem:s0], [sflag:$0x3] =	stream.linear.gather [hbm4b:s20+s2], $0x80, $0x38;
	[tilespmem:$0x1CB00] =	vst v63  }
0x78: {  	_ =	swait.ge [sflag:s29], $0x80  }
0x79: {  	[sflag:s29] =	ssyncset.done $0x0  }
0x7a: {  	[sflag:s29] =	ssyncadd.s32 $0xFFFFFF80  }
0x7b: {  	_ =	swait.ge [sflag:s3], $0x4000  }
0x7c: {  	[sflag:s3] =	ssyncset.done $0x0  }
0x7d: {  	[sflag:s3] =	ssyncadd.s32 $0xFFFFC000  }
0x7e: {  	[spmem:s1] =	stream.indirect.scatter.add.f32 [tilespmem:s28], [sflag:$0x3], $0x80, s0, s30, $0xb8;
	[tilespmem:$0x1CB00] =	vst v63  }
0x7f: {  	_ =	swait.ge [sflag:s29], $0x4000  }
0x80: {  	s20 =	sshrl.u32 s19, $0x3;
	[sflag:s29] =	ssyncset.done $0x0  }
0x81: {  	s20 =	sadd.s32 s5, s20;
	[sflag:s29] =	ssyncadd.s32 $0xFFFFC000  }
0x82: {  	[tilespmem:s2], [sflag:$0x3] =	stream.linear.gather [hbm4b:s20+s2], $0x80, $0x38;
	[tilespmem:$0x1CB00] =	vst v63  }
0x83: {  	_ =	swait.ge [sflag:s29], $0x80  }
0x84: {  	[sflag:s29] =	ssyncset.done $0x0  }
0x85: {  	[sflag:s29] =	ssyncadd.s32 $0xFFFFFF80  }
0x86: {  	[tilespmem:s28], [sflag:$0x1] =	stream.indirect.gather [hbm4b:s4+s30], $0x80, s2, s30, $0xb8;
	[tilespmem:$0x1CB00] =	vst v63  }
0x87: {  	s20 =	sadd.s32 s18, s25;
	s18 =	smov.u32 s13  }
0x88: {  	[tilespmem:s11], [sflag:$0x3] =	stream.linear.gather [hbm4b:s20+s2], $0x80, $0x38;
	[tilespmem:$0x1CB00] =	vst v63  }
0x89: {  	_ =	swait.ge [sflag:s29], $0x80  }
0x8a: {  	[sflag:s29] =	ssyncset.done $0x0  }
0x8b: {  	[sflag:s29] =	ssyncadd.s32 $0xFFFFFF80  }
0x8c: {  	_ =	swait.ge [sflag:s12], $0x4000  }
.Ltmp1:
0x8d: {  	[sflag:s12] =	ssyncset.done $0x0;
	(pc) =	sbr.rel @p0 .LBB2_4-.Ltmp1, $4  }
0x8e: {  	[sflag:s12] =	ssyncadd.s32 $0xFFFFC000  }
0x8f: {  	[spmem:s1] =	stream.indirect.scatter.add.f32 [tilespmem:s31], [sflag:$0x3], $0x80, s11, s30, $0xb8;
	[tilespmem:$0x1CB00] =	vst v63  }
0x90: {  	_ =	swait.ge [sflag:s29], $0x4000  }
0x91: {  	s19 =	sadd.s32 $0x100, s19;
	s20 =	smov.u32 s21;
	[sflag:s29] =	ssyncset.done $0x0  }
0x92: {  	s13 =	sadd.s32 s18, s26;
	[sflag:s29] =	ssyncadd.s32 $0xFFFFC000  }
0x93: {  	[tilespmem:s30], [sflag:$0x3] =	stream.linear.gather [hbm4b:s13+s2], $0x80, $0x38;
	[tilespmem:$0x1CB00] =	vst v63  }
0x94: {  	_ =	swait.ge [sflag:s29], $0x80  }
0x95: {  	[sflag:s29] =	ssyncset.done $0x0  }
0x96: {  	[sflag:s29] =	ssyncadd.s32 $0xFFFFFF80  }
0x97: {  	[tilespmem:s31], [sflag:$0x2] =	stream.indirect.gather [hbm4b:s4+s30], $0x80, s30, s30, $0xb8;
	[tilespmem:$0x1CB00] =	vst v63  }
0x98: {  	s22 =	sadd.s32 s18, s23  }
0x99: {  	[tilespmem:s0], [sflag:$0x3] =	stream.linear.gather [hbm4b:s22+s2], $0x80, $0x38;
	[tilespmem:$0x1CB00] =	vst v63  }
0x9a: {  	_ =	swait.ge [sflag:s29], $0x80  }
0x9b: {  	[sflag:s29] =	ssyncset.done $0x0  }
0x9c: {  	[sflag:s29] =	ssyncadd.s32 $0xFFFFFF80  }
0x9d: {  	_ =	swait.ge [sflag:s3], $0x4000  }
0x9e: {  	[sflag:s3] =	ssyncset.done $0x0  }
0x9f: {  	[sflag:s3] =	ssyncadd.s32 $0xFFFFC000  }
0xa0: {  	[spmem:s1] =	stream.indirect.scatter.add.f32 [tilespmem:s28], [sflag:$0x3], $0x80, s0, s30, $0xb8;
	[tilespmem:$0x1CB00] =	vst v63  }
0xa1: {  	_ =	swait.ge [sflag:s29], $0x4000  }
0xa2: {  	s19 =	sshrl.u32 s19, $0x3;
	[sflag:s29] =	ssyncset.done $0x0  }
0xa3: {  	s13 =	sadd.s32 s5, s19;
	[sflag:s29] =	ssyncadd.s32 $0xFFFFC000  }
0xa4: {  	[tilespmem:s2], [sflag:$0x3] =	stream.linear.gather [hbm4b:s13+s2], $0x80, $0x38;
	[tilespmem:$0x1CB00] =	vst v63  }
0xa5: {  	_ =	swait.ge [sflag:s29], $0x80  }
0xa6: {  	[sflag:s29] =	ssyncset.done $0x0  }
0xa7: {  	[sflag:s29] =	ssyncadd.s32 $0xFFFFFF80  }
0xa8: {  	[tilespmem:s28], [sflag:$0x1] =	stream.indirect.gather [hbm4b:s4+s30], $0x80, s2, s30, $0xb8;
	[tilespmem:$0x1CB00] =	vst v63  }
0xa9: {  	s20 =	sadd.s32 s18, s25  }
0xaa: {  	[tilespmem:s11], [sflag:$0x3] =	stream.linear.gather [hbm4b:s20+s2], $0x80, $0x38;
	[tilespmem:$0x1CB00] =	vst v63  }
0xab: {  	_ =	swait.ge [sflag:s29], $0x80  }
0xac: {  	[sflag:s29] =	ssyncset.done $0x0  }
0xad: {  	[sflag:s29] =	ssyncadd.s32 $0xFFFFFF80  }
0xae: {  	_ =	swait.ge [sflag:s12], $0x4000  }
0xaf: {  	[sflag:s12] =	ssyncset.done $0x0  }
0xb0: {  	[sflag:s12] =	ssyncadd.s32 $0xFFFFC000  }
0xb1: {  	[spmem:s1] =	stream.indirect.scatter.add.f32 [tilespmem:s31], [sflag:$0x3], $0x80, s11, s30, $0xb8;
	[tilespmem:$0x1CB00] =	vst v63  }
0xb2: {  	_ =	swait.ge [sflag:s29], $0x4000  }
0xb3: {  	[sflag:s29] =	ssyncset.done $0x0  }
0xb4: {  	s21 =	rddreg [dreg:$0x5];
	[sflag:s29] =	ssyncadd.s32 $0xFFFFC000  }
0xb5: {  	[tilespmem:s30], [sflag:$0x3] =	stream.linear.gather [hbm4b:s21+s2], $0x80, $0x38;
	[tilespmem:$0x1CB00] =	vst v63  }
0xb6: {  	_ =	swait.ge [sflag:s29], $0x80  }
0xb7: {  	[sflag:s29] =	ssyncset.done $0x0  }
0xb8: {  	[sflag:s29] =	ssyncadd.s32 $0xFFFFFF80  }
0xb9: {  	[tilespmem:s31], [sflag:$0x2] =	stream.indirect.gather [hbm4b:s4+s30], $0x80, s30, s30, $0xb8;
	[tilespmem:$0x1CB00] =	vst v63  }
0xba: {  	s22 =	rddreg [dreg:$0x6]  }
0xbb: {  	[tilespmem:s0], [sflag:$0x3] =	stream.linear.gather [hbm4b:s22+s2], $0x80, $0x38;
	[tilespmem:$0x1CB00] =	vst v63  }
0xbc: {  	_ =	swait.ge [sflag:s29], $0x80  }
0xbd: {  	[sflag:s29] =	ssyncset.done $0x0  }
0xbe: {  	s18 =	rddreg [dreg:$0x7];
	[sflag:s29] =	ssyncadd.s32 $0xFFFFFF80  }
0xbf: {  	[tilespmem:s11], [sflag:$0x3] =	stream.linear.gather [hbm4b:s18+s2], $0x80, $0x38;
	[tilespmem:$0x1CB00] =	vst v63  }
0xc0: {  	_ =	swait.ge [sflag:s29], $0x80  }
0xc1: {  	[sflag:s29] =	ssyncset.done $0x0  }
0xc2: {  	[sflag:s29] =	ssyncadd.s32 $0xFFFFFF80  }
0xc3: {  	_ =	swait.ge [sflag:s3], $0x4000  }
0xc4: {  	[sflag:s3] =	ssyncset.done $0x0  }
0xc5: {  	[sflag:s3] =	ssyncadd.s32 $0xFFFFC000  }
0xc6: {  	[spmem:s1] =	stream.indirect.scatter.add.f32 [tilespmem:s28], [sflag:$0x3], $0x80, s0, s30, $0xb8;
	[tilespmem:$0x1CB00] =	vst v63  }
0xc7: {  	_ =	swait.ge [sflag:s29], $0x4000  }
0xc8: {  	[sflag:s29] =	ssyncset.done $0x0  }
0xc9: {  	[sflag:s29] =	ssyncadd.s32 $0xFFFFC000  }
0xca: {  	_ =	swait.ge [sflag:s12], $0x4000  }
0xcb: {  	[sflag:s12] =	ssyncset.done $0x0  }
0xcc: {  	[sflag:s12] =	ssyncadd.s32 $0xFFFFC000  }
0xcd: {  	[spmem:s1] =	stream.indirect.scatter.add.f32 [tilespmem:s31], [sflag:$0x3], $0x80, s11, s30, $0xb8;
	[tilespmem:$0x1CB00] =	vst v63  }
0xce: {  	_ =	swait.ge [sflag:s29], $0x4000  }
0xcf: {  	[sflag:s29] =	ssyncset.done $0x0  }
0xd0: {  	s20 =	simm.s32 $0x200;
	s19 =	rddreg [dreg:$0xd];
	[sflag:s29] =	ssyncadd.s32 $0xFFFFC000  }
0xd1: {  	[tilespmem:s20], [sflag:$0x3] =	stream.linear.gather [hbm4b:s19+s2], $0x10, $0x38;
	[tilespmem:$0x1CB00] =	vst v63  }
0xd2: {  	_ =	swait.ge [sflag:s29], $0x10  }
0xd3: {  	[sflag:s29] =	ssyncset.done $0x0  }
0xd4: {  	s21 =	rddreg [dreg:$0xe];
	[sflag:s29] =	ssyncadd.s32 $0xFFFFFFF0  }
0xd5: {  	[tilespmem:s14], [sflag:$0x3] =	stream.linear.gather [hbm4b:s21+s2], $0x10, $0x38;
	[tilespmem:$0x1CB00] =	vst v63  }
0xd6: {  	_ =	swait.ge [sflag:s29], $0x10  }
0xd7: {  	[sflag:s29] =	ssyncset.done $0x0  }
0xd8: {  	[sflag:s29] =	ssyncadd.s32 $0xFFFFFFF0  }
0xd9: {  	[tilespmem:s16], [sflag:$0x1] =	stream.indirect.gather [hbm4b:s4+s15], $0x80, s20, s15, $0xb8;
	[tilespmem:$0x1CB00] =	vst v63  }
0xda: {  	_ =	swait.ge [sflag:s3], $0x800  }
0xdb: {  	[sflag:s3] =	ssyncset.done $0x0  }
0xdc: {  	[sflag:s3] =	ssyncadd.s32 $0xFFFFF800  }
0xdd: {  	[spmem:s1] =	stream.indirect.scatter.add.f32 [tilespmem:s16], [sflag:$0x3], $0x80, s14, s15, $0xb8;
	[tilespmem:$0x1CB00] =	vst v63  }
0xde: {  	_ =	swait.ge [sflag:s29], $0x800  }
0xdf: {  	[sflag:s29] =	ssyncset.done $0x0  }
0xe0: {  	[sflag:s29] =	ssyncadd.s32 $0xFFFFF800  }
0xe1: {  	[bflag:$0x0] =	sbarrier.arrive $0xFFFF  }
0xe2: {  	[tilespmem:s28], [sflag:$0x3] =	stream.linear.gather [spmem:s6], $0x4000, $0x38;
	[tilespmem:$0x1CB00] =	vst v63  }
0xe3: {  	_ =	swait.ge [sflag:s29], $0x4000  }
0xe4: {  	[sflag:s29] =	ssyncset.done $0x0  }
0xe5: {  	s22 =	rddreg [dreg:$0x8];
	[sflag:s29] =	ssyncadd.s32 $0xFFFFC000  }
0xe6: {  	[hbm4b:s22+s2] =	stream.linear.scatter [tilespmem:s28], [sflag:$0x3], $0x4000, $0x38;
	[tilespmem:$0x1CB00] =	vst v63  }
0xe7: {  	_ =	swait.ge [sflag:s29], $0x4000  }
0xe8: {  	[sflag:s29] =	ssyncset.done $0x0  }
0xe9: {  	[sflag:s29] =	ssyncadd.s32 $0xFFFFC000  }
0xea: {  	[tilespmem:s28], [sflag:$0x3] =	stream.linear.gather [spmem:s7], $0x4000, $0x38;
	[tilespmem:$0x1CB00] =	vst v63  }
0xeb: {  	_ =	swait.ge [sflag:s29], $0x4000  }
0xec: {  	[sflag:s29] =	ssyncset.done $0x0  }
0xed: {  	s18 =	rddreg [dreg:$0x9];
	[sflag:s29] =	ssyncadd.s32 $0xFFFFC000  }
0xee: {  	[hbm4b:s18+s2] =	stream.linear.scatter [tilespmem:s28], [sflag:$0x3], $0x4000, $0x38;
	[tilespmem:$0x1CB00] =	vst v63  }
0xef: {  	_ =	swait.ge [sflag:s29], $0x4000  }
0xf0: {  	[sflag:s29] =	ssyncset.done $0x0  }
0xf1: {  	[sflag:s29] =	ssyncadd.s32 $0xFFFFC000  }
0xf2: {  	[tilespmem:s28], [sflag:$0x3] =	stream.linear.gather [spmem:s8], $0x4000, $0x38;
	[tilespmem:$0x1CB00] =	vst v63  }
0xf3: {  	_ =	swait.ge [sflag:s29], $0x4000  }
0xf4: {  	[sflag:s29] =	ssyncset.done $0x0  }
0xf5: {  	s19 =	rddreg [dreg:$0xa];
	[sflag:s29] =	ssyncadd.s32 $0xFFFFC000  }
0xf6: {  	[hbm4b:s19+s2] =	stream.linear.scatter [tilespmem:s28], [sflag:$0x3], $0x4000, $0x38;
	[tilespmem:$0x1CB00] =	vst v63  }
0xf7: {  	_ =	swait.ge [sflag:s29], $0x4000  }
0xf8: {  	[sflag:s29] =	ssyncset.done $0x0  }
0xf9: {  	[sflag:s29] =	ssyncadd.s32 $0xFFFFC000  }
0xfa: {  	[tilespmem:s28], [sflag:$0x3] =	stream.linear.gather [spmem:s9], $0x4000, $0x38;
	[tilespmem:$0x1CB00] =	vst v63  }
0xfb: {  	_ =	swait.ge [sflag:s29], $0x4000  }
0xfc: {  	[sflag:s29] =	ssyncset.done $0x0  }
0xfd: {  	s20 =	rddreg [dreg:$0xb];
	[sflag:s29] =	ssyncadd.s32 $0xFFFFC000  }
0xfe: {  	[hbm4b:s20+s2] =	stream.linear.scatter [tilespmem:s28], [sflag:$0x3], $0x4000, $0x38;
	[tilespmem:$0x1CB00] =	vst v63  }
0xff: {  	_ =	swait.ge [sflag:s29], $0x4000  }
0x100: {  	[sflag:s29] =	ssyncset.done $0x0  }
0x101: {  	[sflag:s29] =	ssyncadd.s32 $0xFFFFC000  }
0x102: {  	[tilespmem:s28], [sflag:$0x3] =	stream.linear.gather [spmem:s10], $0x4000, $0x38;
	[tilespmem:$0x1CB00] =	vst v63  }
0x103: {  	_ =	swait.ge [sflag:s29], $0x4000  }
0x104: {  	[sflag:s29] =	ssyncset.done $0x0  }
0x105: {  	s21 =	rddreg [dreg:$0xc];
	[sflag:s29] =	ssyncadd.s32 $0xFFFFC000  }
0x106: {  	[hbm4b:s21+s2] =	stream.linear.scatter [tilespmem:s28], [sflag:$0x3], $0x4000, $0x38;
	[tilespmem:$0x1CB00] =	vst v63  }
0x107: {  	_ =	swait.ge [sflag:s29], $0x4000  }
0x108: {  	s17 =	sadd.s32 $0x1, s17;
	s22 =	rddreg [dreg:$0xf]  }
0x109: {  	p0 =	sne.s32 s17, s22  }
.Ltmp2:
0x10a: {  	_ = 	snop;
	(pc) =	sbr.rel @p0 .LBB2_1-.Ltmp2, $3  }
0x10b: {  	_ =	sdelay $0x1  }
0x10c: {  	[sflag:s29] =	ssyncset.done $0x0  }
0x10d: {  	[sflag:s29] =	ssyncadd.s32 $0xFFFFC000  }
0x10e: {  	_ =	sfence.sel $0x180000  }
0x10f: {  	[bflag:$0x0] =	sbarrier.arrive $0xFFFF  }
0x110: {  	_ =	strace $0x90000050  }
0x111: {  	s0 =	stileid.u32;
	[bflag:$0x2] =	sbarrier.arrive $0xFFFF  }
0x112: {  	p0 =	sne.s32 s0, $0x0;
	s0 =	rddreg [dreg:$0x3]  }
0x113: {  	s0 =	sadd.s32 @!p0 $0x100000, s0  }
0x114: {  	[sflag:s0] =	ssyncadd.tile.s32 @!p0 $0x1;
	_ =	shalt  }
.Lfunc_end2:
_tile_overlayer_lowered:
.L_overlay_start_2:
0x115: {  	(tag) =	ssettag $0x2  }
0x116: {  	s0 =	rddreg [dreg:$0x0];
	s2 =	stileid.u32  }
0x117: {  	s1 =	rddreg [dreg:$0x1];
	p0 =	sne.s32 s2, $0x0  }
0x118: {  	s3 =	rddreg [dreg:$0x2];
	[bflag:$0x3] =	sbarrier.arrive $0xFFFF;
	s2 =	simm.s32 @!p0 $0x1C03  }
0x119: {  	[timem:s3], [sflag:s2] =	dma.local @!p0 [hbm:s0], s1  }
0x11a: {  	s0 =	simm.s32 @!p0 $0x3  }
0x11b: {  	_ =	swait.ge @!p0 [sflag:s0], s1  }
0x11c: {  	s1 =	ssub.s32 @!p0 $0x0, s1;
	[sflag:s0] =	ssyncset.done @!p0 $0x0  }
0x11d: {  	[sflag:s0] =	ssyncadd.s32 @!p0 s1  }
0x11e: {  	[bflag:$0x3] =	sbarrier.arrive $0xFFFF  }
0x11f: {  	_ =	shalt  }

</sc_bundles>
